<compile_context>
chip_gen: v7x
topology: tpu7x:2x2x1
jax: 0.10.2.dev20260603
libtpu: 0.0.44.dev20260713+nightly
codegen_flags: <defaults>
</compile_context>

<pallas_src>
import functools

import jax
import jax.numpy as jnp
from jax import lax
from jax.experimental import pallas as pl
from jax.experimental.pallas import tpu as pltpu, tpu_sc as plsc

N = 10000
E = 320000
D = 128
NPAD = 10240
CHUNK = 64
EPAD = 327680
ROWS_PER_TILE = NPAD // 16

_MESH = plsc.VectorSubcoreMesh(core_axis_name="c", subcore_axis_name="s")

GRP = 32
NBUF = 4
DELAY = 1
TOT_CHUNKS = EPAD // CHUNK
CPT = TOT_CHUNKS // 16


def _sc_agg_body(with_deg, *refs):
    if with_deg:
        (p_hbm, src_hbm, dst_hbm, z128, ones_hbm, agg_out, deg_out,
         src_g, dst_g, rows0, rows1, rows2, rows3, agg_sh,
         semg0, semg1, semg2, semg3,
         sems0, sems1, sems2, sems3) = refs
    else:
        (p_hbm, src_hbm, dst_hbm, z128, agg_out,
         src_g, dst_g, rows0, rows1, rows2, rows3, agg_sh,
         semg0, semg1, semg2, semg3,
         sems0, sems1, sems2, sems3) = refs
    rows = [rows0, rows1, rows2, rows3]
    semg = [semg0, semg1, semg2, semg3]
    sems = [sems0, sems1, sems2, sems3]
    c = lax.axis_index("c")
    s = lax.axis_index("s")
    r0 = s * ROWS_PER_TILE
    base = s * CPT

    pltpu.sync_copy(z128.at[pl.ds(r0, ROWS_PER_TILE)],
                    agg_sh.at[pl.ds(r0, ROWS_PER_TILE)])
    plsc.subcore_barrier()

    ngrp_agg = lax.select(c == 0, CPT // GRP, 0)

    def group(g, carry):
        c0 = base + g * GRP
        pltpu.sync_copy(src_hbm.at[pl.ds(c0, GRP)], src_g)
        pltpu.sync_copy(dst_hbm.at[pl.ds(c0, GRP)], dst_g)
        for b in range(NBUF):
            pltpu.async_copy(p_hbm.at[src_g.at[b]], rows[b], semg[b])

        def macro(m, carry2):
            for b in range(NBUF):
                k = m * NBUF + b
                b2 = (b - DELAY) % NBUF

                @pl.when((k >= DELAY) & (k + NBUF - DELAY < GRP))
                def _():
                    pltpu.make_async_copy(
                        rows[b2], agg_sh.at[dst_g.at[k - DELAY]],
                        sems[b2]).wait()
                    pltpu.async_copy(
                        p_hbm.at[src_g.at[k + NBUF - DELAY]],
                        rows[b2], semg[b2])

                pltpu.make_async_copy(
                    p_hbm.at[src_g.at[k]], rows[b], semg[b]).wait()
                pltpu.async_copy(
                    rows[b], agg_sh.at[dst_g.at[k]], sems[b], add=True)
            return carry2

        lax.fori_loop(0, GRP // NBUF, macro, 0)
        for b in range(NBUF):
            pltpu.make_async_copy(
                rows[b], agg_sh.at[dst_g.at[b]], sems[b]).wait()
        return carry

    lax.fori_loop(0, ngrp_agg, group, 0)

    if with_deg:
        ngrp_deg = lax.select(c == 1, CPT // GRP, 0)
        pltpu.sync_copy(ones_hbm, rows[NBUF - 1])

        def dgroup(g, carry):
            pltpu.sync_copy(dst_hbm.at[pl.ds(base + g * GRP, GRP)], dst_g)

            def chunk(j, carry2):
                pltpu.sync_copy(rows[NBUF - 1], agg_sh.at[dst_g.at[j]],
                                add=True)
                return carry2

            lax.fori_loop(0, GRP, chunk, 0)
            return carry

        lax.fori_loop(0, ngrp_deg, dgroup, 0)

    plsc.subcore_barrier()

    @pl.when(c == 0)
    def _pub_agg():
        pltpu.sync_copy(agg_sh.at[pl.ds(r0, ROWS_PER_TILE)],
                        agg_out.at[pl.ds(r0, ROWS_PER_TILE)])

    if with_deg:
        @pl.when(c == 1)
        def _pub_deg():
            pltpu.sync_copy(agg_sh.at[pl.ds(r0, ROWS_PER_TILE)],
                            deg_out.at[pl.ds(r0, ROWS_PER_TILE)])


def _make_sc_agg(with_deg):
    out_type = [jax.ShapeDtypeStruct((NPAD, D), jnp.float32)]
    if with_deg:
        out_type.append(jax.ShapeDtypeStruct((NPAD, D), jnp.float32))
    scratch = [
        pltpu.VMEM((GRP, CHUNK), jnp.int32),
        pltpu.VMEM((GRP, CHUNK), jnp.int32),
    ]
    scratch += [pltpu.VMEM((CHUNK, D), jnp.float32)] * NBUF
    scratch.append(pltpu.VMEM_SHARED((NPAD, D), jnp.float32))
    scratch += [pltpu.SemaphoreType.DMA] * (2 * NBUF)
    return pl.kernel(
        functools.partial(_sc_agg_body, with_deg),
        out_type=tuple(out_type),
        mesh=_MESH,
        scratch_types=scratch,
        name="sage_sc_agg_deg" if with_deg else "sage_sc_agg",
    )


_sc_agg_deg = _make_sc_agg(True)
_sc_agg = _make_sc_agg(False)


def _dinv_body(deg_ref, o_ref):
    o_ref[...] = 1.0 / jnp.maximum(deg_ref[:, 0:1], 1.0)


def _dinv(deg):
    br = 1280
    return pl.pallas_call(
        _dinv_body,
        grid=(NPAD // br,),
        in_specs=[pl.BlockSpec((br, D), lambda i: (i, 0))],
        out_specs=pl.BlockSpec((br, 1), lambda i: (i, 0)),
        out_shape=jax.ShapeDtypeStruct((NPAD, 1), jnp.float32),
    )(deg)


def _mm_body(relu_in, h_ref, w_ref, o_ref):
    h = h_ref[...]
    if relu_in:
        h = jnp.maximum(h, 0.0)
    o_ref[...] = jnp.dot(h, w_ref[...], preferred_element_type=jnp.float32)


def _mm(h_pad, w, relu_in):
    br = 1280
    return pl.pallas_call(
        functools.partial(_mm_body, relu_in),
        grid=(NPAD // br,),
        in_specs=[
            pl.BlockSpec((br, D), lambda i: (i, 0)),
            pl.BlockSpec((D, D), lambda i: (0, 0)),
        ],
        out_specs=pl.BlockSpec((br, D), lambda i: (i, 0)),
        out_shape=jax.ShapeDtypeStruct((NPAD, D), jnp.float32),
    )(h_pad, w)


def _combine_body(relu_in, br, h_ref, w_ref, b_ref, agg_ref, dinv_ref, o_ref):
    h = h_ref[...]
    if relu_in:
        h = jnp.maximum(h, 0.0)
    s = jnp.dot(h, w_ref[...], preferred_element_type=jnp.float32) + b_ref[...]
    out = s + dinv_ref[...] * agg_ref[...]
    row = (pl.program_id(0) * br
           + lax.broadcasted_iota(jnp.int32, (br, 1), 0))
    o_ref[...] = jnp.where(row < N, out, 0.0)


def _combine(h_pad, w, b, agg, dinv, relu_in):
    br = 1280
    return pl.pallas_call(
        functools.partial(_combine_body, relu_in, br),
        grid=(NPAD // br,),
        in_specs=[
            pl.BlockSpec((br, D), lambda i: (i, 0)),
            pl.BlockSpec((D, D), lambda i: (0, 0)),
            pl.BlockSpec((1, D), lambda i: (0, 0)),
            pl.BlockSpec((br, D), lambda i: (i, 0)),
            pl.BlockSpec((br, 1), lambda i: (i, 0)),
        ],
        out_specs=pl.BlockSpec((br, D), lambda i: (i, 0)),
        out_shape=jax.ShapeDtypeStruct((NPAD, D), jnp.float32),
    )(h_pad, w, b, agg, dinv)


def kernel(inputs, edge_index, W_self0, W_neigh0, b0, W_self1, W_neigh1, b1,
           W_self2, W_neigh2, b2):
    src = edge_index[0].astype(jnp.int32)
    dst = edge_index[1].astype(jnp.int32)
    pad = N + jnp.arange(EPAD - E, dtype=jnp.int32) % (NPAD - N)
    src3 = jnp.concatenate([src, pad]).reshape(TOT_CHUNKS, CHUNK)
    dst3 = jnp.concatenate([dst, pad]).reshape(TOT_CHUNKS, CHUNK)

    h0 = jnp.concatenate(
        [inputs, jnp.zeros((NPAD - N, D), jnp.float32)], axis=0)
    z128 = jnp.zeros((NPAD, D), jnp.float32)
    ones128 = jnp.ones((CHUNK, D), jnp.float32)
    b0r = b0.reshape(1, D)
    b1r = b1.reshape(1, D)
    b2r = b2.reshape(1, D)

    p0 = _mm(h0, W_neigh0, relu_in=False)
    agg0, deg = _sc_agg_deg(p0, src3, dst3, z128, ones128)
    dinv = _dinv(deg)
    pre0 = _combine(h0, W_self0, b0r, agg0, dinv, relu_in=False)

    p1 = _mm(pre0, W_neigh1, relu_in=True)
    (agg1,) = _sc_agg(p1, src3, dst3, z128)
    pre1 = _combine(pre0, W_self1, b1r, agg1, dinv, relu_in=True)

    p2 = _mm(pre1, W_neigh2, relu_in=True)
    (agg2,) = _sc_agg(p2, src3, dst3, z128)
    pre2 = _combine(pre1, W_self2, b2r, agg2, dinv, relu_in=True)

    return (pre2[:N], pre0[:N], pre1[:N])

# --- scband reference (transcript-rebuilt; emitter-appended) ---
"""Pipeline reference for scband-graph-sage-pia-26998164422767 (READ-ONLY COPY).

The authoritative reference and input builder live on the scoring server;
editing this copy changes nothing except your own understanding.
"""

import jax, jax.numpy as jnp
import numpy as np

N_NODES = 10000
N_EDGES = 320000
D_IN = 128
D_HID = 128
D_OUT = 128


def _init_linear(key, fan_in, fan_out):
    bound = 1.0 / np.sqrt(fan_in)
    return jax.random.uniform(key, (fan_in, fan_out), minval=-bound, maxval=bound, dtype=jnp.float32)


def setup_inputs(seed: int = 0) -> dict:
    key = jax.random.key(seed)
    ks = jax.random.split(key, 12)
    inputs = jax.random.normal(ks[0], (N_NODES, D_IN), dtype=jnp.float32)
    edge_index = jax.random.randint(ks[1], (2, N_EDGES), 0, N_NODES, dtype=jnp.int64)
    dims = [(D_IN, D_HID), (D_HID, D_HID), (D_HID, D_OUT)]
    out = {"inputs": inputs, "edge_index": edge_index}
    for l, (fi, fo) in enumerate(dims):
        out[f"W_self{l}"] = _init_linear(ks[2 + 3 * l], fi, fo)
        out[f"W_neigh{l}"] = _init_linear(ks[3 + 3 * l], fi, fo)
        out[f"b{l}"] = jnp.zeros((fo,), dtype=jnp.float32)
    return out


def _sage_conv(h, src, dst, deg_inv, W_self, W_neigh, b):
    # DGL SAGEConv mean aggregator: h_neigh = mean_{u in N(v)} h[u]
    msg = jnp.take(h, src, axis=0)
    agg = jax.ops.segment_sum(msg, dst, num_segments=N_NODES)
    h_neigh = agg * deg_inv[:, None]
    return h @ W_self + h_neigh @ W_neigh + b


def reference(inputs, edge_index, W_self0, W_neigh0, b0, W_self1, W_neigh1, b1, W_self2, W_neigh2, b2):
    src = edge_index[0]
    dst = edge_index[1]
    deg = jax.ops.segment_sum(jnp.ones((N_EDGES,), dtype=jnp.float32), dst, num_segments=N_NODES)
    deg_inv = 1.0 / jnp.maximum(deg, 1.0)

    h = inputs  # dropout p=0.0 -> identity
    embed = []

    h = _sage_conv(h, src, dst, deg_inv, W_self0, W_neigh0, b0)
    embed.append(h)
    h = jax.nn.relu(h)

    h = _sage_conv(h, src, dst, deg_inv, W_self1, W_neigh1, b1)
    embed.append(h)
    h = jax.nn.relu(h)

    h = _sage_conv(h, src, dst, deg_inv, W_self2, W_neigh2, b2)
    return (h, embed[0], embed[1])

if __name__ == "__main__":
    import jax
    _d = setup_inputs()
    print(jax.jit(kernel)(*tuple(_d.values())))

</pallas_src>

<mosaic_0001>
#map = affine_map<(d0, d1) -> (0, 0)>
module attributes {stable_mosaic.version = 14 : i64} {
  func.func @sage_sc_agg_deg(%arg0: i32, %arg1: i32, %arg2: memref<10240x128xf32, #tpu.memory_space<hbm>>, %arg3: memref<5120x64xi32, #tpu.memory_space<hbm>>, %arg4: memref<5120x64xi32, #tpu.memory_space<hbm>>, %arg5: memref<10240x128xf32, #tpu.memory_space<hbm>>, %arg6: memref<64x128xf32, #tpu.memory_space<hbm>>, %arg7: memref<10240x128xf32, #tpu.memory_space<hbm>>, %arg8: memref<10240x128xf32, #tpu.memory_space<hbm>>, %arg9: memref<32x64xi32, #tpu.memory_space<vmem>>, %arg10: memref<32x64xi32, #tpu.memory_space<vmem>>, %arg11: memref<64x128xf32, #tpu.memory_space<vmem>>, %arg12: memref<64x128xf32, #tpu.memory_space<vmem>>, %arg13: memref<64x128xf32, #tpu.memory_space<vmem>>, %arg14: memref<64x128xf32, #tpu.memory_space<vmem>>, %arg15: memref<10240x128xf32, #tpu.memory_space<vmem_shared>>, %arg16: memref<!tpu.dma_semaphore, #tpu.memory_space<semaphore_mem>>, %arg17: memref<!tpu.dma_semaphore, #tpu.memory_space<semaphore_mem>>, %arg18: memref<!tpu.dma_semaphore, #tpu.memory_space<semaphore_mem>>, %arg19: memref<!tpu.dma_semaphore, #tpu.memory_space<semaphore_mem>>, %arg20: memref<!tpu.dma_semaphore, #tpu.memory_space<semaphore_mem>>, %arg21: memref<!tpu.dma_semaphore, #tpu.memory_space<semaphore_mem>>, %arg22: memref<!tpu.dma_semaphore, #tpu.memory_space<semaphore_mem>>, %arg23: memref<!tpu.dma_semaphore, #tpu.memory_space<semaphore_mem>>) attributes {dimension_semantics = [#tpu.dimension_semantics<core_parallel>, #tpu.dimension_semantics<subcore_parallel>], iteration_bounds = array<i64: 2, 16>, scalar_prefetch = 0 : i64, scratch_operands = 15 : i64, tpu.core_type = #tpu.core_type<sc_vector_subcore>, window_params = [{transform_indices = #map}, {transform_indices = #map}, {transform_indices = #map}, {transform_indices = #map}, {transform_indices = #map}, {transform_indices = #map}, {transform_indices = #map}]} {
    %mul3A = arith.constant 640 : i32
    %mul3A_0 = arith.muli %arg1, %mul3A : i32
    %mul3A_1 = arith.constant 320 : i32
    %mul3A_2 = arith.muli %arg1, %mul3A_1 : i32
    "tpu.region"() ({
      %run_scoped3A = tpu.sem_alloc : memref<!tpu.dma_semaphore, #tpu.memory_space<semaphore_mem>>
      %dma_start3A = arith.constant 0 : i32
      %dma_start3A_39 = tpu.memref_slice %arg15[%mul3A_0, %dma_start3A] : memref<10240x128xf32, #tpu.memory_space<vmem_shared>> -> memref<640x128xf32, #tpu.memory_space<vmem_shared>>
      %dma_start3A_40 = arith.constant 0 : i32
      %dma_start3A_41 = tpu.memref_slice %arg5[%mul3A_0, %dma_start3A_40] : memref<10240x128xf32, #tpu.memory_space<hbm>> -> memref<640x128xf32, #tpu.memory_space<hbm>>
      tpu.enqueue_dma source(%dma_start3A_41 : memref<640x128xf32, #tpu.memory_space<hbm>>) target(%dma_start3A_39 : memref<640x128xf32, #tpu.memory_space<vmem_shared>>) target_semaphore(%run_scoped3A : memref<!tpu.dma_semaphore, #tpu.memory_space<semaphore_mem>>)
      %dma_wait3A = arith.constant 0 : i32
      %dma_wait3A_42 = tpu.memref_slice %arg15[%mul3A_0, %dma_wait3A] : memref<10240x128xf32, #tpu.memory_space<vmem_shared>> -> memref<640x128xf32, #tpu.memory_space<vmem_shared>>
      %dma_wait3A_43 = arith.constant 0 : i32
      %dma_wait3A_44 = tpu.memref_slice %arg5[%mul3A_0, %dma_wait3A_43] : memref<10240x128xf32, #tpu.memory_space<hbm>> -> memref<640x128xf32, #tpu.memory_space<hbm>>
      tpu.wait_dma2 semaphore(%run_scoped3A : memref<!tpu.dma_semaphore, #tpu.memory_space<semaphore_mem>>) src(%dma_wait3A_44 : memref<640x128xf32, #tpu.memory_space<hbm>>) dst(%dma_wait3A_42 : memref<640x128xf32, #tpu.memory_space<vmem_shared>>)
      tpu.yield
    }) : () -> ()
    %barrier3A = arith.constant 0 : index
    tpu.barrier barrier_id(%barrier3A)
    %eq3A = arith.constant 0 : i32
    %eq3A_3 = arith.cmpi eq, %arg0, %eq3A : i32
    %select_n3A = arith.constant 0 : i32
    %select_n3A_4 = arith.constant 10 : i32
    %select_n3A_5 = arith.select %eq3A_3, %select_n3A_4, %select_n3A : i32
    %while3A = arith.constant 0 : i32
    %while3A_6 = arith.constant 0 : i32
    %while3A_7 = arith.subi %select_n3A_5, %while3A_6 : i32
    %while3A_8 = arith.addi %while3A_6, %while3A_7 : i32
    %while3A_9 = arith.constant 1 : i32
    %while3A_10 = arith.divsi %while3A_7, %while3A_9 : i32
    %while3A_11 = arith.muli %while3A_10, %while3A_9 : i32
    %while3A_12 = arith.addi %while3A_6, %while3A_11 : i32
    %while3A_13 = arith.constant 1 : i32
    scf.for %while3A_39 = %while3A_6 to %while3A_12 step %while3A_13  : i32 {
      %mul3A_40 = arith.constant 32 : i32
      %mul3A_41 = arith.muli %while3A_39, %mul3A_40 : i32
      %add3A = arith.addi %mul3A_2, %mul3A_41 : i32
      "tpu.region"() ({
        %run_scoped3A = tpu.sem_alloc : memref<!tpu.dma_semaphore, #tpu.memory_space<semaphore_mem>>
        %dma_start3A_101 = arith.constant 0 : i32
        %dma_start3A_102 = tpu.memref_slice %arg3[%add3A, %dma_start3A_101] : memref<5120x64xi32, #tpu.memory_space<hbm>> -> memref<32x64xi32, #tpu.memory_space<hbm>>
        %dma_start3A_103 = arith.constant 0 : i32
        %dma_start3A_104 = tpu.memref_slice %arg3[%add3A, %dma_start3A_103] : memref<5120x64xi32, #tpu.memory_space<hbm>> -> memref<32x64xi32, #tpu.memory_space<hbm>>
        tpu.enqueue_dma source(%dma_start3A_104 : memref<32x64xi32, #tpu.memory_space<hbm>>) target(%arg9 : memref<32x64xi32, #tpu.memory_space<vmem>>) target_semaphore(%run_scoped3A : memref<!tpu.dma_semaphore, #tpu.memory_space<semaphore_mem>>)
        %dma_wait3A_105 = arith.constant 0 : i32
        %dma_wait3A_106 = tpu.memref_slice %arg3[%add3A, %dma_wait3A_105] : memref<5120x64xi32, #tpu.memory_space<hbm>> -> memref<32x64xi32, #tpu.memory_space<hbm>>
        %dma_wait3A_107 = arith.constant 0 : i32
        %dma_wait3A_108 = tpu.memref_slice %arg3[%add3A, %dma_wait3A_107] : memref<5120x64xi32, #tpu.memory_space<hbm>> -> memref<32x64xi32, #tpu.memory_space<hbm>>
        tpu.wait_dma2 semaphore(%run_scoped3A : memref<!tpu.dma_semaphore, #tpu.memory_space<semaphore_mem>>) src(%dma_wait3A_108 : memref<32x64xi32, #tpu.memory_space<hbm>>) dst(%arg9 : memref<32x64xi32, #tpu.memory_space<vmem>>)
        tpu.yield
      }) : () -> ()
      "tpu.region"() ({
        %run_scoped3A = tpu.sem_alloc : memref<!tpu.dma_semaphore, #tpu.memory_space<semaphore_mem>>
        %dma_start3A_101 = arith.constant 0 : i32
        %dma_start3A_102 = tpu.memref_slice %arg4[%add3A, %dma_start3A_101] : memref<5120x64xi32, #tpu.memory_space<hbm>> -> memref<32x64xi32, #tpu.memory_space<hbm>>
        %dma_start3A_103 = arith.constant 0 : i32
        %dma_start3A_104 = tpu.memref_slice %arg4[%add3A, %dma_start3A_103] : memref<5120x64xi32, #tpu.memory_space<hbm>> -> memref<32x64xi32, #tpu.memory_space<hbm>>
        tpu.enqueue_dma source(%dma_start3A_104 : memref<32x64xi32, #tpu.memory_space<hbm>>) target(%arg10 : memref<32x64xi32, #tpu.memory_space<vmem>>) target_semaphore(%run_scoped3A : memref<!tpu.dma_semaphore, #tpu.memory_space<semaphore_mem>>)
        %dma_wait3A_105 = arith.constant 0 : i32
        %dma_wait3A_106 = tpu.memref_slice %arg4[%add3A, %dma_wait3A_105] : memref<5120x64xi32, #tpu.memory_space<hbm>> -> memref<32x64xi32, #tpu.memory_space<hbm>>
        %dma_wait3A_107 = arith.constant 0 : i32
        %dma_wait3A_108 = tpu.memref_slice %arg4[%add3A, %dma_wait3A_107] : memref<5120x64xi32, #tpu.memory_space<hbm>> -> memref<32x64xi32, #tpu.memory_space<hbm>>
        tpu.wait_dma2 semaphore(%run_scoped3A : memref<!tpu.dma_semaphore, #tpu.memory_space<semaphore_mem>>) src(%dma_wait3A_108 : memref<32x64xi32, #tpu.memory_space<hbm>>) dst(%arg10 : memref<32x64xi32, #tpu.memory_space<vmem>>)
        tpu.yield
      }) : () -> ()
      %dma_start3A = arith.constant 0 : i32
      %dma_start3A_42 = arith.constant 0 : i32
      %dma_start3A_43 = tpu.memref_slice %arg9[%dma_start3A, %dma_start3A_42] : memref<32x64xi32, #tpu.memory_space<vmem>> -> memref<1x64xi32, #tpu.memory_space<vmem>>
      %dma_start3A_44 = tpu.memref_squeeze %dma_start3A_43 : memref<1x64xi32, #tpu.memory_space<vmem>> -> memref<64xi32, #tpu.memory_space<vmem>>
      %dma_start3A_45 = arith.constant 0 : i32
      %dma_start3A_46 = arith.constant 0 : i32
      %dma_start3A_47 = tpu.memref_slice %arg2[%dma_start3A_45, %dma_start3A_46] : memref<10240x128xf32, #tpu.memory_space<hbm>> -> memref<10240x128xf32, #tpu.memory_space<hbm>>
      tpu.enqueue_indirect_dma source(%dma_start3A_47 : memref<10240x128xf32, #tpu.memory_space<hbm>>) target(%arg11 : memref<64x128xf32, #tpu.memory_space<vmem>>) offsets(%dma_start3A_44 : memref<64xi32, #tpu.memory_space<vmem>>) semaphore(%arg16 : memref<!tpu.dma_semaphore, #tpu.memory_space<semaphore_mem>>)
      %dma_start3A_48 = arith.constant 1 : i32
      %dma_start3A_49 = arith.constant 0 : i32
      %dma_start3A_50 = tpu.memref_slice %arg9[%dma_start3A_48, %dma_start3A_49] : memref<32x64xi32, #tpu.memory_space<vmem>> -> memref<1x64xi32, #tpu.memory_space<vmem>>
      %dma_start3A_51 = tpu.memref_squeeze %dma_start3A_50 : memref<1x64xi32, #tpu.memory_space<vmem>> -> memref<64xi32, #tpu.memory_space<vmem>>
      %dma_start3A_52 = arith.constant 0 : i32
      %dma_start3A_53 = arith.constant 0 : i32
      %dma_start3A_54 = tpu.memref_slice %arg2[%dma_start3A_52, %dma_start3A_53] : memref<10240x128xf32, #tpu.memory_space<hbm>> -> memref<10240x128xf32, #tpu.memory_space<hbm>>
      tpu.enqueue_indirect_dma source(%dma_start3A_54 : memref<10240x128xf32, #tpu.memory_space<hbm>>) target(%arg12 : memref<64x128xf32, #tpu.memory_space<vmem>>) offsets(%dma_start3A_51 : memref<64xi32, #tpu.memory_space<vmem>>) semaphore(%arg17 : memref<!tpu.dma_semaphore, #tpu.memory_space<semaphore_mem>>)
      %dma_start3A_55 = arith.constant 2 : i32
      %dma_start3A_56 = arith.constant 0 : i32
      %dma_start3A_57 = tpu.memref_slice %arg9[%dma_start3A_55, %dma_start3A_56] : memref<32x64xi32, #tpu.memory_space<vmem>> -> memref<1x64xi32, #tpu.memory_space<vmem>>
      %dma_start3A_58 = tpu.memref_squeeze %dma_start3A_57 : memref<1x64xi32, #tpu.memory_space<vmem>> -> memref<64xi32, #tpu.memory_space<vmem>>
      %dma_start3A_59 = arith.constant 0 : i32
      %dma_start3A_60 = arith.constant 0 : i32
      %dma_start3A_61 = tpu.memref_slice %arg2[%dma_start3A_59, %dma_start3A_60] : memref<10240x128xf32, #tpu.memory_space<hbm>> -> memref<10240x128xf32, #tpu.memory_space<hbm>>
      tpu.enqueue_indirect_dma source(%dma_start3A_61 : memref<10240x128xf32, #tpu.memory_space<hbm>>) target(%arg13 : memref<64x128xf32, #tpu.memory_space<vmem>>) offsets(%dma_start3A_58 : memref<64xi32, #tpu.memory_space<vmem>>) semaphore(%arg18 : memref<!tpu.dma_semaphore, #tpu.memory_space<semaphore_mem>>)
      %dma_start3A_62 = arith.constant 3 : i32
      %dma_start3A_63 = arith.constant 0 : i32
      %dma_start3A_64 = tpu.memref_slice %arg9[%dma_start3A_62, %dma_start3A_63] : memref<32x64xi32, #tpu.memory_space<vmem>> -> memref<1x64xi32, #tpu.memory_space<vmem>>
      %dma_start3A_65 = tpu.memref_squeeze %dma_start3A_64 : memref<1x64xi32, #tpu.memory_space<vmem>> -> memref<64xi32, #tpu.memory_space<vmem>>
      %dma_start3A_66 = arith.constant 0 : i32
      %dma_start3A_67 = arith.constant 0 : i32
      %dma_start3A_68 = tpu.memref_slice %arg2[%dma_start3A_66, %dma_start3A_67] : memref<10240x128xf32, #tpu.memory_space<hbm>> -> memref<10240x128xf32, #tpu.memory_space<hbm>>
      tpu.enqueue_indirect_dma source(%dma_start3A_68 : memref<10240x128xf32, #tpu.memory_space<hbm>>) target(%arg14 : memref<64x128xf32, #tpu.memory_space<vmem>>) offsets(%dma_start3A_65 : memref<64xi32, #tpu.memory_space<vmem>>) semaphore(%arg19 : memref<!tpu.dma_semaphore, #tpu.memory_space<semaphore_mem>>)
      %scan3A = arith.constant 0 : i32
      %scan3A_69 = arith.constant 0 : i32
      %scan3A_70 = arith.constant 8 : i32
      %scan3A_71 = arith.addi %scan3A_69, %scan3A_70 : i32
      %scan3A_72 = arith.constant 1 : i32
      scf.for %scan3A_101 = %scan3A_69 to %scan3A_71 step %scan3A_72  : i32 {
        %mul3A_102 = arith.constant 4 : i32
        %mul3A_103 = arith.muli %scan3A_101, %mul3A_102 : i32
        %add3A_104 = arith.constant 0 : i32
        %add3A_105 = arith.addi %mul3A_103, %add3A_104 : i32
        %ge3A = arith.constant 1 : i32
        %ge3A_106 = arith.cmpi sge, %add3A_105, %ge3A : i32
        %add3A_107 = arith.constant 4 : i32
        %add3A_108 = arith.addi %add3A_105, %add3A_107 : i32
        %sub3A = arith.constant 1 : i32
        %sub3A_109 = arith.subi %add3A_108, %sub3A : i32
        %lt3A = arith.constant 32 : i32
        %lt3A_110 = arith.cmpi slt, %sub3A_109, %lt3A : i32
        %and3A = arith.andi %ge3A_106, %lt3A_110 : i1
        %convert_element_type3A_111 = arith.extui %and3A : i1 to i32
        %cond3A_112 = arith.constant 0 : i32
        %cond3A_113 = arith.cmpi ne, %convert_element_type3A_111, %cond3A_112 : i32
        scf.if %cond3A_113 {
          %sub3A_210 = arith.constant 1 : i32
          %sub3A_211 = arith.subi %add3A_105, %sub3A_210 : i32
          %dma_wait3A_212 = arith.constant 0 : i32
          %dma_wait3A_213 = tpu.memref_slice %arg10[%sub3A_211, %dma_wait3A_212] : memref<32x64xi32, #tpu.memory_space<vmem>> -> memref<1x64xi32, #tpu.memory_space<vmem>>
          %dma_wait3A_214 = tpu.memref_squeeze %dma_wait3A_213 : memref<1x64xi32, #tpu.memory_space<vmem>> -> memref<64xi32, #tpu.memory_space<vmem>>
          %dma_wait3A_215 = arith.constant 0 : i32
          %dma_wait3A_216 = arith.constant 0 : i32
          %dma_wait3A_217 = tpu.memref_slice %arg15[%dma_wait3A_215, %dma_wait3A_216] : memref<10240x128xf32, #tpu.memory_space<vmem_shared>> -> memref<10240x128xf32, #tpu.memory_space<vmem_shared>>
          tpu.wait_indirect_dma semaphore(%arg23 : memref<!tpu.dma_semaphore, #tpu.memory_space<semaphore_mem>>) src(%arg14 : memref<64x128xf32, #tpu.memory_space<vmem>>) dst(%dma_wait3A_217 : memref<10240x128xf32, #tpu.memory_space<vmem_shared>>)
          %add3A_218 = arith.constant 4 : i32
          %add3A_219 = arith.addi %add3A_105, %add3A_218 : i32
          %sub3A_220 = arith.constant 1 : i32
          %sub3A_221 = arith.subi %add3A_219, %sub3A_220 : i32
          %dma_start3A_222 = arith.constant 0 : i32
          %dma_start3A_223 = tpu.memref_slice %arg9[%sub3A_221, %dma_start3A_222] : memref<32x64xi32, #tpu.memory_space<vmem>> -> memref<1x64xi32, #tpu.memory_space<vmem>>
          %dma_start3A_224 = tpu.memref_squeeze %dma_start3A_223 : memref<1x64xi32, #tpu.memory_space<vmem>> -> memref<64xi32, #tpu.memory_space<vmem>>
          %dma_start3A_225 = arith.constant 0 : i32
          %dma_start3A_226 = arith.constant 0 : i32
          %dma_start3A_227 = tpu.memref_slice %arg2[%dma_start3A_225, %dma_start3A_226] : memref<10240x128xf32, #tpu.memory_space<hbm>> -> memref<10240x128xf32, #tpu.memory_space<hbm>>
          tpu.enqueue_indirect_dma source(%dma_start3A_227 : memref<10240x128xf32, #tpu.memory_space<hbm>>) target(%arg14 : memref<64x128xf32, #tpu.memory_space<vmem>>) offsets(%dma_start3A_224 : memref<64xi32, #tpu.memory_space<vmem>>) semaphore(%arg19 : memref<!tpu.dma_semaphore, #tpu.memory_space<semaphore_mem>>)
        } else {
        }
        %dma_wait3A_114 = arith.constant 0 : i32
        %dma_wait3A_115 = tpu.memref_slice %arg9[%add3A_105, %dma_wait3A_114] : memref<32x64xi32, #tpu.memory_space<vmem>> -> memref<1x64xi32, #tpu.memory_space<vmem>>
        %dma_wait3A_116 = tpu.memref_squeeze %dma_wait3A_115 : memref<1x64xi32, #tpu.memory_space<vmem>> -> memref<64xi32, #tpu.memory_space<vmem>>
        %dma_wait3A_117 = arith.constant 0 : i32
        %dma_wait3A_118 = arith.constant 0 : i32
        %dma_wait3A_119 = tpu.memref_slice %arg2[%dma_wait3A_117, %dma_wait3A_118] : memref<10240x128xf32, #tpu.memory_space<hbm>> -> memref<10240x128xf32, #tpu.memory_space<hbm>>
        tpu.wait_indirect_dma semaphore(%arg16 : memref<!tpu.dma_semaphore, #tpu.memory_space<semaphore_mem>>) src(%dma_wait3A_119 : memref<10240x128xf32, #tpu.memory_space<hbm>>) dst(%arg11 : memref<64x128xf32, #tpu.memory_space<vmem>>)
        %dma_start3A_120 = arith.constant 0 : i32
        %dma_start3A_121 = tpu.memref_slice %arg10[%add3A_105, %dma_start3A_120] : memref<32x64xi32, #tpu.memory_space<vmem>> -> memref<1x64xi32, #tpu.memory_space<vmem>>
        %dma_start3A_122 = tpu.memref_squeeze %dma_start3A_121 : memref<1x64xi32, #tpu.memory_space<vmem>> -> memref<64xi32, #tpu.memory_space<vmem>>
        %dma_start3A_123 = arith.constant 0 : i32
        %dma_start3A_124 = arith.constant 0 : i32
        %dma_start3A_125 = tpu.memref_slice %arg15[%dma_start3A_123, %dma_start3A_124] : memref<10240x128xf32, #tpu.memory_space<vmem_shared>> -> memref<10240x128xf32, #tpu.memory_space<vmem_shared>>
        tpu.enqueue_indirect_dma source(%arg11 : memref<64x128xf32, #tpu.memory_space<vmem>>) target(%dma_start3A_125 : memref<10240x128xf32, #tpu.memory_space<vmem_shared>>) offsets(%dma_start3A_122 : memref<64xi32, #tpu.memory_space<vmem>>) semaphore(%arg20 : memref<!tpu.dma_semaphore, #tpu.memory_space<semaphore_mem>>) {add = true}
        %mul3A_126 = arith.constant 4 : i32
        %mul3A_127 = arith.muli %scan3A_101, %mul3A_126 : i32
        %add3A_128 = arith.constant 1 : i32
        %add3A_129 = arith.addi %mul3A_127, %add3A_128 : i32
        %ge3A_130 = arith.constant 1 : i32
        %ge3A_131 = arith.cmpi sge, %add3A_129, %ge3A_130 : i32
        %add3A_132 = arith.constant 4 : i32
        %add3A_133 = arith.addi %add3A_129, %add3A_132 : i32
        %sub3A_134 = arith.constant 1 : i32
        %sub3A_135 = arith.subi %add3A_133, %sub3A_134 : i32
        %lt3A_136 = arith.constant 32 : i32
        %lt3A_137 = arith.cmpi slt, %sub3A_135, %lt3A_136 : i32
        %and3A_138 = arith.andi %ge3A_131, %lt3A_137 : i1
        %convert_element_type3A_139 = arith.extui %and3A_138 : i1 to i32
        %cond3A_140 = arith.constant 0 : i32
        %cond3A_141 = arith.cmpi ne, %convert_element_type3A_139, %cond3A_140 : i32
        scf.if %cond3A_141 {
          %sub3A_210 = arith.constant 1 : i32
          %sub3A_211 = arith.subi %add3A_129, %sub3A_210 : i32
          %dma_wait3A_212 = arith.constant 0 : i32
          %dma_wait3A_213 = tpu.memref_slice %arg10[%sub3A_211, %dma_wait3A_212] : memref<32x64xi32, #tpu.memory_space<vmem>> -> memref<1x64xi32, #tpu.memory_space<vmem>>
          %dma_wait3A_214 = tpu.memref_squeeze %dma_wait3A_213 : memref<1x64xi32, #tpu.memory_space<vmem>> -> memref<64xi32, #tpu.memory_space<vmem>>
          %dma_wait3A_215 = arith.constant 0 : i32
          %dma_wait3A_216 = arith.constant 0 : i32
          %dma_wait3A_217 = tpu.memref_slice %arg15[%dma_wait3A_215, %dma_wait3A_216] : memref<10240x128xf32, #tpu.memory_space<vmem_shared>> -> memref<10240x128xf32, #tpu.memory_space<vmem_shared>>
          tpu.wait_indirect_dma semaphore(%arg20 : memref<!tpu.dma_semaphore, #tpu.memory_space<semaphore_mem>>) src(%arg11 : memref<64x128xf32, #tpu.memory_space<vmem>>) dst(%dma_wait3A_217 : memref<10240x128xf32, #tpu.memory_space<vmem_shared>>)
          %add3A_218 = arith.constant 4 : i32
          %add3A_219 = arith.addi %add3A_129, %add3A_218 : i32
          %sub3A_220 = arith.constant 1 : i32
          %sub3A_221 = arith.subi %add3A_219, %sub3A_220 : i32
          %dma_start3A_222 = arith.constant 0 : i32
          %dma_start3A_223 = tpu.memref_slice %arg9[%sub3A_221, %dma_start3A_222] : memref<32x64xi32, #tpu.memory_space<vmem>> -> memref<1x64xi32, #tpu.memory_space<vmem>>
          %dma_start3A_224 = tpu.memref_squeeze %dma_start3A_223 : memref<1x64xi32, #tpu.memory_space<vmem>> -> memref<64xi32, #tpu.memory_space<vmem>>
          %dma_start3A_225 = arith.constant 0 : i32
          %dma_start3A_226 = arith.constant 0 : i32
          %dma_start3A_227 = tpu.memref_slice %arg2[%dma_start3A_225, %dma_start3A_226] : memref<10240x128xf32, #tpu.memory_space<hbm>> -> memref<10240x128xf32, #tpu.memory_space<hbm>>
          tpu.enqueue_indirect_dma source(%dma_start3A_227 : memref<10240x128xf32, #tpu.memory_space<hbm>>) target(%arg11 : memref<64x128xf32, #tpu.memory_space<vmem>>) offsets(%dma_start3A_224 : memref<64xi32, #tpu.memory_space<vmem>>) semaphore(%arg16 : memref<!tpu.dma_semaphore, #tpu.memory_space<semaphore_mem>>)
        } else {
        }
        %dma_wait3A_142 = arith.constant 0 : i32
        %dma_wait3A_143 = tpu.memref_slice %arg9[%add3A_129, %dma_wait3A_142] : memref<32x64xi32, #tpu.memory_space<vmem>> -> memref<1x64xi32, #tpu.memory_space<vmem>>
        %dma_wait3A_144 = tpu.memref_squeeze %dma_wait3A_143 : memref<1x64xi32, #tpu.memory_space<vmem>> -> memref<64xi32, #tpu.memory_space<vmem>>
        %dma_wait3A_145 = arith.constant 0 : i32
        %dma_wait3A_146 = arith.constant 0 : i32
        %dma_wait3A_147 = tpu.memref_slice %arg2[%dma_wait3A_145, %dma_wait3A_146] : memref<10240x128xf32, #tpu.memory_space<hbm>> -> memref<10240x128xf32, #tpu.memory_space<hbm>>
        tpu.wait_indirect_dma semaphore(%arg17 : memref<!tpu.dma_semaphore, #tpu.memory_space<semaphore_mem>>) src(%dma_wait3A_147 : memref<10240x128xf32, #tpu.memory_space<hbm>>) dst(%arg12 : memref<64x128xf32, #tpu.memory_space<vmem>>)
        %dma_start3A_148 = arith.constant 0 : i32
        %dma_start3A_149 = tpu.memref_slice %arg10[%add3A_129, %dma_start3A_148] : memref<32x64xi32, #tpu.memory_space<vmem>> -> memref<1x64xi32, #tpu.memory_space<vmem>>
        %dma_start3A_150 = tpu.memref_squeeze %dma_start3A_149 : memref<1x64xi32, #tpu.memory_space<vmem>> -> memref<64xi32, #tpu.memory_space<vmem>>
        %dma_start3A_151 = arith.constant 0 : i32
        %dma_start3A_152 = arith.constant 0 : i32
        %dma_start3A_153 = tpu.memref_slice %arg15[%dma_start3A_151, %dma_start3A_152] : memref<10240x128xf32, #tpu.memory_space<vmem_shared>> -> memref<10240x128xf32, #tpu.memory_space<vmem_shared>>
        tpu.enqueue_indirect_dma source(%arg12 : memref<64x128xf32, #tpu.memory_space<vmem>>) target(%dma_start3A_153 : memref<10240x128xf32, #tpu.memory_space<vmem_shared>>) offsets(%dma_start3A_150 : memref<64xi32, #tpu.memory_space<vmem>>) semaphore(%arg21 : memref<!tpu.dma_semaphore, #tpu.memory_space<semaphore_mem>>) {add = true}
        %mul3A_154 = arith.constant 4 : i32
        %mul3A_155 = arith.muli %scan3A_101, %mul3A_154 : i32
        %add3A_156 = arith.constant 2 : i32
        %add3A_157 = arith.addi %mul3A_155, %add3A_156 : i32
        %ge3A_158 = arith.constant 1 : i32
        %ge3A_159 = arith.cmpi sge, %add3A_157, %ge3A_158 : i32
        %add3A_160 = arith.constant 4 : i32
        %add3A_161 = arith.addi %add3A_157, %add3A_160 : i32
        %sub3A_162 = arith.constant 1 : i32
        %sub3A_163 = arith.subi %add3A_161, %sub3A_162 : i32
        %lt3A_164 = arith.constant 32 : i32
        %lt3A_165 = arith.cmpi slt, %sub3A_163, %lt3A_164 : i32
        %and3A_166 = arith.andi %ge3A_159, %lt3A_165 : i1
        %convert_element_type3A_167 = arith.extui %and3A_166 : i1 to i32
        %cond3A_168 = arith.constant 0 : i32
        %cond3A_169 = arith.cmpi ne, %convert_element_type3A_167, %cond3A_168 : i32
        scf.if %cond3A_169 {
          %sub3A_210 = arith.constant 1 : i32
          %sub3A_211 = arith.subi %add3A_157, %sub3A_210 : i32
          %dma_wait3A_212 = arith.constant 0 : i32
          %dma_wait3A_213 = tpu.memref_slice %arg10[%sub3A_211, %dma_wait3A_212] : memref<32x64xi32, #tpu.memory_space<vmem>> -> memref<1x64xi32, #tpu.memory_space<vmem>>
          %dma_wait3A_214 = tpu.memref_squeeze %dma_wait3A_213 : memref<1x64xi32, #tpu.memory_space<vmem>> -> memref<64xi32, #tpu.memory_space<vmem>>
          %dma_wait3A_215 = arith.constant 0 : i32
          %dma_wait3A_216 = arith.constant 0 : i32
          %dma_wait3A_217 = tpu.memref_slice %arg15[%dma_wait3A_215, %dma_wait3A_216] : memref<10240x128xf32, #tpu.memory_space<vmem_shared>> -> memref<10240x128xf32, #tpu.memory_space<vmem_shared>>
          tpu.wait_indirect_dma semaphore(%arg21 : memref<!tpu.dma_semaphore, #tpu.memory_space<semaphore_mem>>) src(%arg12 : memref<64x128xf32, #tpu.memory_space<vmem>>) dst(%dma_wait3A_217 : memref<10240x128xf32, #tpu.memory_space<vmem_shared>>)
          %add3A_218 = arith.constant 4 : i32
          %add3A_219 = arith.addi %add3A_157, %add3A_218 : i32
          %sub3A_220 = arith.constant 1 : i32
          %sub3A_221 = arith.subi %add3A_219, %sub3A_220 : i32
          %dma_start3A_222 = arith.constant 0 : i32
          %dma_start3A_223 = tpu.memref_slice %arg9[%sub3A_221, %dma_start3A_222] : memref<32x64xi32, #tpu.memory_space<vmem>> -> memref<1x64xi32, #tpu.memory_space<vmem>>
          %dma_start3A_224 = tpu.memref_squeeze %dma_start3A_223 : memref<1x64xi32, #tpu.memory_space<vmem>> -> memref<64xi32, #tpu.memory_space<vmem>>
          %dma_start3A_225 = arith.constant 0 : i32
          %dma_start3A_226 = arith.constant 0 : i32
          %dma_start3A_227 = tpu.memref_slice %arg2[%dma_start3A_225, %dma_start3A_226] : memref<10240x128xf32, #tpu.memory_space<hbm>> -> memref<10240x128xf32, #tpu.memory_space<hbm>>
          tpu.enqueue_indirect_dma source(%dma_start3A_227 : memref<10240x128xf32, #tpu.memory_space<hbm>>) target(%arg12 : memref<64x128xf32, #tpu.memory_space<vmem>>) offsets(%dma_start3A_224 : memref<64xi32, #tpu.memory_space<vmem>>) semaphore(%arg17 : memref<!tpu.dma_semaphore, #tpu.memory_space<semaphore_mem>>)
        } else {
        }
        %dma_wait3A_170 = arith.constant 0 : i32
        %dma_wait3A_171 = tpu.memref_slice %arg9[%add3A_157, %dma_wait3A_170] : memref<32x64xi32, #tpu.memory_space<vmem>> -> memref<1x64xi32, #tpu.memory_space<vmem>>
        %dma_wait3A_172 = tpu.memref_squeeze %dma_wait3A_171 : memref<1x64xi32, #tpu.memory_space<vmem>> -> memref<64xi32, #tpu.memory_space<vmem>>
        %dma_wait3A_173 = arith.constant 0 : i32
        %dma_wait3A_174 = arith.constant 0 : i32
        %dma_wait3A_175 = tpu.memref_slice %arg2[%dma_wait3A_173, %dma_wait3A_174] : memref<10240x128xf32, #tpu.memory_space<hbm>> -> memref<10240x128xf32, #tpu.memory_space<hbm>>
        tpu.wait_indirect_dma semaphore(%arg18 : memref<!tpu.dma_semaphore, #tpu.memory_space<semaphore_mem>>) src(%dma_wait3A_175 : memref<10240x128xf32, #tpu.memory_space<hbm>>) dst(%arg13 : memref<64x128xf32, #tpu.memory_space<vmem>>)
        %dma_start3A_176 = arith.constant 0 : i32
        %dma_start3A_177 = tpu.memref_slice %arg10[%add3A_157, %dma_start3A_176] : memref<32x64xi32, #tpu.memory_space<vmem>> -> memref<1x64xi32, #tpu.memory_space<vmem>>
        %dma_start3A_178 = tpu.memref_squeeze %dma_start3A_177 : memref<1x64xi32, #tpu.memory_space<vmem>> -> memref<64xi32, #tpu.memory_space<vmem>>
        %dma_start3A_179 = arith.constant 0 : i32
        %dma_start3A_180 = arith.constant 0 : i32
        %dma_start3A_181 = tpu.memref_slice %arg15[%dma_start3A_179, %dma_start3A_180] : memref<10240x128xf32, #tpu.memory_space<vmem_shared>> -> memref<10240x128xf32, #tpu.memory_space<vmem_shared>>
        tpu.enqueue_indirect_dma source(%arg13 : memref<64x128xf32, #tpu.memory_space<vmem>>) target(%dma_start3A_181 : memref<10240x128xf32, #tpu.memory_space<vmem_shared>>) offsets(%dma_start3A_178 : memref<64xi32, #tpu.memory_space<vmem>>) semaphore(%arg22 : memref<!tpu.dma_semaphore, #tpu.memory_space<semaphore_mem>>) {add = true}
        %mul3A_182 = arith.constant 4 : i32
        %mul3A_183 = arith.muli %scan3A_101, %mul3A_182 : i32
        %add3A_184 = arith.constant 3 : i32
        %add3A_185 = arith.addi %mul3A_183, %add3A_184 : i32
        %ge3A_186 = arith.constant 1 : i32
        %ge3A_187 = arith.cmpi sge, %add3A_185, %ge3A_186 : i32
        %add3A_188 = arith.constant 4 : i32
        %add3A_189 = arith.addi %add3A_185, %add3A_188 : i32
        %sub3A_190 = arith.constant 1 : i32
        %sub3A_191 = arith.subi %add3A_189, %sub3A_190 : i32
        %lt3A_192 = arith.constant 32 : i32
        %lt3A_193 = arith.cmpi slt, %sub3A_191, %lt3A_192 : i32
        %and3A_194 = arith.andi %ge3A_187, %lt3A_193 : i1
        %convert_element_type3A_195 = arith.extui %and3A_194 : i1 to i32
        %cond3A_196 = arith.constant 0 : i32
        %cond3A_197 = arith.cmpi ne, %convert_element_type3A_195, %cond3A_196 : i32
        scf.if %cond3A_197 {
          %sub3A_210 = arith.constant 1 : i32
          %sub3A_211 = arith.subi %add3A_185, %sub3A_210 : i32
          %dma_wait3A_212 = arith.constant 0 : i32
          %dma_wait3A_213 = tpu.memref_slice %arg10[%sub3A_211, %dma_wait3A_212] : memref<32x64xi32, #tpu.memory_space<vmem>> -> memref<1x64xi32, #tpu.memory_space<vmem>>
          %dma_wait3A_214 = tpu.memref_squeeze %dma_wait3A_213 : memref<1x64xi32, #tpu.memory_space<vmem>> -> memref<64xi32, #tpu.memory_space<vmem>>
          %dma_wait3A_215 = arith.constant 0 : i32
          %dma_wait3A_216 = arith.constant 0 : i32
          %dma_wait3A_217 = tpu.memref_slice %arg15[%dma_wait3A_215, %dma_wait3A_216] : memref<10240x128xf32, #tpu.memory_space<vmem_shared>> -> memref<10240x128xf32, #tpu.memory_space<vmem_shared>>
          tpu.wait_indirect_dma semaphore(%arg22 : memref<!tpu.dma_semaphore, #tpu.memory_space<semaphore_mem>>) src(%arg13 : memref<64x128xf32, #tpu.memory_space<vmem>>) dst(%dma_wait3A_217 : memref<10240x128xf32, #tpu.memory_space<vmem_shared>>)
          %add3A_218 = arith.constant 4 : i32
          %add3A_219 = arith.addi %add3A_185, %add3A_218 : i32
          %sub3A_220 = arith.constant 1 : i32
          %sub3A_221 = arith.subi %add3A_219, %sub3A_220 : i32
          %dma_start3A_222 = arith.constant 0 : i32
          %dma_start3A_223 = tpu.memref_slice %arg9[%sub3A_221, %dma_start3A_222] : memref<32x64xi32, #tpu.memory_space<vmem>> -> memref<1x64xi32, #tpu.memory_space<vmem>>
          %dma_start3A_224 = tpu.memref_squeeze %dma_start3A_223 : memref<1x64xi32, #tpu.memory_space<vmem>> -> memref<64xi32, #tpu.memory_space<vmem>>
          %dma_start3A_225 = arith.constant 0 : i32
          %dma_start3A_226 = arith.constant 0 : i32
          %dma_start3A_227 = tpu.memref_slice %arg2[%dma_start3A_225, %dma_start3A_226] : memref<10240x128xf32, #tpu.memory_space<hbm>> -> memref<10240x128xf32, #tpu.memory_space<hbm>>
          tpu.enqueue_indirect_dma source(%dma_start3A_227 : memref<10240x128xf32, #tpu.memory_space<hbm>>) target(%arg13 : memref<64x128xf32, #tpu.memory_space<vmem>>) offsets(%dma_start3A_224 : memref<64xi32, #tpu.memory_space<vmem>>) semaphore(%arg18 : memref<!tpu.dma_semaphore, #tpu.memory_space<semaphore_mem>>)
        } else {
        }
        %dma_wait3A_198 = arith.constant 0 : i32
        %dma_wait3A_199 = tpu.memref_slice %arg9[%add3A_185, %dma_wait3A_198] : memref<32x64xi32, #tpu.memory_space<vmem>> -> memref<1x64xi32, #tpu.memory_space<vmem>>
        %dma_wait3A_200 = tpu.memref_squeeze %dma_wait3A_199 : memref<1x64xi32, #tpu.memory_space<vmem>> -> memref<64xi32, #tpu.memory_space<vmem>>
        %dma_wait3A_201 = arith.constant 0 : i32
        %dma_wait3A_202 = arith.constant 0 : i32
        %dma_wait3A_203 = tpu.memref_slice %arg2[%dma_wait3A_201, %dma_wait3A_202] : memref<10240x128xf32, #tpu.memory_space<hbm>> -> memref<10240x128xf32, #tpu.memory_space<hbm>>
        tpu.wait_indirect_dma semaphore(%arg19 : memref<!tpu.dma_semaphore, #tpu.memory_space<semaphore_mem>>) src(%dma_wait3A_203 : memref<10240x128xf32, #tpu.memory_space<hbm>>) dst(%arg14 : memref<64x128xf32, #tpu.memory_space<vmem>>)
        %dma_start3A_204 = arith.constant 0 : i32
        %dma_start3A_205 = tpu.memref_slice %arg10[%add3A_185, %dma_start3A_204] : memref<32x64xi32, #tpu.memory_space<vmem>> -> memref<1x64xi32, #tpu.memory_space<vmem>>
        %dma_start3A_206 = tpu.memref_squeeze %dma_start3A_205 : memref<1x64xi32, #tpu.memory_space<vmem>> -> memref<64xi32, #tpu.memory_space<vmem>>
        %dma_start3A_207 = arith.constant 0 : i32
        %dma_start3A_208 = arith.constant 0 : i32
        %dma_start3A_209 = tpu.memref_slice %arg15[%dma_start3A_207, %dma_start3A_208] : memref<10240x128xf32, #tpu.memory_space<vmem_shared>> -> memref<10240x128xf32, #tpu.memory_space<vmem_shared>>
        tpu.enqueue_indirect_dma source(%arg14 : memref<64x128xf32, #tpu.memory_space<vmem>>) target(%dma_start3A_209 : memref<10240x128xf32, #tpu.memory_space<vmem_shared>>) offsets(%dma_start3A_206 : memref<64xi32, #tpu.memory_space<vmem>>) semaphore(%arg23 : memref<!tpu.dma_semaphore, #tpu.memory_space<semaphore_mem>>) {add = true}
      }
      %scan3A_73 = arith.constant 8 : i32
      %dma_wait3A = arith.constant 0 : i32
      %dma_wait3A_74 = arith.constant 0 : i32
      %dma_wait3A_75 = tpu.memref_slice %arg10[%dma_wait3A, %dma_wait3A_74] : memref<32x64xi32, #tpu.memory_space<vmem>> -> memref<1x64xi32, #tpu.memory_space<vmem>>
      %dma_wait3A_76 = tpu.memref_squeeze %dma_wait3A_75 : memref<1x64xi32, #tpu.memory_space<vmem>> -> memref<64xi32, #tpu.memory_space<vmem>>
      %dma_wait3A_77 = arith.constant 0 : i32
      %dma_wait3A_78 = arith.constant 0 : i32
      %dma_wait3A_79 = tpu.memref_slice %arg15[%dma_wait3A_77, %dma_wait3A_78] : memref<10240x128xf32, #tpu.memory_space<vmem_shared>> -> memref<10240x128xf32, #tpu.memory_space<vmem_shared>>
      tpu.wait_indirect_dma semaphore(%arg20 : memref<!tpu.dma_semaphore, #tpu.memory_space<semaphore_mem>>) src(%arg11 : memref<64x128xf32, #tpu.memory_space<vmem>>) dst(%dma_wait3A_79 : memref<10240x128xf32, #tpu.memory_space<vmem_shared>>)
      %dma_wait3A_80 = arith.constant 1 : i32
      %dma_wait3A_81 = arith.constant 0 : i32
      %dma_wait3A_82 = tpu.memref_slice %arg10[%dma_wait3A_80, %dma_wait3A_81] : memref<32x64xi32, #tpu.memory_space<vmem>> -> memref<1x64xi32, #tpu.memory_space<vmem>>
      %dma_wait3A_83 = tpu.memref_squeeze %dma_wait3A_82 : memref<1x64xi32, #tpu.memory_space<vmem>> -> memref<64xi32, #tpu.memory_space<vmem>>
      %dma_wait3A_84 = arith.constant 0 : i32
      %dma_wait3A_85 = arith.constant 0 : i32
      %dma_wait3A_86 = tpu.memref_slice %arg15[%dma_wait3A_84, %dma_wait3A_85] : memref<10240x128xf32, #tpu.memory_space<vmem_shared>> -> memref<10240x128xf32, #tpu.memory_space<vmem_shared>>
      tpu.wait_indirect_dma semaphore(%arg21 : memref<!tpu.dma_semaphore, #tpu.memory_space<semaphore_mem>>) src(%arg12 : memref<64x128xf32, #tpu.memory_space<vmem>>) dst(%dma_wait3A_86 : memref<10240x128xf32, #tpu.memory_space<vmem_shared>>)
      %dma_wait3A_87 = arith.constant 2 : i32
      %dma_wait3A_88 = arith.constant 0 : i32
      %dma_wait3A_89 = tpu.memref_slice %arg10[%dma_wait3A_87, %dma_wait3A_88] : memref<32x64xi32, #tpu.memory_space<vmem>> -> memref<1x64xi32, #tpu.memory_space<vmem>>
      %dma_wait3A_90 = tpu.memref_squeeze %dma_wait3A_89 : memref<1x64xi32, #tpu.memory_space<vmem>> -> memref<64xi32, #tpu.memory_space<vmem>>
      %dma_wait3A_91 = arith.constant 0 : i32
      %dma_wait3A_92 = arith.constant 0 : i32
      %dma_wait3A_93 = tpu.memref_slice %arg15[%dma_wait3A_91, %dma_wait3A_92] : memref<10240x128xf32, #tpu.memory_space<vmem_shared>> -> memref<10240x128xf32, #tpu.memory_space<vmem_shared>>
      tpu.wait_indirect_dma semaphore(%arg22 : memref<!tpu.dma_semaphore, #tpu.memory_space<semaphore_mem>>) src(%arg13 : memref<64x128xf32, #tpu.memory_space<vmem>>) dst(%dma_wait3A_93 : memref<10240x128xf32, #tpu.memory_space<vmem_shared>>)
      %dma_wait3A_94 = arith.constant 3 : i32
      %dma_wait3A_95 = arith.constant 0 : i32
      %dma_wait3A_96 = tpu.memref_slice %arg10[%dma_wait3A_94, %dma_wait3A_95] : memref<32x64xi32, #tpu.memory_space<vmem>> -> memref<1x64xi32, #tpu.memory_space<vmem>>
      %dma_wait3A_97 = tpu.memref_squeeze %dma_wait3A_96 : memref<1x64xi32, #tpu.memory_space<vmem>> -> memref<64xi32, #tpu.memory_space<vmem>>
      %dma_wait3A_98 = arith.constant 0 : i32
      %dma_wait3A_99 = arith.constant 0 : i32
      %dma_wait3A_100 = tpu.memref_slice %arg15[%dma_wait3A_98, %dma_wait3A_99] : memref<10240x128xf32, #tpu.memory_space<vmem_shared>> -> memref<10240x128xf32, #tpu.memory_space<vmem_shared>>
      tpu.wait_indirect_dma semaphore(%arg23 : memref<!tpu.dma_semaphore, #tpu.memory_space<semaphore_mem>>) src(%arg14 : memref<64x128xf32, #tpu.memory_space<vmem>>) dst(%dma_wait3A_100 : memref<10240x128xf32, #tpu.memory_space<vmem_shared>>)
    }
    %while3A_14 = arith.constant 1 : i32
    scf.for %while3A_39 = %while3A_12 to %while3A_8 step %while3A_14  : i32 {
      %mul3A_40 = arith.constant 32 : i32
      %mul3A_41 = arith.muli %while3A_39, %mul3A_40 : i32
      %add3A = arith.addi %mul3A_2, %mul3A_41 : i32
      "tpu.region"() ({
        %run_scoped3A = tpu.sem_alloc : memref<!tpu.dma_semaphore, #tpu.memory_space<semaphore_mem>>
        %dma_start3A_101 = arith.constant 0 : i32
        %dma_start3A_102 = tpu.memref_slice %arg3[%add3A, %dma_start3A_101] : memref<5120x64xi32, #tpu.memory_space<hbm>> -> memref<32x64xi32, #tpu.memory_space<hbm>>
        %dma_start3A_103 = arith.constant 0 : i32
        %dma_start3A_104 = tpu.memref_slice %arg3[%add3A, %dma_start3A_103] : memref<5120x64xi32, #tpu.memory_space<hbm>> -> memref<32x64xi32, #tpu.memory_space<hbm>>
        tpu.enqueue_dma source(%dma_start3A_104 : memref<32x64xi32, #tpu.memory_space<hbm>>) target(%arg9 : memref<32x64xi32, #tpu.memory_space<vmem>>) target_semaphore(%run_scoped3A : memref<!tpu.dma_semaphore, #tpu.memory_space<semaphore_mem>>)
        %dma_wait3A_105 = arith.constant 0 : i32
        %dma_wait3A_106 = tpu.memref_slice %arg3[%add3A, %dma_wait3A_105] : memref<5120x64xi32, #tpu.memory_space<hbm>> -> memref<32x64xi32, #tpu.memory_space<hbm>>
        %dma_wait3A_107 = arith.constant 0 : i32
        %dma_wait3A_108 = tpu.memref_slice %arg3[%add3A, %dma_wait3A_107] : memref<5120x64xi32, #tpu.memory_space<hbm>> -> memref<32x64xi32, #tpu.memory_space<hbm>>
        tpu.wait_dma2 semaphore(%run_scoped3A : memref<!tpu.dma_semaphore, #tpu.memory_space<semaphore_mem>>) src(%dma_wait3A_108 : memref<32x64xi32, #tpu.memory_space<hbm>>) dst(%arg9 : memref<32x64xi32, #tpu.memory_space<vmem>>)
        tpu.yield
      }) : () -> ()
      "tpu.region"() ({
        %run_scoped3A = tpu.sem_alloc : memref<!tpu.dma_semaphore, #tpu.memory_space<semaphore_mem>>
        %dma_start3A_101 = arith.constant 0 : i32
        %dma_start3A_102 = tpu.memref_slice %arg4[%add3A, %dma_start3A_101] : memref<5120x64xi32, #tpu.memory_space<hbm>> -> memref<32x64xi32, #tpu.memory_space<hbm>>
        %dma_start3A_103 = arith.constant 0 : i32
        %dma_start3A_104 = tpu.memref_slice %arg4[%add3A, %dma_start3A_103] : memref<5120x64xi32, #tpu.memory_space<hbm>> -> memref<32x64xi32, #tpu.memory_space<hbm>>
        tpu.enqueue_dma source(%dma_start3A_104 : memref<32x64xi32, #tpu.memory_space<hbm>>) target(%arg10 : memref<32x64xi32, #tpu.memory_space<vmem>>) target_semaphore(%run_scoped3A : memref<!tpu.dma_semaphore, #tpu.memory_space<semaphore_mem>>)
        %dma_wait3A_105 = arith.constant 0 : i32
        %dma_wait3A_106 = tpu.memref_slice %arg4[%add3A, %dma_wait3A_105] : memref<5120x64xi32, #tpu.memory_space<hbm>> -> memref<32x64xi32, #tpu.memory_space<hbm>>
        %dma_wait3A_107 = arith.constant 0 : i32
        %dma_wait3A_108 = tpu.memref_slice %arg4[%add3A, %dma_wait3A_107] : memref<5120x64xi32, #tpu.memory_space<hbm>> -> memref<32x64xi32, #tpu.memory_space<hbm>>
        tpu.wait_dma2 semaphore(%run_scoped3A : memref<!tpu.dma_semaphore, #tpu.memory_space<semaphore_mem>>) src(%dma_wait3A_108 : memref<32x64xi32, #tpu.memory_space<hbm>>) dst(%arg10 : memref<32x64xi32, #tpu.memory_space<vmem>>)
        tpu.yield
      }) : () -> ()
      %dma_start3A = arith.constant 0 : i32
      %dma_start3A_42 = arith.constant 0 : i32
      %dma_start3A_43 = tpu.memref_slice %arg9[%dma_start3A, %dma_start3A_42] : memref<32x64xi32, #tpu.memory_space<vmem>> -> memref<1x64xi32, #tpu.memory_space<vmem>>
      %dma_start3A_44 = tpu.memref_squeeze %dma_start3A_43 : memref<1x64xi32, #tpu.memory_space<vmem>> -> memref<64xi32, #tpu.memory_space<vmem>>
      %dma_start3A_45 = arith.constant 0 : i32
      %dma_start3A_46 = arith.constant 0 : i32
      %dma_start3A_47 = tpu.memref_slice %arg2[%dma_start3A_45, %dma_start3A_46] : memref<10240x128xf32, #tpu.memory_space<hbm>> -> memref<10240x128xf32, #tpu.memory_space<hbm>>
      tpu.enqueue_indirect_dma source(%dma_start3A_47 : memref<10240x128xf32, #tpu.memory_space<hbm>>) target(%arg11 : memref<64x128xf32, #tpu.memory_space<vmem>>) offsets(%dma_start3A_44 : memref<64xi32, #tpu.memory_space<vmem>>) semaphore(%arg16 : memref<!tpu.dma_semaphore, #tpu.memory_space<semaphore_mem>>)
      %dma_start3A_48 = arith.constant 1 : i32
      %dma_start3A_49 = arith.constant 0 : i32
      %dma_start3A_50 = tpu.memref_slice %arg9[%dma_start3A_48, %dma_start3A_49] : memref<32x64xi32, #tpu.memory_space<vmem>> -> memref<1x64xi32, #tpu.memory_space<vmem>>
      %dma_start3A_51 = tpu.memref_squeeze %dma_start3A_50 : memref<1x64xi32, #tpu.memory_space<vmem>> -> memref<64xi32, #tpu.memory_space<vmem>>
      %dma_start3A_52 = arith.constant 0 : i32
      %dma_start3A_53 = arith.constant 0 : i32
      %dma_start3A_54 = tpu.memref_slice %arg2[%dma_start3A_52, %dma_start3A_53] : memref<10240x128xf32, #tpu.memory_space<hbm>> -> memref<10240x128xf32, #tpu.memory_space<hbm>>
      tpu.enqueue_indirect_dma source(%dma_start3A_54 : memref<10240x128xf32, #tpu.memory_space<hbm>>) target(%arg12 : memref<64x128xf32, #tpu.memory_space<vmem>>) offsets(%dma_start3A_51 : memref<64xi32, #tpu.memory_space<vmem>>) semaphore(%arg17 : memref<!tpu.dma_semaphore, #tpu.memory_space<semaphore_mem>>)
      %dma_start3A_55 = arith.constant 2 : i32
      %dma_start3A_56 = arith.constant 0 : i32
      %dma_start3A_57 = tpu.memref_slice %arg9[%dma_start3A_55, %dma_start3A_56] : memref<32x64xi32, #tpu.memory_space<vmem>> -> memref<1x64xi32, #tpu.memory_space<vmem>>
      %dma_start3A_58 = tpu.memref_squeeze %dma_start3A_57 : memref<1x64xi32, #tpu.memory_space<vmem>> -> memref<64xi32, #tpu.memory_space<vmem>>
      %dma_start3A_59 = arith.constant 0 : i32
      %dma_start3A_60 = arith.constant 0 : i32
      %dma_start3A_61 = tpu.memref_slice %arg2[%dma_start3A_59, %dma_start3A_60] : memref<10240x128xf32, #tpu.memory_space<hbm>> -> memref<10240x128xf32, #tpu.memory_space<hbm>>
      tpu.enqueue_indirect_dma source(%dma_start3A_61 : memref<10240x128xf32, #tpu.memory_space<hbm>>) target(%arg13 : memref<64x128xf32, #tpu.memory_space<vmem>>) offsets(%dma_start3A_58 : memref<64xi32, #tpu.memory_space<vmem>>) semaphore(%arg18 : memref<!tpu.dma_semaphore, #tpu.memory_space<semaphore_mem>>)
      %dma_start3A_62 = arith.constant 3 : i32
      %dma_start3A_63 = arith.constant 0 : i32
      %dma_start3A_64 = tpu.memref_slice %arg9[%dma_start3A_62, %dma_start3A_63] : memref<32x64xi32, #tpu.memory_space<vmem>> -> memref<1x64xi32, #tpu.memory_space<vmem>>
      %dma_start3A_65 = tpu.memref_squeeze %dma_start3A_64 : memref<1x64xi32, #tpu.memory_space<vmem>> -> memref<64xi32, #tpu.memory_space<vmem>>
      %dma_start3A_66 = arith.constant 0 : i32
      %dma_start3A_67 = arith.constant 0 : i32
      %dma_start3A_68 = tpu.memref_slice %arg2[%dma_start3A_66, %dma_start3A_67] : memref<10240x128xf32, #tpu.memory_space<hbm>> -> memref<10240x128xf32, #tpu.memory_space<hbm>>
      tpu.enqueue_indirect_dma source(%dma_start3A_68 : memref<10240x128xf32, #tpu.memory_space<hbm>>) target(%arg14 : memref<64x128xf32, #tpu.memory_space<vmem>>) offsets(%dma_start3A_65 : memref<64xi32, #tpu.memory_space<vmem>>) semaphore(%arg19 : memref<!tpu.dma_semaphore, #tpu.memory_space<semaphore_mem>>)
      %scan3A = arith.constant 0 : i32
      %scan3A_69 = arith.constant 0 : i32
      %scan3A_70 = arith.constant 8 : i32
      %scan3A_71 = arith.addi %scan3A_69, %scan3A_70 : i32
      %scan3A_72 = arith.constant 1 : i32
      scf.for %scan3A_101 = %scan3A_69 to %scan3A_71 step %scan3A_72  : i32 {
        %mul3A_102 = arith.constant 4 : i32
        %mul3A_103 = arith.muli %scan3A_101, %mul3A_102 : i32
        %add3A_104 = arith.constant 0 : i32
        %add3A_105 = arith.addi %mul3A_103, %add3A_104 : i32
        %ge3A = arith.constant 1 : i32
        %ge3A_106 = arith.cmpi sge, %add3A_105, %ge3A : i32
        %add3A_107 = arith.constant 4 : i32
        %add3A_108 = arith.addi %add3A_105, %add3A_107 : i32
        %sub3A = arith.constant 1 : i32
        %sub3A_109 = arith.subi %add3A_108, %sub3A : i32
        %lt3A = arith.constant 32 : i32
        %lt3A_110 = arith.cmpi slt, %sub3A_109, %lt3A : i32
        %and3A = arith.andi %ge3A_106, %lt3A_110 : i1
        %convert_element_type3A_111 = arith.extui %and3A : i1 to i32
        %cond3A_112 = arith.constant 0 : i32
        %cond3A_113 = arith.cmpi ne, %convert_element_type3A_111, %cond3A_112 : i32
        scf.if %cond3A_113 {
          %sub3A_210 = arith.constant 1 : i32
          %sub3A_211 = arith.subi %add3A_105, %sub3A_210 : i32
          %dma_wait3A_212 = arith.constant 0 : i32
          %dma_wait3A_213 = tpu.memref_slice %arg10[%sub3A_211, %dma_wait3A_212] : memref<32x64xi32, #tpu.memory_space<vmem>> -> memref<1x64xi32, #tpu.memory_space<vmem>>
          %dma_wait3A_214 = tpu.memref_squeeze %dma_wait3A_213 : memref<1x64xi32, #tpu.memory_space<vmem>> -> memref<64xi32, #tpu.memory_space<vmem>>
          %dma_wait3A_215 = arith.constant 0 : i32
          %dma_wait3A_216 = arith.constant 0 : i32
          %dma_wait3A_217 = tpu.memref_slice %arg15[%dma_wait3A_215, %dma_wait3A_216] : memref<10240x128xf32, #tpu.memory_space<vmem_shared>> -> memref<10240x128xf32, #tpu.memory_space<vmem_shared>>
          tpu.wait_indirect_dma semaphore(%arg23 : memref<!tpu.dma_semaphore, #tpu.memory_space<semaphore_mem>>) src(%arg14 : memref<64x128xf32, #tpu.memory_space<vmem>>) dst(%dma_wait3A_217 : memref<10240x128xf32, #tpu.memory_space<vmem_shared>>)
          %add3A_218 = arith.constant 4 : i32
          %add3A_219 = arith.addi %add3A_105, %add3A_218 : i32
          %sub3A_220 = arith.constant 1 : i32
          %sub3A_221 = arith.subi %add3A_219, %sub3A_220 : i32
          %dma_start3A_222 = arith.constant 0 : i32
          %dma_start3A_223 = tpu.memref_slice %arg9[%sub3A_221, %dma_start3A_222] : memref<32x64xi32, #tpu.memory_space<vmem>> -> memref<1x64xi32, #tpu.memory_space<vmem>>
          %dma_start3A_224 = tpu.memref_squeeze %dma_start3A_223 : memref<1x64xi32, #tpu.memory_space<vmem>> -> memref<64xi32, #tpu.memory_space<vmem>>
          %dma_start3A_225 = arith.constant 0 : i32
          %dma_start3A_226 = arith.constant 0 : i32
          %dma_start3A_227 = tpu.memref_slice %arg2[%dma_start3A_225, %dma_start3A_226] : memref<10240x128xf32, #tpu.memory_space<hbm>> -> memref<10240x128xf32, #tpu.memory_space<hbm>>
          tpu.enqueue_indirect_dma source(%dma_start3A_227 : memref<10240x128xf32, #tpu.memory_space<hbm>>) target(%arg14 : memref<64x128xf32, #tpu.memory_space<vmem>>) offsets(%dma_start3A_224 : memref<64xi32, #tpu.memory_space<vmem>>) semaphore(%arg19 : memref<!tpu.dma_semaphore, #tpu.memory_space<semaphore_mem>>)
        } else {
        }
        %dma_wait3A_114 = arith.constant 0 : i32
        %dma_wait3A_115 = tpu.memref_slice %arg9[%add3A_105, %dma_wait3A_114] : memref<32x64xi32, #tpu.memory_space<vmem>> -> memref<1x64xi32, #tpu.memory_space<vmem>>
        %dma_wait3A_116 = tpu.memref_squeeze %dma_wait3A_115 : memref<1x64xi32, #tpu.memory_space<vmem>> -> memref<64xi32, #tpu.memory_space<vmem>>
        %dma_wait3A_117 = arith.constant 0 : i32
        %dma_wait3A_118 = arith.constant 0 : i32
        %dma_wait3A_119 = tpu.memref_slice %arg2[%dma_wait3A_117, %dma_wait3A_118] : memref<10240x128xf32, #tpu.memory_space<hbm>> -> memref<10240x128xf32, #tpu.memory_space<hbm>>
        tpu.wait_indirect_dma semaphore(%arg16 : memref<!tpu.dma_semaphore, #tpu.memory_space<semaphore_mem>>) src(%dma_wait3A_119 : memref<10240x128xf32, #tpu.memory_space<hbm>>) dst(%arg11 : memref<64x128xf32, #tpu.memory_space<vmem>>)
        %dma_start3A_120 = arith.constant 0 : i32
        %dma_start3A_121 = tpu.memref_slice %arg10[%add3A_105, %dma_start3A_120] : memref<32x64xi32, #tpu.memory_space<vmem>> -> memref<1x64xi32, #tpu.memory_space<vmem>>
        %dma_start3A_122 = tpu.memref_squeeze %dma_start3A_121 : memref<1x64xi32, #tpu.memory_space<vmem>> -> memref<64xi32, #tpu.memory_space<vmem>>
        %dma_start3A_123 = arith.constant 0 : i32
        %dma_start3A_124 = arith.constant 0 : i32
        %dma_start3A_125 = tpu.memref_slice %arg15[%dma_start3A_123, %dma_start3A_124] : memref<10240x128xf32, #tpu.memory_space<vmem_shared>> -> memref<10240x128xf32, #tpu.memory_space<vmem_shared>>
        tpu.enqueue_indirect_dma source(%arg11 : memref<64x128xf32, #tpu.memory_space<vmem>>) target(%dma_start3A_125 : memref<10240x128xf32, #tpu.memory_space<vmem_shared>>) offsets(%dma_start3A_122 : memref<64xi32, #tpu.memory_space<vmem>>) semaphore(%arg20 : memref<!tpu.dma_semaphore, #tpu.memory_space<semaphore_mem>>) {add = true}
        %mul3A_126 = arith.constant 4 : i32
        %mul3A_127 = arith.muli %scan3A_101, %mul3A_126 : i32
        %add3A_128 = arith.constant 1 : i32
        %add3A_129 = arith.addi %mul3A_127, %add3A_128 : i32
        %ge3A_130 = arith.constant 1 : i32
        %ge3A_131 = arith.cmpi sge, %add3A_129, %ge3A_130 : i32
        %add3A_132 = arith.constant 4 : i32
        %add3A_133 = arith.addi %add3A_129, %add3A_132 : i32
        %sub3A_134 = arith.constant 1 : i32
        %sub3A_135 = arith.subi %add3A_133, %sub3A_134 : i32
        %lt3A_136 = arith.constant 32 : i32
        %lt3A_137 = arith.cmpi slt, %sub3A_135, %lt3A_136 : i32
        %and3A_138 = arith.andi %ge3A_131, %lt3A_137 : i1
        %convert_element_type3A_139 = arith.extui %and3A_138 : i1 to i32
        %cond3A_140 = arith.constant 0 : i32
        %cond3A_141 = arith.cmpi ne, %convert_element_type3A_139, %cond3A_140 : i32
        scf.if %cond3A_141 {
          %sub3A_210 = arith.constant 1 : i32
          %sub3A_211 = arith.subi %add3A_129, %sub3A_210 : i32
          %dma_wait3A_212 = arith.constant 0 : i32
          %dma_wait3A_213 = tpu.memref_slice %arg10[%sub3A_211, %dma_wait3A_212] : memref<32x64xi32, #tpu.memory_space<vmem>> -> memref<1x64xi32, #tpu.memory_space<vmem>>
          %dma_wait3A_214 = tpu.memref_squeeze %dma_wait3A_213 : memref<1x64xi32, #tpu.memory_space<vmem>> -> memref<64xi32, #tpu.memory_space<vmem>>
          %dma_wait3A_215 = arith.constant 0 : i32
          %dma_wait3A_216 = arith.constant 0 : i32
          %dma_wait3A_217 = tpu.memref_slice %arg15[%dma_wait3A_215, %dma_wait3A_216] : memref<10240x128xf32, #tpu.memory_space<vmem_shared>> -> memref<10240x128xf32, #tpu.memory_space<vmem_shared>>
          tpu.wait_indirect_dma semaphore(%arg20 : memref<!tpu.dma_semaphore, #tpu.memory_space<semaphore_mem>>) src(%arg11 : memref<64x128xf32, #tpu.memory_space<vmem>>) dst(%dma_wait3A_217 : memref<10240x128xf32, #tpu.memory_space<vmem_shared>>)
          %add3A_218 = arith.constant 4 : i32
          %add3A_219 = arith.addi %add3A_129, %add3A_218 : i32
          %sub3A_220 = arith.constant 1 : i32
          %sub3A_221 = arith.subi %add3A_219, %sub3A_220 : i32
          %dma_start3A_222 = arith.constant 0 : i32
          %dma_start3A_223 = tpu.memref_slice %arg9[%sub3A_221, %dma_start3A_222] : memref<32x64xi32, #tpu.memory_space<vmem>> -> memref<1x64xi32, #tpu.memory_space<vmem>>
          %dma_start3A_224 = tpu.memref_squeeze %dma_start3A_223 : memref<1x64xi32, #tpu.memory_space<vmem>> -> memref<64xi32, #tpu.memory_space<vmem>>
          %dma_start3A_225 = arith.constant 0 : i32
          %dma_start3A_226 = arith.constant 0 : i32
          %dma_start3A_227 = tpu.memref_slice %arg2[%dma_start3A_225, %dma_start3A_226] : memref<10240x128xf32, #tpu.memory_space<hbm>> -> memref<10240x128xf32, #tpu.memory_space<hbm>>
          tpu.enqueue_indirect_dma source(%dma_start3A_227 : memref<10240x128xf32, #tpu.memory_space<hbm>>) target(%arg11 : memref<64x128xf32, #tpu.memory_space<vmem>>) offsets(%dma_start3A_224 : memref<64xi32, #tpu.memory_space<vmem>>) semaphore(%arg16 : memref<!tpu.dma_semaphore, #tpu.memory_space<semaphore_mem>>)
        } else {
        }
        %dma_wait3A_142 = arith.constant 0 : i32
        %dma_wait3A_143 = tpu.memref_slice %arg9[%add3A_129, %dma_wait3A_142] : memref<32x64xi32, #tpu.memory_space<vmem>> -> memref<1x64xi32, #tpu.memory_space<vmem>>
        %dma_wait3A_144 = tpu.memref_squeeze %dma_wait3A_143 : memref<1x64xi32, #tpu.memory_space<vmem>> -> memref<64xi32, #tpu.memory_space<vmem>>
        %dma_wait3A_145 = arith.constant 0 : i32
        %dma_wait3A_146 = arith.constant 0 : i32
        %dma_wait3A_147 = tpu.memref_slice %arg2[%dma_wait3A_145, %dma_wait3A_146] : memref<10240x128xf32, #tpu.memory_space<hbm>> -> memref<10240x128xf32, #tpu.memory_space<hbm>>
        tpu.wait_indirect_dma semaphore(%arg17 : memref<!tpu.dma_semaphore, #tpu.memory_space<semaphore_mem>>) src(%dma_wait3A_147 : memref<10240x128xf32, #tpu.memory_space<hbm>>) dst(%arg12 : memref<64x128xf32, #tpu.memory_space<vmem>>)
        %dma_start3A_148 = arith.constant 0 : i32
        %dma_start3A_149 = tpu.memref_slice %arg10[%add3A_129, %dma_start3A_148] : memref<32x64xi32, #tpu.memory_space<vmem>> -> memref<1x64xi32, #tpu.memory_space<vmem>>
        %dma_start3A_150 = tpu.memref_squeeze %dma_start3A_149 : memref<1x64xi32, #tpu.memory_space<vmem>> -> memref<64xi32, #tpu.memory_space<vmem>>
        %dma_start3A_151 = arith.constant 0 : i32
        %dma_start3A_152 = arith.constant 0 : i32
        %dma_start3A_153 = tpu.memref_slice %arg15[%dma_start3A_151, %dma_start3A_152] : memref<10240x128xf32, #tpu.memory_space<vmem_shared>> -> memref<10240x128xf32, #tpu.memory_space<vmem_shared>>
        tpu.enqueue_indirect_dma source(%arg12 : memref<64x128xf32, #tpu.memory_space<vmem>>) target(%dma_start3A_153 : memref<10240x128xf32, #tpu.memory_space<vmem_shared>>) offsets(%dma_start3A_150 : memref<64xi32, #tpu.memory_space<vmem>>) semaphore(%arg21 : memref<!tpu.dma_semaphore, #tpu.memory_space<semaphore_mem>>) {add = true}
        %mul3A_154 = arith.constant 4 : i32
        %mul3A_155 = arith.muli %scan3A_101, %mul3A_154 : i32
        %add3A_156 = arith.constant 2 : i32
        %add3A_157 = arith.addi %mul3A_155, %add3A_156 : i32
        %ge3A_158 = arith.constant 1 : i32
        %ge3A_159 = arith.cmpi sge, %add3A_157, %ge3A_158 : i32
        %add3A_160 = arith.constant 4 : i32
        %add3A_161 = arith.addi %add3A_157, %add3A_160 : i32
        %sub3A_162 = arith.constant 1 : i32
        %sub3A_163 = arith.subi %add3A_161, %sub3A_162 : i32
        %lt3A_164 = arith.constant 32 : i32
        %lt3A_165 = arith.cmpi slt, %sub3A_163, %lt3A_164 : i32
        %and3A_166 = arith.andi %ge3A_159, %lt3A_165 : i1
        %convert_element_type3A_167 = arith.extui %and3A_166 : i1 to i32
        %cond3A_168 = arith.constant 0 : i32
        %cond3A_169 = arith.cmpi ne, %convert_element_type3A_167, %cond3A_168 : i32
        scf.if %cond3A_169 {
          %sub3A_210 = arith.constant 1 : i32
          %sub3A_211 = arith.subi %add3A_157, %sub3A_210 : i32
          %dma_wait3A_212 = arith.constant 0 : i32
          %dma_wait3A_213 = tpu.memref_slice %arg10[%sub3A_211, %dma_wait3A_212] : memref<32x64xi32, #tpu.memory_space<vmem>> -> memref<1x64xi32, #tpu.memory_space<vmem>>
          %dma_wait3A_214 = tpu.memref_squeeze %dma_wait3A_213 : memref<1x64xi32, #tpu.memory_space<vmem>> -> memref<64xi32, #tpu.memory_space<vmem>>
          %dma_wait3A_215 = arith.constant 0 : i32
          %dma_wait3A_216 = arith.constant 0 : i32
          %dma_wait3A_217 = tpu.memref_slice %arg15[%dma_wait3A_215, %dma_wait3A_216] : memref<10240x128xf32, #tpu.memory_space<vmem_shared>> -> memref<10240x128xf32, #tpu.memory_space<vmem_shared>>
          tpu.wait_indirect_dma semaphore(%arg21 : memref<!tpu.dma_semaphore, #tpu.memory_space<semaphore_mem>>) src(%arg12 : memref<64x128xf32, #tpu.memory_space<vmem>>) dst(%dma_wait3A_217 : memref<10240x128xf32, #tpu.memory_space<vmem_shared>>)
          %add3A_218 = arith.constant 4 : i32
          %add3A_219 = arith.addi %add3A_157, %add3A_218 : i32
          %sub3A_220 = arith.constant 1 : i32
          %sub3A_221 = arith.subi %add3A_219, %sub3A_220 : i32
          %dma_start3A_222 = arith.constant 0 : i32
          %dma_start3A_223 = tpu.memref_slice %arg9[%sub3A_221, %dma_start3A_222] : memref<32x64xi32, #tpu.memory_space<vmem>> -> memref<1x64xi32, #tpu.memory_space<vmem>>
          %dma_start3A_224 = tpu.memref_squeeze %dma_start3A_223 : memref<1x64xi32, #tpu.memory_space<vmem>> -> memref<64xi32, #tpu.memory_space<vmem>>
          %dma_start3A_225 = arith.constant 0 : i32
          %dma_start3A_226 = arith.constant 0 : i32
          %dma_start3A_227 = tpu.memref_slice %arg2[%dma_start3A_225, %dma_start3A_226] : memref<10240x128xf32, #tpu.memory_space<hbm>> -> memref<10240x128xf32, #tpu.memory_space<hbm>>
          tpu.enqueue_indirect_dma source(%dma_start3A_227 : memref<10240x128xf32, #tpu.memory_space<hbm>>) target(%arg12 : memref<64x128xf32, #tpu.memory_space<vmem>>) offsets(%dma_start3A_224 : memref<64xi32, #tpu.memory_space<vmem>>) semaphore(%arg17 : memref<!tpu.dma_semaphore, #tpu.memory_space<semaphore_mem>>)
        } else {
        }
        %dma_wait3A_170 = arith.constant 0 : i32
        %dma_wait3A_171 = tpu.memref_slice %arg9[%add3A_157, %dma_wait3A_170] : memref<32x64xi32, #tpu.memory_space<vmem>> -> memref<1x64xi32, #tpu.memory_space<vmem>>
        %dma_wait3A_172 = tpu.memref_squeeze %dma_wait3A_171 : memref<1x64xi32, #tpu.memory_space<vmem>> -> memref<64xi32, #tpu.memory_space<vmem>>
        %dma_wait3A_173 = arith.constant 0 : i32
        %dma_wait3A_174 = arith.constant 0 : i32
        %dma_wait3A_175 = tpu.memref_slice %arg2[%dma_wait3A_173, %dma_wait3A_174] : memref<10240x128xf32, #tpu.memory_space<hbm>> -> memref<10240x128xf32, #tpu.memory_space<hbm>>
        tpu.wait_indirect_dma semaphore(%arg18 : memref<!tpu.dma_semaphore, #tpu.memory_space<semaphore_mem>>) src(%dma_wait3A_175 : memref<10240x128xf32, #tpu.memory_space<hbm>>) dst(%arg13 : memref<64x128xf32, #tpu.memory_space<vmem>>)
        %dma_start3A_176 = arith.constant 0 : i32
        %dma_start3A_177 = tpu.memref_slice %arg10[%add3A_157, %dma_start3A_176] : memref<32x64xi32, #tpu.memory_space<vmem>> -> memref<1x64xi32, #tpu.memory_space<vmem>>
        %dma_start3A_178 = tpu.memref_squeeze %dma_start3A_177 : memref<1x64xi32, #tpu.memory_space<vmem>> -> memref<64xi32, #tpu.memory_space<vmem>>
        %dma_start3A_179 = arith.constant 0 : i32
        %dma_start3A_180 = arith.constant 0 : i32
        %dma_start3A_181 = tpu.memref_slice %arg15[%dma_start3A_179, %dma_start3A_180] : memref<10240x128xf32, #tpu.memory_space<vmem_shared>> -> memref<10240x128xf32, #tpu.memory_space<vmem_shared>>
        tpu.enqueue_indirect_dma source(%arg13 : memref<64x128xf32, #tpu.memory_space<vmem>>) target(%dma_start3A_181 : memref<10240x128xf32, #tpu.memory_space<vmem_shared>>) offsets(%dma_start3A_178 : memref<64xi32, #tpu.memory_space<vmem>>) semaphore(%arg22 : memref<!tpu.dma_semaphore, #tpu.memory_space<semaphore_mem>>) {add = true}
        %mul3A_182 = arith.constant 4 : i32
        %mul3A_183 = arith.muli %scan3A_101, %mul3A_182 : i32
        %add3A_184 = arith.constant 3 : i32
        %add3A_185 = arith.addi %mul3A_183, %add3A_184 : i32
        %ge3A_186 = arith.constant 1 : i32
        %ge3A_187 = arith.cmpi sge, %add3A_185, %ge3A_186 : i32
        %add3A_188 = arith.constant 4 : i32
        %add3A_189 = arith.addi %add3A_185, %add3A_188 : i32
        %sub3A_190 = arith.constant 1 : i32
        %sub3A_191 = arith.subi %add3A_189, %sub3A_190 : i32
        %lt3A_192 = arith.constant 32 : i32
        %lt3A_193 = arith.cmpi slt, %sub3A_191, %lt3A_192 : i32
        %and3A_194 = arith.andi %ge3A_187, %lt3A_193 : i1
        %convert_element_type3A_195 = arith.extui %and3A_194 : i1 to i32
        %cond3A_196 = arith.constant 0 : i32
        %cond3A_197 = arith.cmpi ne, %convert_element_type3A_195, %cond3A_196 : i32
        scf.if %cond3A_197 {
          %sub3A_210 = arith.constant 1 : i32
          %sub3A_211 = arith.subi %add3A_185, %sub3A_210 : i32
          %dma_wait3A_212 = arith.constant 0 : i32
          %dma_wait3A_213 = tpu.memref_slice %arg10[%sub3A_211, %dma_wait3A_212] : memref<32x64xi32, #tpu.memory_space<vmem>> -> memref<1x64xi32, #tpu.memory_space<vmem>>
          %dma_wait3A_214 = tpu.memref_squeeze %dma_wait3A_213 : memref<1x64xi32, #tpu.memory_space<vmem>> -> memref<64xi32, #tpu.memory_space<vmem>>
          %dma_wait3A_215 = arith.constant 0 : i32
          %dma_wait3A_216 = arith.constant 0 : i32
          %dma_wait3A_217 = tpu.memref_slice %arg15[%dma_wait3A_215, %dma_wait3A_216] : memref<10240x128xf32, #tpu.memory_space<vmem_shared>> -> memref<10240x128xf32, #tpu.memory_space<vmem_shared>>
          tpu.wait_indirect_dma semaphore(%arg22 : memref<!tpu.dma_semaphore, #tpu.memory_space<semaphore_mem>>) src(%arg13 : memref<64x128xf32, #tpu.memory_space<vmem>>) dst(%dma_wait3A_217 : memref<10240x128xf32, #tpu.memory_space<vmem_shared>>)
          %add3A_218 = arith.constant 4 : i32
          %add3A_219 = arith.addi %add3A_185, %add3A_218 : i32
          %sub3A_220 = arith.constant 1 : i32
          %sub3A_221 = arith.subi %add3A_219, %sub3A_220 : i32
          %dma_start3A_222 = arith.constant 0 : i32
          %dma_start3A_223 = tpu.memref_slice %arg9[%sub3A_221, %dma_start3A_222] : memref<32x64xi32, #tpu.memory_space<vmem>> -> memref<1x64xi32, #tpu.memory_space<vmem>>
          %dma_start3A_224 = tpu.memref_squeeze %dma_start3A_223 : memref<1x64xi32, #tpu.memory_space<vmem>> -> memref<64xi32, #tpu.memory_space<vmem>>
          %dma_start3A_225 = arith.constant 0 : i32
          %dma_start3A_226 = arith.constant 0 : i32
          %dma_start3A_227 = tpu.memref_slice %arg2[%dma_start3A_225, %dma_start3A_226] : memref<10240x128xf32, #tpu.memory_space<hbm>> -> memref<10240x128xf32, #tpu.memory_space<hbm>>
          tpu.enqueue_indirect_dma source(%dma_start3A_227 : memref<10240x128xf32, #tpu.memory_space<hbm>>) target(%arg13 : memref<64x128xf32, #tpu.memory_space<vmem>>) offsets(%dma_start3A_224 : memref<64xi32, #tpu.memory_space<vmem>>) semaphore(%arg18 : memref<!tpu.dma_semaphore, #tpu.memory_space<semaphore_mem>>)
        } else {
        }
        %dma_wait3A_198 = arith.constant 0 : i32
        %dma_wait3A_199 = tpu.memref_slice %arg9[%add3A_185, %dma_wait3A_198] : memref<32x64xi32, #tpu.memory_space<vmem>> -> memref<1x64xi32, #tpu.memory_space<vmem>>
        %dma_wait3A_200 = tpu.memref_squeeze %dma_wait3A_199 : memref<1x64xi32, #tpu.memory_space<vmem>> -> memref<64xi32, #tpu.memory_space<vmem>>
        %dma_wait3A_201 = arith.constant 0 : i32
        %dma_wait3A_202 = arith.constant 0 : i32
        %dma_wait3A_203 = tpu.memref_slice %arg2[%dma_wait3A_201, %dma_wait3A_202] : memref<10240x128xf32, #tpu.memory_space<hbm>> -> memref<10240x128xf32, #tpu.memory_space<hbm>>
        tpu.wait_indirect_dma semaphore(%arg19 : memref<!tpu.dma_semaphore, #tpu.memory_space<semaphore_mem>>) src(%dma_wait3A_203 : memref<10240x128xf32, #tpu.memory_space<hbm>>) dst(%arg14 : memref<64x128xf32, #tpu.memory_space<vmem>>)
        %dma_start3A_204 = arith.constant 0 : i32
        %dma_start3A_205 = tpu.memref_slice %arg10[%add3A_185, %dma_start3A_204] : memref<32x64xi32, #tpu.memory_space<vmem>> -> memref<1x64xi32, #tpu.memory_space<vmem>>
        %dma_start3A_206 = tpu.memref_squeeze %dma_start3A_205 : memref<1x64xi32, #tpu.memory_space<vmem>> -> memref<64xi32, #tpu.memory_space<vmem>>
        %dma_start3A_207 = arith.constant 0 : i32
        %dma_start3A_208 = arith.constant 0 : i32
        %dma_start3A_209 = tpu.memref_slice %arg15[%dma_start3A_207, %dma_start3A_208] : memref<10240x128xf32, #tpu.memory_space<vmem_shared>> -> memref<10240x128xf32, #tpu.memory_space<vmem_shared>>
        tpu.enqueue_indirect_dma source(%arg14 : memref<64x128xf32, #tpu.memory_space<vmem>>) target(%dma_start3A_209 : memref<10240x128xf32, #tpu.memory_space<vmem_shared>>) offsets(%dma_start3A_206 : memref<64xi32, #tpu.memory_space<vmem>>) semaphore(%arg23 : memref<!tpu.dma_semaphore, #tpu.memory_space<semaphore_mem>>) {add = true}
      }
      %scan3A_73 = arith.constant 8 : i32
      %dma_wait3A = arith.constant 0 : i32
      %dma_wait3A_74 = arith.constant 0 : i32
      %dma_wait3A_75 = tpu.memref_slice %arg10[%dma_wait3A, %dma_wait3A_74] : memref<32x64xi32, #tpu.memory_space<vmem>> -> memref<1x64xi32, #tpu.memory_space<vmem>>
      %dma_wait3A_76 = tpu.memref_squeeze %dma_wait3A_75 : memref<1x64xi32, #tpu.memory_space<vmem>> -> memref<64xi32, #tpu.memory_space<vmem>>
      %dma_wait3A_77 = arith.constant 0 : i32
      %dma_wait3A_78 = arith.constant 0 : i32
      %dma_wait3A_79 = tpu.memref_slice %arg15[%dma_wait3A_77, %dma_wait3A_78] : memref<10240x128xf32, #tpu.memory_space<vmem_shared>> -> memref<10240x128xf32, #tpu.memory_space<vmem_shared>>
      tpu.wait_indirect_dma semaphore(%arg20 : memref<!tpu.dma_semaphore, #tpu.memory_space<semaphore_mem>>) src(%arg11 : memref<64x128xf32, #tpu.memory_space<vmem>>) dst(%dma_wait3A_79 : memref<10240x128xf32, #tpu.memory_space<vmem_shared>>)
      %dma_wait3A_80 = arith.constant 1 : i32
      %dma_wait3A_81 = arith.constant 0 : i32
      %dma_wait3A_82 = tpu.memref_slice %arg10[%dma_wait3A_80, %dma_wait3A_81] : memref<32x64xi32, #tpu.memory_space<vmem>> -> memref<1x64xi32, #tpu.memory_space<vmem>>
      %dma_wait3A_83 = tpu.memref_squeeze %dma_wait3A_82 : memref<1x64xi32, #tpu.memory_space<vmem>> -> memref<64xi32, #tpu.memory_space<vmem>>
      %dma_wait3A_84 = arith.constant 0 : i32
      %dma_wait3A_85 = arith.constant 0 : i32
      %dma_wait3A_86 = tpu.memref_slice %arg15[%dma_wait3A_84, %dma_wait3A_85] : memref<10240x128xf32, #tpu.memory_space<vmem_shared>> -> memref<10240x128xf32, #tpu.memory_space<vmem_shared>>
      tpu.wait_indirect_dma semaphore(%arg21 : memref<!tpu.dma_semaphore, #tpu.memory_space<semaphore_mem>>) src(%arg12 : memref<64x128xf32, #tpu.memory_space<vmem>>) dst(%dma_wait3A_86 : memref<10240x128xf32, #tpu.memory_space<vmem_shared>>)
      %dma_wait3A_87 = arith.constant 2 : i32
      %dma_wait3A_88 = arith.constant 0 : i32
      %dma_wait3A_89 = tpu.memref_slice %arg10[%dma_wait3A_87, %dma_wait3A_88] : memref<32x64xi32, #tpu.memory_space<vmem>> -> memref<1x64xi32, #tpu.memory_space<vmem>>
      %dma_wait3A_90 = tpu.memref_squeeze %dma_wait3A_89 : memref<1x64xi32, #tpu.memory_space<vmem>> -> memref<64xi32, #tpu.memory_space<vmem>>
      %dma_wait3A_91 = arith.constant 0 : i32
      %dma_wait3A_92 = arith.constant 0 : i32
      %dma_wait3A_93 = tpu.memref_slice %arg15[%dma_wait3A_91, %dma_wait3A_92] : memref<10240x128xf32, #tpu.memory_space<vmem_shared>> -> memref<10240x128xf32, #tpu.memory_space<vmem_shared>>
      tpu.wait_indirect_dma semaphore(%arg22 : memref<!tpu.dma_semaphore, #tpu.memory_space<semaphore_mem>>) src(%arg13 : memref<64x128xf32, #tpu.memory_space<vmem>>) dst(%dma_wait3A_93 : memref<10240x128xf32, #tpu.memory_space<vmem_shared>>)
      %dma_wait3A_94 = arith.constant 3 : i32
      %dma_wait3A_95 = arith.constant 0 : i32
      %dma_wait3A_96 = tpu.memref_slice %arg10[%dma_wait3A_94, %dma_wait3A_95] : memref<32x64xi32, #tpu.memory_space<vmem>> -> memref<1x64xi32, #tpu.memory_space<vmem>>
      %dma_wait3A_97 = tpu.memref_squeeze %dma_wait3A_96 : memref<1x64xi32, #tpu.memory_space<vmem>> -> memref<64xi32, #tpu.memory_space<vmem>>
      %dma_wait3A_98 = arith.constant 0 : i32
      %dma_wait3A_99 = arith.constant 0 : i32
      %dma_wait3A_100 = tpu.memref_slice %arg15[%dma_wait3A_98, %dma_wait3A_99] : memref<10240x128xf32, #tpu.memory_space<vmem_shared>> -> memref<10240x128xf32, #tpu.memory_space<vmem_shared>>
      tpu.wait_indirect_dma semaphore(%arg23 : memref<!tpu.dma_semaphore, #tpu.memory_space<semaphore_mem>>) src(%arg14 : memref<64x128xf32, #tpu.memory_space<vmem>>) dst(%dma_wait3A_100 : memref<10240x128xf32, #tpu.memory_space<vmem_shared>>)
    }
    %eq3A_15 = arith.constant 1 : i32
    %eq3A_16 = arith.cmpi eq, %arg0, %eq3A_15 : i32
    %select_n3A_17 = arith.constant 0 : i32
    %select_n3A_18 = arith.constant 10 : i32
    %select_n3A_19 = arith.select %eq3A_16, %select_n3A_18, %select_n3A_17 : i32
    "tpu.region"() ({
      %run_scoped3A = tpu.sem_alloc : memref<!tpu.dma_semaphore, #tpu.memory_space<semaphore_mem>>
      tpu.enqueue_dma source(%arg6 : memref<64x128xf32, #tpu.memory_space<hbm>>) target(%arg14 : memref<64x128xf32, #tpu.memory_space<vmem>>) target_semaphore(%run_scoped3A : memref<!tpu.dma_semaphore, #tpu.memory_space<semaphore_mem>>)
      tpu.wait_dma2 semaphore(%run_scoped3A : memref<!tpu.dma_semaphore, #tpu.memory_space<semaphore_mem>>) src(%arg6 : memref<64x128xf32, #tpu.memory_space<hbm>>) dst(%arg14 : memref<64x128xf32, #tpu.memory_space<vmem>>)
      tpu.yield
    }) : () -> ()
    %while3A_20 = arith.constant 0 : i32
    %while3A_21 = arith.constant 0 : i32
    %while3A_22 = arith.subi %select_n3A_19, %while3A_21 : i32
    %while3A_23 = arith.addi %while3A_21, %while3A_22 : i32
    %while3A_24 = arith.constant 1 : i32
    %while3A_25 = arith.divsi %while3A_22, %while3A_24 : i32
    %while3A_26 = arith.muli %while3A_25, %while3A_24 : i32
    %while3A_27 = arith.addi %while3A_21, %while3A_26 : i32
    %while3A_28 = arith.constant 1 : i32
    scf.for %while3A_39 = %while3A_21 to %while3A_27 step %while3A_28  : i32 {
      %mul3A_40 = arith.constant 32 : i32
      %mul3A_41 = arith.muli %while3A_39, %mul3A_40 : i32
      %add3A = arith.addi %mul3A_2, %mul3A_41 : i32
      "tpu.region"() ({
        %run_scoped3A = tpu.sem_alloc : memref<!tpu.dma_semaphore, #tpu.memory_space<semaphore_mem>>
        %dma_start3A = arith.constant 0 : i32
        %dma_start3A_47 = tpu.memref_slice %arg4[%add3A, %dma_start3A] : memref<5120x64xi32, #tpu.memory_space<hbm>> -> memref<32x64xi32, #tpu.memory_space<hbm>>
        %dma_start3A_48 = arith.constant 0 : i32
        %dma_start3A_49 = tpu.memref_slice %arg4[%add3A, %dma_start3A_48] : memref<5120x64xi32, #tpu.memory_space<hbm>> -> memref<32x64xi32, #tpu.memory_space<hbm>>
        tpu.enqueue_dma source(%dma_start3A_49 : memref<32x64xi32, #tpu.memory_space<hbm>>) target(%arg10 : memref<32x64xi32, #tpu.memory_space<vmem>>) target_semaphore(%run_scoped3A : memref<!tpu.dma_semaphore, #tpu.memory_space<semaphore_mem>>)
        %dma_wait3A = arith.constant 0 : i32
        %dma_wait3A_50 = tpu.memref_slice %arg4[%add3A, %dma_wait3A] : memref<5120x64xi32, #tpu.memory_space<hbm>> -> memref<32x64xi32, #tpu.memory_space<hbm>>
        %dma_wait3A_51 = arith.constant 0 : i32
        %dma_wait3A_52 = tpu.memref_slice %arg4[%add3A, %dma_wait3A_51] : memref<5120x64xi32, #tpu.memory_space<hbm>> -> memref<32x64xi32, #tpu.memory_space<hbm>>
        tpu.wait_dma2 semaphore(%run_scoped3A : memref<!tpu.dma_semaphore, #tpu.memory_space<semaphore_mem>>) src(%dma_wait3A_52 : memref<32x64xi32, #tpu.memory_space<hbm>>) dst(%arg10 : memref<32x64xi32, #tpu.memory_space<vmem>>)
        tpu.yield
      }) : () -> ()
      %scan3A = arith.constant 0 : i32
      %scan3A_42 = arith.constant 0 : i32
      %scan3A_43 = arith.constant 32 : i32
      %scan3A_44 = arith.addi %scan3A_42, %scan3A_43 : i32
      %scan3A_45 = arith.constant 1 : i32
      scf.for %scan3A_47 = %scan3A_42 to %scan3A_44 step %scan3A_45  : i32 {
        "tpu.region"() ({
          %run_scoped3A = tpu.sem_alloc : memref<!tpu.dma_semaphore, #tpu.memory_space<semaphore_mem>>
          %dma_start3A = arith.constant 0 : i32
          %dma_start3A_48 = tpu.memref_slice %arg10[%scan3A_47, %dma_start3A] : memref<32x64xi32, #tpu.memory_space<vmem>> -> memref<1x64xi32, #tpu.memory_space<vmem>>
          %dma_start3A_49 = tpu.memref_squeeze %dma_start3A_48 : memref<1x64xi32, #tpu.memory_space<vmem>> -> memref<64xi32, #tpu.memory_space<vmem>>
          %dma_start3A_50 = arith.constant 0 : i32
          %dma_start3A_51 = arith.constant 0 : i32
          %dma_start3A_52 = tpu.memref_slice %arg15[%dma_start3A_50, %dma_start3A_51] : memref<10240x128xf32, #tpu.memory_space<vmem_shared>> -> memref<10240x128xf32, #tpu.memory_space<vmem_shared>>
          tpu.enqueue_indirect_dma source(%arg14 : memref<64x128xf32, #tpu.memory_space<vmem>>) target(%dma_start3A_52 : memref<10240x128xf32, #tpu.memory_space<vmem_shared>>) offsets(%dma_start3A_49 : memref<64xi32, #tpu.memory_space<vmem>>) semaphore(%run_scoped3A : memref<!tpu.dma_semaphore, #tpu.memory_space<semaphore_mem>>) {add = true}
          %dma_wait3A = arith.constant 0 : i32
          %dma_wait3A_53 = tpu.memref_slice %arg10[%scan3A_47, %dma_wait3A] : memref<32x64xi32, #tpu.memory_space<vmem>> -> memref<1x64xi32, #tpu.memory_space<vmem>>
          %dma_wait3A_54 = tpu.memref_squeeze %dma_wait3A_53 : memref<1x64xi32, #tpu.memory_space<vmem>> -> memref<64xi32, #tpu.memory_space<vmem>>
          %dma_wait3A_55 = arith.constant 0 : i32
          %dma_wait3A_56 = arith.constant 0 : i32
          %dma_wait3A_57 = tpu.memref_slice %arg15[%dma_wait3A_55, %dma_wait3A_56] : memref<10240x128xf32, #tpu.memory_space<vmem_shared>> -> memref<10240x128xf32, #tpu.memory_space<vmem_shared>>
          tpu.wait_indirect_dma semaphore(%run_scoped3A : memref<!tpu.dma_semaphore, #tpu.memory_space<semaphore_mem>>) src(%arg14 : memref<64x128xf32, #tpu.memory_space<vmem>>) dst(%dma_wait3A_57 : memref<10240x128xf32, #tpu.memory_space<vmem_shared>>)
          tpu.yield
        }) : () -> ()
      }
      %scan3A_46 = arith.constant 32 : i32
    }
    %while3A_29 = arith.constant 1 : i32
    scf.for %while3A_39 = %while3A_27 to %while3A_23 step %while3A_29  : i32 {
      %mul3A_40 = arith.constant 32 : i32
      %mul3A_41 = arith.muli %while3A_39, %mul3A_40 : i32
      %add3A = arith.addi %mul3A_2, %mul3A_41 : i32
      "tpu.region"() ({
        %run_scoped3A = tpu.sem_alloc : memref<!tpu.dma_semaphore, #tpu.memory_space<semaphore_mem>>
        %dma_start3A = arith.constant 0 : i32
        %dma_start3A_47 = tpu.memref_slice %arg4[%add3A, %dma_start3A] : memref<5120x64xi32, #tpu.memory_space<hbm>> -> memref<32x64xi32, #tpu.memory_space<hbm>>
        %dma_start3A_48 = arith.constant 0 : i32
        %dma_start3A_49 = tpu.memref_slice %arg4[%add3A, %dma_start3A_48] : memref<5120x64xi32, #tpu.memory_space<hbm>> -> memref<32x64xi32, #tpu.memory_space<hbm>>
        tpu.enqueue_dma source(%dma_start3A_49 : memref<32x64xi32, #tpu.memory_space<hbm>>) target(%arg10 : memref<32x64xi32, #tpu.memory_space<vmem>>) target_semaphore(%run_scoped3A : memref<!tpu.dma_semaphore, #tpu.memory_space<semaphore_mem>>)
        %dma_wait3A = arith.constant 0 : i32
        %dma_wait3A_50 = tpu.memref_slice %arg4[%add3A, %dma_wait3A] : memref<5120x64xi32, #tpu.memory_space<hbm>> -> memref<32x64xi32, #tpu.memory_space<hbm>>
        %dma_wait3A_51 = arith.constant 0 : i32
        %dma_wait3A_52 = tpu.memref_slice %arg4[%add3A, %dma_wait3A_51] : memref<5120x64xi32, #tpu.memory_space<hbm>> -> memref<32x64xi32, #tpu.memory_space<hbm>>
        tpu.wait_dma2 semaphore(%run_scoped3A : memref<!tpu.dma_semaphore, #tpu.memory_space<semaphore_mem>>) src(%dma_wait3A_52 : memref<32x64xi32, #tpu.memory_space<hbm>>) dst(%arg10 : memref<32x64xi32, #tpu.memory_space<vmem>>)
        tpu.yield
      }) : () -> ()
      %scan3A = arith.constant 0 : i32
      %scan3A_42 = arith.constant 0 : i32
      %scan3A_43 = arith.constant 32 : i32
      %scan3A_44 = arith.addi %scan3A_42, %scan3A_43 : i32
      %scan3A_45 = arith.constant 1 : i32
      scf.for %scan3A_47 = %scan3A_42 to %scan3A_44 step %scan3A_45  : i32 {
        "tpu.region"() ({
          %run_scoped3A = tpu.sem_alloc : memref<!tpu.dma_semaphore, #tpu.memory_space<semaphore_mem>>
          %dma_start3A = arith.constant 0 : i32
          %dma_start3A_48 = tpu.memref_slice %arg10[%scan3A_47, %dma_start3A] : memref<32x64xi32, #tpu.memory_space<vmem>> -> memref<1x64xi32, #tpu.memory_space<vmem>>
          %dma_start3A_49 = tpu.memref_squeeze %dma_start3A_48 : memref<1x64xi32, #tpu.memory_space<vmem>> -> memref<64xi32, #tpu.memory_space<vmem>>
          %dma_start3A_50 = arith.constant 0 : i32
          %dma_start3A_51 = arith.constant 0 : i32
          %dma_start3A_52 = tpu.memref_slice %arg15[%dma_start3A_50, %dma_start3A_51] : memref<10240x128xf32, #tpu.memory_space<vmem_shared>> -> memref<10240x128xf32, #tpu.memory_space<vmem_shared>>
          tpu.enqueue_indirect_dma source(%arg14 : memref<64x128xf32, #tpu.memory_space<vmem>>) target(%dma_start3A_52 : memref<10240x128xf32, #tpu.memory_space<vmem_shared>>) offsets(%dma_start3A_49 : memref<64xi32, #tpu.memory_space<vmem>>) semaphore(%run_scoped3A : memref<!tpu.dma_semaphore, #tpu.memory_space<semaphore_mem>>) {add = true}
          %dma_wait3A = arith.constant 0 : i32
          %dma_wait3A_53 = tpu.memref_slice %arg10[%scan3A_47, %dma_wait3A] : memref<32x64xi32, #tpu.memory_space<vmem>> -> memref<1x64xi32, #tpu.memory_space<vmem>>
          %dma_wait3A_54 = tpu.memref_squeeze %dma_wait3A_53 : memref<1x64xi32, #tpu.memory_space<vmem>> -> memref<64xi32, #tpu.memory_space<vmem>>
          %dma_wait3A_55 = arith.constant 0 : i32
          %dma_wait3A_56 = arith.constant 0 : i32
          %dma_wait3A_57 = tpu.memref_slice %arg15[%dma_wait3A_55, %dma_wait3A_56] : memref<10240x128xf32, #tpu.memory_space<vmem_shared>> -> memref<10240x128xf32, #tpu.memory_space<vmem_shared>>
          tpu.wait_indirect_dma semaphore(%run_scoped3A : memref<!tpu.dma_semaphore, #tpu.memory_space<semaphore_mem>>) src(%arg14 : memref<64x128xf32, #tpu.memory_space<vmem>>) dst(%dma_wait3A_57 : memref<10240x128xf32, #tpu.memory_space<vmem_shared>>)
          tpu.yield
        }) : () -> ()
      }
      %scan3A_46 = arith.constant 32 : i32
    }
    %barrier3A_30 = arith.constant 0 : index
    tpu.barrier barrier_id(%barrier3A_30)
    %eq3A_31 = arith.constant 0 : i32
    %eq3A_32 = arith.cmpi eq, %arg0, %eq3A_31 : i32
    %convert_element_type3A = arith.extui %eq3A_32 : i1 to i32
    %cond3A = arith.constant 0 : i32
    %cond3A_33 = arith.cmpi ne, %convert_element_type3A, %cond3A : i32
    scf.if %cond3A_33 {
      "tpu.region"() ({
        %run_scoped3A = tpu.sem_alloc : memref<!tpu.dma_semaphore, #tpu.memory_space<semaphore_mem>>
        %dma_start3A = arith.constant 0 : i32
        %dma_start3A_39 = tpu.memref_slice %arg7[%mul3A_0, %dma_start3A] : memref<10240x128xf32, #tpu.memory_space<hbm>> -> memref<640x128xf32, #tpu.memory_space<hbm>>
        %dma_start3A_40 = arith.constant 0 : i32
        %dma_start3A_41 = tpu.memref_slice %arg15[%mul3A_0, %dma_start3A_40] : memref<10240x128xf32, #tpu.memory_space<vmem_shared>> -> memref<640x128xf32, #tpu.memory_space<vmem_shared>>
        tpu.enqueue_dma source(%dma_start3A_41 : memref<640x128xf32, #tpu.memory_space<vmem_shared>>) target(%dma_start3A_39 : memref<640x128xf32, #tpu.memory_space<hbm>>) target_semaphore(%run_scoped3A : memref<!tpu.dma_semaphore, #tpu.memory_space<semaphore_mem>>)
        %dma_wait3A = arith.constant 0 : i32
        %dma_wait3A_42 = tpu.memref_slice %arg7[%mul3A_0, %dma_wait3A] : memref<10240x128xf32, #tpu.memory_space<hbm>> -> memref<640x128xf32, #tpu.memory_space<hbm>>
        %dma_wait3A_43 = arith.constant 0 : i32
        %dma_wait3A_44 = tpu.memref_slice %arg15[%mul3A_0, %dma_wait3A_43] : memref<10240x128xf32, #tpu.memory_space<vmem_shared>> -> memref<640x128xf32, #tpu.memory_space<vmem_shared>>
        tpu.wait_dma2 semaphore(%run_scoped3A : memref<!tpu.dma_semaphore, #tpu.memory_space<semaphore_mem>>) src(%dma_wait3A_44 : memref<640x128xf32, #tpu.memory_space<vmem_shared>>) dst(%dma_wait3A_42 : memref<640x128xf32, #tpu.memory_space<hbm>>)
        tpu.yield
      }) : () -> ()
    } else {
    }
    %eq3A_34 = arith.constant 1 : i32
    %eq3A_35 = arith.cmpi eq, %arg0, %eq3A_34 : i32
    %convert_element_type3A_36 = arith.extui %eq3A_35 : i1 to i32
    %cond3A_37 = arith.constant 0 : i32
    %cond3A_38 = arith.cmpi ne, %convert_element_type3A_36, %cond3A_37 : i32
    scf.if %cond3A_38 {
      "tpu.region"() ({
        %run_scoped3A = tpu.sem_alloc : memref<!tpu.dma_semaphore, #tpu.memory_space<semaphore_mem>>
        %dma_start3A = arith.constant 0 : i32
        %dma_start3A_39 = tpu.memref_slice %arg8[%mul3A_0, %dma_start3A] : memref<10240x128xf32, #tpu.memory_space<hbm>> -> memref<640x128xf32, #tpu.memory_space<hbm>>
        %dma_start3A_40 = arith.constant 0 : i32
        %dma_start3A_41 = tpu.memref_slice %arg15[%mul3A_0, %dma_start3A_40] : memref<10240x128xf32, #tpu.memory_space<vmem_shared>> -> memref<640x128xf32, #tpu.memory_space<vmem_shared>>
        tpu.enqueue_dma source(%dma_start3A_41 : memref<640x128xf32, #tpu.memory_space<vmem_shared>>) target(%dma_start3A_39 : memref<640x128xf32, #tpu.memory_space<hbm>>) target_semaphore(%run_scoped3A : memref<!tpu.dma_semaphore, #tpu.memory_space<semaphore_mem>>)
        %dma_wait3A = arith.constant 0 : i32
        %dma_wait3A_42 = tpu.memref_slice %arg8[%mul3A_0, %dma_wait3A] : memref<10240x128xf32, #tpu.memory_space<hbm>> -> memref<640x128xf32, #tpu.memory_space<hbm>>
        %dma_wait3A_43 = arith.constant 0 : i32
        %dma_wait3A_44 = tpu.memref_slice %arg15[%mul3A_0, %dma_wait3A_43] : memref<10240x128xf32, #tpu.memory_space<vmem_shared>> -> memref<640x128xf32, #tpu.memory_space<vmem_shared>>
        tpu.wait_dma2 semaphore(%run_scoped3A : memref<!tpu.dma_semaphore, #tpu.memory_space<semaphore_mem>>) src(%dma_wait3A_44 : memref<640x128xf32, #tpu.memory_space<vmem_shared>>) dst(%dma_wait3A_42 : memref<640x128xf32, #tpu.memory_space<hbm>>)
        tpu.yield
      }) : () -> ()
    } else {
    }
    return
  }
}

#map = affine_map<(d0, d1) -> (0, 0)>
module attributes {stable_mosaic.version = 14 : i64} {
  func.func @sage_sc_agg(%arg0: i32, %arg1: i32, %arg2: memref<10240x128xf32, #tpu.memory_space<hbm>>, %arg3: memref<5120x64xi32, #tpu.memory_space<hbm>>, %arg4: memref<5120x64xi32, #tpu.memory_space<hbm>>, %arg5: memref<10240x128xf32, #tpu.memory_space<hbm>>, %arg6: memref<10240x128xf32, #tpu.memory_space<hbm>>, %arg7: memref<32x64xi32, #tpu.memory_space<vmem>>, %arg8: memref<32x64xi32, #tpu.memory_space<vmem>>, %arg9: memref<64x128xf32, #tpu.memory_space<vmem>>, %arg10: memref<64x128xf32, #tpu.memory_space<vmem>>, %arg11: memref<64x128xf32, #tpu.memory_space<vmem>>, %arg12: memref<64x128xf32, #tpu.memory_space<vmem>>, %arg13: memref<10240x128xf32, #tpu.memory_space<vmem_shared>>, %arg14: memref<!tpu.dma_semaphore, #tpu.memory_space<semaphore_mem>>, %arg15: memref<!tpu.dma_semaphore, #tpu.memory_space<semaphore_mem>>, %arg16: memref<!tpu.dma_semaphore, #tpu.memory_space<semaphore_mem>>, %arg17: memref<!tpu.dma_semaphore, #tpu.memory_space<semaphore_mem>>, %arg18: memref<!tpu.dma_semaphore, #tpu.memory_space<semaphore_mem>>, %arg19: memref<!tpu.dma_semaphore, #tpu.memory_space<semaphore_mem>>, %arg20: memref<!tpu.dma_semaphore, #tpu.memory_space<semaphore_mem>>, %arg21: memref<!tpu.dma_semaphore, #tpu.memory_space<semaphore_mem>>) attributes {dimension_semantics = [#tpu.dimension_semantics<core_parallel>, #tpu.dimension_semantics<subcore_parallel>], iteration_bounds = array<i64: 2, 16>, scalar_prefetch = 0 : i64, scratch_operands = 15 : i64, tpu.core_type = #tpu.core_type<sc_vector_subcore>, window_params = [{transform_indices = #map}, {transform_indices = #map}, {transform_indices = #map}, {transform_indices = #map}, {transform_indices = #map}]} {
    %mul3A = arith.constant 640 : i32
    %mul3A_0 = arith.muli %arg1, %mul3A : i32
    %mul3A_1 = arith.constant 320 : i32
    %mul3A_2 = arith.muli %arg1, %mul3A_1 : i32
    "tpu.region"() ({
      %run_scoped3A = tpu.sem_alloc : memref<!tpu.dma_semaphore, #tpu.memory_space<semaphore_mem>>
      %dma_start3A = arith.constant 0 : i32
      %dma_start3A_19 = tpu.memref_slice %arg13[%mul3A_0, %dma_start3A] : memref<10240x128xf32, #tpu.memory_space<vmem_shared>> -> memref<640x128xf32, #tpu.memory_space<vmem_shared>>
      %dma_start3A_20 = arith.constant 0 : i32
      %dma_start3A_21 = tpu.memref_slice %arg5[%mul3A_0, %dma_start3A_20] : memref<10240x128xf32, #tpu.memory_space<hbm>> -> memref<640x128xf32, #tpu.memory_space<hbm>>
      tpu.enqueue_dma source(%dma_start3A_21 : memref<640x128xf32, #tpu.memory_space<hbm>>) target(%dma_start3A_19 : memref<640x128xf32, #tpu.memory_space<vmem_shared>>) target_semaphore(%run_scoped3A : memref<!tpu.dma_semaphore, #tpu.memory_space<semaphore_mem>>)
      %dma_wait3A = arith.constant 0 : i32
      %dma_wait3A_22 = tpu.memref_slice %arg13[%mul3A_0, %dma_wait3A] : memref<10240x128xf32, #tpu.memory_space<vmem_shared>> -> memref<640x128xf32, #tpu.memory_space<vmem_shared>>
      %dma_wait3A_23 = arith.constant 0 : i32
      %dma_wait3A_24 = tpu.memref_slice %arg5[%mul3A_0, %dma_wait3A_23] : memref<10240x128xf32, #tpu.memory_space<hbm>> -> memref<640x128xf32, #tpu.memory_space<hbm>>
      tpu.wait_dma2 semaphore(%run_scoped3A : memref<!tpu.dma_semaphore, #tpu.memory_space<semaphore_mem>>) src(%dma_wait3A_24 : memref<640x128xf32, #tpu.memory_space<hbm>>) dst(%dma_wait3A_22 : memref<640x128xf32, #tpu.memory_space<vmem_shared>>)
      tpu.yield
    }) : () -> ()
    %barrier3A = arith.constant 0 : index
    tpu.barrier barrier_id(%barrier3A)
    %eq3A = arith.constant 0 : i32
    %eq3A_3 = arith.cmpi eq, %arg0, %eq3A : i32
    %select_n3A = arith.constant 0 : i32
    %select_n3A_4 = arith.constant 10 : i32
    %select_n3A_5 = arith.select %eq3A_3, %select_n3A_4, %select_n3A : i32
    %while3A = arith.constant 0 : i32
    %while3A_6 = arith.constant 0 : i32
    %while3A_7 = arith.subi %select_n3A_5, %while3A_6 : i32
    %while3A_8 = arith.addi %while3A_6, %while3A_7 : i32
    %while3A_9 = arith.constant 1 : i32
    %while3A_10 = arith.divsi %while3A_7, %while3A_9 : i32
    %while3A_11 = arith.muli %while3A_10, %while3A_9 : i32
    %while3A_12 = arith.addi %while3A_6, %while3A_11 : i32
    %while3A_13 = arith.constant 1 : i32
    scf.for %while3A_19 = %while3A_6 to %while3A_12 step %while3A_13  : i32 {
      %mul3A_20 = arith.constant 32 : i32
      %mul3A_21 = arith.muli %while3A_19, %mul3A_20 : i32
      %add3A = arith.addi %mul3A_2, %mul3A_21 : i32
      "tpu.region"() ({
        %run_scoped3A = tpu.sem_alloc : memref<!tpu.dma_semaphore, #tpu.memory_space<semaphore_mem>>
        %dma_start3A_81 = arith.constant 0 : i32
        %dma_start3A_82 = tpu.memref_slice %arg3[%add3A, %dma_start3A_81] : memref<5120x64xi32, #tpu.memory_space<hbm>> -> memref<32x64xi32, #tpu.memory_space<hbm>>
        %dma_start3A_83 = arith.constant 0 : i32
        %dma_start3A_84 = tpu.memref_slice %arg3[%add3A, %dma_start3A_83] : memref<5120x64xi32, #tpu.memory_space<hbm>> -> memref<32x64xi32, #tpu.memory_space<hbm>>
        tpu.enqueue_dma source(%dma_start3A_84 : memref<32x64xi32, #tpu.memory_space<hbm>>) target(%arg7 : memref<32x64xi32, #tpu.memory_space<vmem>>) target_semaphore(%run_scoped3A : memref<!tpu.dma_semaphore, #tpu.memory_space<semaphore_mem>>)
        %dma_wait3A_85 = arith.constant 0 : i32
        %dma_wait3A_86 = tpu.memref_slice %arg3[%add3A, %dma_wait3A_85] : memref<5120x64xi32, #tpu.memory_space<hbm>> -> memref<32x64xi32, #tpu.memory_space<hbm>>
        %dma_wait3A_87 = arith.constant 0 : i32
        %dma_wait3A_88 = tpu.memref_slice %arg3[%add3A, %dma_wait3A_87] : memref<5120x64xi32, #tpu.memory_space<hbm>> -> memref<32x64xi32, #tpu.memory_space<hbm>>
        tpu.wait_dma2 semaphore(%run_scoped3A : memref<!tpu.dma_semaphore, #tpu.memory_space<semaphore_mem>>) src(%dma_wait3A_88 : memref<32x64xi32, #tpu.memory_space<hbm>>) dst(%arg7 : memref<32x64xi32, #tpu.memory_space<vmem>>)
        tpu.yield
      }) : () -> ()
      "tpu.region"() ({
        %run_scoped3A = tpu.sem_alloc : memref<!tpu.dma_semaphore, #tpu.memory_space<semaphore_mem>>
        %dma_start3A_81 = arith.constant 0 : i32
        %dma_start3A_82 = tpu.memref_slice %arg4[%add3A, %dma_start3A_81] : memref<5120x64xi32, #tpu.memory_space<hbm>> -> memref<32x64xi32, #tpu.memory_space<hbm>>
        %dma_start3A_83 = arith.constant 0 : i32
        %dma_start3A_84 = tpu.memref_slice %arg4[%add3A, %dma_start3A_83] : memref<5120x64xi32, #tpu.memory_space<hbm>> -> memref<32x64xi32, #tpu.memory_space<hbm>>
        tpu.enqueue_dma source(%dma_start3A_84 : memref<32x64xi32, #tpu.memory_space<hbm>>) target(%arg8 : memref<32x64xi32, #tpu.memory_space<vmem>>) target_semaphore(%run_scoped3A : memref<!tpu.dma_semaphore, #tpu.memory_space<semaphore_mem>>)
        %dma_wait3A_85 = arith.constant 0 : i32
        %dma_wait3A_86 = tpu.memref_slice %arg4[%add3A, %dma_wait3A_85] : memref<5120x64xi32, #tpu.memory_space<hbm>> -> memref<32x64xi32, #tpu.memory_space<hbm>>
        %dma_wait3A_87 = arith.constant 0 : i32
        %dma_wait3A_88 = tpu.memref_slice %arg4[%add3A, %dma_wait3A_87] : memref<5120x64xi32, #tpu.memory_space<hbm>> -> memref<32x64xi32, #tpu.memory_space<hbm>>
        tpu.wait_dma2 semaphore(%run_scoped3A : memref<!tpu.dma_semaphore, #tpu.memory_space<semaphore_mem>>) src(%dma_wait3A_88 : memref<32x64xi32, #tpu.memory_space<hbm>>) dst(%arg8 : memref<32x64xi32, #tpu.memory_space<vmem>>)
        tpu.yield
      }) : () -> ()
      %dma_start3A = arith.constant 0 : i32
      %dma_start3A_22 = arith.constant 0 : i32
      %dma_start3A_23 = tpu.memref_slice %arg7[%dma_start3A, %dma_start3A_22] : memref<32x64xi32, #tpu.memory_space<vmem>> -> memref<1x64xi32, #tpu.memory_space<vmem>>
      %dma_start3A_24 = tpu.memref_squeeze %dma_start3A_23 : memref<1x64xi32, #tpu.memory_space<vmem>> -> memref<64xi32, #tpu.memory_space<vmem>>
      %dma_start3A_25 = arith.constant 0 : i32
      %dma_start3A_26 = arith.constant 0 : i32
      %dma_start3A_27 = tpu.memref_slice %arg2[%dma_start3A_25, %dma_start3A_26] : memref<10240x128xf32, #tpu.memory_space<hbm>> -> memref<10240x128xf32, #tpu.memory_space<hbm>>
      tpu.enqueue_indirect_dma source(%dma_start3A_27 : memref<10240x128xf32, #tpu.memory_space<hbm>>) target(%arg9 : memref<64x128xf32, #tpu.memory_space<vmem>>) offsets(%dma_start3A_24 : memref<64xi32, #tpu.memory_space<vmem>>) semaphore(%arg14 : memref<!tpu.dma_semaphore, #tpu.memory_space<semaphore_mem>>)
      %dma_start3A_28 = arith.constant 1 : i32
      %dma_start3A_29 = arith.constant 0 : i32
      %dma_start3A_30 = tpu.memref_slice %arg7[%dma_start3A_28, %dma_start3A_29] : memref<32x64xi32, #tpu.memory_space<vmem>> -> memref<1x64xi32, #tpu.memory_space<vmem>>
      %dma_start3A_31 = tpu.memref_squeeze %dma_start3A_30 : memref<1x64xi32, #tpu.memory_space<vmem>> -> memref<64xi32, #tpu.memory_space<vmem>>
      %dma_start3A_32 = arith.constant 0 : i32
      %dma_start3A_33 = arith.constant 0 : i32
      %dma_start3A_34 = tpu.memref_slice %arg2[%dma_start3A_32, %dma_start3A_33] : memref<10240x128xf32, #tpu.memory_space<hbm>> -> memref<10240x128xf32, #tpu.memory_space<hbm>>
      tpu.enqueue_indirect_dma source(%dma_start3A_34 : memref<10240x128xf32, #tpu.memory_space<hbm>>) target(%arg10 : memref<64x128xf32, #tpu.memory_space<vmem>>) offsets(%dma_start3A_31 : memref<64xi32, #tpu.memory_space<vmem>>) semaphore(%arg15 : memref<!tpu.dma_semaphore, #tpu.memory_space<semaphore_mem>>)
      %dma_start3A_35 = arith.constant 2 : i32
      %dma_start3A_36 = arith.constant 0 : i32
      %dma_start3A_37 = tpu.memref_slice %arg7[%dma_start3A_35, %dma_start3A_36] : memref<32x64xi32, #tpu.memory_space<vmem>> -> memref<1x64xi32, #tpu.memory_space<vmem>>
      %dma_start3A_38 = tpu.memref_squeeze %dma_start3A_37 : memref<1x64xi32, #tpu.memory_space<vmem>> -> memref<64xi32, #tpu.memory_space<vmem>>
      %dma_start3A_39 = arith.constant 0 : i32
      %dma_start3A_40 = arith.constant 0 : i32
      %dma_start3A_41 = tpu.memref_slice %arg2[%dma_start3A_39, %dma_start3A_40] : memref<10240x128xf32, #tpu.memory_space<hbm>> -> memref<10240x128xf32, #tpu.memory_space<hbm>>
      tpu.enqueue_indirect_dma source(%dma_start3A_41 : memref<10240x128xf32, #tpu.memory_space<hbm>>) target(%arg11 : memref<64x128xf32, #tpu.memory_space<vmem>>) offsets(%dma_start3A_38 : memref<64xi32, #tpu.memory_space<vmem>>) semaphore(%arg16 : memref<!tpu.dma_semaphore, #tpu.memory_space<semaphore_mem>>)
      %dma_start3A_42 = arith.constant 3 : i32
      %dma_start3A_43 = arith.constant 0 : i32
      %dma_start3A_44 = tpu.memref_slice %arg7[%dma_start3A_42, %dma_start3A_43] : memref<32x64xi32, #tpu.memory_space<vmem>> -> memref<1x64xi32, #tpu.memory_space<vmem>>
      %dma_start3A_45 = tpu.memref_squeeze %dma_start3A_44 : memref<1x64xi32, #tpu.memory_space<vmem>> -> memref<64xi32, #tpu.memory_space<vmem>>
      %dma_start3A_46 = arith.constant 0 : i32
      %dma_start3A_47 = arith.constant 0 : i32
      %dma_start3A_48 = tpu.memref_slice %arg2[%dma_start3A_46, %dma_start3A_47] : memref<10240x128xf32, #tpu.memory_space<hbm>> -> memref<10240x128xf32, #tpu.memory_space<hbm>>
      tpu.enqueue_indirect_dma source(%dma_start3A_48 : memref<10240x128xf32, #tpu.memory_space<hbm>>) target(%arg12 : memref<64x128xf32, #tpu.memory_space<vmem>>) offsets(%dma_start3A_45 : memref<64xi32, #tpu.memory_space<vmem>>) semaphore(%arg17 : memref<!tpu.dma_semaphore, #tpu.memory_space<semaphore_mem>>)
      %scan3A = arith.constant 0 : i32
      %scan3A_49 = arith.constant 0 : i32
      %scan3A_50 = arith.constant 8 : i32
      %scan3A_51 = arith.addi %scan3A_49, %scan3A_50 : i32
      %scan3A_52 = arith.constant 1 : i32
      scf.for %scan3A_81 = %scan3A_49 to %scan3A_51 step %scan3A_52  : i32 {
        %mul3A_82 = arith.constant 4 : i32
        %mul3A_83 = arith.muli %scan3A_81, %mul3A_82 : i32
        %add3A_84 = arith.constant 0 : i32
        %add3A_85 = arith.addi %mul3A_83, %add3A_84 : i32
        %ge3A = arith.constant 1 : i32
        %ge3A_86 = arith.cmpi sge, %add3A_85, %ge3A : i32
        %add3A_87 = arith.constant 4 : i32
        %add3A_88 = arith.addi %add3A_85, %add3A_87 : i32
        %sub3A = arith.constant 1 : i32
        %sub3A_89 = arith.subi %add3A_88, %sub3A : i32
        %lt3A = arith.constant 32 : i32
        %lt3A_90 = arith.cmpi slt, %sub3A_89, %lt3A : i32
        %and3A = arith.andi %ge3A_86, %lt3A_90 : i1
        %convert_element_type3A_91 = arith.extui %and3A : i1 to i32
        %cond3A_92 = arith.constant 0 : i32
        %cond3A_93 = arith.cmpi ne, %convert_element_type3A_91, %cond3A_92 : i32
        scf.if %cond3A_93 {
          %sub3A_190 = arith.constant 1 : i32
          %sub3A_191 = arith.subi %add3A_85, %sub3A_190 : i32
          %dma_wait3A_192 = arith.constant 0 : i32
          %dma_wait3A_193 = tpu.memref_slice %arg8[%sub3A_191, %dma_wait3A_192] : memref<32x64xi32, #tpu.memory_space<vmem>> -> memref<1x64xi32, #tpu.memory_space<vmem>>
          %dma_wait3A_194 = tpu.memref_squeeze %dma_wait3A_193 : memref<1x64xi32, #tpu.memory_space<vmem>> -> memref<64xi32, #tpu.memory_space<vmem>>
          %dma_wait3A_195 = arith.constant 0 : i32
          %dma_wait3A_196 = arith.constant 0 : i32
          %dma_wait3A_197 = tpu.memref_slice %arg13[%dma_wait3A_195, %dma_wait3A_196] : memref<10240x128xf32, #tpu.memory_space<vmem_shared>> -> memref<10240x128xf32, #tpu.memory_space<vmem_shared>>
          tpu.wait_indirect_dma semaphore(%arg21 : memref<!tpu.dma_semaphore, #tpu.memory_space<semaphore_mem>>) src(%arg12 : memref<64x128xf32, #tpu.memory_space<vmem>>) dst(%dma_wait3A_197 : memref<10240x128xf32, #tpu.memory_space<vmem_shared>>)
          %add3A_198 = arith.constant 4 : i32
          %add3A_199 = arith.addi %add3A_85, %add3A_198 : i32
          %sub3A_200 = arith.constant 1 : i32
          %sub3A_201 = arith.subi %add3A_199, %sub3A_200 : i32
          %dma_start3A_202 = arith.constant 0 : i32
          %dma_start3A_203 = tpu.memref_slice %arg7[%sub3A_201, %dma_start3A_202] : memref<32x64xi32, #tpu.memory_space<vmem>> -> memref<1x64xi32, #tpu.memory_space<vmem>>
          %dma_start3A_204 = tpu.memref_squeeze %dma_start3A_203 : memref<1x64xi32, #tpu.memory_space<vmem>> -> memref<64xi32, #tpu.memory_space<vmem>>
          %dma_start3A_205 = arith.constant 0 : i32
          %dma_start3A_206 = arith.constant 0 : i32
          %dma_start3A_207 = tpu.memref_slice %arg2[%dma_start3A_205, %dma_start3A_206] : memref<10240x128xf32, #tpu.memory_space<hbm>> -> memref<10240x128xf32, #tpu.memory_space<hbm>>
          tpu.enqueue_indirect_dma source(%dma_start3A_207 : memref<10240x128xf32, #tpu.memory_space<hbm>>) target(%arg12 : memref<64x128xf32, #tpu.memory_space<vmem>>) offsets(%dma_start3A_204 : memref<64xi32, #tpu.memory_space<vmem>>) semaphore(%arg17 : memref<!tpu.dma_semaphore, #tpu.memory_space<semaphore_mem>>)
        } else {
        }
        %dma_wait3A_94 = arith.constant 0 : i32
        %dma_wait3A_95 = tpu.memref_slice %arg7[%add3A_85, %dma_wait3A_94] : memref<32x64xi32, #tpu.memory_space<vmem>> -> memref<1x64xi32, #tpu.memory_space<vmem>>
        %dma_wait3A_96 = tpu.memref_squeeze %dma_wait3A_95 : memref<1x64xi32, #tpu.memory_space<vmem>> -> memref<64xi32, #tpu.memory_space<vmem>>
        %dma_wait3A_97 = arith.constant 0 : i32
        %dma_wait3A_98 = arith.constant 0 : i32
        %dma_wait3A_99 = tpu.memref_slice %arg2[%dma_wait3A_97, %dma_wait3A_98] : memref<10240x128xf32, #tpu.memory_space<hbm>> -> memref<10240x128xf32, #tpu.memory_space<hbm>>
        tpu.wait_indirect_dma semaphore(%arg14 : memref<!tpu.dma_semaphore, #tpu.memory_space<semaphore_mem>>) src(%dma_wait3A_99 : memref<10240x128xf32, #tpu.memory_space<hbm>>) dst(%arg9 : memref<64x128xf32, #tpu.memory_space<vmem>>)
        %dma_start3A_100 = arith.constant 0 : i32
        %dma_start3A_101 = tpu.memref_slice %arg8[%add3A_85, %dma_start3A_100] : memref<32x64xi32, #tpu.memory_space<vmem>> -> memref<1x64xi32, #tpu.memory_space<vmem>>
        %dma_start3A_102 = tpu.memref_squeeze %dma_start3A_101 : memref<1x64xi32, #tpu.memory_space<vmem>> -> memref<64xi32, #tpu.memory_space<vmem>>
        %dma_start3A_103 = arith.constant 0 : i32
        %dma_start3A_104 = arith.constant 0 : i32
        %dma_start3A_105 = tpu.memref_slice %arg13[%dma_start3A_103, %dma_start3A_104] : memref<10240x128xf32, #tpu.memory_space<vmem_shared>> -> memref<10240x128xf32, #tpu.memory_space<vmem_shared>>
        tpu.enqueue_indirect_dma source(%arg9 : memref<64x128xf32, #tpu.memory_space<vmem>>) target(%dma_start3A_105 : memref<10240x128xf32, #tpu.memory_space<vmem_shared>>) offsets(%dma_start3A_102 : memref<64xi32, #tpu.memory_space<vmem>>) semaphore(%arg18 : memref<!tpu.dma_semaphore, #tpu.memory_space<semaphore_mem>>) {add = true}
        %mul3A_106 = arith.constant 4 : i32
        %mul3A_107 = arith.muli %scan3A_81, %mul3A_106 : i32
        %add3A_108 = arith.constant 1 : i32
        %add3A_109 = arith.addi %mul3A_107, %add3A_108 : i32
        %ge3A_110 = arith.constant 1 : i32
        %ge3A_111 = arith.cmpi sge, %add3A_109, %ge3A_110 : i32
        %add3A_112 = arith.constant 4 : i32
        %add3A_113 = arith.addi %add3A_109, %add3A_112 : i32
        %sub3A_114 = arith.constant 1 : i32
        %sub3A_115 = arith.subi %add3A_113, %sub3A_114 : i32
        %lt3A_116 = arith.constant 32 : i32
        %lt3A_117 = arith.cmpi slt, %sub3A_115, %lt3A_116 : i32
        %and3A_118 = arith.andi %ge3A_111, %lt3A_117 : i1
        %convert_element_type3A_119 = arith.extui %and3A_118 : i1 to i32
        %cond3A_120 = arith.constant 0 : i32
        %cond3A_121 = arith.cmpi ne, %convert_element_type3A_119, %cond3A_120 : i32
        scf.if %cond3A_121 {
          %sub3A_190 = arith.constant 1 : i32
          %sub3A_191 = arith.subi %add3A_109, %sub3A_190 : i32
          %dma_wait3A_192 = arith.constant 0 : i32
          %dma_wait3A_193 = tpu.memref_slice %arg8[%sub3A_191, %dma_wait3A_192] : memref<32x64xi32, #tpu.memory_space<vmem>> -> memref<1x64xi32, #tpu.memory_space<vmem>>
          %dma_wait3A_194 = tpu.memref_squeeze %dma_wait3A_193 : memref<1x64xi32, #tpu.memory_space<vmem>> -> memref<64xi32, #tpu.memory_space<vmem>>
          %dma_wait3A_195 = arith.constant 0 : i32
          %dma_wait3A_196 = arith.constant 0 : i32
          %dma_wait3A_197 = tpu.memref_slice %arg13[%dma_wait3A_195, %dma_wait3A_196] : memref<10240x128xf32, #tpu.memory_space<vmem_shared>> -> memref<10240x128xf32, #tpu.memory_space<vmem_shared>>
          tpu.wait_indirect_dma semaphore(%arg18 : memref<!tpu.dma_semaphore, #tpu.memory_space<semaphore_mem>>) src(%arg9 : memref<64x128xf32, #tpu.memory_space<vmem>>) dst(%dma_wait3A_197 : memref<10240x128xf32, #tpu.memory_space<vmem_shared>>)
          %add3A_198 = arith.constant 4 : i32
          %add3A_199 = arith.addi %add3A_109, %add3A_198 : i32
          %sub3A_200 = arith.constant 1 : i32
          %sub3A_201 = arith.subi %add3A_199, %sub3A_200 : i32
          %dma_start3A_202 = arith.constant 0 : i32
          %dma_start3A_203 = tpu.memref_slice %arg7[%sub3A_201, %dma_start3A_202] : memref<32x64xi32, #tpu.memory_space<vmem>> -> memref<1x64xi32, #tpu.memory_space<vmem>>
          %dma_start3A_204 = tpu.memref_squeeze %dma_start3A_203 : memref<1x64xi32, #tpu.memory_space<vmem>> -> memref<64xi32, #tpu.memory_space<vmem>>
          %dma_start3A_205 = arith.constant 0 : i32
          %dma_start3A_206 = arith.constant 0 : i32
          %dma_start3A_207 = tpu.memref_slice %arg2[%dma_start3A_205, %dma_start3A_206] : memref<10240x128xf32, #tpu.memory_space<hbm>> -> memref<10240x128xf32, #tpu.memory_space<hbm>>
          tpu.enqueue_indirect_dma source(%dma_start3A_207 : memref<10240x128xf32, #tpu.memory_space<hbm>>) target(%arg9 : memref<64x128xf32, #tpu.memory_space<vmem>>) offsets(%dma_start3A_204 : memref<64xi32, #tpu.memory_space<vmem>>) semaphore(%arg14 : memref<!tpu.dma_semaphore, #tpu.memory_space<semaphore_mem>>)
        } else {
        }
        %dma_wait3A_122 = arith.constant 0 : i32
        %dma_wait3A_123 = tpu.memref_slice %arg7[%add3A_109, %dma_wait3A_122] : memref<32x64xi32, #tpu.memory_space<vmem>> -> memref<1x64xi32, #tpu.memory_space<vmem>>
        %dma_wait3A_124 = tpu.memref_squeeze %dma_wait3A_123 : memref<1x64xi32, #tpu.memory_space<vmem>> -> memref<64xi32, #tpu.memory_space<vmem>>
        %dma_wait3A_125 = arith.constant 0 : i32
        %dma_wait3A_126 = arith.constant 0 : i32
        %dma_wait3A_127 = tpu.memref_slice %arg2[%dma_wait3A_125, %dma_wait3A_126] : memref<10240x128xf32, #tpu.memory_space<hbm>> -> memref<10240x128xf32, #tpu.memory_space<hbm>>
        tpu.wait_indirect_dma semaphore(%arg15 : memref<!tpu.dma_semaphore, #tpu.memory_space<semaphore_mem>>) src(%dma_wait3A_127 : memref<10240x128xf32, #tpu.memory_space<hbm>>) dst(%arg10 : memref<64x128xf32, #tpu.memory_space<vmem>>)
        %dma_start3A_128 = arith.constant 0 : i32
        %dma_start3A_129 = tpu.memref_slice %arg8[%add3A_109, %dma_start3A_128] : memref<32x64xi32, #tpu.memory_space<vmem>> -> memref<1x64xi32, #tpu.memory_space<vmem>>
        %dma_start3A_130 = tpu.memref_squeeze %dma_start3A_129 : memref<1x64xi32, #tpu.memory_space<vmem>> -> memref<64xi32, #tpu.memory_space<vmem>>
        %dma_start3A_131 = arith.constant 0 : i32
        %dma_start3A_132 = arith.constant 0 : i32
        %dma_start3A_133 = tpu.memref_slice %arg13[%dma_start3A_131, %dma_start3A_132] : memref<10240x128xf32, #tpu.memory_space<vmem_shared>> -> memref<10240x128xf32, #tpu.memory_space<vmem_shared>>
        tpu.enqueue_indirect_dma source(%arg10 : memref<64x128xf32, #tpu.memory_space<vmem>>) target(%dma_start3A_133 : memref<10240x128xf32, #tpu.memory_space<vmem_shared>>) offsets(%dma_start3A_130 : memref<64xi32, #tpu.memory_space<vmem>>) semaphore(%arg19 : memref<!tpu.dma_semaphore, #tpu.memory_space<semaphore_mem>>) {add = true}
        %mul3A_134 = arith.constant 4 : i32
        %mul3A_135 = arith.muli %scan3A_81, %mul3A_134 : i32
        %add3A_136 = arith.constant 2 : i32
        %add3A_137 = arith.addi %mul3A_135, %add3A_136 : i32
        %ge3A_138 = arith.constant 1 : i32
        %ge3A_139 = arith.cmpi sge, %add3A_137, %ge3A_138 : i32
        %add3A_140 = arith.constant 4 : i32
        %add3A_141 = arith.addi %add3A_137, %add3A_140 : i32
        %sub3A_142 = arith.constant 1 : i32
        %sub3A_143 = arith.subi %add3A_141, %sub3A_142 : i32
        %lt3A_144 = arith.constant 32 : i32
        %lt3A_145 = arith.cmpi slt, %sub3A_143, %lt3A_144 : i32
        %and3A_146 = arith.andi %ge3A_139, %lt3A_145 : i1
        %convert_element_type3A_147 = arith.extui %and3A_146 : i1 to i32
        %cond3A_148 = arith.constant 0 : i32
        %cond3A_149 = arith.cmpi ne, %convert_element_type3A_147, %cond3A_148 : i32
        scf.if %cond3A_149 {
          %sub3A_190 = arith.constant 1 : i32
          %sub3A_191 = arith.subi %add3A_137, %sub3A_190 : i32
          %dma_wait3A_192 = arith.constant 0 : i32
          %dma_wait3A_193 = tpu.memref_slice %arg8[%sub3A_191, %dma_wait3A_192] : memref<32x64xi32, #tpu.memory_space<vmem>> -> memref<1x64xi32, #tpu.memory_space<vmem>>
          %dma_wait3A_194 = tpu.memref_squeeze %dma_wait3A_193 : memref<1x64xi32, #tpu.memory_space<vmem>> -> memref<64xi32, #tpu.memory_space<vmem>>
          %dma_wait3A_195 = arith.constant 0 : i32
          %dma_wait3A_196 = arith.constant 0 : i32
          %dma_wait3A_197 = tpu.memref_slice %arg13[%dma_wait3A_195, %dma_wait3A_196] : memref<10240x128xf32, #tpu.memory_space<vmem_shared>> -> memref<10240x128xf32, #tpu.memory_space<vmem_shared>>
          tpu.wait_indirect_dma semaphore(%arg19 : memref<!tpu.dma_semaphore, #tpu.memory_space<semaphore_mem>>) src(%arg10 : memref<64x128xf32, #tpu.memory_space<vmem>>) dst(%dma_wait3A_197 : memref<10240x128xf32, #tpu.memory_space<vmem_shared>>)
          %add3A_198 = arith.constant 4 : i32
          %add3A_199 = arith.addi %add3A_137, %add3A_198 : i32
          %sub3A_200 = arith.constant 1 : i32
          %sub3A_201 = arith.subi %add3A_199, %sub3A_200 : i32
          %dma_start3A_202 = arith.constant 0 : i32
          %dma_start3A_203 = tpu.memref_slice %arg7[%sub3A_201, %dma_start3A_202] : memref<32x64xi32, #tpu.memory_space<vmem>> -> memref<1x64xi32, #tpu.memory_space<vmem>>
          %dma_start3A_204 = tpu.memref_squeeze %dma_start3A_203 : memref<1x64xi32, #tpu.memory_space<vmem>> -> memref<64xi32, #tpu.memory_space<vmem>>
          %dma_start3A_205 = arith.constant 0 : i32
          %dma_start3A_206 = arith.constant 0 : i32
          %dma_start3A_207 = tpu.memref_slice %arg2[%dma_start3A_205, %dma_start3A_206] : memref<10240x128xf32, #tpu.memory_space<hbm>> -> memref<10240x128xf32, #tpu.memory_space<hbm>>
          tpu.enqueue_indirect_dma source(%dma_start3A_207 : memref<10240x128xf32, #tpu.memory_space<hbm>>) target(%arg10 : memref<64x128xf32, #tpu.memory_space<vmem>>) offsets(%dma_start3A_204 : memref<64xi32, #tpu.memory_space<vmem>>) semaphore(%arg15 : memref<!tpu.dma_semaphore, #tpu.memory_space<semaphore_mem>>)
        } else {
        }
        %dma_wait3A_150 = arith.constant 0 : i32
        %dma_wait3A_151 = tpu.memref_slice %arg7[%add3A_137, %dma_wait3A_150] : memref<32x64xi32, #tpu.memory_space<vmem>> -> memref<1x64xi32, #tpu.memory_space<vmem>>
        %dma_wait3A_152 = tpu.memref_squeeze %dma_wait3A_151 : memref<1x64xi32, #tpu.memory_space<vmem>> -> memref<64xi32, #tpu.memory_space<vmem>>
        %dma_wait3A_153 = arith.constant 0 : i32
        %dma_wait3A_154 = arith.constant 0 : i32
        %dma_wait3A_155 = tpu.memref_slice %arg2[%dma_wait3A_153, %dma_wait3A_154] : memref<10240x128xf32, #tpu.memory_space<hbm>> -> memref<10240x128xf32, #tpu.memory_space<hbm>>
        tpu.wait_indirect_dma semaphore(%arg16 : memref<!tpu.dma_semaphore, #tpu.memory_space<semaphore_mem>>) src(%dma_wait3A_155 : memref<10240x128xf32, #tpu.memory_space<hbm>>) dst(%arg11 : memref<64x128xf32, #tpu.memory_space<vmem>>)
        %dma_start3A_156 = arith.constant 0 : i32
        %dma_start3A_157 = tpu.memref_slice %arg8[%add3A_137, %dma_start3A_156] : memref<32x64xi32, #tpu.memory_space<vmem>> -> memref<1x64xi32, #tpu.memory_space<vmem>>
        %dma_start3A_158 = tpu.memref_squeeze %dma_start3A_157 : memref<1x64xi32, #tpu.memory_space<vmem>> -> memref<64xi32, #tpu.memory_space<vmem>>
        %dma_start3A_159 = arith.constant 0 : i32
        %dma_start3A_160 = arith.constant 0 : i32
        %dma_start3A_161 = tpu.memref_slice %arg13[%dma_start3A_159, %dma_start3A_160] : memref<10240x128xf32, #tpu.memory_space<vmem_shared>> -> memref<10240x128xf32, #tpu.memory_space<vmem_shared>>
        tpu.enqueue_indirect_dma source(%arg11 : memref<64x128xf32, #tpu.memory_space<vmem>>) target(%dma_start3A_161 : memref<10240x128xf32, #tpu.memory_space<vmem_shared>>) offsets(%dma_start3A_158 : memref<64xi32, #tpu.memory_space<vmem>>) semaphore(%arg20 : memref<!tpu.dma_semaphore, #tpu.memory_space<semaphore_mem>>) {add = true}
        %mul3A_162 = arith.constant 4 : i32
        %mul3A_163 = arith.muli %scan3A_81, %mul3A_162 : i32
        %add3A_164 = arith.constant 3 : i32
        %add3A_165 = arith.addi %mul3A_163, %add3A_164 : i32
        %ge3A_166 = arith.constant 1 : i32
        %ge3A_167 = arith.cmpi sge, %add3A_165, %ge3A_166 : i32
        %add3A_168 = arith.constant 4 : i32
        %add3A_169 = arith.addi %add3A_165, %add3A_168 : i32
        %sub3A_170 = arith.constant 1 : i32
        %sub3A_171 = arith.subi %add3A_169, %sub3A_170 : i32
        %lt3A_172 = arith.constant 32 : i32
        %lt3A_173 = arith.cmpi slt, %sub3A_171, %lt3A_172 : i32
        %and3A_174 = arith.andi %ge3A_167, %lt3A_173 : i1
        %convert_element_type3A_175 = arith.extui %and3A_174 : i1 to i32
        %cond3A_176 = arith.constant 0 : i32
        %cond3A_177 = arith.cmpi ne, %convert_element_type3A_175, %cond3A_176 : i32
        scf.if %cond3A_177 {
          %sub3A_190 = arith.constant 1 : i32
          %sub3A_191 = arith.subi %add3A_165, %sub3A_190 : i32
          %dma_wait3A_192 = arith.constant 0 : i32
          %dma_wait3A_193 = tpu.memref_slice %arg8[%sub3A_191, %dma_wait3A_192] : memref<32x64xi32, #tpu.memory_space<vmem>> -> memref<1x64xi32, #tpu.memory_space<vmem>>
          %dma_wait3A_194 = tpu.memref_squeeze %dma_wait3A_193 : memref<1x64xi32, #tpu.memory_space<vmem>> -> memref<64xi32, #tpu.memory_space<vmem>>
          %dma_wait3A_195 = arith.constant 0 : i32
          %dma_wait3A_196 = arith.constant 0 : i32
          %dma_wait3A_197 = tpu.memref_slice %arg13[%dma_wait3A_195, %dma_wait3A_196] : memref<10240x128xf32, #tpu.memory_space<vmem_shared>> -> memref<10240x128xf32, #tpu.memory_space<vmem_shared>>
          tpu.wait_indirect_dma semaphore(%arg20 : memref<!tpu.dma_semaphore, #tpu.memory_space<semaphore_mem>>) src(%arg11 : memref<64x128xf32, #tpu.memory_space<vmem>>) dst(%dma_wait3A_197 : memref<10240x128xf32, #tpu.memory_space<vmem_shared>>)
          %add3A_198 = arith.constant 4 : i32
          %add3A_199 = arith.addi %add3A_165, %add3A_198 : i32
          %sub3A_200 = arith.constant 1 : i32
          %sub3A_201 = arith.subi %add3A_199, %sub3A_200 : i32
          %dma_start3A_202 = arith.constant 0 : i32
          %dma_start3A_203 = tpu.memref_slice %arg7[%sub3A_201, %dma_start3A_202] : memref<32x64xi32, #tpu.memory_space<vmem>> -> memref<1x64xi32, #tpu.memory_space<vmem>>
          %dma_start3A_204 = tpu.memref_squeeze %dma_start3A_203 : memref<1x64xi32, #tpu.memory_space<vmem>> -> memref<64xi32, #tpu.memory_space<vmem>>
          %dma_start3A_205 = arith.constant 0 : i32
          %dma_start3A_206 = arith.constant 0 : i32
          %dma_start3A_207 = tpu.memref_slice %arg2[%dma_start3A_205, %dma_start3A_206] : memref<10240x128xf32, #tpu.memory_space<hbm>> -> memref<10240x128xf32, #tpu.memory_space<hbm>>
          tpu.enqueue_indirect_dma source(%dma_start3A_207 : memref<10240x128xf32, #tpu.memory_space<hbm>>) target(%arg11 : memref<64x128xf32, #tpu.memory_space<vmem>>) offsets(%dma_start3A_204 : memref<64xi32, #tpu.memory_space<vmem>>) semaphore(%arg16 : memref<!tpu.dma_semaphore, #tpu.memory_space<semaphore_mem>>)
        } else {
        }
        %dma_wait3A_178 = arith.constant 0 : i32
        %dma_wait3A_179 = tpu.memref_slice %arg7[%add3A_165, %dma_wait3A_178] : memref<32x64xi32, #tpu.memory_space<vmem>> -> memref<1x64xi32, #tpu.memory_space<vmem>>
        %dma_wait3A_180 = tpu.memref_squeeze %dma_wait3A_179 : memref<1x64xi32, #tpu.memory_space<vmem>> -> memref<64xi32, #tpu.memory_space<vmem>>
        %dma_wait3A_181 = arith.constant 0 : i32
        %dma_wait3A_182 = arith.constant 0 : i32
        %dma_wait3A_183 = tpu.memref_slice %arg2[%dma_wait3A_181, %dma_wait3A_182] : memref<10240x128xf32, #tpu.memory_space<hbm>> -> memref<10240x128xf32, #tpu.memory_space<hbm>>
        tpu.wait_indirect_dma semaphore(%arg17 : memref<!tpu.dma_semaphore, #tpu.memory_space<semaphore_mem>>) src(%dma_wait3A_183 : memref<10240x128xf32, #tpu.memory_space<hbm>>) dst(%arg12 : memref<64x128xf32, #tpu.memory_space<vmem>>)
        %dma_start3A_184 = arith.constant 0 : i32
        %dma_start3A_185 = tpu.memref_slice %arg8[%add3A_165, %dma_start3A_184] : memref<32x64xi32, #tpu.memory_space<vmem>> -> memref<1x64xi32, #tpu.memory_space<vmem>>
        %dma_start3A_186 = tpu.memref_squeeze %dma_start3A_185 : memref<1x64xi32, #tpu.memory_space<vmem>> -> memref<64xi32, #tpu.memory_space<vmem>>
        %dma_start3A_187 = arith.constant 0 : i32
        %dma_start3A_188 = arith.constant 0 : i32
        %dma_start3A_189 = tpu.memref_slice %arg13[%dma_start3A_187, %dma_start3A_188] : memref<10240x128xf32, #tpu.memory_space<vmem_shared>> -> memref<10240x128xf32, #tpu.memory_space<vmem_shared>>
        tpu.enqueue_indirect_dma source(%arg12 : memref<64x128xf32, #tpu.memory_space<vmem>>) target(%dma_start3A_189 : memref<10240x128xf32, #tpu.memory_space<vmem_shared>>) offsets(%dma_start3A_186 : memref<64xi32, #tpu.memory_space<vmem>>) semaphore(%arg21 : memref<!tpu.dma_semaphore, #tpu.memory_space<semaphore_mem>>) {add = true}
      }
      %scan3A_53 = arith.constant 8 : i32
      %dma_wait3A = arith.constant 0 : i32
      %dma_wait3A_54 = arith.constant 0 : i32
      %dma_wait3A_55 = tpu.memref_slice %arg8[%dma_wait3A, %dma_wait3A_54] : memref<32x64xi32, #tpu.memory_space<vmem>> -> memref<1x64xi32, #tpu.memory_space<vmem>>
      %dma_wait3A_56 = tpu.memref_squeeze %dma_wait3A_55 : memref<1x64xi32, #tpu.memory_space<vmem>> -> memref<64xi32, #tpu.memory_space<vmem>>
      %dma_wait3A_57 = arith.constant 0 : i32
      %dma_wait3A_58 = arith.constant 0 : i32
      %dma_wait3A_59 = tpu.memref_slice %arg13[%dma_wait3A_57, %dma_wait3A_58] : memref<10240x128xf32, #tpu.memory_space<vmem_shared>> -> memref<10240x128xf32, #tpu.memory_space<vmem_shared>>
      tpu.wait_indirect_dma semaphore(%arg18 : memref<!tpu.dma_semaphore, #tpu.memory_space<semaphore_mem>>) src(%arg9 : memref<64x128xf32, #tpu.memory_space<vmem>>) dst(%dma_wait3A_59 : memref<10240x128xf32, #tpu.memory_space<vmem_shared>>)
      %dma_wait3A_60 = arith.constant 1 : i32
      %dma_wait3A_61 = arith.constant 0 : i32
      %dma_wait3A_62 = tpu.memref_slice %arg8[%dma_wait3A_60, %dma_wait3A_61] : memref<32x64xi32, #tpu.memory_space<vmem>> -> memref<1x64xi32, #tpu.memory_space<vmem>>
      %dma_wait3A_63 = tpu.memref_squeeze %dma_wait3A_62 : memref<1x64xi32, #tpu.memory_space<vmem>> -> memref<64xi32, #tpu.memory_space<vmem>>
      %dma_wait3A_64 = arith.constant 0 : i32
      %dma_wait3A_65 = arith.constant 0 : i32
      %dma_wait3A_66 = tpu.memref_slice %arg13[%dma_wait3A_64, %dma_wait3A_65] : memref<10240x128xf32, #tpu.memory_space<vmem_shared>> -> memref<10240x128xf32, #tpu.memory_space<vmem_shared>>
      tpu.wait_indirect_dma semaphore(%arg19 : memref<!tpu.dma_semaphore, #tpu.memory_space<semaphore_mem>>) src(%arg10 : memref<64x128xf32, #tpu.memory_space<vmem>>) dst(%dma_wait3A_66 : memref<10240x128xf32, #tpu.memory_space<vmem_shared>>)
      %dma_wait3A_67 = arith.constant 2 : i32
      %dma_wait3A_68 = arith.constant 0 : i32
      %dma_wait3A_69 = tpu.memref_slice %arg8[%dma_wait3A_67, %dma_wait3A_68] : memref<32x64xi32, #tpu.memory_space<vmem>> -> memref<1x64xi32, #tpu.memory_space<vmem>>
      %dma_wait3A_70 = tpu.memref_squeeze %dma_wait3A_69 : memref<1x64xi32, #tpu.memory_space<vmem>> -> memref<64xi32, #tpu.memory_space<vmem>>
      %dma_wait3A_71 = arith.constant 0 : i32
      %dma_wait3A_72 = arith.constant 0 : i32
      %dma_wait3A_73 = tpu.memref_slice %arg13[%dma_wait3A_71, %dma_wait3A_72] : memref<10240x128xf32, #tpu.memory_space<vmem_shared>> -> memref<10240x128xf32, #tpu.memory_space<vmem_shared>>
      tpu.wait_indirect_dma semaphore(%arg20 : memref<!tpu.dma_semaphore, #tpu.memory_space<semaphore_mem>>) src(%arg11 : memref<64x128xf32, #tpu.memory_space<vmem>>) dst(%dma_wait3A_73 : memref<10240x128xf32, #tpu.memory_space<vmem_shared>>)
      %dma_wait3A_74 = arith.constant 3 : i32
      %dma_wait3A_75 = arith.constant 0 : i32
      %dma_wait3A_76 = tpu.memref_slice %arg8[%dma_wait3A_74, %dma_wait3A_75] : memref<32x64xi32, #tpu.memory_space<vmem>> -> memref<1x64xi32, #tpu.memory_space<vmem>>
      %dma_wait3A_77 = tpu.memref_squeeze %dma_wait3A_76 : memref<1x64xi32, #tpu.memory_space<vmem>> -> memref<64xi32, #tpu.memory_space<vmem>>
      %dma_wait3A_78 = arith.constant 0 : i32
      %dma_wait3A_79 = arith.constant 0 : i32
      %dma_wait3A_80 = tpu.memref_slice %arg13[%dma_wait3A_78, %dma_wait3A_79] : memref<10240x128xf32, #tpu.memory_space<vmem_shared>> -> memref<10240x128xf32, #tpu.memory_space<vmem_shared>>
      tpu.wait_indirect_dma semaphore(%arg21 : memref<!tpu.dma_semaphore, #tpu.memory_space<semaphore_mem>>) src(%arg12 : memref<64x128xf32, #tpu.memory_space<vmem>>) dst(%dma_wait3A_80 : memref<10240x128xf32, #tpu.memory_space<vmem_shared>>)
    }
    %while3A_14 = arith.constant 1 : i32
    scf.for %while3A_19 = %while3A_12 to %while3A_8 step %while3A_14  : i32 {
      %mul3A_20 = arith.constant 32 : i32
      %mul3A_21 = arith.muli %while3A_19, %mul3A_20 : i32
      %add3A = arith.addi %mul3A_2, %mul3A_21 : i32
      "tpu.region"() ({
        %run_scoped3A = tpu.sem_alloc : memref<!tpu.dma_semaphore, #tpu.memory_space<semaphore_mem>>
        %dma_start3A_81 = arith.constant 0 : i32
        %dma_start3A_82 = tpu.memref_slice %arg3[%add3A, %dma_start3A_81] : memref<5120x64xi32, #tpu.memory_space<hbm>> -> memref<32x64xi32, #tpu.memory_space<hbm>>
        %dma_start3A_83 = arith.constant 0 : i32
        %dma_start3A_84 = tpu.memref_slice %arg3[%add3A, %dma_start3A_83] : memref<5120x64xi32, #tpu.memory_space<hbm>> -> memref<32x64xi32, #tpu.memory_space<hbm>>
        tpu.enqueue_dma source(%dma_start3A_84 : memref<32x64xi32, #tpu.memory_space<hbm>>) target(%arg7 : memref<32x64xi32, #tpu.memory_space<vmem>>) target_semaphore(%run_scoped3A : memref<!tpu.dma_semaphore, #tpu.memory_space<semaphore_mem>>)
        %dma_wait3A_85 = arith.constant 0 : i32
        %dma_wait3A_86 = tpu.memref_slice %arg3[%add3A, %dma_wait3A_85] : memref<5120x64xi32, #tpu.memory_space<hbm>> -> memref<32x64xi32, #tpu.memory_space<hbm>>
        %dma_wait3A_87 = arith.constant 0 : i32
        %dma_wait3A_88 = tpu.memref_slice %arg3[%add3A, %dma_wait3A_87] : memref<5120x64xi32, #tpu.memory_space<hbm>> -> memref<32x64xi32, #tpu.memory_space<hbm>>
        tpu.wait_dma2 semaphore(%run_scoped3A : memref<!tpu.dma_semaphore, #tpu.memory_space<semaphore_mem>>) src(%dma_wait3A_88 : memref<32x64xi32, #tpu.memory_space<hbm>>) dst(%arg7 : memref<32x64xi32, #tpu.memory_space<vmem>>)
        tpu.yield
      }) : () -> ()
      "tpu.region"() ({
        %run_scoped3A = tpu.sem_alloc : memref<!tpu.dma_semaphore, #tpu.memory_space<semaphore_mem>>
        %dma_start3A_81 = arith.constant 0 : i32
        %dma_start3A_82 = tpu.memref_slice %arg4[%add3A, %dma_start3A_81] : memref<5120x64xi32, #tpu.memory_space<hbm>> -> memref<32x64xi32, #tpu.memory_space<hbm>>
        %dma_start3A_83 = arith.constant 0 : i32
        %dma_start3A_84 = tpu.memref_slice %arg4[%add3A, %dma_start3A_83] : memref<5120x64xi32, #tpu.memory_space<hbm>> -> memref<32x64xi32, #tpu.memory_space<hbm>>
        tpu.enqueue_dma source(%dma_start3A_84 : memref<32x64xi32, #tpu.memory_space<hbm>>) target(%arg8 : memref<32x64xi32, #tpu.memory_space<vmem>>) target_semaphore(%run_scoped3A : memref<!tpu.dma_semaphore, #tpu.memory_space<semaphore_mem>>)
        %dma_wait3A_85 = arith.constant 0 : i32
        %dma_wait3A_86 = tpu.memref_slice %arg4[%add3A, %dma_wait3A_85] : memref<5120x64xi32, #tpu.memory_space<hbm>> -> memref<32x64xi32, #tpu.memory_space<hbm>>
        %dma_wait3A_87 = arith.constant 0 : i32
        %dma_wait3A_88 = tpu.memref_slice %arg4[%add3A, %dma_wait3A_87] : memref<5120x64xi32, #tpu.memory_space<hbm>> -> memref<32x64xi32, #tpu.memory_space<hbm>>
        tpu.wait_dma2 semaphore(%run_scoped3A : memref<!tpu.dma_semaphore, #tpu.memory_space<semaphore_mem>>) src(%dma_wait3A_88 : memref<32x64xi32, #tpu.memory_space<hbm>>) dst(%arg8 : memref<32x64xi32, #tpu.memory_space<vmem>>)
        tpu.yield
      }) : () -> ()
      %dma_start3A = arith.constant 0 : i32
      %dma_start3A_22 = arith.constant 0 : i32
      %dma_start3A_23 = tpu.memref_slice %arg7[%dma_start3A, %dma_start3A_22] : memref<32x64xi32, #tpu.memory_space<vmem>> -> memref<1x64xi32, #tpu.memory_space<vmem>>
      %dma_start3A_24 = tpu.memref_squeeze %dma_start3A_23 : memref<1x64xi32, #tpu.memory_space<vmem>> -> memref<64xi32, #tpu.memory_space<vmem>>
      %dma_start3A_25 = arith.constant 0 : i32
      %dma_start3A_26 = arith.constant 0 : i32
      %dma_start3A_27 = tpu.memref_slice %arg2[%dma_start3A_25, %dma_start3A_26] : memref<10240x128xf32, #tpu.memory_space<hbm>> -> memref<10240x128xf32, #tpu.memory_space<hbm>>
      tpu.enqueue_indirect_dma source(%dma_start3A_27 : memref<10240x128xf32, #tpu.memory_space<hbm>>) target(%arg9 : memref<64x128xf32, #tpu.memory_space<vmem>>) offsets(%dma_start3A_24 : memref<64xi32, #tpu.memory_space<vmem>>) semaphore(%arg14 : memref<!tpu.dma_semaphore, #tpu.memory_space<semaphore_mem>>)
      %dma_start3A_28 = arith.constant 1 : i32
      %dma_start3A_29 = arith.constant 0 : i32
      %dma_start3A_30 = tpu.memref_slice %arg7[%dma_start3A_28, %dma_start3A_29] : memref<32x64xi32, #tpu.memory_space<vmem>> -> memref<1x64xi32, #tpu.memory_space<vmem>>
      %dma_start3A_31 = tpu.memref_squeeze %dma_start3A_30 : memref<1x64xi32, #tpu.memory_space<vmem>> -> memref<64xi32, #tpu.memory_space<vmem>>
      %dma_start3A_32 = arith.constant 0 : i32
      %dma_start3A_33 = arith.constant 0 : i32
      %dma_start3A_34 = tpu.memref_slice %arg2[%dma_start3A_32, %dma_start3A_33] : memref<10240x128xf32, #tpu.memory_space<hbm>> -> memref<10240x128xf32, #tpu.memory_space<hbm>>
      tpu.enqueue_indirect_dma source(%dma_start3A_34 : memref<10240x128xf32, #tpu.memory_space<hbm>>) target(%arg10 : memref<64x128xf32, #tpu.memory_space<vmem>>) offsets(%dma_start3A_31 : memref<64xi32, #tpu.memory_space<vmem>>) semaphore(%arg15 : memref<!tpu.dma_semaphore, #tpu.memory_space<semaphore_mem>>)
      %dma_start3A_35 = arith.constant 2 : i32
      %dma_start3A_36 = arith.constant 0 : i32
      %dma_start3A_37 = tpu.memref_slice %arg7[%dma_start3A_35, %dma_start3A_36] : memref<32x64xi32, #tpu.memory_space<vmem>> -> memref<1x64xi32, #tpu.memory_space<vmem>>
      %dma_start3A_38 = tpu.memref_squeeze %dma_start3A_37 : memref<1x64xi32, #tpu.memory_space<vmem>> -> memref<64xi32, #tpu.memory_space<vmem>>
      %dma_start3A_39 = arith.constant 0 : i32
      %dma_start3A_40 = arith.constant 0 : i32
      %dma_start3A_41 = tpu.memref_slice %arg2[%dma_start3A_39, %dma_start3A_40] : memref<10240x128xf32, #tpu.memory_space<hbm>> -> memref<10240x128xf32, #tpu.memory_space<hbm>>
      tpu.enqueue_indirect_dma source(%dma_start3A_41 : memref<10240x128xf32, #tpu.memory_space<hbm>>) target(%arg11 : memref<64x128xf32, #tpu.memory_space<vmem>>) offsets(%dma_start3A_38 : memref<64xi32, #tpu.memory_space<vmem>>) semaphore(%arg16 : memref<!tpu.dma_semaphore, #tpu.memory_space<semaphore_mem>>)
      %dma_start3A_42 = arith.constant 3 : i32
      %dma_start3A_43 = arith.constant 0 : i32
      %dma_start3A_44 = tpu.memref_slice %arg7[%dma_start3A_42, %dma_start3A_43] : memref<32x64xi32, #tpu.memory_space<vmem>> -> memref<1x64xi32, #tpu.memory_space<vmem>>
      %dma_start3A_45 = tpu.memref_squeeze %dma_start3A_44 : memref<1x64xi32, #tpu.memory_space<vmem>> -> memref<64xi32, #tpu.memory_space<vmem>>
      %dma_start3A_46 = arith.constant 0 : i32
      %dma_start3A_47 = arith.constant 0 : i32
      %dma_start3A_48 = tpu.memref_slice %arg2[%dma_start3A_46, %dma_start3A_47] : memref<10240x128xf32, #tpu.memory_space<hbm>> -> memref<10240x128xf32, #tpu.memory_space<hbm>>
      tpu.enqueue_indirect_dma source(%dma_start3A_48 : memref<10240x128xf32, #tpu.memory_space<hbm>>) target(%arg12 : memref<64x128xf32, #tpu.memory_space<vmem>>) offsets(%dma_start3A_45 : memref<64xi32, #tpu.memory_space<vmem>>) semaphore(%arg17 : memref<!tpu.dma_semaphore, #tpu.memory_space<semaphore_mem>>)
      %scan3A = arith.constant 0 : i32
      %scan3A_49 = arith.constant 0 : i32
      %scan3A_50 = arith.constant 8 : i32
      %scan3A_51 = arith.addi %scan3A_49, %scan3A_50 : i32
      %scan3A_52 = arith.constant 1 : i32
      scf.for %scan3A_81 = %scan3A_49 to %scan3A_51 step %scan3A_52  : i32 {
        %mul3A_82 = arith.constant 4 : i32
        %mul3A_83 = arith.muli %scan3A_81, %mul3A_82 : i32
        %add3A_84 = arith.constant 0 : i32
        %add3A_85 = arith.addi %mul3A_83, %add3A_84 : i32
        %ge3A = arith.constant 1 : i32
        %ge3A_86 = arith.cmpi sge, %add3A_85, %ge3A : i32
        %add3A_87 = arith.constant 4 : i32
        %add3A_88 = arith.addi %add3A_85, %add3A_87 : i32
        %sub3A = arith.constant 1 : i32
        %sub3A_89 = arith.subi %add3A_88, %sub3A : i32
        %lt3A = arith.constant 32 : i32
        %lt3A_90 = arith.cmpi slt, %sub3A_89, %lt3A : i32
        %and3A = arith.andi %ge3A_86, %lt3A_90 : i1
        %convert_element_type3A_91 = arith.extui %and3A : i1 to i32
        %cond3A_92 = arith.constant 0 : i32
        %cond3A_93 = arith.cmpi ne, %convert_element_type3A_91, %cond3A_92 : i32
        scf.if %cond3A_93 {
          %sub3A_190 = arith.constant 1 : i32
          %sub3A_191 = arith.subi %add3A_85, %sub3A_190 : i32
          %dma_wait3A_192 = arith.constant 0 : i32
          %dma_wait3A_193 = tpu.memref_slice %arg8[%sub3A_191, %dma_wait3A_192] : memref<32x64xi32, #tpu.memory_space<vmem>> -> memref<1x64xi32, #tpu.memory_space<vmem>>
          %dma_wait3A_194 = tpu.memref_squeeze %dma_wait3A_193 : memref<1x64xi32, #tpu.memory_space<vmem>> -> memref<64xi32, #tpu.memory_space<vmem>>
          %dma_wait3A_195 = arith.constant 0 : i32
          %dma_wait3A_196 = arith.constant 0 : i32
          %dma_wait3A_197 = tpu.memref_slice %arg13[%dma_wait3A_195, %dma_wait3A_196] : memref<10240x128xf32, #tpu.memory_space<vmem_shared>> -> memref<10240x128xf32, #tpu.memory_space<vmem_shared>>
          tpu.wait_indirect_dma semaphore(%arg21 : memref<!tpu.dma_semaphore, #tpu.memory_space<semaphore_mem>>) src(%arg12 : memref<64x128xf32, #tpu.memory_space<vmem>>) dst(%dma_wait3A_197 : memref<10240x128xf32, #tpu.memory_space<vmem_shared>>)
          %add3A_198 = arith.constant 4 : i32
          %add3A_199 = arith.addi %add3A_85, %add3A_198 : i32
          %sub3A_200 = arith.constant 1 : i32
          %sub3A_201 = arith.subi %add3A_199, %sub3A_200 : i32
          %dma_start3A_202 = arith.constant 0 : i32
          %dma_start3A_203 = tpu.memref_slice %arg7[%sub3A_201, %dma_start3A_202] : memref<32x64xi32, #tpu.memory_space<vmem>> -> memref<1x64xi32, #tpu.memory_space<vmem>>
          %dma_start3A_204 = tpu.memref_squeeze %dma_start3A_203 : memref<1x64xi32, #tpu.memory_space<vmem>> -> memref<64xi32, #tpu.memory_space<vmem>>
          %dma_start3A_205 = arith.constant 0 : i32
          %dma_start3A_206 = arith.constant 0 : i32
          %dma_start3A_207 = tpu.memref_slice %arg2[%dma_start3A_205, %dma_start3A_206] : memref<10240x128xf32, #tpu.memory_space<hbm>> -> memref<10240x128xf32, #tpu.memory_space<hbm>>
          tpu.enqueue_indirect_dma source(%dma_start3A_207 : memref<10240x128xf32, #tpu.memory_space<hbm>>) target(%arg12 : memref<64x128xf32, #tpu.memory_space<vmem>>) offsets(%dma_start3A_204 : memref<64xi32, #tpu.memory_space<vmem>>) semaphore(%arg17 : memref<!tpu.dma_semaphore, #tpu.memory_space<semaphore_mem>>)
        } else {
        }
        %dma_wait3A_94 = arith.constant 0 : i32
        %dma_wait3A_95 = tpu.memref_slice %arg7[%add3A_85, %dma_wait3A_94] : memref<32x64xi32, #tpu.memory_space<vmem>> -> memref<1x64xi32, #tpu.memory_space<vmem>>
        %dma_wait3A_96 = tpu.memref_squeeze %dma_wait3A_95 : memref<1x64xi32, #tpu.memory_space<vmem>> -> memref<64xi32, #tpu.memory_space<vmem>>
        %dma_wait3A_97 = arith.constant 0 : i32
        %dma_wait3A_98 = arith.constant 0 : i32
        %dma_wait3A_99 = tpu.memref_slice %arg2[%dma_wait3A_97, %dma_wait3A_98] : memref<10240x128xf32, #tpu.memory_space<hbm>> -> memref<10240x128xf32, #tpu.memory_space<hbm>>
        tpu.wait_indirect_dma semaphore(%arg14 : memref<!tpu.dma_semaphore, #tpu.memory_space<semaphore_mem>>) src(%dma_wait3A_99 : memref<10240x128xf32, #tpu.memory_space<hbm>>) dst(%arg9 : memref<64x128xf32, #tpu.memory_space<vmem>>)
        %dma_start3A_100 = arith.constant 0 : i32
        %dma_start3A_101 = tpu.memref_slice %arg8[%add3A_85, %dma_start3A_100] : memref<32x64xi32, #tpu.memory_space<vmem>> -> memref<1x64xi32, #tpu.memory_space<vmem>>
        %dma_start3A_102 = tpu.memref_squeeze %dma_start3A_101 : memref<1x64xi32, #tpu.memory_space<vmem>> -> memref<64xi32, #tpu.memory_space<vmem>>
        %dma_start3A_103 = arith.constant 0 : i32
        %dma_start3A_104 = arith.constant 0 : i32
        %dma_start3A_105 = tpu.memref_slice %arg13[%dma_start3A_103, %dma_start3A_104] : memref<10240x128xf32, #tpu.memory_space<vmem_shared>> -> memref<10240x128xf32, #tpu.memory_space<vmem_shared>>
        tpu.enqueue_indirect_dma source(%arg9 : memref<64x128xf32, #tpu.memory_space<vmem>>) target(%dma_start3A_105 : memref<10240x128xf32, #tpu.memory_space<vmem_shared>>) offsets(%dma_start3A_102 : memref<64xi32, #tpu.memory_space<vmem>>) semaphore(%arg18 : memref<!tpu.dma_semaphore, #tpu.memory_space<semaphore_mem>>) {add = true}
        %mul3A_106 = arith.constant 4 : i32
        %mul3A_107 = arith.muli %scan3A_81, %mul3A_106 : i32
        %add3A_108 = arith.constant 1 : i32
        %add3A_109 = arith.addi %mul3A_107, %add3A_108 : i32
        %ge3A_110 = arith.constant 1 : i32
        %ge3A_111 = arith.cmpi sge, %add3A_109, %ge3A_110 : i32
        %add3A_112 = arith.constant 4 : i32
        %add3A_113 = arith.addi %add3A_109, %add3A_112 : i32
        %sub3A_114 = arith.constant 1 : i32
        %sub3A_115 = arith.subi %add3A_113, %sub3A_114 : i32
        %lt3A_116 = arith.constant 32 : i32
        %lt3A_117 = arith.cmpi slt, %sub3A_115, %lt3A_116 : i32
        %and3A_118 = arith.andi %ge3A_111, %lt3A_117 : i1
        %convert_element_type3A_119 = arith.extui %and3A_118 : i1 to i32
        %cond3A_120 = arith.constant 0 : i32
        %cond3A_121 = arith.cmpi ne, %convert_element_type3A_119, %cond3A_120 : i32
        scf.if %cond3A_121 {
          %sub3A_190 = arith.constant 1 : i32
          %sub3A_191 = arith.subi %add3A_109, %sub3A_190 : i32
          %dma_wait3A_192 = arith.constant 0 : i32
          %dma_wait3A_193 = tpu.memref_slice %arg8[%sub3A_191, %dma_wait3A_192] : memref<32x64xi32, #tpu.memory_space<vmem>> -> memref<1x64xi32, #tpu.memory_space<vmem>>
          %dma_wait3A_194 = tpu.memref_squeeze %dma_wait3A_193 : memref<1x64xi32, #tpu.memory_space<vmem>> -> memref<64xi32, #tpu.memory_space<vmem>>
          %dma_wait3A_195 = arith.constant 0 : i32
          %dma_wait3A_196 = arith.constant 0 : i32
          %dma_wait3A_197 = tpu.memref_slice %arg13[%dma_wait3A_195, %dma_wait3A_196] : memref<10240x128xf32, #tpu.memory_space<vmem_shared>> -> memref<10240x128xf32, #tpu.memory_space<vmem_shared>>
          tpu.wait_indirect_dma semaphore(%arg18 : memref<!tpu.dma_semaphore, #tpu.memory_space<semaphore_mem>>) src(%arg9 : memref<64x128xf32, #tpu.memory_space<vmem>>) dst(%dma_wait3A_197 : memref<10240x128xf32, #tpu.memory_space<vmem_shared>>)
          %add3A_198 = arith.constant 4 : i32
          %add3A_199 = arith.addi %add3A_109, %add3A_198 : i32
          %sub3A_200 = arith.constant 1 : i32
          %sub3A_201 = arith.subi %add3A_199, %sub3A_200 : i32
          %dma_start3A_202 = arith.constant 0 : i32
          %dma_start3A_203 = tpu.memref_slice %arg7[%sub3A_201, %dma_start3A_202] : memref<32x64xi32, #tpu.memory_space<vmem>> -> memref<1x64xi32, #tpu.memory_space<vmem>>
          %dma_start3A_204 = tpu.memref_squeeze %dma_start3A_203 : memref<1x64xi32, #tpu.memory_space<vmem>> -> memref<64xi32, #tpu.memory_space<vmem>>
          %dma_start3A_205 = arith.constant 0 : i32
          %dma_start3A_206 = arith.constant 0 : i32
          %dma_start3A_207 = tpu.memref_slice %arg2[%dma_start3A_205, %dma_start3A_206] : memref<10240x128xf32, #tpu.memory_space<hbm>> -> memref<10240x128xf32, #tpu.memory_space<hbm>>
          tpu.enqueue_indirect_dma source(%dma_start3A_207 : memref<10240x128xf32, #tpu.memory_space<hbm>>) target(%arg9 : memref<64x128xf32, #tpu.memory_space<vmem>>) offsets(%dma_start3A_204 : memref<64xi32, #tpu.memory_space<vmem>>) semaphore(%arg14 : memref<!tpu.dma_semaphore, #tpu.memory_space<semaphore_mem>>)
        } else {
        }
        %dma_wait3A_122 = arith.constant 0 : i32
        %dma_wait3A_123 = tpu.memref_slice %arg7[%add3A_109, %dma_wait3A_122] : memref<32x64xi32, #tpu.memory_space<vmem>> -> memref<1x64xi32, #tpu.memory_space<vmem>>
        %dma_wait3A_124 = tpu.memref_squeeze %dma_wait3A_123 : memref<1x64xi32, #tpu.memory_space<vmem>> -> memref<64xi32, #tpu.memory_space<vmem>>
        %dma_wait3A_125 = arith.constant 0 : i32
        %dma_wait3A_126 = arith.constant 0 : i32
        %dma_wait3A_127 = tpu.memref_slice %arg2[%dma_wait3A_125, %dma_wait3A_126] : memref<10240x128xf32, #tpu.memory_space<hbm>> -> memref<10240x128xf32, #tpu.memory_space<hbm>>
        tpu.wait_indirect_dma semaphore(%arg15 : memref<!tpu.dma_semaphore, #tpu.memory_space<semaphore_mem>>) src(%dma_wait3A_127 : memref<10240x128xf32, #tpu.memory_space<hbm>>) dst(%arg10 : memref<64x128xf32, #tpu.memory_space<vmem>>)
        %dma_start3A_128 = arith.constant 0 : i32
        %dma_start3A_129 = tpu.memref_slice %arg8[%add3A_109, %dma_start3A_128] : memref<32x64xi32, #tpu.memory_space<vmem>> -> memref<1x64xi32, #tpu.memory_space<vmem>>
        %dma_start3A_130 = tpu.memref_squeeze %dma_start3A_129 : memref<1x64xi32, #tpu.memory_space<vmem>> -> memref<64xi32, #tpu.memory_space<vmem>>
        %dma_start3A_131 = arith.constant 0 : i32
        %dma_start3A_132 = arith.constant 0 : i32
        %dma_start3A_133 = tpu.memref_slice %arg13[%dma_start3A_131, %dma_start3A_132] : memref<10240x128xf32, #tpu.memory_space<vmem_shared>> -> memref<10240x128xf32, #tpu.memory_space<vmem_shared>>
        tpu.enqueue_indirect_dma source(%arg10 : memref<64x128xf32, #tpu.memory_space<vmem>>) target(%dma_start3A_133 : memref<10240x128xf32, #tpu.memory_space<vmem_shared>>) offsets(%dma_start3A_130 : memref<64xi32, #tpu.memory_space<vmem>>) semaphore(%arg19 : memref<!tpu.dma_semaphore, #tpu.memory_space<semaphore_mem>>) {add = true}
        %mul3A_134 = arith.constant 4 : i32
        %mul3A_135 = arith.muli %scan3A_81, %mul3A_134 : i32
        %add3A_136 = arith.constant 2 : i32
        %add3A_137 = arith.addi %mul3A_135, %add3A_136 : i32
        %ge3A_138 = arith.constant 1 : i32
        %ge3A_139 = arith.cmpi sge, %add3A_137, %ge3A_138 : i32
        %add3A_140 = arith.constant 4 : i32
        %add3A_141 = arith.addi %add3A_137, %add3A_140 : i32
        %sub3A_142 = arith.constant 1 : i32
        %sub3A_143 = arith.subi %add3A_141, %sub3A_142 : i32
        %lt3A_144 = arith.constant 32 : i32
        %lt3A_145 = arith.cmpi slt, %sub3A_143, %lt3A_144 : i32
        %and3A_146 = arith.andi %ge3A_139, %lt3A_145 : i1
        %convert_element_type3A_147 = arith.extui %and3A_146 : i1 to i32
        %cond3A_148 = arith.constant 0 : i32
        %cond3A_149 = arith.cmpi ne, %convert_element_type3A_147, %cond3A_148 : i32
        scf.if %cond3A_149 {
          %sub3A_190 = arith.constant 1 : i32
          %sub3A_191 = arith.subi %add3A_137, %sub3A_190 : i32
          %dma_wait3A_192 = arith.constant 0 : i32
          %dma_wait3A_193 = tpu.memref_slice %arg8[%sub3A_191, %dma_wait3A_192] : memref<32x64xi32, #tpu.memory_space<vmem>> -> memref<1x64xi32, #tpu.memory_space<vmem>>
          %dma_wait3A_194 = tpu.memref_squeeze %dma_wait3A_193 : memref<1x64xi32, #tpu.memory_space<vmem>> -> memref<64xi32, #tpu.memory_space<vmem>>
          %dma_wait3A_195 = arith.constant 0 : i32
          %dma_wait3A_196 = arith.constant 0 : i32
          %dma_wait3A_197 = tpu.memref_slice %arg13[%dma_wait3A_195, %dma_wait3A_196] : memref<10240x128xf32, #tpu.memory_space<vmem_shared>> -> memref<10240x128xf32, #tpu.memory_space<vmem_shared>>
          tpu.wait_indirect_dma semaphore(%arg19 : memref<!tpu.dma_semaphore, #tpu.memory_space<semaphore_mem>>) src(%arg10 : memref<64x128xf32, #tpu.memory_space<vmem>>) dst(%dma_wait3A_197 : memref<10240x128xf32, #tpu.memory_space<vmem_shared>>)
          %add3A_198 = arith.constant 4 : i32
          %add3A_199 = arith.addi %add3A_137, %add3A_198 : i32
          %sub3A_200 = arith.constant 1 : i32
          %sub3A_201 = arith.subi %add3A_199, %sub3A_200 : i32
          %dma_start3A_202 = arith.constant 0 : i32
          %dma_start3A_203 = tpu.memref_slice %arg7[%sub3A_201, %dma_start3A_202] : memref<32x64xi32, #tpu.memory_space<vmem>> -> memref<1x64xi32, #tpu.memory_space<vmem>>
          %dma_start3A_204 = tpu.memref_squeeze %dma_start3A_203 : memref<1x64xi32, #tpu.memory_space<vmem>> -> memref<64xi32, #tpu.memory_space<vmem>>
          %dma_start3A_205 = arith.constant 0 : i32
          %dma_start3A_206 = arith.constant 0 : i32
          %dma_start3A_207 = tpu.memref_slice %arg2[%dma_start3A_205, %dma_start3A_206] : memref<10240x128xf32, #tpu.memory_space<hbm>> -> memref<10240x128xf32, #tpu.memory_space<hbm>>
          tpu.enqueue_indirect_dma source(%dma_start3A_207 : memref<10240x128xf32, #tpu.memory_space<hbm>>) target(%arg10 : memref<64x128xf32, #tpu.memory_space<vmem>>) offsets(%dma_start3A_204 : memref<64xi32, #tpu.memory_space<vmem>>) semaphore(%arg15 : memref<!tpu.dma_semaphore, #tpu.memory_space<semaphore_mem>>)
        } else {
        }
        %dma_wait3A_150 = arith.constant 0 : i32
        %dma_wait3A_151 = tpu.memref_slice %arg7[%add3A_137, %dma_wait3A_150] : memref<32x64xi32, #tpu.memory_space<vmem>> -> memref<1x64xi32, #tpu.memory_space<vmem>>
        %dma_wait3A_152 = tpu.memref_squeeze %dma_wait3A_151 : memref<1x64xi32, #tpu.memory_space<vmem>> -> memref<64xi32, #tpu.memory_space<vmem>>
        %dma_wait3A_153 = arith.constant 0 : i32
        %dma_wait3A_154 = arith.constant 0 : i32
        %dma_wait3A_155 = tpu.memref_slice %arg2[%dma_wait3A_153, %dma_wait3A_154] : memref<10240x128xf32, #tpu.memory_space<hbm>> -> memref<10240x128xf32, #tpu.memory_space<hbm>>
        tpu.wait_indirect_dma semaphore(%arg16 : memref<!tpu.dma_semaphore, #tpu.memory_space<semaphore_mem>>) src(%dma_wait3A_155 : memref<10240x128xf32, #tpu.memory_space<hbm>>) dst(%arg11 : memref<64x128xf32, #tpu.memory_space<vmem>>)
        %dma_start3A_156 = arith.constant 0 : i32
        %dma_start3A_157 = tpu.memref_slice %arg8[%add3A_137, %dma_start3A_156] : memref<32x64xi32, #tpu.memory_space<vmem>> -> memref<1x64xi32, #tpu.memory_space<vmem>>
        %dma_start3A_158 = tpu.memref_squeeze %dma_start3A_157 : memref<1x64xi32, #tpu.memory_space<vmem>> -> memref<64xi32, #tpu.memory_space<vmem>>
        %dma_start3A_159 = arith.constant 0 : i32
        %dma_start3A_160 = arith.constant 0 : i32
        %dma_start3A_161 = tpu.memref_slice %arg13[%dma_start3A_159, %dma_start3A_160] : memref<10240x128xf32, #tpu.memory_space<vmem_shared>> -> memref<10240x128xf32, #tpu.memory_space<vmem_shared>>
        tpu.enqueue_indirect_dma source(%arg11 : memref<64x128xf32, #tpu.memory_space<vmem>>) target(%dma_start3A_161 : memref<10240x128xf32, #tpu.memory_space<vmem_shared>>) offsets(%dma_start3A_158 : memref<64xi32, #tpu.memory_space<vmem>>) semaphore(%arg20 : memref<!tpu.dma_semaphore, #tpu.memory_space<semaphore_mem>>) {add = true}
        %mul3A_162 = arith.constant 4 : i32
        %mul3A_163 = arith.muli %scan3A_81, %mul3A_162 : i32
        %add3A_164 = arith.constant 3 : i32
        %add3A_165 = arith.addi %mul3A_163, %add3A_164 : i32
        %ge3A_166 = arith.constant 1 : i32
        %ge3A_167 = arith.cmpi sge, %add3A_165, %ge3A_166 : i32
        %add3A_168 = arith.constant 4 : i32
        %add3A_169 = arith.addi %add3A_165, %add3A_168 : i32
        %sub3A_170 = arith.constant 1 : i32
        %sub3A_171 = arith.subi %add3A_169, %sub3A_170 : i32
        %lt3A_172 = arith.constant 32 : i32
        %lt3A_173 = arith.cmpi slt, %sub3A_171, %lt3A_172 : i32
        %and3A_174 = arith.andi %ge3A_167, %lt3A_173 : i1
        %convert_element_type3A_175 = arith.extui %and3A_174 : i1 to i32
        %cond3A_176 = arith.constant 0 : i32
        %cond3A_177 = arith.cmpi ne, %convert_element_type3A_175, %cond3A_176 : i32
        scf.if %cond3A_177 {
          %sub3A_190 = arith.constant 1 : i32
          %sub3A_191 = arith.subi %add3A_165, %sub3A_190 : i32
          %dma_wait3A_192 = arith.constant 0 : i32
          %dma_wait3A_193 = tpu.memref_slice %arg8[%sub3A_191, %dma_wait3A_192] : memref<32x64xi32, #tpu.memory_space<vmem>> -> memref<1x64xi32, #tpu.memory_space<vmem>>
          %dma_wait3A_194 = tpu.memref_squeeze %dma_wait3A_193 : memref<1x64xi32, #tpu.memory_space<vmem>> -> memref<64xi32, #tpu.memory_space<vmem>>
          %dma_wait3A_195 = arith.constant 0 : i32
          %dma_wait3A_196 = arith.constant 0 : i32
          %dma_wait3A_197 = tpu.memref_slice %arg13[%dma_wait3A_195, %dma_wait3A_196] : memref<10240x128xf32, #tpu.memory_space<vmem_shared>> -> memref<10240x128xf32, #tpu.memory_space<vmem_shared>>
          tpu.wait_indirect_dma semaphore(%arg20 : memref<!tpu.dma_semaphore, #tpu.memory_space<semaphore_mem>>) src(%arg11 : memref<64x128xf32, #tpu.memory_space<vmem>>) dst(%dma_wait3A_197 : memref<10240x128xf32, #tpu.memory_space<vmem_shared>>)
          %add3A_198 = arith.constant 4 : i32
          %add3A_199 = arith.addi %add3A_165, %add3A_198 : i32
          %sub3A_200 = arith.constant 1 : i32
          %sub3A_201 = arith.subi %add3A_199, %sub3A_200 : i32
          %dma_start3A_202 = arith.constant 0 : i32
          %dma_start3A_203 = tpu.memref_slice %arg7[%sub3A_201, %dma_start3A_202] : memref<32x64xi32, #tpu.memory_space<vmem>> -> memref<1x64xi32, #tpu.memory_space<vmem>>
          %dma_start3A_204 = tpu.memref_squeeze %dma_start3A_203 : memref<1x64xi32, #tpu.memory_space<vmem>> -> memref<64xi32, #tpu.memory_space<vmem>>
          %dma_start3A_205 = arith.constant 0 : i32
          %dma_start3A_206 = arith.constant 0 : i32
          %dma_start3A_207 = tpu.memref_slice %arg2[%dma_start3A_205, %dma_start3A_206] : memref<10240x128xf32, #tpu.memory_space<hbm>> -> memref<10240x128xf32, #tpu.memory_space<hbm>>
          tpu.enqueue_indirect_dma source(%dma_start3A_207 : memref<10240x128xf32, #tpu.memory_space<hbm>>) target(%arg11 : memref<64x128xf32, #tpu.memory_space<vmem>>) offsets(%dma_start3A_204 : memref<64xi32, #tpu.memory_space<vmem>>) semaphore(%arg16 : memref<!tpu.dma_semaphore, #tpu.memory_space<semaphore_mem>>)
        } else {
        }
        %dma_wait3A_178 = arith.constant 0 : i32
        %dma_wait3A_179 = tpu.memref_slice %arg7[%add3A_165, %dma_wait3A_178] : memref<32x64xi32, #tpu.memory_space<vmem>> -> memref<1x64xi32, #tpu.memory_space<vmem>>
        %dma_wait3A_180 = tpu.memref_squeeze %dma_wait3A_179 : memref<1x64xi32, #tpu.memory_space<vmem>> -> memref<64xi32, #tpu.memory_space<vmem>>
        %dma_wait3A_181 = arith.constant 0 : i32
        %dma_wait3A_182 = arith.constant 0 : i32
        %dma_wait3A_183 = tpu.memref_slice %arg2[%dma_wait3A_181, %dma_wait3A_182] : memref<10240x128xf32, #tpu.memory_space<hbm>> -> memref<10240x128xf32, #tpu.memory_space<hbm>>
        tpu.wait_indirect_dma semaphore(%arg17 : memref<!tpu.dma_semaphore, #tpu.memory_space<semaphore_mem>>) src(%dma_wait3A_183 : memref<10240x128xf32, #tpu.memory_space<hbm>>) dst(%arg12 : memref<64x128xf32, #tpu.memory_space<vmem>>)
        %dma_start3A_184 = arith.constant 0 : i32
        %dma_start3A_185 = tpu.memref_slice %arg8[%add3A_165, %dma_start3A_184] : memref<32x64xi32, #tpu.memory_space<vmem>> -> memref<1x64xi32, #tpu.memory_space<vmem>>
        %dma_start3A_186 = tpu.memref_squeeze %dma_start3A_185 : memref<1x64xi32, #tpu.memory_space<vmem>> -> memref<64xi32, #tpu.memory_space<vmem>>
        %dma_start3A_187 = arith.constant 0 : i32
        %dma_start3A_188 = arith.constant 0 : i32
        %dma_start3A_189 = tpu.memref_slice %arg13[%dma_start3A_187, %dma_start3A_188] : memref<10240x128xf32, #tpu.memory_space<vmem_shared>> -> memref<10240x128xf32, #tpu.memory_space<vmem_shared>>
        tpu.enqueue_indirect_dma source(%arg12 : memref<64x128xf32, #tpu.memory_space<vmem>>) target(%dma_start3A_189 : memref<10240x128xf32, #tpu.memory_space<vmem_shared>>) offsets(%dma_start3A_186 : memref<64xi32, #tpu.memory_space<vmem>>) semaphore(%arg21 : memref<!tpu.dma_semaphore, #tpu.memory_space<semaphore_mem>>) {add = true}
      }
      %scan3A_53 = arith.constant 8 : i32
      %dma_wait3A = arith.constant 0 : i32
      %dma_wait3A_54 = arith.constant 0 : i32
      %dma_wait3A_55 = tpu.memref_slice %arg8[%dma_wait3A, %dma_wait3A_54] : memref<32x64xi32, #tpu.memory_space<vmem>> -> memref<1x64xi32, #tpu.memory_space<vmem>>
      %dma_wait3A_56 = tpu.memref_squeeze %dma_wait3A_55 : memref<1x64xi32, #tpu.memory_space<vmem>> -> memref<64xi32, #tpu.memory_space<vmem>>
      %dma_wait3A_57 = arith.constant 0 : i32
      %dma_wait3A_58 = arith.constant 0 : i32
      %dma_wait3A_59 = tpu.memref_slice %arg13[%dma_wait3A_57, %dma_wait3A_58] : memref<10240x128xf32, #tpu.memory_space<vmem_shared>> -> memref<10240x128xf32, #tpu.memory_space<vmem_shared>>
      tpu.wait_indirect_dma semaphore(%arg18 : memref<!tpu.dma_semaphore, #tpu.memory_space<semaphore_mem>>) src(%arg9 : memref<64x128xf32, #tpu.memory_space<vmem>>) dst(%dma_wait3A_59 : memref<10240x128xf32, #tpu.memory_space<vmem_shared>>)
      %dma_wait3A_60 = arith.constant 1 : i32
      %dma_wait3A_61 = arith.constant 0 : i32
      %dma_wait3A_62 = tpu.memref_slice %arg8[%dma_wait3A_60, %dma_wait3A_61] : memref<32x64xi32, #tpu.memory_space<vmem>> -> memref<1x64xi32, #tpu.memory_space<vmem>>
      %dma_wait3A_63 = tpu.memref_squeeze %dma_wait3A_62 : memref<1x64xi32, #tpu.memory_space<vmem>> -> memref<64xi32, #tpu.memory_space<vmem>>
      %dma_wait3A_64 = arith.constant 0 : i32
      %dma_wait3A_65 = arith.constant 0 : i32
      %dma_wait3A_66 = tpu.memref_slice %arg13[%dma_wait3A_64, %dma_wait3A_65] : memref<10240x128xf32, #tpu.memory_space<vmem_shared>> -> memref<10240x128xf32, #tpu.memory_space<vmem_shared>>
      tpu.wait_indirect_dma semaphore(%arg19 : memref<!tpu.dma_semaphore, #tpu.memory_space<semaphore_mem>>) src(%arg10 : memref<64x128xf32, #tpu.memory_space<vmem>>) dst(%dma_wait3A_66 : memref<10240x128xf32, #tpu.memory_space<vmem_shared>>)
      %dma_wait3A_67 = arith.constant 2 : i32
      %dma_wait3A_68 = arith.constant 0 : i32
      %dma_wait3A_69 = tpu.memref_slice %arg8[%dma_wait3A_67, %dma_wait3A_68] : memref<32x64xi32, #tpu.memory_space<vmem>> -> memref<1x64xi32, #tpu.memory_space<vmem>>
      %dma_wait3A_70 = tpu.memref_squeeze %dma_wait3A_69 : memref<1x64xi32, #tpu.memory_space<vmem>> -> memref<64xi32, #tpu.memory_space<vmem>>
      %dma_wait3A_71 = arith.constant 0 : i32
      %dma_wait3A_72 = arith.constant 0 : i32
      %dma_wait3A_73 = tpu.memref_slice %arg13[%dma_wait3A_71, %dma_wait3A_72] : memref<10240x128xf32, #tpu.memory_space<vmem_shared>> -> memref<10240x128xf32, #tpu.memory_space<vmem_shared>>
      tpu.wait_indirect_dma semaphore(%arg20 : memref<!tpu.dma_semaphore, #tpu.memory_space<semaphore_mem>>) src(%arg11 : memref<64x128xf32, #tpu.memory_space<vmem>>) dst(%dma_wait3A_73 : memref<10240x128xf32, #tpu.memory_space<vmem_shared>>)
      %dma_wait3A_74 = arith.constant 3 : i32
      %dma_wait3A_75 = arith.constant 0 : i32
      %dma_wait3A_76 = tpu.memref_slice %arg8[%dma_wait3A_74, %dma_wait3A_75] : memref<32x64xi32, #tpu.memory_space<vmem>> -> memref<1x64xi32, #tpu.memory_space<vmem>>
      %dma_wait3A_77 = tpu.memref_squeeze %dma_wait3A_76 : memref<1x64xi32, #tpu.memory_space<vmem>> -> memref<64xi32, #tpu.memory_space<vmem>>
      %dma_wait3A_78 = arith.constant 0 : i32
      %dma_wait3A_79 = arith.constant 0 : i32
      %dma_wait3A_80 = tpu.memref_slice %arg13[%dma_wait3A_78, %dma_wait3A_79] : memref<10240x128xf32, #tpu.memory_space<vmem_shared>> -> memref<10240x128xf32, #tpu.memory_space<vmem_shared>>
      tpu.wait_indirect_dma semaphore(%arg21 : memref<!tpu.dma_semaphore, #tpu.memory_space<semaphore_mem>>) src(%arg12 : memref<64x128xf32, #tpu.memory_space<vmem>>) dst(%dma_wait3A_80 : memref<10240x128xf32, #tpu.memory_space<vmem_shared>>)
    }
    %barrier3A_15 = arith.constant 0 : index
    tpu.barrier barrier_id(%barrier3A_15)
    %eq3A_16 = arith.constant 0 : i32
    %eq3A_17 = arith.cmpi eq, %arg0, %eq3A_16 : i32
    %convert_element_type3A = arith.extui %eq3A_17 : i1 to i32
    %cond3A = arith.constant 0 : i32
    %cond3A_18 = arith.cmpi ne, %convert_element_type3A, %cond3A : i32
    scf.if %cond3A_18 {
      "tpu.region"() ({
        %run_scoped3A = tpu.sem_alloc : memref<!tpu.dma_semaphore, #tpu.memory_space<semaphore_mem>>
        %dma_start3A = arith.constant 0 : i32
        %dma_start3A_19 = tpu.memref_slice %arg6[%mul3A_0, %dma_start3A] : memref<10240x128xf32, #tpu.memory_space<hbm>> -> memref<640x128xf32, #tpu.memory_space<hbm>>
        %dma_start3A_20 = arith.constant 0 : i32
        %dma_start3A_21 = tpu.memref_slice %arg13[%mul3A_0, %dma_start3A_20] : memref<10240x128xf32, #tpu.memory_space<vmem_shared>> -> memref<640x128xf32, #tpu.memory_space<vmem_shared>>
        tpu.enqueue_dma source(%dma_start3A_21 : memref<640x128xf32, #tpu.memory_space<vmem_shared>>) target(%dma_start3A_19 : memref<640x128xf32, #tpu.memory_space<hbm>>) target_semaphore(%run_scoped3A : memref<!tpu.dma_semaphore, #tpu.memory_space<semaphore_mem>>)
        %dma_wait3A = arith.constant 0 : i32
        %dma_wait3A_22 = tpu.memref_slice %arg6[%mul3A_0, %dma_wait3A] : memref<10240x128xf32, #tpu.memory_space<hbm>> -> memref<640x128xf32, #tpu.memory_space<hbm>>
        %dma_wait3A_23 = arith.constant 0 : i32
        %dma_wait3A_24 = tpu.memref_slice %arg13[%mul3A_0, %dma_wait3A_23] : memref<10240x128xf32, #tpu.memory_space<vmem_shared>> -> memref<640x128xf32, #tpu.memory_space<vmem_shared>>
        tpu.wait_dma2 semaphore(%run_scoped3A : memref<!tpu.dma_semaphore, #tpu.memory_space<semaphore_mem>>) src(%dma_wait3A_24 : memref<640x128xf32, #tpu.memory_space<vmem_shared>>) dst(%dma_wait3A_22 : memref<640x128xf32, #tpu.memory_space<hbm>>)
        tpu.yield
      }) : () -> ()
    } else {
    }
    return
  }
}

#map = affine_map<(d0, d1) -> (0, 0)>
module attributes {stable_mosaic.version = 14 : i64} {
  func.func @sage_sc_agg(%arg0: i32, %arg1: i32, %arg2: memref<10240x128xf32, #tpu.memory_space<hbm>>, %arg3: memref<5120x64xi32, #tpu.memory_space<hbm>>, %arg4: memref<5120x64xi32, #tpu.memory_space<hbm>>, %arg5: memref<10240x128xf32, #tpu.memory_space<hbm>>, %arg6: memref<10240x128xf32, #tpu.memory_space<hbm>>, %arg7: memref<32x64xi32, #tpu.memory_space<vmem>>, %arg8: memref<32x64xi32, #tpu.memory_space<vmem>>, %arg9: memref<64x128xf32, #tpu.memory_space<vmem>>, %arg10: memref<64x128xf32, #tpu.memory_space<vmem>>, %arg11: memref<64x128xf32, #tpu.memory_space<vmem>>, %arg12: memref<64x128xf32, #tpu.memory_space<vmem>>, %arg13: memref<10240x128xf32, #tpu.memory_space<vmem_shared>>, %arg14: memref<!tpu.dma_semaphore, #tpu.memory_space<semaphore_mem>>, %arg15: memref<!tpu.dma_semaphore, #tpu.memory_space<semaphore_mem>>, %arg16: memref<!tpu.dma_semaphore, #tpu.memory_space<semaphore_mem>>, %arg17: memref<!tpu.dma_semaphore, #tpu.memory_space<semaphore_mem>>, %arg18: memref<!tpu.dma_semaphore, #tpu.memory_space<semaphore_mem>>, %arg19: memref<!tpu.dma_semaphore, #tpu.memory_space<semaphore_mem>>, %arg20: memref<!tpu.dma_semaphore, #tpu.memory_space<semaphore_mem>>, %arg21: memref<!tpu.dma_semaphore, #tpu.memory_space<semaphore_mem>>) attributes {dimension_semantics = [#tpu.dimension_semantics<core_parallel>, #tpu.dimension_semantics<subcore_parallel>], iteration_bounds = array<i64: 2, 16>, scalar_prefetch = 0 : i64, scratch_operands = 15 : i64, tpu.core_type = #tpu.core_type<sc_vector_subcore>, window_params = [{transform_indices = #map}, {transform_indices = #map}, {transform_indices = #map}, {transform_indices = #map}, {transform_indices = #map}]} {
    %mul3A = arith.constant 640 : i32
    %mul3A_0 = arith.muli %arg1, %mul3A : i32
    %mul3A_1 = arith.constant 320 : i32
    %mul3A_2 = arith.muli %arg1, %mul3A_1 : i32
    "tpu.region"() ({
      %run_scoped3A = tpu.sem_alloc : memref<!tpu.dma_semaphore, #tpu.memory_space<semaphore_mem>>
      %dma_start3A = arith.constant 0 : i32
      %dma_start3A_19 = tpu.memref_slice %arg13[%mul3A_0, %dma_start3A] : memref<10240x128xf32, #tpu.memory_space<vmem_shared>> -> memref<640x128xf32, #tpu.memory_space<vmem_shared>>
      %dma_start3A_20 = arith.constant 0 : i32
      %dma_start3A_21 = tpu.memref_slice %arg5[%mul3A_0, %dma_start3A_20] : memref<10240x128xf32, #tpu.memory_space<hbm>> -> memref<640x128xf32, #tpu.memory_space<hbm>>
      tpu.enqueue_dma source(%dma_start3A_21 : memref<640x128xf32, #tpu.memory_space<hbm>>) target(%dma_start3A_19 : memref<640x128xf32, #tpu.memory_space<vmem_shared>>) target_semaphore(%run_scoped3A : memref<!tpu.dma_semaphore, #tpu.memory_space<semaphore_mem>>)
      %dma_wait3A = arith.constant 0 : i32
      %dma_wait3A_22 = tpu.memref_slice %arg13[%mul3A_0, %dma_wait3A] : memref<10240x128xf32, #tpu.memory_space<vmem_shared>> -> memref<640x128xf32, #tpu.memory_space<vmem_shared>>
      %dma_wait3A_23 = arith.constant 0 : i32
      %dma_wait3A_24 = tpu.memref_slice %arg5[%mul3A_0, %dma_wait3A_23] : memref<10240x128xf32, #tpu.memory_space<hbm>> -> memref<640x128xf32, #tpu.memory_space<hbm>>
      tpu.wait_dma2 semaphore(%run_scoped3A : memref<!tpu.dma_semaphore, #tpu.memory_space<semaphore_mem>>) src(%dma_wait3A_24 : memref<640x128xf32, #tpu.memory_space<hbm>>) dst(%dma_wait3A_22 : memref<640x128xf32, #tpu.memory_space<vmem_shared>>)
      tpu.yield
    }) : () -> ()
    %barrier3A = arith.constant 0 : index
    tpu.barrier barrier_id(%barrier3A)
    %eq3A = arith.constant 0 : i32
    %eq3A_3 = arith.cmpi eq, %arg0, %eq3A : i32
    %select_n3A = arith.constant 0 : i32
    %select_n3A_4 = arith.constant 10 : i32
    %select_n3A_5 = arith.select %eq3A_3, %select_n3A_4, %select_n3A : i32
    %while3A = arith.constant 0 : i32
    %while3A_6 = arith.constant 0 : i32
    %while3A_7 = arith.subi %select_n3A_5, %while3A_6 : i32
    %while3A_8 = arith.addi %while3A_6, %while3A_7 : i32
    %while3A_9 = arith.constant 1 : i32
    %while3A_10 = arith.divsi %while3A_7, %while3A_9 : i32
    %while3A_11 = arith.muli %while3A_10, %while3A_9 : i32
    %while3A_12 = arith.addi %while3A_6, %while3A_11 : i32
    %while3A_13 = arith.constant 1 : i32
    scf.for %while3A_19 = %while3A_6 to %while3A_12 step %while3A_13  : i32 {
      %mul3A_20 = arith.constant 32 : i32
      %mul3A_21 = arith.muli %while3A_19, %mul3A_20 : i32
      %add3A = arith.addi %mul3A_2, %mul3A_21 : i32
      "tpu.region"() ({
        %run_scoped3A = tpu.sem_alloc : memref<!tpu.dma_semaphore, #tpu.memory_space<semaphore_mem>>
        %dma_start3A_81 = arith.constant 0 : i32
        %dma_start3A_82 = tpu.memref_slice %arg3[%add3A, %dma_start3A_81] : memref<5120x64xi32, #tpu.memory_space<hbm>> -> memref<32x64xi32, #tpu.memory_space<hbm>>
        %dma_start3A_83 = arith.constant 0 : i32
        %dma_start3A_84 = tpu.memref_slice %arg3[%add3A, %dma_start3A_83] : memref<5120x64xi32, #tpu.memory_space<hbm>> -> memref<32x64xi32, #tpu.memory_space<hbm>>
        tpu.enqueue_dma source(%dma_start3A_84 : memref<32x64xi32, #tpu.memory_space<hbm>>) target(%arg7 : memref<32x64xi32, #tpu.memory_space<vmem>>) target_semaphore(%run_scoped3A : memref<!tpu.dma_semaphore, #tpu.memory_space<semaphore_mem>>)
        %dma_wait3A_85 = arith.constant 0 : i32
        %dma_wait3A_86 = tpu.memref_slice %arg3[%add3A, %dma_wait3A_85] : memref<5120x64xi32, #tpu.memory_space<hbm>> -> memref<32x64xi32, #tpu.memory_space<hbm>>
        %dma_wait3A_87 = arith.constant 0 : i32
        %dma_wait3A_88 = tpu.memref_slice %arg3[%add3A, %dma_wait3A_87] : memref<5120x64xi32, #tpu.memory_space<hbm>> -> memref<32x64xi32, #tpu.memory_space<hbm>>
        tpu.wait_dma2 semaphore(%run_scoped3A : memref<!tpu.dma_semaphore, #tpu.memory_space<semaphore_mem>>) src(%dma_wait3A_88 : memref<32x64xi32, #tpu.memory_space<hbm>>) dst(%arg7 : memref<32x64xi32, #tpu.memory_space<vmem>>)
        tpu.yield
      }) : () -> ()
      "tpu.region"() ({
        %run_scoped3A = tpu.sem_alloc : memref<!tpu.dma_semaphore, #tpu.memory_space<semaphore_mem>>
        %dma_start3A_81 = arith.constant 0 : i32
        %dma_start3A_82 = tpu.memref_slice %arg4[%add3A, %dma_start3A_81] : memref<5120x64xi32, #tpu.memory_space<hbm>> -> memref<32x64xi32, #tpu.memory_space<hbm>>
        %dma_start3A_83 = arith.constant 0 : i32
        %dma_start3A_84 = tpu.memref_slice %arg4[%add3A, %dma_start3A_83] : memref<5120x64xi32, #tpu.memory_space<hbm>> -> memref<32x64xi32, #tpu.memory_space<hbm>>
        tpu.enqueue_dma source(%dma_start3A_84 : memref<32x64xi32, #tpu.memory_space<hbm>>) target(%arg8 : memref<32x64xi32, #tpu.memory_space<vmem>>) target_semaphore(%run_scoped3A : memref<!tpu.dma_semaphore, #tpu.memory_space<semaphore_mem>>)
        %dma_wait3A_85 = arith.constant 0 : i32
        %dma_wait3A_86 = tpu.memref_slice %arg4[%add3A, %dma_wait3A_85] : memref<5120x64xi32, #tpu.memory_space<hbm>> -> memref<32x64xi32, #tpu.memory_space<hbm>>
        %dma_wait3A_87 = arith.constant 0 : i32
        %dma_wait3A_88 = tpu.memref_slice %arg4[%add3A, %dma_wait3A_87] : memref<5120x64xi32, #tpu.memory_space<hbm>> -> memref<32x64xi32, #tpu.memory_space<hbm>>
        tpu.wait_dma2 semaphore(%run_scoped3A : memref<!tpu.dma_semaphore, #tpu.memory_space<semaphore_mem>>) src(%dma_wait3A_88 : memref<32x64xi32, #tpu.memory_space<hbm>>) dst(%arg8 : memref<32x64xi32, #tpu.memory_space<vmem>>)
        tpu.yield
      }) : () -> ()
      %dma_start3A = arith.constant 0 : i32
      %dma_start3A_22 = arith.constant 0 : i32
      %dma_start3A_23 = tpu.memref_slice %arg7[%dma_start3A, %dma_start3A_22] : memref<32x64xi32, #tpu.memory_space<vmem>> -> memref<1x64xi32, #tpu.memory_space<vmem>>
      %dma_start3A_24 = tpu.memref_squeeze %dma_start3A_23 : memref<1x64xi32, #tpu.memory_space<vmem>> -> memref<64xi32, #tpu.memory_space<vmem>>
      %dma_start3A_25 = arith.constant 0 : i32
      %dma_start3A_26 = arith.constant 0 : i32
      %dma_start3A_27 = tpu.memref_slice %arg2[%dma_start3A_25, %dma_start3A_26] : memref<10240x128xf32, #tpu.memory_space<hbm>> -> memref<10240x128xf32, #tpu.memory_space<hbm>>
      tpu.enqueue_indirect_dma source(%dma_start3A_27 : memref<10240x128xf32, #tpu.memory_space<hbm>>) target(%arg9 : memref<64x128xf32, #tpu.memory_space<vmem>>) offsets(%dma_start3A_24 : memref<64xi32, #tpu.memory_space<vmem>>) semaphore(%arg14 : memref<!tpu.dma_semaphore, #tpu.memory_space<semaphore_mem>>)
      %dma_start3A_28 = arith.constant 1 : i32
      %dma_start3A_29 = arith.constant 0 : i32
      %dma_start3A_30 = tpu.memref_slice %arg7[%dma_start3A_28, %dma_start3A_29] : memref<32x64xi32, #tpu.memory_space<vmem>> -> memref<1x64xi32, #tpu.memory_space<vmem>>
      %dma_start3A_31 = tpu.memref_squeeze %dma_start3A_30 : memref<1x64xi32, #tpu.memory_space<vmem>> -> memref<64xi32, #tpu.memory_space<vmem>>
      %dma_start3A_32 = arith.constant 0 : i32
      %dma_start3A_33 = arith.constant 0 : i32
      %dma_start3A_34 = tpu.memref_slice %arg2[%dma_start3A_32, %dma_start3A_33] : memref<10240x128xf32, #tpu.memory_space<hbm>> -> memref<10240x128xf32, #tpu.memory_space<hbm>>
      tpu.enqueue_indirect_dma source(%dma_start3A_34 : memref<10240x128xf32, #tpu.memory_space<hbm>>) target(%arg10 : memref<64x128xf32, #tpu.memory_space<vmem>>) offsets(%dma_start3A_31 : memref<64xi32, #tpu.memory_space<vmem>>) semaphore(%arg15 : memref<!tpu.dma_semaphore, #tpu.memory_space<semaphore_mem>>)
      %dma_start3A_35 = arith.constant 2 : i32
      %dma_start3A_36 = arith.constant 0 : i32
      %dma_start3A_37 = tpu.memref_slice %arg7[%dma_start3A_35, %dma_start3A_36] : memref<32x64xi32, #tpu.memory_space<vmem>> -> memref<1x64xi32, #tpu.memory_space<vmem>>
      %dma_start3A_38 = tpu.memref_squeeze %dma_start3A_37 : memref<1x64xi32, #tpu.memory_space<vmem>> -> memref<64xi32, #tpu.memory_space<vmem>>
      %dma_start3A_39 = arith.constant 0 : i32
      %dma_start3A_40 = arith.constant 0 : i32
      %dma_start3A_41 = tpu.memref_slice %arg2[%dma_start3A_39, %dma_start3A_40] : memref<10240x128xf32, #tpu.memory_space<hbm>> -> memref<10240x128xf32, #tpu.memory_space<hbm>>
      tpu.enqueue_indirect_dma source(%dma_start3A_41 : memref<10240x128xf32, #tpu.memory_space<hbm>>) target(%arg11 : memref<64x128xf32, #tpu.memory_space<vmem>>) offsets(%dma_start3A_38 : memref<64xi32, #tpu.memory_space<vmem>>) semaphore(%arg16 : memref<!tpu.dma_semaphore, #tpu.memory_space<semaphore_mem>>)
      %dma_start3A_42 = arith.constant 3 : i32
      %dma_start3A_43 = arith.constant 0 : i32
      %dma_start3A_44 = tpu.memref_slice %arg7[%dma_start3A_42, %dma_start3A_43] : memref<32x64xi32, #tpu.memory_space<vmem>> -> memref<1x64xi32, #tpu.memory_space<vmem>>
      %dma_start3A_45 = tpu.memref_squeeze %dma_start3A_44 : memref<1x64xi32, #tpu.memory_space<vmem>> -> memref<64xi32, #tpu.memory_space<vmem>>
      %dma_start3A_46 = arith.constant 0 : i32
      %dma_start3A_47 = arith.constant 0 : i32
      %dma_start3A_48 = tpu.memref_slice %arg2[%dma_start3A_46, %dma_start3A_47] : memref<10240x128xf32, #tpu.memory_space<hbm>> -> memref<10240x128xf32, #tpu.memory_space<hbm>>
      tpu.enqueue_indirect_dma source(%dma_start3A_48 : memref<10240x128xf32, #tpu.memory_space<hbm>>) target(%arg12 : memref<64x128xf32, #tpu.memory_space<vmem>>) offsets(%dma_start3A_45 : memref<64xi32, #tpu.memory_space<vmem>>) semaphore(%arg17 : memref<!tpu.dma_semaphore, #tpu.memory_space<semaphore_mem>>)
      %scan3A = arith.constant 0 : i32
      %scan3A_49 = arith.constant 0 : i32
      %scan3A_50 = arith.constant 8 : i32
      %scan3A_51 = arith.addi %scan3A_49, %scan3A_50 : i32
      %scan3A_52 = arith.constant 1 : i32
      scf.for %scan3A_81 = %scan3A_49 to %scan3A_51 step %scan3A_52  : i32 {
        %mul3A_82 = arith.constant 4 : i32
        %mul3A_83 = arith.muli %scan3A_81, %mul3A_82 : i32
        %add3A_84 = arith.constant 0 : i32
        %add3A_85 = arith.addi %mul3A_83, %add3A_84 : i32
        %ge3A = arith.constant 1 : i32
        %ge3A_86 = arith.cmpi sge, %add3A_85, %ge3A : i32
        %add3A_87 = arith.constant 4 : i32
        %add3A_88 = arith.addi %add3A_85, %add3A_87 : i32
        %sub3A = arith.constant 1 : i32
        %sub3A_89 = arith.subi %add3A_88, %sub3A : i32
        %lt3A = arith.constant 32 : i32
        %lt3A_90 = arith.cmpi slt, %sub3A_89, %lt3A : i32
        %and3A = arith.andi %ge3A_86, %lt3A_90 : i1
        %convert_element_type3A_91 = arith.extui %and3A : i1 to i32
        %cond3A_92 = arith.constant 0 : i32
        %cond3A_93 = arith.cmpi ne, %convert_element_type3A_91, %cond3A_92 : i32
        scf.if %cond3A_93 {
          %sub3A_190 = arith.constant 1 : i32
          %sub3A_191 = arith.subi %add3A_85, %sub3A_190 : i32
          %dma_wait3A_192 = arith.constant 0 : i32
          %dma_wait3A_193 = tpu.memref_slice %arg8[%sub3A_191, %dma_wait3A_192] : memref<32x64xi32, #tpu.memory_space<vmem>> -> memref<1x64xi32, #tpu.memory_space<vmem>>
          %dma_wait3A_194 = tpu.memref_squeeze %dma_wait3A_193 : memref<1x64xi32, #tpu.memory_space<vmem>> -> memref<64xi32, #tpu.memory_space<vmem>>
          %dma_wait3A_195 = arith.constant 0 : i32
          %dma_wait3A_196 = arith.constant 0 : i32
          %dma_wait3A_197 = tpu.memref_slice %arg13[%dma_wait3A_195, %dma_wait3A_196] : memref<10240x128xf32, #tpu.memory_space<vmem_shared>> -> memref<10240x128xf32, #tpu.memory_space<vmem_shared>>
          tpu.wait_indirect_dma semaphore(%arg21 : memref<!tpu.dma_semaphore, #tpu.memory_space<semaphore_mem>>) src(%arg12 : memref<64x128xf32, #tpu.memory_space<vmem>>) dst(%dma_wait3A_197 : memref<10240x128xf32, #tpu.memory_space<vmem_shared>>)
          %add3A_198 = arith.constant 4 : i32
          %add3A_199 = arith.addi %add3A_85, %add3A_198 : i32
          %sub3A_200 = arith.constant 1 : i32
          %sub3A_201 = arith.subi %add3A_199, %sub3A_200 : i32
          %dma_start3A_202 = arith.constant 0 : i32
          %dma_start3A_203 = tpu.memref_slice %arg7[%sub3A_201, %dma_start3A_202] : memref<32x64xi32, #tpu.memory_space<vmem>> -> memref<1x64xi32, #tpu.memory_space<vmem>>
          %dma_start3A_204 = tpu.memref_squeeze %dma_start3A_203 : memref<1x64xi32, #tpu.memory_space<vmem>> -> memref<64xi32, #tpu.memory_space<vmem>>
          %dma_start3A_205 = arith.constant 0 : i32
          %dma_start3A_206 = arith.constant 0 : i32
          %dma_start3A_207 = tpu.memref_slice %arg2[%dma_start3A_205, %dma_start3A_206] : memref<10240x128xf32, #tpu.memory_space<hbm>> -> memref<10240x128xf32, #tpu.memory_space<hbm>>
          tpu.enqueue_indirect_dma source(%dma_start3A_207 : memref<10240x128xf32, #tpu.memory_space<hbm>>) target(%arg12 : memref<64x128xf32, #tpu.memory_space<vmem>>) offsets(%dma_start3A_204 : memref<64xi32, #tpu.memory_space<vmem>>) semaphore(%arg17 : memref<!tpu.dma_semaphore, #tpu.memory_space<semaphore_mem>>)
        } else {
        }
        %dma_wait3A_94 = arith.constant 0 : i32
        %dma_wait3A_95 = tpu.memref_slice %arg7[%add3A_85, %dma_wait3A_94] : memref<32x64xi32, #tpu.memory_space<vmem>> -> memref<1x64xi32, #tpu.memory_space<vmem>>
        %dma_wait3A_96 = tpu.memref_squeeze %dma_wait3A_95 : memref<1x64xi32, #tpu.memory_space<vmem>> -> memref<64xi32, #tpu.memory_space<vmem>>
        %dma_wait3A_97 = arith.constant 0 : i32
        %dma_wait3A_98 = arith.constant 0 : i32
        %dma_wait3A_99 = tpu.memref_slice %arg2[%dma_wait3A_97, %dma_wait3A_98] : memref<10240x128xf32, #tpu.memory_space<hbm>> -> memref<10240x128xf32, #tpu.memory_space<hbm>>
        tpu.wait_indirect_dma semaphore(%arg14 : memref<!tpu.dma_semaphore, #tpu.memory_space<semaphore_mem>>) src(%dma_wait3A_99 : memref<10240x128xf32, #tpu.memory_space<hbm>>) dst(%arg9 : memref<64x128xf32, #tpu.memory_space<vmem>>)
        %dma_start3A_100 = arith.constant 0 : i32
        %dma_start3A_101 = tpu.memref_slice %arg8[%add3A_85, %dma_start3A_100] : memref<32x64xi32, #tpu.memory_space<vmem>> -> memref<1x64xi32, #tpu.memory_space<vmem>>
        %dma_start3A_102 = tpu.memref_squeeze %dma_start3A_101 : memref<1x64xi32, #tpu.memory_space<vmem>> -> memref<64xi32, #tpu.memory_space<vmem>>
        %dma_start3A_103 = arith.constant 0 : i32
        %dma_start3A_104 = arith.constant 0 : i32
        %dma_start3A_105 = tpu.memref_slice %arg13[%dma_start3A_103, %dma_start3A_104] : memref<10240x128xf32, #tpu.memory_space<vmem_shared>> -> memref<10240x128xf32, #tpu.memory_space<vmem_shared>>
        tpu.enqueue_indirect_dma source(%arg9 : memref<64x128xf32, #tpu.memory_space<vmem>>) target(%dma_start3A_105 : memref<10240x128xf32, #tpu.memory_space<vmem_shared>>) offsets(%dma_start3A_102 : memref<64xi32, #tpu.memory_space<vmem>>) semaphore(%arg18 : memref<!tpu.dma_semaphore, #tpu.memory_space<semaphore_mem>>) {add = true}
        %mul3A_106 = arith.constant 4 : i32
        %mul3A_107 = arith.muli %scan3A_81, %mul3A_106 : i32
        %add3A_108 = arith.constant 1 : i32
        %add3A_109 = arith.addi %mul3A_107, %add3A_108 : i32
        %ge3A_110 = arith.constant 1 : i32
        %ge3A_111 = arith.cmpi sge, %add3A_109, %ge3A_110 : i32
        %add3A_112 = arith.constant 4 : i32
        %add3A_113 = arith.addi %add3A_109, %add3A_112 : i32
        %sub3A_114 = arith.constant 1 : i32
        %sub3A_115 = arith.subi %add3A_113, %sub3A_114 : i32
        %lt3A_116 = arith.constant 32 : i32
        %lt3A_117 = arith.cmpi slt, %sub3A_115, %lt3A_116 : i32
        %and3A_118 = arith.andi %ge3A_111, %lt3A_117 : i1
        %convert_element_type3A_119 = arith.extui %and3A_118 : i1 to i32
        %cond3A_120 = arith.constant 0 : i32
        %cond3A_121 = arith.cmpi ne, %convert_element_type3A_119, %cond3A_120 : i32
        scf.if %cond3A_121 {
          %sub3A_190 = arith.constant 1 : i32
          %sub3A_191 = arith.subi %add3A_109, %sub3A_190 : i32
          %dma_wait3A_192 = arith.constant 0 : i32
          %dma_wait3A_193 = tpu.memref_slice %arg8[%sub3A_191, %dma_wait3A_192] : memref<32x64xi32, #tpu.memory_space<vmem>> -> memref<1x64xi32, #tpu.memory_space<vmem>>
          %dma_wait3A_194 = tpu.memref_squeeze %dma_wait3A_193 : memref<1x64xi32, #tpu.memory_space<vmem>> -> memref<64xi32, #tpu.memory_space<vmem>>
          %dma_wait3A_195 = arith.constant 0 : i32
          %dma_wait3A_196 = arith.constant 0 : i32
          %dma_wait3A_197 = tpu.memref_slice %arg13[%dma_wait3A_195, %dma_wait3A_196] : memref<10240x128xf32, #tpu.memory_space<vmem_shared>> -> memref<10240x128xf32, #tpu.memory_space<vmem_shared>>
          tpu.wait_indirect_dma semaphore(%arg18 : memref<!tpu.dma_semaphore, #tpu.memory_space<semaphore_mem>>) src(%arg9 : memref<64x128xf32, #tpu.memory_space<vmem>>) dst(%dma_wait3A_197 : memref<10240x128xf32, #tpu.memory_space<vmem_shared>>)
          %add3A_198 = arith.constant 4 : i32
          %add3A_199 = arith.addi %add3A_109, %add3A_198 : i32
          %sub3A_200 = arith.constant 1 : i32
          %sub3A_201 = arith.subi %add3A_199, %sub3A_200 : i32
          %dma_start3A_202 = arith.constant 0 : i32
          %dma_start3A_203 = tpu.memref_slice %arg7[%sub3A_201, %dma_start3A_202] : memref<32x64xi32, #tpu.memory_space<vmem>> -> memref<1x64xi32, #tpu.memory_space<vmem>>
          %dma_start3A_204 = tpu.memref_squeeze %dma_start3A_203 : memref<1x64xi32, #tpu.memory_space<vmem>> -> memref<64xi32, #tpu.memory_space<vmem>>
          %dma_start3A_205 = arith.constant 0 : i32
          %dma_start3A_206 = arith.constant 0 : i32
          %dma_start3A_207 = tpu.memref_slice %arg2[%dma_start3A_205, %dma_start3A_206] : memref<10240x128xf32, #tpu.memory_space<hbm>> -> memref<10240x128xf32, #tpu.memory_space<hbm>>
          tpu.enqueue_indirect_dma source(%dma_start3A_207 : memref<10240x128xf32, #tpu.memory_space<hbm>>) target(%arg9 : memref<64x128xf32, #tpu.memory_space<vmem>>) offsets(%dma_start3A_204 : memref<64xi32, #tpu.memory_space<vmem>>) semaphore(%arg14 : memref<!tpu.dma_semaphore, #tpu.memory_space<semaphore_mem>>)
        } else {
        }
        %dma_wait3A_122 = arith.constant 0 : i32
        %dma_wait3A_123 = tpu.memref_slice %arg7[%add3A_109, %dma_wait3A_122] : memref<32x64xi32, #tpu.memory_space<vmem>> -> memref<1x64xi32, #tpu.memory_space<vmem>>
        %dma_wait3A_124 = tpu.memref_squeeze %dma_wait3A_123 : memref<1x64xi32, #tpu.memory_space<vmem>> -> memref<64xi32, #tpu.memory_space<vmem>>
        %dma_wait3A_125 = arith.constant 0 : i32
        %dma_wait3A_126 = arith.constant 0 : i32
        %dma_wait3A_127 = tpu.memref_slice %arg2[%dma_wait3A_125, %dma_wait3A_126] : memref<10240x128xf32, #tpu.memory_space<hbm>> -> memref<10240x128xf32, #tpu.memory_space<hbm>>
        tpu.wait_indirect_dma semaphore(%arg15 : memref<!tpu.dma_semaphore, #tpu.memory_space<semaphore_mem>>) src(%dma_wait3A_127 : memref<10240x128xf32, #tpu.memory_space<hbm>>) dst(%arg10 : memref<64x128xf32, #tpu.memory_space<vmem>>)
        %dma_start3A_128 = arith.constant 0 : i32
        %dma_start3A_129 = tpu.memref_slice %arg8[%add3A_109, %dma_start3A_128] : memref<32x64xi32, #tpu.memory_space<vmem>> -> memref<1x64xi32, #tpu.memory_space<vmem>>
        %dma_start3A_130 = tpu.memref_squeeze %dma_start3A_129 : memref<1x64xi32, #tpu.memory_space<vmem>> -> memref<64xi32, #tpu.memory_space<vmem>>
        %dma_start3A_131 = arith.constant 0 : i32
        %dma_start3A_132 = arith.constant 0 : i32
        %dma_start3A_133 = tpu.memref_slice %arg13[%dma_start3A_131, %dma_start3A_132] : memref<10240x128xf32, #tpu.memory_space<vmem_shared>> -> memref<10240x128xf32, #tpu.memory_space<vmem_shared>>
        tpu.enqueue_indirect_dma source(%arg10 : memref<64x128xf32, #tpu.memory_space<vmem>>) target(%dma_start3A_133 : memref<10240x128xf32, #tpu.memory_space<vmem_shared>>) offsets(%dma_start3A_130 : memref<64xi32, #tpu.memory_space<vmem>>) semaphore(%arg19 : memref<!tpu.dma_semaphore, #tpu.memory_space<semaphore_mem>>) {add = true}
        %mul3A_134 = arith.constant 4 : i32
        %mul3A_135 = arith.muli %scan3A_81, %mul3A_134 : i32
        %add3A_136 = arith.constant 2 : i32
        %add3A_137 = arith.addi %mul3A_135, %add3A_136 : i32
        %ge3A_138 = arith.constant 1 : i32
        %ge3A_139 = arith.cmpi sge, %add3A_137, %ge3A_138 : i32
        %add3A_140 = arith.constant 4 : i32
        %add3A_141 = arith.addi %add3A_137, %add3A_140 : i32
        %sub3A_142 = arith.constant 1 : i32
        %sub3A_143 = arith.subi %add3A_141, %sub3A_142 : i32
        %lt3A_144 = arith.constant 32 : i32
        %lt3A_145 = arith.cmpi slt, %sub3A_143, %lt3A_144 : i32
        %and3A_146 = arith.andi %ge3A_139, %lt3A_145 : i1
        %convert_element_type3A_147 = arith.extui %and3A_146 : i1 to i32
        %cond3A_148 = arith.constant 0 : i32
        %cond3A_149 = arith.cmpi ne, %convert_element_type3A_147, %cond3A_148 : i32
        scf.if %cond3A_149 {
          %sub3A_190 = arith.constant 1 : i32
          %sub3A_191 = arith.subi %add3A_137, %sub3A_190 : i32
          %dma_wait3A_192 = arith.constant 0 : i32
          %dma_wait3A_193 = tpu.memref_slice %arg8[%sub3A_191, %dma_wait3A_192] : memref<32x64xi32, #tpu.memory_space<vmem>> -> memref<1x64xi32, #tpu.memory_space<vmem>>
          %dma_wait3A_194 = tpu.memref_squeeze %dma_wait3A_193 : memref<1x64xi32, #tpu.memory_space<vmem>> -> memref<64xi32, #tpu.memory_space<vmem>>
          %dma_wait3A_195 = arith.constant 0 : i32
          %dma_wait3A_196 = arith.constant 0 : i32
          %dma_wait3A_197 = tpu.memref_slice %arg13[%dma_wait3A_195, %dma_wait3A_196] : memref<10240x128xf32, #tpu.memory_space<vmem_shared>> -> memref<10240x128xf32, #tpu.memory_space<vmem_shared>>
          tpu.wait_indirect_dma semaphore(%arg19 : memref<!tpu.dma_semaphore, #tpu.memory_space<semaphore_mem>>) src(%arg10 : memref<64x128xf32, #tpu.memory_space<vmem>>) dst(%dma_wait3A_197 : memref<10240x128xf32, #tpu.memory_space<vmem_shared>>)
          %add3A_198 = arith.constant 4 : i32
          %add3A_199 = arith.addi %add3A_137, %add3A_198 : i32
          %sub3A_200 = arith.constant 1 : i32
          %sub3A_201 = arith.subi %add3A_199, %sub3A_200 : i32
          %dma_start3A_202 = arith.constant 0 : i32
          %dma_start3A_203 = tpu.memref_slice %arg7[%sub3A_201, %dma_start3A_202] : memref<32x64xi32, #tpu.memory_space<vmem>> -> memref<1x64xi32, #tpu.memory_space<vmem>>
          %dma_start3A_204 = tpu.memref_squeeze %dma_start3A_203 : memref<1x64xi32, #tpu.memory_space<vmem>> -> memref<64xi32, #tpu.memory_space<vmem>>
          %dma_start3A_205 = arith.constant 0 : i32
          %dma_start3A_206 = arith.constant 0 : i32
          %dma_start3A_207 = tpu.memref_slice %arg2[%dma_start3A_205, %dma_start3A_206] : memref<10240x128xf32, #tpu.memory_space<hbm>> -> memref<10240x128xf32, #tpu.memory_space<hbm>>
          tpu.enqueue_indirect_dma source(%dma_start3A_207 : memref<10240x128xf32, #tpu.memory_space<hbm>>) target(%arg10 : memref<64x128xf32, #tpu.memory_space<vmem>>) offsets(%dma_start3A_204 : memref<64xi32, #tpu.memory_space<vmem>>) semaphore(%arg15 : memref<!tpu.dma_semaphore, #tpu.memory_space<semaphore_mem>>)
        } else {
        }
        %dma_wait3A_150 = arith.constant 0 : i32
        %dma_wait3A_151 = tpu.memref_slice %arg7[%add3A_137, %dma_wait3A_150] : memref<32x64xi32, #tpu.memory_space<vmem>> -> memref<1x64xi32, #tpu.memory_space<vmem>>
        %dma_wait3A_152 = tpu.memref_squeeze %dma_wait3A_151 : memref<1x64xi32, #tpu.memory_space<vmem>> -> memref<64xi32, #tpu.memory_space<vmem>>
        %dma_wait3A_153 = arith.constant 0 : i32
        %dma_wait3A_154 = arith.constant 0 : i32
        %dma_wait3A_155 = tpu.memref_slice %arg2[%dma_wait3A_153, %dma_wait3A_154] : memref<10240x128xf32, #tpu.memory_space<hbm>> -> memref<10240x128xf32, #tpu.memory_space<hbm>>
        tpu.wait_indirect_dma semaphore(%arg16 : memref<!tpu.dma_semaphore, #tpu.memory_space<semaphore_mem>>) src(%dma_wait3A_155 : memref<10240x128xf32, #tpu.memory_space<hbm>>) dst(%arg11 : memref<64x128xf32, #tpu.memory_space<vmem>>)
        %dma_start3A_156 = arith.constant 0 : i32
        %dma_start3A_157 = tpu.memref_slice %arg8[%add3A_137, %dma_start3A_156] : memref<32x64xi32, #tpu.memory_space<vmem>> -> memref<1x64xi32, #tpu.memory_space<vmem>>
        %dma_start3A_158 = tpu.memref_squeeze %dma_start3A_157 : memref<1x64xi32, #tpu.memory_space<vmem>> -> memref<64xi32, #tpu.memory_space<vmem>>
        %dma_start3A_159 = arith.constant 0 : i32
        %dma_start3A_160 = arith.constant 0 : i32
        %dma_start3A_161 = tpu.memref_slice %arg13[%dma_start3A_159, %dma_start3A_160] : memref<10240x128xf32, #tpu.memory_space<vmem_shared>> -> memref<10240x128xf32, #tpu.memory_space<vmem_shared>>
        tpu.enqueue_indirect_dma source(%arg11 : memref<64x128xf32, #tpu.memory_space<vmem>>) target(%dma_start3A_161 : memref<10240x128xf32, #tpu.memory_space<vmem_shared>>) offsets(%dma_start3A_158 : memref<64xi32, #tpu.memory_space<vmem>>) semaphore(%arg20 : memref<!tpu.dma_semaphore, #tpu.memory_space<semaphore_mem>>) {add = true}
        %mul3A_162 = arith.constant 4 : i32
        %mul3A_163 = arith.muli %scan3A_81, %mul3A_162 : i32
        %add3A_164 = arith.constant 3 : i32
        %add3A_165 = arith.addi %mul3A_163, %add3A_164 : i32
        %ge3A_166 = arith.constant 1 : i32
        %ge3A_167 = arith.cmpi sge, %add3A_165, %ge3A_166 : i32
        %add3A_168 = arith.constant 4 : i32
        %add3A_169 = arith.addi %add3A_165, %add3A_168 : i32
        %sub3A_170 = arith.constant 1 : i32
        %sub3A_171 = arith.subi %add3A_169, %sub3A_170 : i32
        %lt3A_172 = arith.constant 32 : i32
        %lt3A_173 = arith.cmpi slt, %sub3A_171, %lt3A_172 : i32
        %and3A_174 = arith.andi %ge3A_167, %lt3A_173 : i1
        %convert_element_type3A_175 = arith.extui %and3A_174 : i1 to i32
        %cond3A_176 = arith.constant 0 : i32
        %cond3A_177 = arith.cmpi ne, %convert_element_type3A_175, %cond3A_176 : i32
        scf.if %cond3A_177 {
          %sub3A_190 = arith.constant 1 : i32
          %sub3A_191 = arith.subi %add3A_165, %sub3A_190 : i32
          %dma_wait3A_192 = arith.constant 0 : i32
          %dma_wait3A_193 = tpu.memref_slice %arg8[%sub3A_191, %dma_wait3A_192] : memref<32x64xi32, #tpu.memory_space<vmem>> -> memref<1x64xi32, #tpu.memory_space<vmem>>
          %dma_wait3A_194 = tpu.memref_squeeze %dma_wait3A_193 : memref<1x64xi32, #tpu.memory_space<vmem>> -> memref<64xi32, #tpu.memory_space<vmem>>
          %dma_wait3A_195 = arith.constant 0 : i32
          %dma_wait3A_196 = arith.constant 0 : i32
          %dma_wait3A_197 = tpu.memref_slice %arg13[%dma_wait3A_195, %dma_wait3A_196] : memref<10240x128xf32, #tpu.memory_space<vmem_shared>> -> memref<10240x128xf32, #tpu.memory_space<vmem_shared>>
          tpu.wait_indirect_dma semaphore(%arg20 : memref<!tpu.dma_semaphore, #tpu.memory_space<semaphore_mem>>) src(%arg11 : memref<64x128xf32, #tpu.memory_space<vmem>>) dst(%dma_wait3A_197 : memref<10240x128xf32, #tpu.memory_space<vmem_shared>>)
          %add3A_198 = arith.constant 4 : i32
          %add3A_199 = arith.addi %add3A_165, %add3A_198 : i32
          %sub3A_200 = arith.constant 1 : i32
          %sub3A_201 = arith.subi %add3A_199, %sub3A_200 : i32
          %dma_start3A_202 = arith.constant 0 : i32
          %dma_start3A_203 = tpu.memref_slice %arg7[%sub3A_201, %dma_start3A_202] : memref<32x64xi32, #tpu.memory_space<vmem>> -> memref<1x64xi32, #tpu.memory_space<vmem>>
          %dma_start3A_204 = tpu.memref_squeeze %dma_start3A_203 : memref<1x64xi32, #tpu.memory_space<vmem>> -> memref<64xi32, #tpu.memory_space<vmem>>
          %dma_start3A_205 = arith.constant 0 : i32
          %dma_start3A_206 = arith.constant 0 : i32
          %dma_start3A_207 = tpu.memref_slice %arg2[%dma_start3A_205, %dma_start3A_206] : memref<10240x128xf32, #tpu.memory_space<hbm>> -> memref<10240x128xf32, #tpu.memory_space<hbm>>
          tpu.enqueue_indirect_dma source(%dma_start3A_207 : memref<10240x128xf32, #tpu.memory_space<hbm>>) target(%arg11 : memref<64x128xf32, #tpu.memory_space<vmem>>) offsets(%dma_start3A_204 : memref<64xi32, #tpu.memory_space<vmem>>) semaphore(%arg16 : memref<!tpu.dma_semaphore, #tpu.memory_space<semaphore_mem>>)
        } else {
        }
        %dma_wait3A_178 = arith.constant 0 : i32
        %dma_wait3A_179 = tpu.memref_slice %arg7[%add3A_165, %dma_wait3A_178] : memref<32x64xi32, #tpu.memory_space<vmem>> -> memref<1x64xi32, #tpu.memory_space<vmem>>
        %dma_wait3A_180 = tpu.memref_squeeze %dma_wait3A_179 : memref<1x64xi32, #tpu.memory_space<vmem>> -> memref<64xi32, #tpu.memory_space<vmem>>
        %dma_wait3A_181 = arith.constant 0 : i32
        %dma_wait3A_182 = arith.constant 0 : i32
        %dma_wait3A_183 = tpu.memref_slice %arg2[%dma_wait3A_181, %dma_wait3A_182] : memref<10240x128xf32, #tpu.memory_space<hbm>> -> memref<10240x128xf32, #tpu.memory_space<hbm>>
        tpu.wait_indirect_dma semaphore(%arg17 : memref<!tpu.dma_semaphore, #tpu.memory_space<semaphore_mem>>) src(%dma_wait3A_183 : memref<10240x128xf32, #tpu.memory_space<hbm>>) dst(%arg12 : memref<64x128xf32, #tpu.memory_space<vmem>>)
        %dma_start3A_184 = arith.constant 0 : i32
        %dma_start3A_185 = tpu.memref_slice %arg8[%add3A_165, %dma_start3A_184] : memref<32x64xi32, #tpu.memory_space<vmem>> -> memref<1x64xi32, #tpu.memory_space<vmem>>
        %dma_start3A_186 = tpu.memref_squeeze %dma_start3A_185 : memref<1x64xi32, #tpu.memory_space<vmem>> -> memref<64xi32, #tpu.memory_space<vmem>>
        %dma_start3A_187 = arith.constant 0 : i32
        %dma_start3A_188 = arith.constant 0 : i32
        %dma_start3A_189 = tpu.memref_slice %arg13[%dma_start3A_187, %dma_start3A_188] : memref<10240x128xf32, #tpu.memory_space<vmem_shared>> -> memref<10240x128xf32, #tpu.memory_space<vmem_shared>>
        tpu.enqueue_indirect_dma source(%arg12 : memref<64x128xf32, #tpu.memory_space<vmem>>) target(%dma_start3A_189 : memref<10240x128xf32, #tpu.memory_space<vmem_shared>>) offsets(%dma_start3A_186 : memref<64xi32, #tpu.memory_space<vmem>>) semaphore(%arg21 : memref<!tpu.dma_semaphore, #tpu.memory_space<semaphore_mem>>) {add = true}
      }
      %scan3A_53 = arith.constant 8 : i32
      %dma_wait3A = arith.constant 0 : i32
      %dma_wait3A_54 = arith.constant 0 : i32
      %dma_wait3A_55 = tpu.memref_slice %arg8[%dma_wait3A, %dma_wait3A_54] : memref<32x64xi32, #tpu.memory_space<vmem>> -> memref<1x64xi32, #tpu.memory_space<vmem>>
      %dma_wait3A_56 = tpu.memref_squeeze %dma_wait3A_55 : memref<1x64xi32, #tpu.memory_space<vmem>> -> memref<64xi32, #tpu.memory_space<vmem>>
      %dma_wait3A_57 = arith.constant 0 : i32
      %dma_wait3A_58 = arith.constant 0 : i32
      %dma_wait3A_59 = tpu.memref_slice %arg13[%dma_wait3A_57, %dma_wait3A_58] : memref<10240x128xf32, #tpu.memory_space<vmem_shared>> -> memref<10240x128xf32, #tpu.memory_space<vmem_shared>>
      tpu.wait_indirect_dma semaphore(%arg18 : memref<!tpu.dma_semaphore, #tpu.memory_space<semaphore_mem>>) src(%arg9 : memref<64x128xf32, #tpu.memory_space<vmem>>) dst(%dma_wait3A_59 : memref<10240x128xf32, #tpu.memory_space<vmem_shared>>)
      %dma_wait3A_60 = arith.constant 1 : i32
      %dma_wait3A_61 = arith.constant 0 : i32
      %dma_wait3A_62 = tpu.memref_slice %arg8[%dma_wait3A_60, %dma_wait3A_61] : memref<32x64xi32, #tpu.memory_space<vmem>> -> memref<1x64xi32, #tpu.memory_space<vmem>>
      %dma_wait3A_63 = tpu.memref_squeeze %dma_wait3A_62 : memref<1x64xi32, #tpu.memory_space<vmem>> -> memref<64xi32, #tpu.memory_space<vmem>>
      %dma_wait3A_64 = arith.constant 0 : i32
      %dma_wait3A_65 = arith.constant 0 : i32
      %dma_wait3A_66 = tpu.memref_slice %arg13[%dma_wait3A_64, %dma_wait3A_65] : memref<10240x128xf32, #tpu.memory_space<vmem_shared>> -> memref<10240x128xf32, #tpu.memory_space<vmem_shared>>
      tpu.wait_indirect_dma semaphore(%arg19 : memref<!tpu.dma_semaphore, #tpu.memory_space<semaphore_mem>>) src(%arg10 : memref<64x128xf32, #tpu.memory_space<vmem>>) dst(%dma_wait3A_66 : memref<10240x128xf32, #tpu.memory_space<vmem_shared>>)
      %dma_wait3A_67 = arith.constant 2 : i32
      %dma_wait3A_68 = arith.constant 0 : i32
      %dma_wait3A_69 = tpu.memref_slice %arg8[%dma_wait3A_67, %dma_wait3A_68] : memref<32x64xi32, #tpu.memory_space<vmem>> -> memref<1x64xi32, #tpu.memory_space<vmem>>
      %dma_wait3A_70 = tpu.memref_squeeze %dma_wait3A_69 : memref<1x64xi32, #tpu.memory_space<vmem>> -> memref<64xi32, #tpu.memory_space<vmem>>
      %dma_wait3A_71 = arith.constant 0 : i32
      %dma_wait3A_72 = arith.constant 0 : i32
      %dma_wait3A_73 = tpu.memref_slice %arg13[%dma_wait3A_71, %dma_wait3A_72] : memref<10240x128xf32, #tpu.memory_space<vmem_shared>> -> memref<10240x128xf32, #tpu.memory_space<vmem_shared>>
      tpu.wait_indirect_dma semaphore(%arg20 : memref<!tpu.dma_semaphore, #tpu.memory_space<semaphore_mem>>) src(%arg11 : memref<64x128xf32, #tpu.memory_space<vmem>>) dst(%dma_wait3A_73 : memref<10240x128xf32, #tpu.memory_space<vmem_shared>>)
      %dma_wait3A_74 = arith.constant 3 : i32
      %dma_wait3A_75 = arith.constant 0 : i32
      %dma_wait3A_76 = tpu.memref_slice %arg8[%dma_wait3A_74, %dma_wait3A_75] : memref<32x64xi32, #tpu.memory_space<vmem>> -> memref<1x64xi32, #tpu.memory_space<vmem>>
      %dma_wait3A_77 = tpu.memref_squeeze %dma_wait3A_76 : memref<1x64xi32, #tpu.memory_space<vmem>> -> memref<64xi32, #tpu.memory_space<vmem>>
      %dma_wait3A_78 = arith.constant 0 : i32
      %dma_wait3A_79 = arith.constant 0 : i32
      %dma_wait3A_80 = tpu.memref_slice %arg13[%dma_wait3A_78, %dma_wait3A_79] : memref<10240x128xf32, #tpu.memory_space<vmem_shared>> -> memref<10240x128xf32, #tpu.memory_space<vmem_shared>>
      tpu.wait_indirect_dma semaphore(%arg21 : memref<!tpu.dma_semaphore, #tpu.memory_space<semaphore_mem>>) src(%arg12 : memref<64x128xf32, #tpu.memory_space<vmem>>) dst(%dma_wait3A_80 : memref<10240x128xf32, #tpu.memory_space<vmem_shared>>)
    }
    %while3A_14 = arith.constant 1 : i32
    scf.for %while3A_19 = %while3A_12 to %while3A_8 step %while3A_14  : i32 {
      %mul3A_20 = arith.constant 32 : i32
      %mul3A_21 = arith.muli %while3A_19, %mul3A_20 : i32
      %add3A = arith.addi %mul3A_2, %mul3A_21 : i32
      "tpu.region"() ({
        %run_scoped3A = tpu.sem_alloc : memref<!tpu.dma_semaphore, #tpu.memory_space<semaphore_mem>>
        %dma_start3A_81 = arith.constant 0 : i32
        %dma_start3A_82 = tpu.memref_slice %arg3[%add3A, %dma_start3A_81] : memref<5120x64xi32, #tpu.memory_space<hbm>> -> memref<32x64xi32, #tpu.memory_space<hbm>>
        %dma_start3A_83 = arith.constant 0 : i32
        %dma_start3A_84 = tpu.memref_slice %arg3[%add3A, %dma_start3A_83] : memref<5120x64xi32, #tpu.memory_space<hbm>> -> memref<32x64xi32, #tpu.memory_space<hbm>>
        tpu.enqueue_dma source(%dma_start3A_84 : memref<32x64xi32, #tpu.memory_space<hbm>>) target(%arg7 : memref<32x64xi32, #tpu.memory_space<vmem>>) target_semaphore(%run_scoped3A : memref<!tpu.dma_semaphore, #tpu.memory_space<semaphore_mem>>)
        %dma_wait3A_85 = arith.constant 0 : i32
        %dma_wait3A_86 = tpu.memref_slice %arg3[%add3A, %dma_wait3A_85] : memref<5120x64xi32, #tpu.memory_space<hbm>> -> memref<32x64xi32, #tpu.memory_space<hbm>>
        %dma_wait3A_87 = arith.constant 0 : i32
        %dma_wait3A_88 = tpu.memref_slice %arg3[%add3A, %dma_wait3A_87] : memref<5120x64xi32, #tpu.memory_space<hbm>> -> memref<32x64xi32, #tpu.memory_space<hbm>>
        tpu.wait_dma2 semaphore(%run_scoped3A : memref<!tpu.dma_semaphore, #tpu.memory_space<semaphore_mem>>) src(%dma_wait3A_88 : memref<32x64xi32, #tpu.memory_space<hbm>>) dst(%arg7 : memref<32x64xi32, #tpu.memory_space<vmem>>)
        tpu.yield
      }) : () -> ()
      "tpu.region"() ({
        %run_scoped3A = tpu.sem_alloc : memref<!tpu.dma_semaphore, #tpu.memory_space<semaphore_mem>>
        %dma_start3A_81 = arith.constant 0 : i32
        %dma_start3A_82 = tpu.memref_slice %arg4[%add3A, %dma_start3A_81] : memref<5120x64xi32, #tpu.memory_space<hbm>> -> memref<32x64xi32, #tpu.memory_space<hbm>>
        %dma_start3A_83 = arith.constant 0 : i32
        %dma_start3A_84 = tpu.memref_slice %arg4[%add3A, %dma_start3A_83] : memref<5120x64xi32, #tpu.memory_space<hbm>> -> memref<32x64xi32, #tpu.memory_space<hbm>>
        tpu.enqueue_dma source(%dma_start3A_84 : memref<32x64xi32, #tpu.memory_space<hbm>>) target(%arg8 : memref<32x64xi32, #tpu.memory_space<vmem>>) target_semaphore(%run_scoped3A : memref<!tpu.dma_semaphore, #tpu.memory_space<semaphore_mem>>)
        %dma_wait3A_85 = arith.constant 0 : i32
        %dma_wait3A_86 = tpu.memref_slice %arg4[%add3A, %dma_wait3A_85] : memref<5120x64xi32, #tpu.memory_space<hbm>> -> memref<32x64xi32, #tpu.memory_space<hbm>>
        %dma_wait3A_87 = arith.constant 0 : i32
        %dma_wait3A_88 = tpu.memref_slice %arg4[%add3A, %dma_wait3A_87] : memref<5120x64xi32, #tpu.memory_space<hbm>> -> memref<32x64xi32, #tpu.memory_space<hbm>>
        tpu.wait_dma2 semaphore(%run_scoped3A : memref<!tpu.dma_semaphore, #tpu.memory_space<semaphore_mem>>) src(%dma_wait3A_88 : memref<32x64xi32, #tpu.memory_space<hbm>>) dst(%arg8 : memref<32x64xi32, #tpu.memory_space<vmem>>)
        tpu.yield
      }) : () -> ()
      %dma_start3A = arith.constant 0 : i32
      %dma_start3A_22 = arith.constant 0 : i32
      %dma_start3A_23 = tpu.memref_slice %arg7[%dma_start3A, %dma_start3A_22] : memref<32x64xi32, #tpu.memory_space<vmem>> -> memref<1x64xi32, #tpu.memory_space<vmem>>
      %dma_start3A_24 = tpu.memref_squeeze %dma_start3A_23 : memref<1x64xi32, #tpu.memory_space<vmem>> -> memref<64xi32, #tpu.memory_space<vmem>>
      %dma_start3A_25 = arith.constant 0 : i32
      %dma_start3A_26 = arith.constant 0 : i32
      %dma_start3A_27 = tpu.memref_slice %arg2[%dma_start3A_25, %dma_start3A_26] : memref<10240x128xf32, #tpu.memory_space<hbm>> -> memref<10240x128xf32, #tpu.memory_space<hbm>>
      tpu.enqueue_indirect_dma source(%dma_start3A_27 : memref<10240x128xf32, #tpu.memory_space<hbm>>) target(%arg9 : memref<64x128xf32, #tpu.memory_space<vmem>>) offsets(%dma_start3A_24 : memref<64xi32, #tpu.memory_space<vmem>>) semaphore(%arg14 : memref<!tpu.dma_semaphore, #tpu.memory_space<semaphore_mem>>)
      %dma_start3A_28 = arith.constant 1 : i32
      %dma_start3A_29 = arith.constant 0 : i32
      %dma_start3A_30 = tpu.memref_slice %arg7[%dma_start3A_28, %dma_start3A_29] : memref<32x64xi32, #tpu.memory_space<vmem>> -> memref<1x64xi32, #tpu.memory_space<vmem>>
      %dma_start3A_31 = tpu.memref_squeeze %dma_start3A_30 : memref<1x64xi32, #tpu.memory_space<vmem>> -> memref<64xi32, #tpu.memory_space<vmem>>
      %dma_start3A_32 = arith.constant 0 : i32
      %dma_start3A_33 = arith.constant 0 : i32
      %dma_start3A_34 = tpu.memref_slice %arg2[%dma_start3A_32, %dma_start3A_33] : memref<10240x128xf32, #tpu.memory_space<hbm>> -> memref<10240x128xf32, #tpu.memory_space<hbm>>
      tpu.enqueue_indirect_dma source(%dma_start3A_34 : memref<10240x128xf32, #tpu.memory_space<hbm>>) target(%arg10 : memref<64x128xf32, #tpu.memory_space<vmem>>) offsets(%dma_start3A_31 : memref<64xi32, #tpu.memory_space<vmem>>) semaphore(%arg15 : memref<!tpu.dma_semaphore, #tpu.memory_space<semaphore_mem>>)
      %dma_start3A_35 = arith.constant 2 : i32
      %dma_start3A_36 = arith.constant 0 : i32
      %dma_start3A_37 = tpu.memref_slice %arg7[%dma_start3A_35, %dma_start3A_36] : memref<32x64xi32, #tpu.memory_space<vmem>> -> memref<1x64xi32, #tpu.memory_space<vmem>>
      %dma_start3A_38 = tpu.memref_squeeze %dma_start3A_37 : memref<1x64xi32, #tpu.memory_space<vmem>> -> memref<64xi32, #tpu.memory_space<vmem>>
      %dma_start3A_39 = arith.constant 0 : i32
      %dma_start3A_40 = arith.constant 0 : i32
      %dma_start3A_41 = tpu.memref_slice %arg2[%dma_start3A_39, %dma_start3A_40] : memref<10240x128xf32, #tpu.memory_space<hbm>> -> memref<10240x128xf32, #tpu.memory_space<hbm>>
      tpu.enqueue_indirect_dma source(%dma_start3A_41 : memref<10240x128xf32, #tpu.memory_space<hbm>>) target(%arg11 : memref<64x128xf32, #tpu.memory_space<vmem>>) offsets(%dma_start3A_38 : memref<64xi32, #tpu.memory_space<vmem>>) semaphore(%arg16 : memref<!tpu.dma_semaphore, #tpu.memory_space<semaphore_mem>>)
      %dma_start3A_42 = arith.constant 3 : i32
      %dma_start3A_43 = arith.constant 0 : i32
      %dma_start3A_44 = tpu.memref_slice %arg7[%dma_start3A_42, %dma_start3A_43] : memref<32x64xi32, #tpu.memory_space<vmem>> -> memref<1x64xi32, #tpu.memory_space<vmem>>
      %dma_start3A_45 = tpu.memref_squeeze %dma_start3A_44 : memref<1x64xi32, #tpu.memory_space<vmem>> -> memref<64xi32, #tpu.memory_space<vmem>>
      %dma_start3A_46 = arith.constant 0 : i32
      %dma_start3A_47 = arith.constant 0 : i32
      %dma_start3A_48 = tpu.memref_slice %arg2[%dma_start3A_46, %dma_start3A_47] : memref<10240x128xf32, #tpu.memory_space<hbm>> -> memref<10240x128xf32, #tpu.memory_space<hbm>>
      tpu.enqueue_indirect_dma source(%dma_start3A_48 : memref<10240x128xf32, #tpu.memory_space<hbm>>) target(%arg12 : memref<64x128xf32, #tpu.memory_space<vmem>>) offsets(%dma_start3A_45 : memref<64xi32, #tpu.memory_space<vmem>>) semaphore(%arg17 : memref<!tpu.dma_semaphore, #tpu.memory_space<semaphore_mem>>)
      %scan3A = arith.constant 0 : i32
      %scan3A_49 = arith.constant 0 : i32
      %scan3A_50 = arith.constant 8 : i32
      %scan3A_51 = arith.addi %scan3A_49, %scan3A_50 : i32
      %scan3A_52 = arith.constant 1 : i32
      scf.for %scan3A_81 = %scan3A_49 to %scan3A_51 step %scan3A_52  : i32 {
        %mul3A_82 = arith.constant 4 : i32
        %mul3A_83 = arith.muli %scan3A_81, %mul3A_82 : i32
        %add3A_84 = arith.constant 0 : i32
        %add3A_85 = arith.addi %mul3A_83, %add3A_84 : i32
        %ge3A = arith.constant 1 : i32
        %ge3A_86 = arith.cmpi sge, %add3A_85, %ge3A : i32
        %add3A_87 = arith.constant 4 : i32
        %add3A_88 = arith.addi %add3A_85, %add3A_87 : i32
        %sub3A = arith.constant 1 : i32
        %sub3A_89 = arith.subi %add3A_88, %sub3A : i32
        %lt3A = arith.constant 32 : i32
        %lt3A_90 = arith.cmpi slt, %sub3A_89, %lt3A : i32
        %and3A = arith.andi %ge3A_86, %lt3A_90 : i1
        %convert_element_type3A_91 = arith.extui %and3A : i1 to i32
        %cond3A_92 = arith.constant 0 : i32
        %cond3A_93 = arith.cmpi ne, %convert_element_type3A_91, %cond3A_92 : i32
        scf.if %cond3A_93 {
          %sub3A_190 = arith.constant 1 : i32
          %sub3A_191 = arith.subi %add3A_85, %sub3A_190 : i32
          %dma_wait3A_192 = arith.constant 0 : i32
          %dma_wait3A_193 = tpu.memref_slice %arg8[%sub3A_191, %dma_wait3A_192] : memref<32x64xi32, #tpu.memory_space<vmem>> -> memref<1x64xi32, #tpu.memory_space<vmem>>
          %dma_wait3A_194 = tpu.memref_squeeze %dma_wait3A_193 : memref<1x64xi32, #tpu.memory_space<vmem>> -> memref<64xi32, #tpu.memory_space<vmem>>
          %dma_wait3A_195 = arith.constant 0 : i32
          %dma_wait3A_196 = arith.constant 0 : i32
          %dma_wait3A_197 = tpu.memref_slice %arg13[%dma_wait3A_195, %dma_wait3A_196] : memref<10240x128xf32, #tpu.memory_space<vmem_shared>> -> memref<10240x128xf32, #tpu.memory_space<vmem_shared>>
          tpu.wait_indirect_dma semaphore(%arg21 : memref<!tpu.dma_semaphore, #tpu.memory_space<semaphore_mem>>) src(%arg12 : memref<64x128xf32, #tpu.memory_space<vmem>>) dst(%dma_wait3A_197 : memref<10240x128xf32, #tpu.memory_space<vmem_shared>>)
          %add3A_198 = arith.constant 4 : i32
          %add3A_199 = arith.addi %add3A_85, %add3A_198 : i32
          %sub3A_200 = arith.constant 1 : i32
          %sub3A_201 = arith.subi %add3A_199, %sub3A_200 : i32
          %dma_start3A_202 = arith.constant 0 : i32
          %dma_start3A_203 = tpu.memref_slice %arg7[%sub3A_201, %dma_start3A_202] : memref<32x64xi32, #tpu.memory_space<vmem>> -> memref<1x64xi32, #tpu.memory_space<vmem>>
          %dma_start3A_204 = tpu.memref_squeeze %dma_start3A_203 : memref<1x64xi32, #tpu.memory_space<vmem>> -> memref<64xi32, #tpu.memory_space<vmem>>
          %dma_start3A_205 = arith.constant 0 : i32
          %dma_start3A_206 = arith.constant 0 : i32
          %dma_start3A_207 = tpu.memref_slice %arg2[%dma_start3A_205, %dma_start3A_206] : memref<10240x128xf32, #tpu.memory_space<hbm>> -> memref<10240x128xf32, #tpu.memory_space<hbm>>
          tpu.enqueue_indirect_dma source(%dma_start3A_207 : memref<10240x128xf32, #tpu.memory_space<hbm>>) target(%arg12 : memref<64x128xf32, #tpu.memory_space<vmem>>) offsets(%dma_start3A_204 : memref<64xi32, #tpu.memory_space<vmem>>) semaphore(%arg17 : memref<!tpu.dma_semaphore, #tpu.memory_space<semaphore_mem>>)
        } else {
        }
        %dma_wait3A_94 = arith.constant 0 : i32
        %dma_wait3A_95 = tpu.memref_slice %arg7[%add3A_85, %dma_wait3A_94] : memref<32x64xi32, #tpu.memory_space<vmem>> -> memref<1x64xi32, #tpu.memory_space<vmem>>
        %dma_wait3A_96 = tpu.memref_squeeze %dma_wait3A_95 : memref<1x64xi32, #tpu.memory_space<vmem>> -> memref<64xi32, #tpu.memory_space<vmem>>
        %dma_wait3A_97 = arith.constant 0 : i32
        %dma_wait3A_98 = arith.constant 0 : i32
        %dma_wait3A_99 = tpu.memref_slice %arg2[%dma_wait3A_97, %dma_wait3A_98] : memref<10240x128xf32, #tpu.memory_space<hbm>> -> memref<10240x128xf32, #tpu.memory_space<hbm>>
        tpu.wait_indirect_dma semaphore(%arg14 : memref<!tpu.dma_semaphore, #tpu.memory_space<semaphore_mem>>) src(%dma_wait3A_99 : memref<10240x128xf32, #tpu.memory_space<hbm>>) dst(%arg9 : memref<64x128xf32, #tpu.memory_space<vmem>>)
        %dma_start3A_100 = arith.constant 0 : i32
        %dma_start3A_101 = tpu.memref_slice %arg8[%add3A_85, %dma_start3A_100] : memref<32x64xi32, #tpu.memory_space<vmem>> -> memref<1x64xi32, #tpu.memory_space<vmem>>
        %dma_start3A_102 = tpu.memref_squeeze %dma_start3A_101 : memref<1x64xi32, #tpu.memory_space<vmem>> -> memref<64xi32, #tpu.memory_space<vmem>>
        %dma_start3A_103 = arith.constant 0 : i32
        %dma_start3A_104 = arith.constant 0 : i32
        %dma_start3A_105 = tpu.memref_slice %arg13[%dma_start3A_103, %dma_start3A_104] : memref<10240x128xf32, #tpu.memory_space<vmem_shared>> -> memref<10240x128xf32, #tpu.memory_space<vmem_shared>>
        tpu.enqueue_indirect_dma source(%arg9 : memref<64x128xf32, #tpu.memory_space<vmem>>) target(%dma_start3A_105 : memref<10240x128xf32, #tpu.memory_space<vmem_shared>>) offsets(%dma_start3A_102 : memref<64xi32, #tpu.memory_space<vmem>>) semaphore(%arg18 : memref<!tpu.dma_semaphore, #tpu.memory_space<semaphore_mem>>) {add = true}
        %mul3A_106 = arith.constant 4 : i32
        %mul3A_107 = arith.muli %scan3A_81, %mul3A_106 : i32
        %add3A_108 = arith.constant 1 : i32
        %add3A_109 = arith.addi %mul3A_107, %add3A_108 : i32
        %ge3A_110 = arith.constant 1 : i32
        %ge3A_111 = arith.cmpi sge, %add3A_109, %ge3A_110 : i32
        %add3A_112 = arith.constant 4 : i32
        %add3A_113 = arith.addi %add3A_109, %add3A_112 : i32
        %sub3A_114 = arith.constant 1 : i32
        %sub3A_115 = arith.subi %add3A_113, %sub3A_114 : i32
        %lt3A_116 = arith.constant 32 : i32
        %lt3A_117 = arith.cmpi slt, %sub3A_115, %lt3A_116 : i32
        %and3A_118 = arith.andi %ge3A_111, %lt3A_117 : i1
        %convert_element_type3A_119 = arith.extui %and3A_118 : i1 to i32
        %cond3A_120 = arith.constant 0 : i32
        %cond3A_121 = arith.cmpi ne, %convert_element_type3A_119, %cond3A_120 : i32
        scf.if %cond3A_121 {
          %sub3A_190 = arith.constant 1 : i32
          %sub3A_191 = arith.subi %add3A_109, %sub3A_190 : i32
          %dma_wait3A_192 = arith.constant 0 : i32
          %dma_wait3A_193 = tpu.memref_slice %arg8[%sub3A_191, %dma_wait3A_192] : memref<32x64xi32, #tpu.memory_space<vmem>> -> memref<1x64xi32, #tpu.memory_space<vmem>>
          %dma_wait3A_194 = tpu.memref_squeeze %dma_wait3A_193 : memref<1x64xi32, #tpu.memory_space<vmem>> -> memref<64xi32, #tpu.memory_space<vmem>>
          %dma_wait3A_195 = arith.constant 0 : i32
          %dma_wait3A_196 = arith.constant 0 : i32
          %dma_wait3A_197 = tpu.memref_slice %arg13[%dma_wait3A_195, %dma_wait3A_196] : memref<10240x128xf32, #tpu.memory_space<vmem_shared>> -> memref<10240x128xf32, #tpu.memory_space<vmem_shared>>
          tpu.wait_indirect_dma semaphore(%arg18 : memref<!tpu.dma_semaphore, #tpu.memory_space<semaphore_mem>>) src(%arg9 : memref<64x128xf32, #tpu.memory_space<vmem>>) dst(%dma_wait3A_197 : memref<10240x128xf32, #tpu.memory_space<vmem_shared>>)
          %add3A_198 = arith.constant 4 : i32
          %add3A_199 = arith.addi %add3A_109, %add3A_198 : i32
          %sub3A_200 = arith.constant 1 : i32
          %sub3A_201 = arith.subi %add3A_199, %sub3A_200 : i32
          %dma_start3A_202 = arith.constant 0 : i32
          %dma_start3A_203 = tpu.memref_slice %arg7[%sub3A_201, %dma_start3A_202] : memref<32x64xi32, #tpu.memory_space<vmem>> -> memref<1x64xi32, #tpu.memory_space<vmem>>
          %dma_start3A_204 = tpu.memref_squeeze %dma_start3A_203 : memref<1x64xi32, #tpu.memory_space<vmem>> -> memref<64xi32, #tpu.memory_space<vmem>>
          %dma_start3A_205 = arith.constant 0 : i32
          %dma_start3A_206 = arith.constant 0 : i32
          %dma_start3A_207 = tpu.memref_slice %arg2[%dma_start3A_205, %dma_start3A_206] : memref<10240x128xf32, #tpu.memory_space<hbm>> -> memref<10240x128xf32, #tpu.memory_space<hbm>>
          tpu.enqueue_indirect_dma source(%dma_start3A_207 : memref<10240x128xf32, #tpu.memory_space<hbm>>) target(%arg9 : memref<64x128xf32, #tpu.memory_space<vmem>>) offsets(%dma_start3A_204 : memref<64xi32, #tpu.memory_space<vmem>>) semaphore(%arg14 : memref<!tpu.dma_semaphore, #tpu.memory_space<semaphore_mem>>)
        } else {
        }
        %dma_wait3A_122 = arith.constant 0 : i32
        %dma_wait3A_123 = tpu.memref_slice %arg7[%add3A_109, %dma_wait3A_122] : memref<32x64xi32, #tpu.memory_space<vmem>> -> memref<1x64xi32, #tpu.memory_space<vmem>>
        %dma_wait3A_124 = tpu.memref_squeeze %dma_wait3A_123 : memref<1x64xi32, #tpu.memory_space<vmem>> -> memref<64xi32, #tpu.memory_space<vmem>>
        %dma_wait3A_125 = arith.constant 0 : i32
        %dma_wait3A_126 = arith.constant 0 : i32
        %dma_wait3A_127 = tpu.memref_slice %arg2[%dma_wait3A_125, %dma_wait3A_126] : memref<10240x128xf32, #tpu.memory_space<hbm>> -> memref<10240x128xf32, #tpu.memory_space<hbm>>
        tpu.wait_indirect_dma semaphore(%arg15 : memref<!tpu.dma_semaphore, #tpu.memory_space<semaphore_mem>>) src(%dma_wait3A_127 : memref<10240x128xf32, #tpu.memory_space<hbm>>) dst(%arg10 : memref<64x128xf32, #tpu.memory_space<vmem>>)
        %dma_start3A_128 = arith.constant 0 : i32
        %dma_start3A_129 = tpu.memref_slice %arg8[%add3A_109, %dma_start3A_128] : memref<32x64xi32, #tpu.memory_space<vmem>> -> memref<1x64xi32, #tpu.memory_space<vmem>>
        %dma_start3A_130 = tpu.memref_squeeze %dma_start3A_129 : memref<1x64xi32, #tpu.memory_space<vmem>> -> memref<64xi32, #tpu.memory_space<vmem>>
        %dma_start3A_131 = arith.constant 0 : i32
        %dma_start3A_132 = arith.constant 0 : i32
        %dma_start3A_133 = tpu.memref_slice %arg13[%dma_start3A_131, %dma_start3A_132] : memref<10240x128xf32, #tpu.memory_space<vmem_shared>> -> memref<10240x128xf32, #tpu.memory_space<vmem_shared>>
        tpu.enqueue_indirect_dma source(%arg10 : memref<64x128xf32, #tpu.memory_space<vmem>>) target(%dma_start3A_133 : memref<10240x128xf32, #tpu.memory_space<vmem_shared>>) offsets(%dma_start3A_130 : memref<64xi32, #tpu.memory_space<vmem>>) semaphore(%arg19 : memref<!tpu.dma_semaphore, #tpu.memory_space<semaphore_mem>>) {add = true}
        %mul3A_134 = arith.constant 4 : i32
        %mul3A_135 = arith.muli %scan3A_81, %mul3A_134 : i32
        %add3A_136 = arith.constant 2 : i32
        %add3A_137 = arith.addi %mul3A_135, %add3A_136 : i32
        %ge3A_138 = arith.constant 1 : i32
        %ge3A_139 = arith.cmpi sge, %add3A_137, %ge3A_138 : i32
        %add3A_140 = arith.constant 4 : i32
        %add3A_141 = arith.addi %add3A_137, %add3A_140 : i32
        %sub3A_142 = arith.constant 1 : i32
        %sub3A_143 = arith.subi %add3A_141, %sub3A_142 : i32
        %lt3A_144 = arith.constant 32 : i32
        %lt3A_145 = arith.cmpi slt, %sub3A_143, %lt3A_144 : i32
        %and3A_146 = arith.andi %ge3A_139, %lt3A_145 : i1
        %convert_element_type3A_147 = arith.extui %and3A_146 : i1 to i32
        %cond3A_148 = arith.constant 0 : i32
        %cond3A_149 = arith.cmpi ne, %convert_element_type3A_147, %cond3A_148 : i32
        scf.if %cond3A_149 {
          %sub3A_190 = arith.constant 1 : i32
          %sub3A_191 = arith.subi %add3A_137, %sub3A_190 : i32
          %dma_wait3A_192 = arith.constant 0 : i32
          %dma_wait3A_193 = tpu.memref_slice %arg8[%sub3A_191, %dma_wait3A_192] : memref<32x64xi32, #tpu.memory_space<vmem>> -> memref<1x64xi32, #tpu.memory_space<vmem>>
          %dma_wait3A_194 = tpu.memref_squeeze %dma_wait3A_193 : memref<1x64xi32, #tpu.memory_space<vmem>> -> memref<64xi32, #tpu.memory_space<vmem>>
          %dma_wait3A_195 = arith.constant 0 : i32
          %dma_wait3A_196 = arith.constant 0 : i32
          %dma_wait3A_197 = tpu.memref_slice %arg13[%dma_wait3A_195, %dma_wait3A_196] : memref<10240x128xf32, #tpu.memory_space<vmem_shared>> -> memref<10240x128xf32, #tpu.memory_space<vmem_shared>>
          tpu.wait_indirect_dma semaphore(%arg19 : memref<!tpu.dma_semaphore, #tpu.memory_space<semaphore_mem>>) src(%arg10 : memref<64x128xf32, #tpu.memory_space<vmem>>) dst(%dma_wait3A_197 : memref<10240x128xf32, #tpu.memory_space<vmem_shared>>)
          %add3A_198 = arith.constant 4 : i32
          %add3A_199 = arith.addi %add3A_137, %add3A_198 : i32
          %sub3A_200 = arith.constant 1 : i32
          %sub3A_201 = arith.subi %add3A_199, %sub3A_200 : i32
          %dma_start3A_202 = arith.constant 0 : i32
          %dma_start3A_203 = tpu.memref_slice %arg7[%sub3A_201, %dma_start3A_202] : memref<32x64xi32, #tpu.memory_space<vmem>> -> memref<1x64xi32, #tpu.memory_space<vmem>>
          %dma_start3A_204 = tpu.memref_squeeze %dma_start3A_203 : memref<1x64xi32, #tpu.memory_space<vmem>> -> memref<64xi32, #tpu.memory_space<vmem>>
          %dma_start3A_205 = arith.constant 0 : i32
          %dma_start3A_206 = arith.constant 0 : i32
          %dma_start3A_207 = tpu.memref_slice %arg2[%dma_start3A_205, %dma_start3A_206] : memref<10240x128xf32, #tpu.memory_space<hbm>> -> memref<10240x128xf32, #tpu.memory_space<hbm>>
          tpu.enqueue_indirect_dma source(%dma_start3A_207 : memref<10240x128xf32, #tpu.memory_space<hbm>>) target(%arg10 : memref<64x128xf32, #tpu.memory_space<vmem>>) offsets(%dma_start3A_204 : memref<64xi32, #tpu.memory_space<vmem>>) semaphore(%arg15 : memref<!tpu.dma_semaphore, #tpu.memory_space<semaphore_mem>>)
        } else {
        }
        %dma_wait3A_150 = arith.constant 0 : i32
        %dma_wait3A_151 = tpu.memref_slice %arg7[%add3A_137, %dma_wait3A_150] : memref<32x64xi32, #tpu.memory_space<vmem>> -> memref<1x64xi32, #tpu.memory_space<vmem>>
        %dma_wait3A_152 = tpu.memref_squeeze %dma_wait3A_151 : memref<1x64xi32, #tpu.memory_space<vmem>> -> memref<64xi32, #tpu.memory_space<vmem>>
        %dma_wait3A_153 = arith.constant 0 : i32
        %dma_wait3A_154 = arith.constant 0 : i32
        %dma_wait3A_155 = tpu.memref_slice %arg2[%dma_wait3A_153, %dma_wait3A_154] : memref<10240x128xf32, #tpu.memory_space<hbm>> -> memref<10240x128xf32, #tpu.memory_space<hbm>>
        tpu.wait_indirect_dma semaphore(%arg16 : memref<!tpu.dma_semaphore, #tpu.memory_space<semaphore_mem>>) src(%dma_wait3A_155 : memref<10240x128xf32, #tpu.memory_space<hbm>>) dst(%arg11 : memref<64x128xf32, #tpu.memory_space<vmem>>)
        %dma_start3A_156 = arith.constant 0 : i32
        %dma_start3A_157 = tpu.memref_slice %arg8[%add3A_137, %dma_start3A_156] : memref<32x64xi32, #tpu.memory_space<vmem>> -> memref<1x64xi32, #tpu.memory_space<vmem>>
        %dma_start3A_158 = tpu.memref_squeeze %dma_start3A_157 : memref<1x64xi32, #tpu.memory_space<vmem>> -> memref<64xi32, #tpu.memory_space<vmem>>
        %dma_start3A_159 = arith.constant 0 : i32
        %dma_start3A_160 = arith.constant 0 : i32
        %dma_start3A_161 = tpu.memref_slice %arg13[%dma_start3A_159, %dma_start3A_160] : memref<10240x128xf32, #tpu.memory_space<vmem_shared>> -> memref<10240x128xf32, #tpu.memory_space<vmem_shared>>
        tpu.enqueue_indirect_dma source(%arg11 : memref<64x128xf32, #tpu.memory_space<vmem>>) target(%dma_start3A_161 : memref<10240x128xf32, #tpu.memory_space<vmem_shared>>) offsets(%dma_start3A_158 : memref<64xi32, #tpu.memory_space<vmem>>) semaphore(%arg20 : memref<!tpu.dma_semaphore, #tpu.memory_space<semaphore_mem>>) {add = true}
        %mul3A_162 = arith.constant 4 : i32
        %mul3A_163 = arith.muli %scan3A_81, %mul3A_162 : i32
        %add3A_164 = arith.constant 3 : i32
        %add3A_165 = arith.addi %mul3A_163, %add3A_164 : i32
        %ge3A_166 = arith.constant 1 : i32
        %ge3A_167 = arith.cmpi sge, %add3A_165, %ge3A_166 : i32
        %add3A_168 = arith.constant 4 : i32
        %add3A_169 = arith.addi %add3A_165, %add3A_168 : i32
        %sub3A_170 = arith.constant 1 : i32
        %sub3A_171 = arith.subi %add3A_169, %sub3A_170 : i32
        %lt3A_172 = arith.constant 32 : i32
        %lt3A_173 = arith.cmpi slt, %sub3A_171, %lt3A_172 : i32
        %and3A_174 = arith.andi %ge3A_167, %lt3A_173 : i1
        %convert_element_type3A_175 = arith.extui %and3A_174 : i1 to i32
        %cond3A_176 = arith.constant 0 : i32
        %cond3A_177 = arith.cmpi ne, %convert_element_type3A_175, %cond3A_176 : i32
        scf.if %cond3A_177 {
          %sub3A_190 = arith.constant 1 : i32
          %sub3A_191 = arith.subi %add3A_165, %sub3A_190 : i32
          %dma_wait3A_192 = arith.constant 0 : i32
          %dma_wait3A_193 = tpu.memref_slice %arg8[%sub3A_191, %dma_wait3A_192] : memref<32x64xi32, #tpu.memory_space<vmem>> -> memref<1x64xi32, #tpu.memory_space<vmem>>
          %dma_wait3A_194 = tpu.memref_squeeze %dma_wait3A_193 : memref<1x64xi32, #tpu.memory_space<vmem>> -> memref<64xi32, #tpu.memory_space<vmem>>
          %dma_wait3A_195 = arith.constant 0 : i32
          %dma_wait3A_196 = arith.constant 0 : i32
          %dma_wait3A_197 = tpu.memref_slice %arg13[%dma_wait3A_195, %dma_wait3A_196] : memref<10240x128xf32, #tpu.memory_space<vmem_shared>> -> memref<10240x128xf32, #tpu.memory_space<vmem_shared>>
          tpu.wait_indirect_dma semaphore(%arg20 : memref<!tpu.dma_semaphore, #tpu.memory_space<semaphore_mem>>) src(%arg11 : memref<64x128xf32, #tpu.memory_space<vmem>>) dst(%dma_wait3A_197 : memref<10240x128xf32, #tpu.memory_space<vmem_shared>>)
          %add3A_198 = arith.constant 4 : i32
          %add3A_199 = arith.addi %add3A_165, %add3A_198 : i32
          %sub3A_200 = arith.constant 1 : i32
          %sub3A_201 = arith.subi %add3A_199, %sub3A_200 : i32
          %dma_start3A_202 = arith.constant 0 : i32
          %dma_start3A_203 = tpu.memref_slice %arg7[%sub3A_201, %dma_start3A_202] : memref<32x64xi32, #tpu.memory_space<vmem>> -> memref<1x64xi32, #tpu.memory_space<vmem>>
          %dma_start3A_204 = tpu.memref_squeeze %dma_start3A_203 : memref<1x64xi32, #tpu.memory_space<vmem>> -> memref<64xi32, #tpu.memory_space<vmem>>
          %dma_start3A_205 = arith.constant 0 : i32
          %dma_start3A_206 = arith.constant 0 : i32
          %dma_start3A_207 = tpu.memref_slice %arg2[%dma_start3A_205, %dma_start3A_206] : memref<10240x128xf32, #tpu.memory_space<hbm>> -> memref<10240x128xf32, #tpu.memory_space<hbm>>
          tpu.enqueue_indirect_dma source(%dma_start3A_207 : memref<10240x128xf32, #tpu.memory_space<hbm>>) target(%arg11 : memref<64x128xf32, #tpu.memory_space<vmem>>) offsets(%dma_start3A_204 : memref<64xi32, #tpu.memory_space<vmem>>) semaphore(%arg16 : memref<!tpu.dma_semaphore, #tpu.memory_space<semaphore_mem>>)
        } else {
        }
        %dma_wait3A_178 = arith.constant 0 : i32
        %dma_wait3A_179 = tpu.memref_slice %arg7[%add3A_165, %dma_wait3A_178] : memref<32x64xi32, #tpu.memory_space<vmem>> -> memref<1x64xi32, #tpu.memory_space<vmem>>
        %dma_wait3A_180 = tpu.memref_squeeze %dma_wait3A_179 : memref<1x64xi32, #tpu.memory_space<vmem>> -> memref<64xi32, #tpu.memory_space<vmem>>
        %dma_wait3A_181 = arith.constant 0 : i32
        %dma_wait3A_182 = arith.constant 0 : i32
        %dma_wait3A_183 = tpu.memref_slice %arg2[%dma_wait3A_181, %dma_wait3A_182] : memref<10240x128xf32, #tpu.memory_space<hbm>> -> memref<10240x128xf32, #tpu.memory_space<hbm>>
        tpu.wait_indirect_dma semaphore(%arg17 : memref<!tpu.dma_semaphore, #tpu.memory_space<semaphore_mem>>) src(%dma_wait3A_183 : memref<10240x128xf32, #tpu.memory_space<hbm>>) dst(%arg12 : memref<64x128xf32, #tpu.memory_space<vmem>>)
        %dma_start3A_184 = arith.constant 0 : i32
        %dma_start3A_185 = tpu.memref_slice %arg8[%add3A_165, %dma_start3A_184] : memref<32x64xi32, #tpu.memory_space<vmem>> -> memref<1x64xi32, #tpu.memory_space<vmem>>
        %dma_start3A_186 = tpu.memref_squeeze %dma_start3A_185 : memref<1x64xi32, #tpu.memory_space<vmem>> -> memref<64xi32, #tpu.memory_space<vmem>>
        %dma_start3A_187 = arith.constant 0 : i32
        %dma_start3A_188 = arith.constant 0 : i32
        %dma_start3A_189 = tpu.memref_slice %arg13[%dma_start3A_187, %dma_start3A_188] : memref<10240x128xf32, #tpu.memory_space<vmem_shared>> -> memref<10240x128xf32, #tpu.memory_space<vmem_shared>>
        tpu.enqueue_indirect_dma source(%arg12 : memref<64x128xf32, #tpu.memory_space<vmem>>) target(%dma_start3A_189 : memref<10240x128xf32, #tpu.memory_space<vmem_shared>>) offsets(%dma_start3A_186 : memref<64xi32, #tpu.memory_space<vmem>>) semaphore(%arg21 : memref<!tpu.dma_semaphore, #tpu.memory_space<semaphore_mem>>) {add = true}
      }
      %scan3A_53 = arith.constant 8 : i32
      %dma_wait3A = arith.constant 0 : i32
      %dma_wait3A_54 = arith.constant 0 : i32
      %dma_wait3A_55 = tpu.memref_slice %arg8[%dma_wait3A, %dma_wait3A_54] : memref<32x64xi32, #tpu.memory_space<vmem>> -> memref<1x64xi32, #tpu.memory_space<vmem>>
      %dma_wait3A_56 = tpu.memref_squeeze %dma_wait3A_55 : memref<1x64xi32, #tpu.memory_space<vmem>> -> memref<64xi32, #tpu.memory_space<vmem>>
      %dma_wait3A_57 = arith.constant 0 : i32
      %dma_wait3A_58 = arith.constant 0 : i32
      %dma_wait3A_59 = tpu.memref_slice %arg13[%dma_wait3A_57, %dma_wait3A_58] : memref<10240x128xf32, #tpu.memory_space<vmem_shared>> -> memref<10240x128xf32, #tpu.memory_space<vmem_shared>>
      tpu.wait_indirect_dma semaphore(%arg18 : memref<!tpu.dma_semaphore, #tpu.memory_space<semaphore_mem>>) src(%arg9 : memref<64x128xf32, #tpu.memory_space<vmem>>) dst(%dma_wait3A_59 : memref<10240x128xf32, #tpu.memory_space<vmem_shared>>)
      %dma_wait3A_60 = arith.constant 1 : i32
      %dma_wait3A_61 = arith.constant 0 : i32
      %dma_wait3A_62 = tpu.memref_slice %arg8[%dma_wait3A_60, %dma_wait3A_61] : memref<32x64xi32, #tpu.memory_space<vmem>> -> memref<1x64xi32, #tpu.memory_space<vmem>>
      %dma_wait3A_63 = tpu.memref_squeeze %dma_wait3A_62 : memref<1x64xi32, #tpu.memory_space<vmem>> -> memref<64xi32, #tpu.memory_space<vmem>>
      %dma_wait3A_64 = arith.constant 0 : i32
      %dma_wait3A_65 = arith.constant 0 : i32
      %dma_wait3A_66 = tpu.memref_slice %arg13[%dma_wait3A_64, %dma_wait3A_65] : memref<10240x128xf32, #tpu.memory_space<vmem_shared>> -> memref<10240x128xf32, #tpu.memory_space<vmem_shared>>
      tpu.wait_indirect_dma semaphore(%arg19 : memref<!tpu.dma_semaphore, #tpu.memory_space<semaphore_mem>>) src(%arg10 : memref<64x128xf32, #tpu.memory_space<vmem>>) dst(%dma_wait3A_66 : memref<10240x128xf32, #tpu.memory_space<vmem_shared>>)
      %dma_wait3A_67 = arith.constant 2 : i32
      %dma_wait3A_68 = arith.constant 0 : i32
      %dma_wait3A_69 = tpu.memref_slice %arg8[%dma_wait3A_67, %dma_wait3A_68] : memref<32x64xi32, #tpu.memory_space<vmem>> -> memref<1x64xi32, #tpu.memory_space<vmem>>
      %dma_wait3A_70 = tpu.memref_squeeze %dma_wait3A_69 : memref<1x64xi32, #tpu.memory_space<vmem>> -> memref<64xi32, #tpu.memory_space<vmem>>
      %dma_wait3A_71 = arith.constant 0 : i32
      %dma_wait3A_72 = arith.constant 0 : i32
      %dma_wait3A_73 = tpu.memref_slice %arg13[%dma_wait3A_71, %dma_wait3A_72] : memref<10240x128xf32, #tpu.memory_space<vmem_shared>> -> memref<10240x128xf32, #tpu.memory_space<vmem_shared>>
      tpu.wait_indirect_dma semaphore(%arg20 : memref<!tpu.dma_semaphore, #tpu.memory_space<semaphore_mem>>) src(%arg11 : memref<64x128xf32, #tpu.memory_space<vmem>>) dst(%dma_wait3A_73 : memref<10240x128xf32, #tpu.memory_space<vmem_shared>>)
      %dma_wait3A_74 = arith.constant 3 : i32
      %dma_wait3A_75 = arith.constant 0 : i32
      %dma_wait3A_76 = tpu.memref_slice %arg8[%dma_wait3A_74, %dma_wait3A_75] : memref<32x64xi32, #tpu.memory_space<vmem>> -> memref<1x64xi32, #tpu.memory_space<vmem>>
      %dma_wait3A_77 = tpu.memref_squeeze %dma_wait3A_76 : memref<1x64xi32, #tpu.memory_space<vmem>> -> memref<64xi32, #tpu.memory_space<vmem>>
      %dma_wait3A_78 = arith.constant 0 : i32
      %dma_wait3A_79 = arith.constant 0 : i32
      %dma_wait3A_80 = tpu.memref_slice %arg13[%dma_wait3A_78, %dma_wait3A_79] : memref<10240x128xf32, #tpu.memory_space<vmem_shared>> -> memref<10240x128xf32, #tpu.memory_space<vmem_shared>>
      tpu.wait_indirect_dma semaphore(%arg21 : memref<!tpu.dma_semaphore, #tpu.memory_space<semaphore_mem>>) src(%arg12 : memref<64x128xf32, #tpu.memory_space<vmem>>) dst(%dma_wait3A_80 : memref<10240x128xf32, #tpu.memory_space<vmem_shared>>)
    }
    %barrier3A_15 = arith.constant 0 : index
    tpu.barrier barrier_id(%barrier3A_15)
    %eq3A_16 = arith.constant 0 : i32
    %eq3A_17 = arith.cmpi eq, %arg0, %eq3A_16 : i32
    %convert_element_type3A = arith.extui %eq3A_17 : i1 to i32
    %cond3A = arith.constant 0 : i32
    %cond3A_18 = arith.cmpi ne, %convert_element_type3A, %cond3A : i32
    scf.if %cond3A_18 {
      "tpu.region"() ({
        %run_scoped3A = tpu.sem_alloc : memref<!tpu.dma_semaphore, #tpu.memory_space<semaphore_mem>>
        %dma_start3A = arith.constant 0 : i32
        %dma_start3A_19 = tpu.memref_slice %arg6[%mul3A_0, %dma_start3A] : memref<10240x128xf32, #tpu.memory_space<hbm>> -> memref<640x128xf32, #tpu.memory_space<hbm>>
        %dma_start3A_20 = arith.constant 0 : i32
        %dma_start3A_21 = tpu.memref_slice %arg13[%mul3A_0, %dma_start3A_20] : memref<10240x128xf32, #tpu.memory_space<vmem_shared>> -> memref<640x128xf32, #tpu.memory_space<vmem_shared>>
        tpu.enqueue_dma source(%dma_start3A_21 : memref<640x128xf32, #tpu.memory_space<vmem_shared>>) target(%dma_start3A_19 : memref<640x128xf32, #tpu.memory_space<hbm>>) target_semaphore(%run_scoped3A : memref<!tpu.dma_semaphore, #tpu.memory_space<semaphore_mem>>)
        %dma_wait3A = arith.constant 0 : i32
        %dma_wait3A_22 = tpu.memref_slice %arg6[%mul3A_0, %dma_wait3A] : memref<10240x128xf32, #tpu.memory_space<hbm>> -> memref<640x128xf32, #tpu.memory_space<hbm>>
        %dma_wait3A_23 = arith.constant 0 : i32
        %dma_wait3A_24 = tpu.memref_slice %arg13[%mul3A_0, %dma_wait3A_23] : memref<10240x128xf32, #tpu.memory_space<vmem_shared>> -> memref<640x128xf32, #tpu.memory_space<vmem_shared>>
        tpu.wait_dma2 semaphore(%run_scoped3A : memref<!tpu.dma_semaphore, #tpu.memory_space<semaphore_mem>>) src(%dma_wait3A_24 : memref<640x128xf32, #tpu.memory_space<vmem_shared>>) dst(%dma_wait3A_22 : memref<640x128xf32, #tpu.memory_space<hbm>>)
        tpu.yield
      }) : () -> ()
    } else {
    }
    return
  }
}

module attributes {stable_mosaic.version = 14 : i64} {
  func.func @_mm_body(%arg0: i32, %arg1: memref<1280x128xf32, #tpu.memory_space<vmem>>, %arg2: memref<128x128xf32, #tpu.memory_space<vmem>>, %arg3: memref<1280x128xf32, #tpu.memory_space<vmem>>) attributes {dimension_semantics = [#tpu.dimension_semantics<arbitrary>], iteration_bounds = array<i64: 8>, scalar_prefetch = 0 : i64, scratch_operands = 0 : i64, tpu.core_type = #tpu.core_type<tc>, window_params = [{transform_indices = @transform_0, window_bounds = array<i64: 1280, 128>}, {pipeline_mode = #tpu.pipeline_mode<synchronous>, transform_indices = @transform_1, window_bounds = array<i64: 128, 128>}, {transform_indices = @transform_2, window_bounds = array<i64: 1280, 128>}]} {
    %get3A = arith.constant 0 : index
    %get3A_0 = arith.constant 0 : index
    %get3A_1 = vector.load %arg1[%get3A, %get3A_0] : memref<1280x128xf32, #tpu.memory_space<vmem>>, vector<1280x128xf32>
    %get3A_2 = arith.constant 0 : index
    %get3A_3 = arith.constant 0 : index
    %get3A_4 = vector.load %arg2[%get3A_2, %get3A_3] : memref<128x128xf32, #tpu.memory_space<vmem>>, vector<128x128xf32>
    %dot_general3A = arith.constant dense<0.000000e+00> : vector<1280x128xf32>
    %dot_general3A_5 = tpu.matmul %get3A_1, %get3A_4, %dot_general3A {dimension_numbers = #tpu.dot_dimension_numbers<[1], [0], [0], [1], [0, 0, 1, 1], [], []>, transpose_lhs_hint = false} : vector<1280x128xf32>, vector<128x128xf32>, vector<1280x128xf32> -> vector<1280x128xf32>
    %swap3A = arith.constant 0 : index
    %swap3A_6 = arith.constant 0 : index
    %swap3A_7 = vector.load %arg3[%swap3A, %swap3A_6] : memref<1280x128xf32, #tpu.memory_space<vmem>>, vector<1280x128xf32>
    tpu.vector_store %arg3[%swap3A, %swap3A_6], %dot_general3A_5 {strides = array<i32>} : memref<1280x128xf32, #tpu.memory_space<vmem>>, vector<1280x128xf32>,
    return
  }
  func.func @transform_0(%arg0: i32) -> (i32, i32) {
    %c0_i32 = arith.constant 0 : i32
    %c0_i32_0 = arith.constant 0 : i32
    return %arg0, %c0_i32 : i32, i32
  }
  func.func @transform_1(%arg0: i32) -> (i32, i32) {
    %c0_i32 = arith.constant 0 : i32
    %c0_i32_0 = arith.constant 0 : i32
    %c0_i32_1 = arith.constant 0 : i32
    return %c0_i32, %c0_i32_0 : i32, i32
  }
  func.func @transform_2(%arg0: i32) -> (i32, i32) {
    %c0_i32 = arith.constant 0 : i32
    %c0_i32_0 = arith.constant 0 : i32
    return %arg0, %c0_i32 : i32, i32
  }
}

module attributes {stable_mosaic.version = 14 : i64} {
  func.func @_combine_body(%arg0: i32, %arg1: memref<1280x128xf32, #tpu.memory_space<vmem>>, %arg2: memref<128x128xf32, #tpu.memory_space<vmem>>, %arg3: memref<1x128xf32, #tpu.memory_space<vmem>>, %arg4: memref<1280x128xf32, #tpu.memory_space<vmem>>, %arg5: memref<1280x1xf32, #tpu.memory_space<vmem>>, %arg6: memref<1280x128xf32, #tpu.memory_space<vmem>>) attributes {dimension_semantics = [#tpu.dimension_semantics<arbitrary>], iteration_bounds = array<i64: 8>, scalar_prefetch = 0 : i64, scratch_operands = 0 : i64, tpu.core_type = #tpu.core_type<tc>, window_params = [{transform_indices = @transform_0, window_bounds = array<i64: 1280, 128>}, {pipeline_mode = #tpu.pipeline_mode<synchronous>, transform_indices = @transform_1, window_bounds = array<i64: 128, 128>}, {pipeline_mode = #tpu.pipeline_mode<synchronous>, transform_indices = @transform_2, window_bounds = array<i64: 1, 128>}, {transform_indices = @transform_3, window_bounds = array<i64: 1280, 128>}, {transform_indices = @transform_4, window_bounds = array<i64: 1280, 1>}, {transform_indices = @transform_5, window_bounds = array<i64: 1280, 128>}]} {
    %get3A = arith.constant 0 : index
    %get3A_0 = arith.constant 0 : index
    %get3A_1 = vector.load %arg1[%get3A, %get3A_0] : memref<1280x128xf32, #tpu.memory_space<vmem>>, vector<1280x128xf32>
    %get3A_2 = arith.constant 0 : index
    %get3A_3 = arith.constant 0 : index
    %get3A_4 = vector.load %arg2[%get3A_2, %get3A_3] : memref<128x128xf32, #tpu.memory_space<vmem>>, vector<128x128xf32>
    %dot_general3A = arith.constant dense<0.000000e+00> : vector<1280x128xf32>
    %dot_general3A_5 = tpu.matmul %get3A_1, %get3A_4, %dot_general3A {dimension_numbers = #tpu.dot_dimension_numbers<[1], [0], [0], [1], [0, 0, 1, 1], [], []>, transpose_lhs_hint = false} : vector<1280x128xf32>, vector<128x128xf32>, vector<1280x128xf32> -> vector<1280x128xf32>
    %get3A_6 = arith.constant 0 : index
    %get3A_7 = arith.constant 0 : index
    %get3A_8 = vector.load %arg3[%get3A_6, %get3A_7] : memref<1x128xf32, #tpu.memory_space<vmem>>, vector<1x128xf32>
    %add3A = vector.broadcast %get3A_8 : vector<1x128xf32> to vector<1280x128xf32>
    %add3A_9 = arith.addf %dot_general3A_5, %add3A : vector<1280x128xf32>
    %get3A_10 = arith.constant 0 : index
    %get3A_11 = arith.constant 0 : index
    %get3A_12 = vector.load %arg5[%get3A_10, %get3A_11] : memref<1280x1xf32, #tpu.memory_space<vmem>>, vector<1280x1xf32>
    %get3A_13 = arith.constant 0 : index
    %get3A_14 = arith.constant 0 : index
    %get3A_15 = vector.load %arg4[%get3A_13, %get3A_14] : memref<1280x128xf32, #tpu.memory_space<vmem>>, vector<1280x128xf32>
    %mul3A = vector.broadcast %get3A_12 : vector<1280x1xf32> to vector<1280x128xf32>
    %mul3A_16 = arith.mulf %mul3A, %get3A_15 : vector<1280x128xf32>
    %add3A_17 = arith.addf %add3A_9, %mul3A_16 : vector<1280x128xf32>
    %mul3A_18 = arith.constant 1280 : i32
    %mul3A_19 = arith.muli %arg0, %mul3A_18 : i32
    %iota3A = tpu.iota {dimensions = array<i32: 0>} : vector<1280x1xi32>
    %add3A_20 = vector.broadcast %mul3A_19 : i32 to vector<1280x1xi32>
    %add3A_21 = arith.addi %add3A_20, %iota3A : vector<1280x1xi32>
    %lt3A = arith.constant 10000 : i32
    %lt3A_22 = vector.broadcast %lt3A : i32 to vector<1280x1xi32>
    %lt3A_23 = arith.cmpi slt, %add3A_21, %lt3A_22 : vector<1280x1xi32>
    %jit3A = arith.constant 0.000000e+00 : f32
    %broadcast_in_dim3A = vector.shape_cast %lt3A_23 : vector<1280x1xi1> to vector<1280x1xi1>
    %broadcast_in_dim3A_24 = vector.broadcast %broadcast_in_dim3A : vector<1280x1xi1> to vector<1280x128xi1>
    %broadcast_in_dim3A_25 = vector.broadcast %jit3A : f32 to vector<1280x128xf32>
    %select_n3A = arith.select %broadcast_in_dim3A_24, %add3A_17, %broadcast_in_dim3A_25 : vector<1280x128xi1>, vector<1280x128xf32>
    %swap3A = arith.constant 0 : index
    %swap3A_26 = arith.constant 0 : index
    %swap3A_27 = vector.load %arg6[%swap3A, %swap3A_26] : memref<1280x128xf32, #tpu.memory_space<vmem>>, vector<1280x128xf32>
    tpu.vector_store %arg6[%swap3A, %swap3A_26], %select_n3A {strides = array<i32>} : memref<1280x128xf32, #tpu.memory_space<vmem>>, vector<1280x128xf32>,
    return
  }
  func.func @transform_0(%arg0: i32) -> (i32, i32) {
    %c0_i32 = arith.constant 0 : i32
    %c0_i32_0 = arith.constant 0 : i32
    return %arg0, %c0_i32 : i32, i32
  }
  func.func @transform_1(%arg0: i32) -> (i32, i32) {
    %c0_i32 = arith.constant 0 : i32
    %c0_i32_0 = arith.constant 0 : i32
    %c0_i32_1 = arith.constant 0 : i32
    return %c0_i32, %c0_i32_0 : i32, i32
  }
  func.func @transform_2(%arg0: i32) -> (i32, i32) {
    %c0_i32 = arith.constant 0 : i32
    %c0_i32_0 = arith.constant 0 : i32
    %c0_i32_1 = arith.constant 0 : i32
    return %c0_i32, %c0_i32_0 : i32, i32
  }
  func.func @transform_3(%arg0: i32) -> (i32, i32) {
    %c0_i32 = arith.constant 0 : i32
    %c0_i32_0 = arith.constant 0 : i32
    return %arg0, %c0_i32 : i32, i32
  }
  func.func @transform_4(%arg0: i32) -> (i32, i32) {
    %c0_i32 = arith.constant 0 : i32
    %c0_i32_0 = arith.constant 0 : i32
    return %arg0, %c0_i32 : i32, i32
  }
  func.func @transform_5(%arg0: i32) -> (i32, i32) {
    %c0_i32 = arith.constant 0 : i32
    %c0_i32_0 = arith.constant 0 : i32
    return %arg0, %c0_i32 : i32, i32
  }
}

module attributes {stable_mosaic.version = 14 : i64} {
  func.func @_dinv_body(%arg0: i32, %arg1: memref<1280x128xf32, #tpu.memory_space<vmem>>, %arg2: memref<1280x1xf32, #tpu.memory_space<vmem>>) attributes {dimension_semantics = [#tpu.dimension_semantics<arbitrary>], iteration_bounds = array<i64: 8>, scalar_prefetch = 0 : i64, scratch_operands = 0 : i64, tpu.core_type = #tpu.core_type<tc>, window_params = [{transform_indices = @transform_0, window_bounds = array<i64: 1280, 128>}, {transform_indices = @transform_1, window_bounds = array<i64: 1280, 1>}]} {
    %get3A = arith.constant 0 : index
    %get3A_0 = arith.constant 0 : index
    %get3A_1 = vector.load %arg1[%get3A, %get3A_0] : memref<1280x128xf32, #tpu.memory_space<vmem>>, vector<1280x1xf32>
    %max3A = arith.constant 1.000000e+00 : f32
    %max3A_2 = vector.broadcast %max3A : f32 to vector<1280x1xf32>
    %max3A_3 = arith.maximumf %get3A_1, %max3A_2 : vector<1280x1xf32>
    %div3A = arith.constant 1.000000e+00 : f32
    %div3A_4 = vector.broadcast %div3A : f32 to vector<1280x1xf32>
    %div3A_5 = arith.divf %div3A_4, %max3A_3 : vector<1280x1xf32>
    %swap3A = arith.constant 0 : index
    %swap3A_6 = arith.constant 0 : index
    %swap3A_7 = vector.load %arg2[%swap3A, %swap3A_6] : memref<1280x1xf32, #tpu.memory_space<vmem>>, vector<1280x1xf32>
    tpu.vector_store %arg2[%swap3A, %swap3A_6], %div3A_5 {strides = array<i32>} : memref<1280x1xf32, #tpu.memory_space<vmem>>, vector<1280x1xf32>,
    return
  }
  func.func @transform_0(%arg0: i32) -> (i32, i32) {
    %c0_i32 = arith.constant 0 : i32
    %c0_i32_0 = arith.constant 0 : i32
    return %arg0, %c0_i32 : i32, i32
  }
  func.func @transform_1(%arg0: i32) -> (i32, i32) {
    %c0_i32 = arith.constant 0 : i32
    %c0_i32_0 = arith.constant 0 : i32
    return %arg0, %c0_i32 : i32, i32
  }
}

module attributes {stable_mosaic.version = 14 : i64} {
  func.func @_mm_body(%arg0: i32, %arg1: memref<1280x128xf32, #tpu.memory_space<vmem>>, %arg2: memref<128x128xf32, #tpu.memory_space<vmem>>, %arg3: memref<1280x128xf32, #tpu.memory_space<vmem>>) attributes {dimension_semantics = [#tpu.dimension_semantics<arbitrary>], iteration_bounds = array<i64: 8>, scalar_prefetch = 0 : i64, scratch_operands = 0 : i64, tpu.core_type = #tpu.core_type<tc>, window_params = [{transform_indices = @transform_0, window_bounds = array<i64: 1280, 128>}, {pipeline_mode = #tpu.pipeline_mode<synchronous>, transform_indices = @transform_1, window_bounds = array<i64: 128, 128>}, {transform_indices = @transform_2, window_bounds = array<i64: 1280, 128>}]} {
    %get3A = arith.constant 0 : index
    %get3A_0 = arith.constant 0 : index
    %get3A_1 = vector.load %arg1[%get3A, %get3A_0] : memref<1280x128xf32, #tpu.memory_space<vmem>>, vector<1280x128xf32>
    %max3A = arith.constant 0.000000e+00 : f32
    %max3A_2 = vector.broadcast %max3A : f32 to vector<1280x128xf32>
    %max3A_3 = arith.maximumf %get3A_1, %max3A_2 : vector<1280x128xf32>
    %get3A_4 = arith.constant 0 : index
    %get3A_5 = arith.constant 0 : index
    %get3A_6 = vector.load %arg2[%get3A_4, %get3A_5] : memref<128x128xf32, #tpu.memory_space<vmem>>, vector<128x128xf32>
    %dot_general3A = arith.constant dense<0.000000e+00> : vector<1280x128xf32>
    %dot_general3A_7 = tpu.matmul %max3A_3, %get3A_6, %dot_general3A {dimension_numbers = #tpu.dot_dimension_numbers<[1], [0], [0], [1], [0, 0, 1, 1], [], []>, transpose_lhs_hint = false} : vector<1280x128xf32>, vector<128x128xf32>, vector<1280x128xf32> -> vector<1280x128xf32>
    %swap3A = arith.constant 0 : index
    %swap3A_8 = arith.constant 0 : index
    %swap3A_9 = vector.load %arg3[%swap3A, %swap3A_8] : memref<1280x128xf32, #tpu.memory_space<vmem>>, vector<1280x128xf32>
    tpu.vector_store %arg3[%swap3A, %swap3A_8], %dot_general3A_7 {strides = array<i32>} : memref<1280x128xf32, #tpu.memory_space<vmem>>, vector<1280x128xf32>,
    return
  }
  func.func @transform_0(%arg0: i32) -> (i32, i32) {
    %c0_i32 = arith.constant 0 : i32
    %c0_i32_0 = arith.constant 0 : i32
    return %arg0, %c0_i32 : i32, i32
  }
  func.func @transform_1(%arg0: i32) -> (i32, i32) {
    %c0_i32 = arith.constant 0 : i32
    %c0_i32_0 = arith.constant 0 : i32
    %c0_i32_1 = arith.constant 0 : i32
    return %c0_i32, %c0_i32_0 : i32, i32
  }
  func.func @transform_2(%arg0: i32) -> (i32, i32) {
    %c0_i32 = arith.constant 0 : i32
    %c0_i32_0 = arith.constant 0 : i32
    return %arg0, %c0_i32 : i32, i32
  }
}

module attributes {stable_mosaic.version = 14 : i64} {
  func.func @_combine_body(%arg0: i32, %arg1: memref<1280x128xf32, #tpu.memory_space<vmem>>, %arg2: memref<128x128xf32, #tpu.memory_space<vmem>>, %arg3: memref<1x128xf32, #tpu.memory_space<vmem>>, %arg4: memref<1280x128xf32, #tpu.memory_space<vmem>>, %arg5: memref<1280x1xf32, #tpu.memory_space<vmem>>, %arg6: memref<1280x128xf32, #tpu.memory_space<vmem>>) attributes {dimension_semantics = [#tpu.dimension_semantics<arbitrary>], iteration_bounds = array<i64: 8>, scalar_prefetch = 0 : i64, scratch_operands = 0 : i64, tpu.core_type = #tpu.core_type<tc>, window_params = [{transform_indices = @transform_0, window_bounds = array<i64: 1280, 128>}, {pipeline_mode = #tpu.pipeline_mode<synchronous>, transform_indices = @transform_1, window_bounds = array<i64: 128, 128>}, {pipeline_mode = #tpu.pipeline_mode<synchronous>, transform_indices = @transform_2, window_bounds = array<i64: 1, 128>}, {transform_indices = @transform_3, window_bounds = array<i64: 1280, 128>}, {transform_indices = @transform_4, window_bounds = array<i64: 1280, 1>}, {transform_indices = @transform_5, window_bounds = array<i64: 1280, 128>}]} {
    %get3A = arith.constant 0 : index
    %get3A_0 = arith.constant 0 : index
    %get3A_1 = vector.load %arg1[%get3A, %get3A_0] : memref<1280x128xf32, #tpu.memory_space<vmem>>, vector<1280x128xf32>
    %max3A = arith.constant 0.000000e+00 : f32
    %max3A_2 = vector.broadcast %max3A : f32 to vector<1280x128xf32>
    %max3A_3 = arith.maximumf %get3A_1, %max3A_2 : vector<1280x128xf32>
    %get3A_4 = arith.constant 0 : index
    %get3A_5 = arith.constant 0 : index
    %get3A_6 = vector.load %arg2[%get3A_4, %get3A_5] : memref<128x128xf32, #tpu.memory_space<vmem>>, vector<128x128xf32>
    %dot_general3A = arith.constant dense<0.000000e+00> : vector<1280x128xf32>
    %dot_general3A_7 = tpu.matmul %max3A_3, %get3A_6, %dot_general3A {dimension_numbers = #tpu.dot_dimension_numbers<[1], [0], [0], [1], [0, 0, 1, 1], [], []>, transpose_lhs_hint = false} : vector<1280x128xf32>, vector<128x128xf32>, vector<1280x128xf32> -> vector<1280x128xf32>
    %get3A_8 = arith.constant 0 : index
    %get3A_9 = arith.constant 0 : index
    %get3A_10 = vector.load %arg3[%get3A_8, %get3A_9] : memref<1x128xf32, #tpu.memory_space<vmem>>, vector<1x128xf32>
    %add3A = vector.broadcast %get3A_10 : vector<1x128xf32> to vector<1280x128xf32>
    %add3A_11 = arith.addf %dot_general3A_7, %add3A : vector<1280x128xf32>
    %get3A_12 = arith.constant 0 : index
    %get3A_13 = arith.constant 0 : index
    %get3A_14 = vector.load %arg5[%get3A_12, %get3A_13] : memref<1280x1xf32, #tpu.memory_space<vmem>>, vector<1280x1xf32>
    %get3A_15 = arith.constant 0 : index
    %get3A_16 = arith.constant 0 : index
    %get3A_17 = vector.load %arg4[%get3A_15, %get3A_16] : memref<1280x128xf32, #tpu.memory_space<vmem>>, vector<1280x128xf32>
    %mul3A = vector.broadcast %get3A_14 : vector<1280x1xf32> to vector<1280x128xf32>
    %mul3A_18 = arith.mulf %mul3A, %get3A_17 : vector<1280x128xf32>
    %add3A_19 = arith.addf %add3A_11, %mul3A_18 : vector<1280x128xf32>
    %mul3A_20 = arith.constant 1280 : i32
    %mul3A_21 = arith.muli %arg0, %mul3A_20 : i32
    %iota3A = tpu.iota {dimensions = array<i32: 0>} : vector<1280x1xi32>
    %add3A_22 = vector.broadcast %mul3A_21 : i32 to vector<1280x1xi32>
    %add3A_23 = arith.addi %add3A_22, %iota3A : vector<1280x1xi32>
    %lt3A = arith.constant 10000 : i32
    %lt3A_24 = vector.broadcast %lt3A : i32 to vector<1280x1xi32>
    %lt3A_25 = arith.cmpi slt, %add3A_23, %lt3A_24 : vector<1280x1xi32>
    %jit3A = arith.constant 0.000000e+00 : f32
    %broadcast_in_dim3A = vector.shape_cast %lt3A_25 : vector<1280x1xi1> to vector<1280x1xi1>
    %broadcast_in_dim3A_26 = vector.broadcast %broadcast_in_dim3A : vector<1280x1xi1> to vector<1280x128xi1>
    %broadcast_in_dim3A_27 = vector.broadcast %jit3A : f32 to vector<1280x128xf32>
    %select_n3A = arith.select %broadcast_in_dim3A_26, %add3A_19, %broadcast_in_dim3A_27 : vector<1280x128xi1>, vector<1280x128xf32>
    %swap3A = arith.constant 0 : index
    %swap3A_28 = arith.constant 0 : index
    %swap3A_29 = vector.load %arg6[%swap3A, %swap3A_28] : memref<1280x128xf32, #tpu.memory_space<vmem>>, vector<1280x128xf32>
    tpu.vector_store %arg6[%swap3A, %swap3A_28], %select_n3A {strides = array<i32>} : memref<1280x128xf32, #tpu.memory_space<vmem>>, vector<1280x128xf32>,
    return
  }
  func.func @transform_0(%arg0: i32) -> (i32, i32) {
    %c0_i32 = arith.constant 0 : i32
    %c0_i32_0 = arith.constant 0 : i32
    return %arg0, %c0_i32 : i32, i32
  }
  func.func @transform_1(%arg0: i32) -> (i32, i32) {
    %c0_i32 = arith.constant 0 : i32
    %c0_i32_0 = arith.constant 0 : i32
    %c0_i32_1 = arith.constant 0 : i32
    return %c0_i32, %c0_i32_0 : i32, i32
  }
  func.func @transform_2(%arg0: i32) -> (i32, i32) {
    %c0_i32 = arith.constant 0 : i32
    %c0_i32_0 = arith.constant 0 : i32
    %c0_i32_1 = arith.constant 0 : i32
    return %c0_i32, %c0_i32_0 : i32, i32
  }
  func.func @transform_3(%arg0: i32) -> (i32, i32) {
    %c0_i32 = arith.constant 0 : i32
    %c0_i32_0 = arith.constant 0 : i32
    return %arg0, %c0_i32 : i32, i32
  }
  func.func @transform_4(%arg0: i32) -> (i32, i32) {
    %c0_i32 = arith.constant 0 : i32
    %c0_i32_0 = arith.constant 0 : i32
    return %arg0, %c0_i32 : i32, i32
  }
  func.func @transform_5(%arg0: i32) -> (i32, i32) {
    %c0_i32 = arith.constant 0 : i32
    %c0_i32_0 = arith.constant 0 : i32
    return %arg0, %c0_i32 : i32, i32
  }
}

</mosaic_0001>

<sc_bundles>
// kernel: sage_sc_agg.4.cloned.1.call-start
scs
__scs_entry_jumppad:
0x0: {  	(pc) =	sbr.rel $0x88, $3  }
0x1: {  	(tag) =	ssettag $0x0;
	lr =	simm.s32 $0x1  }
0x2: {  	[smem:$0x3F96] =	sst lr;
	_ =	strace $0xD0000000  }
0x3: {  	_ = 	snop  }
0x4: {  	_ = 	snop  }
0x5: {  	_ = 	snop  }
0x6: {  	_ = 	snop  }
0x7: {  	_ = 	snop  }
__scs_overlays_trampoline_lowered:
0x8: {  	[smem:$0x3FA5] =	sst s0  }
0x9: {  	[smem:$0x3FA6] =	sst s1  }
0xa: {  	[smem:$0x3FA7] =	sst s2  }
0xb: {  	[smem:$0x3FA8] =	sst s3  }
0xc: {  	[smem:$0x3FA9] =	sst s4  }
0xd: {  	[smem:$0x3FAA] =	sst s5  }
0xe: {  	[smem:$0x3FAB] =	sst s6  }
0xf: {  	[smem:$0x3FAC] =	sst s7  }
0x10: {  	[smem:$0x3FAD] =	sst s8  }
0x11: {  	[smem:$0x3FAE] =	sst s9;
	s0 =	simm.s32 @!p0 $0x0  }
0x12: {  	s1 =	sld [smem:$0x3F94];
	s0 =	simm.s32 @p0 $0x1  }
0x13: {  	[smem:$0x3FAF] =	sst s0;
	s0 =	simm.s32 @!p1 $0x0  }
0x14: {  	s2 =	sld [smem:$0x3F93];
	s0 =	simm.s32 @p1 $0x1  }
0x15: {  	[smem:$0x3FB0] =	sst s0;
	s0 =	simm.s32 @!p2 $0x0  }
0x16: {  	s3 =	sld [smem:$0x3FDB];
	s0 =	simm.s32 @p2 $0x1  }
0x17: {  	s4 =	simm.s32 $0x1BF5;
	[smem:$0x3FB2] =	sst s0  }
0x18: {  	s0 =	sld [smem:$0x3F95];
	_ =	swait.ge [sflag:s4], $0x0  }
0x19: {  	s7 =	sld [smem:$0x3F96]  }
0x1a: {  	s8 =	sadd.s32 $0xFFFFE003, lr  }
0x1b: {  	s9 =	sadd.s32 $0xFFFFFEF7, lr;
	s5 =	simm.s32 $0xFFFFFFFF;
	p2 =	slt.u32 s8, $0xFFFFF086  }
0x1c: {  	p1 =	slt.u32 s9, $0xF7A;
	s5 =	simm.s32 @!p2 $0x0  }
0x1d: {  	s5 =	simm.s32 @p1 $0x1;
	p0 =	seq.s32 s7, s2  }
0x1e: {  	s7 =	smul.u32 @!p0 $0xF7A, s2;
	p2 =	seq.s32 @!p0 s5, $0x0  }
0x1f: {  	s9 =	smul.u32 $0xF7A, s1;
	s8 =	simm.s32 @!p0 $0x1BF5;
	p2 =	por !p2, p0  }
0x20: {  	[sflag:s8] =	ssyncset.s32 @!p0 $0xFFFFF086;
	s6 =	sadd.s32 @!p0 s3, s7;
	s7 =	simm.s32 @!p0 $0x108  }
0x21: {  	s3 =	sadd.s32 s3, s9;
	s6 =	sadd.s32 @!p0 $0x88, s6;
	s7 =	simm.s32 @p2 $0x1082  }
0x22: {  	[simem:s7], [sflag:s8] =	dma.local @!p0 [hbm:s6], $0xF7A  }
0x23: {  	s9 =	sor.u32 $0xD0000000, s2;
	s6 =	simm.s32 $0x108;
	_ =	swait.ge @!p0 [sflag:s8], $0x0  }
0x24: {  	s3 =	sadd.s32 $0x88, s3;
	s6 =	simm.s32 @!p1 $0x1082;
	[sflag:s4] =	ssyncset.s32 $0xFFFFF086  }
0x25: {  	[simem:s6], [sflag:s4] =	dma.local [hbm:s3], $0xF7A  }
0x26: {  	[smem:$0x3F96] =	sst s1;
	(tag) =	ssettag s2;
	_ =	strace s9  }
0x27: {  	s1 =	sld [smem:$0x3FA6]  }
0x28: {  	s2 =	sld [smem:$0x3FA7]  }
0x29: {  	s4 =	sld [smem:$0x3FA9]  }
0x2a: {  	p0 =	seq.s32 s5, $0x0;
	s5 =	sld [smem:$0x3FAA]  }
0x2b: {  	s6 =	sld [smem:$0x3FAB]  }
0x2c: {  	s7 =	sld [smem:$0x3FAC]  }
0x2d: {  	s3 =	simm.s32 $0x108;
	s8 =	sld [smem:$0x3FAD]  }
0x2e: {  	s3 =	simm.s32 @!p0 $0x1082;
	s9 =	sld [smem:$0x3FAE]  }
0x2f: {  	lr =	sadd.s32 s0, s3;
	s0 =	sld [smem:$0x3FA5]  }
0x30: {  	s3 =	sld [smem:$0x3FA8]  }
0x31: {  	[smem:$0x3FB1] =	sst s10  }
0x32: {  	s10 =	sld [smem:$0x3FAF];
	_ =	sdelay $0x3  }
0x33: {  	p0 =	seq.s32 s10, $0x1;
	s10 =	sld [smem:$0x3FB1];
	_ =	sdelay $0x3  }
0x34: {  	[smem:$0x3FB1] =	sst s10  }
0x35: {  	s10 =	sld [smem:$0x3FB0];
	_ =	sdelay $0x3  }
0x36: {  	p1 =	seq.s32 s10, $0x1;
	s10 =	sld [smem:$0x3FB1];
	_ =	sdelay $0x3  }
0x37: {  	[smem:$0x3FB1] =	sst s10  }
0x38: {  	s10 =	sld [smem:$0x3FB2]  }
0x39: {  	_ = 	snop;
	(pc) =	sbr.ind lr, $3  }
0x3a: {  	_ = 	snop  }
0x3b: {  	_ = 	snop  }
0x3c: {  	p2 =	seq.s32 s10, $0x1;
	s10 =	sld [smem:$0x3FB1]  }
0x3d: {  	_ =	shalt  }
0x3e: {  	_ =	shalt  }
0x3f: {  	_ =	shalt  }
0x40: {  	_ =	shalt  }
0x41: {  	_ =	shalt  }
0x42: {  	_ =	shalt  }
0x43: {  	_ =	shalt  }
0x44: {  	_ =	shalt  }
0x45: {  	_ =	shalt  }
0x46: {  	_ =	shalt  }
0x47: {  	_ =	shalt  }
0x48: {  	_ =	shalt  }
0x49: {  	_ =	shalt  }
0x4a: {  	_ =	shalt  }
0x4b: {  	_ =	shalt  }
0x4c: {  	_ =	shalt  }
0x4d: {  	_ =	shalt  }
0x4e: {  	_ =	shalt  }
0x4f: {  	_ =	shalt  }
0x50: {  	_ =	shalt  }
0x51: {  	_ =	shalt  }
0x52: {  	_ =	shalt  }
0x53: {  	_ =	shalt  }
0x54: {  	_ =	shalt  }
0x55: {  	_ =	shalt  }
0x56: {  	_ =	shalt  }
0x57: {  	_ =	shalt  }
0x58: {  	_ =	shalt  }
0x59: {  	_ =	shalt  }
0x5a: {  	_ =	shalt  }
0x5b: {  	_ =	shalt  }
0x5c: {  	_ =	shalt  }
0x5d: {  	_ =	shalt  }
0x5e: {  	_ =	shalt  }
0x5f: {  	_ =	shalt  }
0x60: {  	_ =	shalt  }
0x61: {  	_ =	shalt  }
0x62: {  	_ =	shalt  }
0x63: {  	_ =	shalt  }
0x64: {  	_ =	shalt  }
0x65: {  	_ =	shalt  }
0x66: {  	_ =	shalt  }
0x67: {  	_ =	shalt  }
0x68: {  	_ =	shalt  }
0x69: {  	_ =	shalt  }
0x6a: {  	_ =	shalt  }
0x6b: {  	_ =	shalt  }
0x6c: {  	_ =	shalt  }
0x6d: {  	_ =	shalt  }
0x6e: {  	_ =	shalt  }
0x6f: {  	_ =	shalt  }
0x70: {  	_ =	shalt  }
0x71: {  	_ =	shalt  }
0x72: {  	_ =	shalt  }
0x73: {  	_ =	shalt  }
0x74: {  	_ =	shalt  }
0x75: {  	_ =	shalt  }
0x76: {  	_ =	shalt  }
0x77: {  	_ =	shalt  }
0x78: {  	_ =	shalt  }
0x79: {  	_ =	shalt  }
0x7a: {  	_ =	shalt  }
0x7b: {  	_ =	shalt  }
0x7c: {  	_ =	shalt  }
0x7d: {  	_ =	shalt  }
0x7e: {  	_ =	shalt  }
0x7f: {  	_ =	shalt  }
0x80: {  	_ =	shalt  }
0x81: {  	_ =	shalt  }
0x82: {  	_ =	shalt  }
0x83: {  	_ =	shalt  }
0x84: {  	_ =	shalt  }
0x85: {  	_ =	shalt  }
0x86: {  	_ =	shalt  }
0x87: {  	_ =	shalt  }
.Lfunc_end0:
.L_simem_size_0:
called_computation.1_lowered:
.L_overlay_start_0:
0x88: {  	s2 =	sld [smem:$0x3FD9]  }
0x89: {  	s3 =	sld [smem:$0x3FFE];
	_ =	sdelay $0x1  }
0x8a: {  	s1 =	srdreg.scid  }
0x8b: {  	s0 =	sand.u32 $0x1, s1  }
0x8c: {  	s14 =	sshll.u32 s0, $0xA;
	s2 =	sadd.s32 s3, s2  }
0x8d: {  	s2 =	sadd.s32 s2, s14  }
0x8e: {  	[smem:$0x3FBD] =	sst s2  }
0x8f: {  	_ = 	snop  }
0x90: {  	s2 =	sld [smem:$0x3FD0];
	_ =	sdelay $0x2  }
0x91: {  	s15 =	simm.s32 $0xA;
	s4 =	simm.s32 $0x10  }
0x92: {  	[smem:s4], [sflag:s15] =	dma.local [hbm:s2], $0x1  }
0x93: {  	_ =	swait.eq [sflag:s15], $0x1  }
0x94: {  	[sflag:s15] =	ssyncset.done $0x0  }
0x95: {  	[sflag:s15] =	ssyncadd.s32 $0xFFFFFFFF  }
0x96: {  	s16 =	sld [smem:$0x10];
	(tm) =	ssettm $0x1  }
0x97: {  	s17 =	sld [smem:$0x3FFB];
	_ =	sdelay $0x3  }
0x98: {  	_ =	strace s17  }
0x99: {  	s3 =	sld [smem:$0x3FFC];
	_ =	sdelay $0x3  }
0x9a: {  	_ =	strace s3  }
0x9b: {  	s3 =	sld [smem:$0x3FFD];
	_ =	sdelay $0x3  }
0x9c: {  	_ =	strace s3  }
0x9d: {  	_ =	strace $0x8FFFFFFF  }
0x9e: {  	s18 =	sld [smem:$0x3FDB];
	_ =	sdelay $0x1  }
0x9f: {  	s19 =	simm.s32 $_scs_section_size  }
0xa0: {  	s5 =	simm.s32 $_size__tile_overlayer_lowered;
	s6 =	simm.s32 $_tile_overlayer_lowered  }
0xa1: {  	s22 =	simm.s32 $0x1BFF;
	s21 =	sshll.u32 s6, $0x1;
	s3 =	sadd.s32 s19, s18  }
0xa2: {  	s7 =	simm.s32 $0x0;
	s20 =	sshll.u32 s5, $0x1;
	s5 =	sadd.s32 s21, s3  }
0xa3: {  	[timem:s7], [sflag:s22] =	dma.local [hbm:s5], s20  }
0xa4: {  	_ =	swait.ge [sflag:s22], s20  }
0xa5: {  	s4 =	ssub.s32 $0x0, s20;
	[sflag:s22] =	ssyncset.done $0x0  }
0xa6: {  	[sflag:s22] =	ssyncadd.s32 s4;
	_ =	sdelay $0x1  }
0xa7: {  	s23 =	simm.s32 $0x1B8B  }
0xa8: {  	_ =	swait.ge [sflag:s23], $0x1  }
0xa9: {  	[sflag:s23] =	ssyncset.done $0x0  }
0xaa: {  	s25 =	simm.s32 $0x1B8E;
	s24 =	sld [smem:$0x3FFE];
	[sflag:s23] =	ssyncadd.s32 $0xFFFFFFFF  }
0xab: {  	s26 =	simm.s32 $execute0_lowered;
	[smem:$0x3FD2] =	sst s25  }
0xac: {  	s5 =	sshll.u32 s26, $0x1;
	_ =	strace $0x80000049;
	[dreg:$0x1] =	wrdreg $0xFFFFFFFF  }
0xad: {  	s28 =	simm.s32 $_size_execute0_lowered;
	s3 =	sadd.s32 s3, s5;
	[dreg:$0x0] =	wrdreg $0x0  }
0xae: {  	s5 =	sshll.u32 s28, $0x1;
	[dreg:$0x2] =	wrdreg s3  }
0xaf: {  	[dreg:$0x3] =	wrdreg s5  }
0xb0: {  	[dreg:$0x4] =	wrdreg $0xC0  }
0xb1: {  	_ =	task [dreg:s7], $0x5FFFF  }
0xb2: {  	[dreg:$0x1] =	wrdreg $0xFFFFFFFF  }
0xb3: {  	[dreg:$0x0] =	wrdreg $0x60  }
0xb4: {  	[dreg:$0x2] =	wrdreg s24  }
0xb5: {  	[dreg:$0x3] =	wrdreg s16  }
0xb6: {  	[dreg:$0x4] =	wrdreg $0xA0000  }
0xb7: {  	[dreg:$0x5] =	wrdreg $0x9  }
0xb8: {  	_ =	task.clear_ibuf [dreg:s7], $0x6FFFF;
	_ =	strace $0x90000049  }
0xb9: {  	s29 =	simm.s32 $0x9;
	_ =	strace $0x8000004B  }
0xba: {  	_ =	swait.ge [sflag:s29], $0x1  }
0xbb: {  	[sflag:s29] =	ssyncadd.s32 $0xFFFFFFFF  }
0xbc: {  	_ =	strace $0x9000004B  }
0xbd: {  	_ =	sfence  }
0xbe: {  	s30 =	sld [smem:$0x0];
	_ =	sdelay $0x2  }
0xbf: {  	s31 =	sshll.u32 s1, $0xD;
	s1 =	sshrl.u32 s1, $0x2  }
0xc0: {  	s3 =	sand.u32 $0x4000, s31;
	s1 =	sadd.s32 s1, s30  }
0xc1: {  	s0 =	sor.u32 s3, s0;
	s1 =	sshll.u32 s1, $0x11  }
0xc2: {  	s0 =	sor.u32 s1, s0  }
0xc3: {  	s0 =	sadd.s32 $0x8F2B, s0  }
0xc4: {  	[sflag:s0] =	ssyncadd.remote.s32 $0x1  }
0xc5: {  	_ =	sfence.sel $0xFFFF  }
0xc6: {  	[dreg:$0x0] =	wrdreg $0xFFFFFFFF;
	(pc) =	sbr.abs _section_cstart, $3  }
0xc7: {  	[dreg:$0x1] =	wrdreg $0xFFFFFFFF  }
0xc8: {  	_ =	task.clear_ibuf [dreg:s7], $0x2FFFF;
	_ =	strace $0x9FFFFFFF  }
0xc9: {  	(tm) =	ssettm $0x7FFFFFFF  }
tec
execute0_lowered:
.L_overlay_start_1:
0x0: {  	(tag) =	ssettag $0x1  }
0x1: {  	s0 =	rddreg [dreg:$0x0]  }
0x2: {  	s3 =	rddreg [dreg:$0x2];
	s21 =	simm.s32 $0x0;
	s8 =	stileid.u32  }
0x3: {  	s2 =	srdreg.scid;
	s13 =	simm.s32 $0x9;
	s14 =	simm.s32 $0x1000  }
0x4: {  	s15 =	simm.s32 $0x40;
	s16 =	simm.s32 $0x2000;
	s18 =	simm.s32 $0x4000  }
0x5: {  	s20 =	simm.s32 $0x6000;
	s22 =	simm.s32 $0x8000;
	s23 =	simm.s32 $0x1  }
0x6: {  	s24 =	simm.s32 $0x5;
	s29 =	simm.s32 $0x6;
	s31 =	simm.s32 $0x3  }
0x7: {  	s10 =	simm.s32 $0x300;
	s11 =	simm.s32 $0x1180;
	s12 =	simm.s32 $0xF80  }
0x8: {  	s17 =	simm.s32 $0x1F00;
	s19 =	simm.s32 $0x1F80;
	s1 =	smul.u32 $0x2800, s8  }
0x9: {  	[smem:$0x7FF] =	sst s21;
	s2 =	sand.u32 $0x1, s2;
	s4 =	smul.u32 $0x50000, s8  }
0xa: {  	s5 =	sadd.s32 $0x17200, s0;
	s6 =	sadd.s32 $0x3200, s0;
	s26 =	sshll.u32 s8, $0x6  }
0xb: {  	_ =	strace $0x8000004A;
	s7 =	ssub.s32 $0x2, s2;
	p0 =	sne.s32 s2, $0x0  }
0xc: {  	s2 =	simm.s32 $0x7;
	s0 =	sadd.s32 s1, s0;
	s25 =	sshrl.u32 s7, $0x1  }
0xd: {  	s4 =	sshrl.u32 s4, $0x2;
	s1 =	ssub.s32 s7, s25;
	s9 =	sadd.s32 $0x3F200, s0  }
0xe: {  	s4 =	sadd.s32 s4, s3;
	s7 =	sor.u32 $0x1C09, s26;
	[dreg:$0x5] =	wrdreg s9  }
.Ltmp0:
0xf: {  	s0 =	sadd.s32 $0x67200, s0;
	[dreg:$0x6] =	wrdreg s7;
	(pc) =	sbr.rel .LBB2_1-.Ltmp0, $4  }
0x10: {  	s26 =	simm.s32 $0x2;
	s9 =	smul.u32 $0xA000, s8;
	[dreg:$0x7] =	wrdreg s0  }
0x11: {  	s28 =	smax.u32 s1, $0x1;
	s30 =	sshrl.u32 s4, $0x3;
	s0 =	simm.s32 $0x1100  }
0x12: {  	s7 =	simm.s32 $0x4;
	s8 =	simm.s32 $0x8;
	[dreg:$0x8] =	wrdreg s28  }
0x13: {  	s4 =	simm.s32 $0x1E00;
	s1 =	simm.s32 $0x1E80;
	[dreg:$0x9] =	wrdreg s30  }
.LBB2_6:
0x14: {  	[bflag:$0x0] =	sbarrier.arrive $0xFFFF  }
0x15: {  	s21 =	rddreg [dreg:$0x4]  }
.LBB2_7:
0x16: {  	s21 =	sadd.s32 $0x1, s21;
	s25 =	rddreg [dreg:$0x8]  }
0x17: {  	p1 =	sne.s32 s21, s25  }
.Ltmp1:
0x18: {  	_ = 	snop;
	(pc) =	sbr.rel @!p1 .LBB2_8-.Ltmp1, $1  }
0x19: {  	_ =	sdelay $0x3  }
.LBB2_1:
0x1a: {  	[dreg:$0x4] =	wrdreg s21  }
0x1b: {  	s30 =	rddreg [dreg:$0x5]  }
0x1c: {  	s25 =	rddreg [dreg:$0x6]  }
0x1d: {  	s28 =	rddreg [dreg:$0x9]  }
0x1e: {  	[spmem:s28], [sflag:s25] =	dma.local [hbm:s30], $0x2800  }
.Ltmp2:
0x1f: {  	_ =	swait.ge [sflag:s13], $0x2800;
	(pc) =	sbr.rel @p0 .LBB2_6-.Ltmp2, $4  }
0x20: {  	[sflag:s13] =	ssyncset.done $0x0  }
0x21: {  	[sflag:s13] =	ssyncadd.s32 $0xFFFFD800  }
0x22: {  	[bflag:$0x0] =	sbarrier.arrive $0xFFFF  }
0x23: {  	s21 =	simm.s32 $0x0  }
.LBB2_2:
0x24: {  	s25 =	sshll.u32 s21, $0xC  }
0x25: {  	s25 =	sadd.s32 s9, s25  }
0x26: {  	s28 =	rddreg [dreg:$0x1];
	s25 =	sshrl.u32 s25, $0x3  }
0x27: {  	s30 =	simm.s32 $0x0;
	s28 =	sadd.s32 s28, s25  }
0x28: {  	[tilespmem:s30], [sflag:$0x9] =	stream.linear.gather [hbm4b:s28+s30], $0x1000, $0x38;
	[tilespmem:$0x1E000] =	vst v63  }
0x29: {  	_ =	swait.ge [sflag:s13], $0x1000  }
0x2a: {  	[sflag:s13] =	ssyncset.done $0x0  }
0x2b: {  	s25 =	sadd.s32 s6, s25;
	[sflag:s13] =	ssyncadd.s32 $0xFFFFF000  }
0x2c: {  	[tilespmem:s14], [sflag:$0x9] =	stream.linear.gather [hbm4b:s25+s30], $0x1000, $0x38;
	[tilespmem:$0x1E000] =	vst v63  }
0x2d: {  	_ =	swait.ge [sflag:s13], $0x1000  }
0x2e: {  	[sflag:s13] =	ssyncset.done $0x0  }
0x2f: {  	[sflag:s13] =	ssyncadd.s32 $0xFFFFF000  }
0x30: {  	[tilespmem:s16], [sflag:$0x1] =	stream.indirect.gather [hbm4b:s5+s15], $0x80, s30, s15, $0xb8;
	[tilespmem:$0x1E000] =	vst v63  }
0x31: {  	s30 =	simm.s32 $0x80  }
0x32: {  	[tilespmem:s18], [sflag:$0x2] =	stream.indirect.gather [hbm4b:s5+s15], $0x80, s30, s15, $0xb8;
	[tilespmem:$0x1E000] =	vst v63  }
0x33: {  	s30 =	simm.s32 $0x100  }
0x34: {  	[tilespmem:s20], [sflag:$0x3] =	stream.indirect.gather [hbm4b:s5+s15], $0x80, s30, s15, $0xb8;
	[tilespmem:$0x1E000] =	vst v63  }
0x35: {  	s30 =	simm.s32 $0x180  }
0x36: {  	[tilespmem:s22], [sflag:$0x4] =	stream.indirect.gather [hbm4b:s5+s15], $0x80, s30, s15, $0xb8;
	[tilespmem:$0x1E000] =	vst v63  }
0x37: {  	_ =	swait.ge [sflag:s23], $0x2000  }
0x38: {  	[sflag:s23] =	ssyncset.done $0x0  }
0x39: {  	[sflag:s23] =	ssyncadd.s32 $0xFFFFE000  }
0x3a: {  	[spmem:s3] =	stream.indirect.scatter.add.f32 [tilespmem:s16], [sflag:$0x5], $0x80, s14, s15, $0xb8;
	[tilespmem:$0x1E000] =	vst v63  }
0x3b: {  	_ =	swait.ge [sflag:s24], $0x2000  }
0x3c: {  	[sflag:s24] =	ssyncset.done $0x0  }
0x3d: {  	s30 =	simm.s32 $0x200;
	[sflag:s24] =	ssyncadd.s32 $0xFFFFE000  }
0x3e: {  	[tilespmem:s16], [sflag:$0x1] =	stream.indirect.gather [hbm4b:s5+s15], $0x80, s30, s15, $0xb8;
	[tilespmem:$0x1E000] =	vst v63  }
0x3f: {  	_ =	swait.ge [sflag:s26], $0x2000  }
0x40: {  	[sflag:s26] =	ssyncset.done $0x0  }
0x41: {  	s30 =	simm.s32 $0x1080;
	[sflag:s26] =	ssyncadd.s32 $0xFFFFE000  }
0x42: {  	[spmem:s3] =	stream.indirect.scatter.add.f32 [tilespmem:s18], [sflag:$0x6], $0x80, s30, s15, $0xb8;
	[tilespmem:$0x1E000] =	vst v63  }
0x43: {  	_ =	swait.ge [sflag:s29], $0x2000  }
0x44: {  	[sflag:s29] =	ssyncset.done $0x0  }
0x45: {  	s30 =	simm.s32 $0x280;
	[sflag:s29] =	ssyncadd.s32 $0xFFFFE000  }
0x46: {  	[tilespmem:s18], [sflag:$0x2] =	stream.indirect.gather [hbm4b:s5+s15], $0x80, s30, s15, $0xb8;
	[tilespmem:$0x1E000] =	vst v63  }
0x47: {  	_ =	swait.ge [sflag:s31], $0x2000  }
0x48: {  	[sflag:s31] =	ssyncset.done $0x0  }
0x49: {  	[sflag:s31] =	ssyncadd.s32 $0xFFFFE000  }
0x4a: {  	[spmem:s3] =	stream.indirect.scatter.add.f32 [tilespmem:s20], [sflag:$0x7], $0x80, s0, s15, $0xb8;
	[tilespmem:$0x1E000] =	vst v63  }
0x4b: {  	_ =	swait.ge [sflag:s2], $0x2000  }
0x4c: {  	[sflag:s2] =	ssyncset.done $0x0  }
0x4d: {  	[sflag:s2] =	ssyncadd.s32 $0xFFFFE000  }
0x4e: {  	[tilespmem:s20], [sflag:$0x3] =	stream.indirect.gather [hbm4b:s5+s15], $0x80, s10, s15, $0xb8;
	[tilespmem:$0x1E000] =	vst v63  }
0x4f: {  	_ =	swait.ge [sflag:s7], $0x2000  }
0x50: {  	[sflag:s7] =	ssyncset.done $0x0  }
0x51: {  	[sflag:s7] =	ssyncadd.s32 $0xFFFFE000  }
0x52: {  	[spmem:s3] =	stream.indirect.scatter.add.f32 [tilespmem:s22], [sflag:$0x8], $0x80, s11, s15, $0xb8;
	[tilespmem:$0x1E000] =	vst v63  }
0x53: {  	_ =	swait.ge [sflag:s8], $0x2000  }
0x54: {  	[sflag:s8] =	ssyncset.done $0x0  }
0x55: {  	s30 =	simm.s32 $0x380;
	[sflag:s8] =	ssyncadd.s32 $0xFFFFE000  }
0x56: {  	[tilespmem:s22], [sflag:$0x4] =	stream.indirect.gather [hbm4b:s5+s15], $0x80, s30, s15, $0xb8;
	[tilespmem:$0x1E000] =	vst v63  }
0x57: {  	_ =	swait.ge [sflag:s23], $0x2000  }
0x58: {  	[sflag:s23] =	ssyncset.done $0x0  }
0x59: {  	s30 =	simm.s32 $0x1200;
	[sflag:s23] =	ssyncadd.s32 $0xFFFFE000  }
0x5a: {  	[spmem:s3] =	stream.indirect.scatter.add.f32 [tilespmem:s16], [sflag:$0x5], $0x80, s30, s15, $0xb8;
	[tilespmem:$0x1E000] =	vst v63  }
0x5b: {  	_ =	swait.ge [sflag:s24], $0x2000  }
0x5c: {  	[sflag:s24] =	ssyncset.done $0x0  }
0x5d: {  	s30 =	simm.s32 $0x400;
	[sflag:s24] =	ssyncadd.s32 $0xFFFFE000  }
0x5e: {  	[tilespmem:s16], [sflag:$0x1] =	stream.indirect.gather [hbm4b:s5+s15], $0x80, s30, s15, $0xb8;
	[tilespmem:$0x1E000] =	vst v63  }
0x5f: {  	_ =	swait.ge [sflag:s26], $0x2000  }
0x60: {  	[sflag:s26] =	ssyncset.done $0x0  }
0x61: {  	s30 =	simm.s32 $0x1280;
	[sflag:s26] =	ssyncadd.s32 $0xFFFFE000  }
0x62: {  	[spmem:s3] =	stream.indirect.scatter.add.f32 [tilespmem:s18], [sflag:$0x6], $0x80, s30, s15, $0xb8;
	[tilespmem:$0x1E000] =	vst v63  }
0x63: {  	_ =	swait.ge [sflag:s29], $0x2000  }
0x64: {  	[sflag:s29] =	ssyncset.done $0x0  }
0x65: {  	s30 =	simm.s32 $0x480;
	[sflag:s29] =	ssyncadd.s32 $0xFFFFE000  }
0x66: {  	[tilespmem:s18], [sflag:$0x2] =	stream.indirect.gather [hbm4b:s5+s15], $0x80, s30, s15, $0xb8;
	[tilespmem:$0x1E000] =	vst v63  }
0x67: {  	_ =	swait.ge [sflag:s31], $0x2000  }
0x68: {  	[sflag:s31] =	ssyncset.done $0x0  }
0x69: {  	s30 =	simm.s32 $0x1300;
	[sflag:s31] =	ssyncadd.s32 $0xFFFFE000  }
0x6a: {  	[spmem:s3] =	stream.indirect.scatter.add.f32 [tilespmem:s20], [sflag:$0x7], $0x80, s30, s15, $0xb8;
	[tilespmem:$0x1E000] =	vst v63  }
0x6b: {  	_ =	swait.ge [sflag:s2], $0x2000  }
0x6c: {  	[sflag:s2] =	ssyncset.done $0x0  }
0x6d: {  	s30 =	simm.s32 $0x500;
	[sflag:s2] =	ssyncadd.s32 $0xFFFFE000  }
0x6e: {  	[tilespmem:s20], [sflag:$0x3] =	stream.indirect.gather [hbm4b:s5+s15], $0x80, s30, s15, $0xb8;
	[tilespmem:$0x1E000] =	vst v63  }
0x6f: {  	_ =	swait.ge [sflag:s7], $0x2000  }
0x70: {  	[sflag:s7] =	ssyncset.done $0x0  }
0x71: {  	s28 =	simm.s32 $0x1380;
	s25 =	simm.s32 $0x800;
	[sflag:s7] =	ssyncadd.s32 $0xFFFFE000  }
.LBB2_3:
0x72: {  	[spmem:s3] =	stream.indirect.scatter.add.f32 [tilespmem:s22], [sflag:$0x8], $0x80, s28, s15, $0xb8;
	[tilespmem:$0x1E000] =	vst v63  }
0x73: {  	s28 =	smov.u32 s25  }
0x74: {  	p1 =	sne.s32 s25, $0x2800;
	s25 =	sadd.s32 $0x800, s25;
	_ =	swait.ge [sflag:s8], $0x2000  }
0x75: {  	s28 =	sshra.s32 s28, $0x2;
	[sflag:s8] =	ssyncset.done $0x0  }
0x76: {  	s30 =	sadd.s32 $0x380, s28;
	[sflag:s8] =	ssyncadd.s32 $0xFFFFE000  }
0x77: {  	[tilespmem:s22], [sflag:$0x4] =	stream.indirect.gather [hbm4b:s5+s15], $0x80, s30, s15, $0xb8;
	[tilespmem:$0x1E000] =	vst v63  }
0x78: {  	_ =	swait.ge [sflag:s23], $0x2000  }
0x79: {  	[sflag:s23] =	ssyncset.done $0x0  }
0x7a: {  	s30 =	sadd.s32 $0x1200, s28;
	[sflag:s23] =	ssyncadd.s32 $0xFFFFE000  }
0x7b: {  	[spmem:s3] =	stream.indirect.scatter.add.f32 [tilespmem:s16], [sflag:$0x5], $0x80, s30, s15, $0xb8;
	[tilespmem:$0x1E000] =	vst v63  }
0x7c: {  	_ =	swait.ge [sflag:s24], $0x2000  }
0x7d: {  	[sflag:s24] =	ssyncset.done $0x0  }
0x7e: {  	s30 =	sadd.s32 $0x400, s28;
	[sflag:s24] =	ssyncadd.s32 $0xFFFFE000  }
0x7f: {  	[tilespmem:s16], [sflag:$0x1] =	stream.indirect.gather [hbm4b:s5+s15], $0x80, s30, s15, $0xb8;
	[tilespmem:$0x1E000] =	vst v63  }
0x80: {  	_ =	swait.ge [sflag:s26], $0x2000  }
0x81: {  	[sflag:s26] =	ssyncset.done $0x0  }
0x82: {  	s30 =	sadd.s32 $0x1280, s28;
	[sflag:s26] =	ssyncadd.s32 $0xFFFFE000  }
0x83: {  	[spmem:s3] =	stream.indirect.scatter.add.f32 [tilespmem:s18], [sflag:$0x6], $0x80, s30, s15, $0xb8;
	[tilespmem:$0x1E000] =	vst v63  }
0x84: {  	_ =	swait.ge [sflag:s29], $0x2000  }
0x85: {  	[sflag:s29] =	ssyncset.done $0x0  }
0x86: {  	s30 =	sadd.s32 $0x480, s28;
	[sflag:s29] =	ssyncadd.s32 $0xFFFFE000  }
0x87: {  	[tilespmem:s18], [sflag:$0x2] =	stream.indirect.gather [hbm4b:s5+s15], $0x80, s30, s15, $0xb8;
	[tilespmem:$0x1E000] =	vst v63  }
0x88: {  	_ =	swait.ge [sflag:s31], $0x2000  }
0x89: {  	[sflag:s31] =	ssyncset.done $0x0  }
0x8a: {  	s30 =	sadd.s32 $0x1300, s28;
	[sflag:s31] =	ssyncadd.s32 $0xFFFFE000  }
0x8b: {  	[spmem:s3] =	stream.indirect.scatter.add.f32 [tilespmem:s20], [sflag:$0x7], $0x80, s30, s15, $0xb8;
	[tilespmem:$0x1E000] =	vst v63  }
0x8c: {  	_ =	swait.ge [sflag:s2], $0x2000  }
0x8d: {  	[sflag:s2] =	ssyncset.done $0x0  }
.Ltmp3:
0x8e: {  	s30 =	sadd.s32 $0x500, s28;
	[sflag:s2] =	ssyncadd.s32 $0xFFFFE000;
	(pc) =	sbr.rel @p1 .LBB2_3-.Ltmp3, $4  }
0x8f: {  	[tilespmem:s20], [sflag:$0x3] =	stream.indirect.gather [hbm4b:s5+s15], $0x80, s30, s15, $0xb8;
	[tilespmem:$0x1E000] =	vst v63  }
0x90: {  	_ =	swait.ge [sflag:s7], $0x2000  }
0x91: {  	[sflag:s7] =	ssyncset.done $0x0  }
0x92: {  	s28 =	sadd.s32 $0x1380, s28;
	[sflag:s7] =	ssyncadd.s32 $0xFFFFE000  }
0x93: {  	[spmem:s3] =	stream.indirect.scatter.add.f32 [tilespmem:s22], [sflag:$0x8], $0x80, s28, s15, $0xb8;
	[tilespmem:$0x1E000] =	vst v63  }
0x94: {  	_ =	swait.ge [sflag:s8], $0x2000  }
0x95: {  	[sflag:s8] =	ssyncset.done $0x0  }
0x96: {  	[sflag:s8] =	ssyncadd.s32 $0xFFFFE000  }
0x97: {  	[tilespmem:s22], [sflag:$0x4] =	stream.indirect.gather [hbm4b:s5+s15], $0x80, s12, s15, $0xb8;
	[tilespmem:$0x1E000] =	vst v63  }
0x98: {  	_ =	swait.ge [sflag:s23], $0x2000  }
0x99: {  	[sflag:s23] =	ssyncset.done $0x0  }
0x9a: {  	[sflag:s23] =	ssyncadd.s32 $0xFFFFE000  }
0x9b: {  	[spmem:s3] =	stream.indirect.scatter.add.f32 [tilespmem:s16], [sflag:$0x5], $0x80, s4, s15, $0xb8;
	[tilespmem:$0x1E000] =	vst v63  }
0x9c: {  	_ =	swait.ge [sflag:s26], $0x2000  }
0x9d: {  	[sflag:s26] =	ssyncset.done $0x0  }
0x9e: {  	[sflag:s26] =	ssyncadd.s32 $0xFFFFE000  }
0x9f: {  	[spmem:s3] =	stream.indirect.scatter.add.f32 [tilespmem:s18], [sflag:$0x6], $0x80, s1, s15, $0xb8;
	[tilespmem:$0x1E000] =	vst v63  }
0xa0: {  	_ =	swait.ge [sflag:s31], $0x2000  }
0xa1: {  	[sflag:s31] =	ssyncset.done $0x0  }
0xa2: {  	[sflag:s31] =	ssyncadd.s32 $0xFFFFE000  }
0xa3: {  	[spmem:s3] =	stream.indirect.scatter.add.f32 [tilespmem:s20], [sflag:$0x7], $0x80, s17, s15, $0xb8;
	[tilespmem:$0x1E000] =	vst v63  }
0xa4: {  	_ =	swait.ge [sflag:s7], $0x2000  }
0xa5: {  	[sflag:s7] =	ssyncset.done $0x0  }
0xa6: {  	[sflag:s7] =	ssyncadd.s32 $0xFFFFE000  }
0xa7: {  	[spmem:s3] =	stream.indirect.scatter.add.f32 [tilespmem:s22], [sflag:$0x8], $0x80, s19, s15, $0xb8;
	[tilespmem:$0x1E000] =	vst v63  }
0xa8: {  	_ =	swait.ge [sflag:s24], $0x2000  }
0xa9: {  	[sflag:s24] =	ssyncset.done $0x0  }
0xaa: {  	[sflag:s24] =	ssyncadd.s32 $0xFFFFE000  }
0xab: {  	_ =	swait.ge [sflag:s29], $0x2000  }
0xac: {  	[sflag:s29] =	ssyncset.done $0x0  }
0xad: {  	s21 =	sadd.s32 $0x1, s21;
	[sflag:s29] =	ssyncadd.s32 $0xFFFFE000  }
0xae: {  	p1 =	sne.s32 s21, $0xA;
	_ =	swait.ge [sflag:s2], $0x2000  }
.Ltmp4:
0xaf: {  	[sflag:s2] =	ssyncset.done $0x0;
	(pc) =	sbr.rel @p1 .LBB2_2-.Ltmp4, $4  }
0xb0: {  	[sflag:s2] =	ssyncadd.s32 $0xFFFFE000  }
0xb1: {  	_ =	swait.ge [sflag:s8], $0x2000  }
0xb2: {  	[sflag:s8] =	ssyncset.done $0x0  }
0xb3: {  	[sflag:s8] =	ssyncadd.s32 $0xFFFFE000  }
0xb4: {  	[bflag:$0x0] =	sbarrier.arrive $0xFFFF  }
0xb5: {  	s21 =	rddreg [dreg:$0x6]  }
0xb6: {  	s25 =	rddreg [dreg:$0x7]  }
.Ltmp5:
0xb7: {  	s28 =	rddreg [dreg:$0x9];
	(pc) =	sbr.rel .LBB2_7-.Ltmp5, $4  }
0xb8: {  	[hbm:s25], [sflag:s21] =	dma.local [spmem:s28], $0x2800  }
0xb9: {  	_ =	swait.ge [sflag:s13], $0x2800  }
0xba: {  	[sflag:s13] =	ssyncset.done $0x0  }
0xbb: {  	s21 =	rddreg [dreg:$0x4];
	[sflag:s13] =	ssyncadd.s32 $0xFFFFD800  }
.LBB2_8:
0xbc: {  	_ =	sfence.sel $0x180000  }
0xbd: {  	[bflag:$0x0] =	sbarrier.arrive $0xFFFF  }
0xbe: {  	_ =	strace $0x9000004A  }
0xbf: {  	s0 =	stileid.u32;
	[bflag:$0x2] =	sbarrier.arrive $0xFFFF  }
0xc0: {  	p0 =	sne.s32 s0, $0x0;
	s0 =	rddreg [dreg:$0x3]  }
0xc1: {  	s0 =	sadd.s32 @!p0 $0x100000, s0  }
0xc2: {  	[sflag:s0] =	ssyncadd.tile.s32 @!p0 $0x1;
	_ =	shalt  }
.Lfunc_end2:
_tile_overlayer_lowered:
.L_overlay_start_2:
0xc3: {  	(tag) =	ssettag $0x2  }
0xc4: {  	s0 =	rddreg [dreg:$0x0];
	s2 =	stileid.u32  }
0xc5: {  	s1 =	rddreg [dreg:$0x1];
	p0 =	sne.s32 s2, $0x0  }
0xc6: {  	s3 =	rddreg [dreg:$0x2];
	[bflag:$0x3] =	sbarrier.arrive $0xFFFF;
	s2 =	simm.s32 @!p0 $0x1C09  }
0xc7: {  	[timem:s3], [sflag:s2] =	dma.local @!p0 [hbm:s0], s1  }
0xc8: {  	s0 =	simm.s32 @!p0 $0x9  }
0xc9: {  	_ =	swait.ge @!p0 [sflag:s0], s1  }
0xca: {  	s1 =	ssub.s32 @!p0 $0x0, s1;
	[sflag:s0] =	ssyncset.done @!p0 $0x0  }
0xcb: {  	[sflag:s0] =	ssyncadd.s32 @!p0 s1  }
0xcc: {  	[bflag:$0x3] =	sbarrier.arrive $0xFFFF  }
0xcd: {  	_ =	shalt  }

// kernel: sage_sc_agg.7.cloned.1.call-start
scs
__scs_entry_jumppad:
0x0: {  	(pc) =	sbr.rel $0x88, $3  }
0x1: {  	(tag) =	ssettag $0x0;
	lr =	simm.s32 $0x1  }
0x2: {  	[smem:$0x3F96] =	sst lr;
	_ =	strace $0xD0000000  }
0x3: {  	_ = 	snop  }
0x4: {  	_ = 	snop  }
0x5: {  	_ = 	snop  }
0x6: {  	_ = 	snop  }
0x7: {  	_ = 	snop  }
__scs_overlays_trampoline_lowered:
0x8: {  	[smem:$0x3FA5] =	sst s0  }
0x9: {  	[smem:$0x3FA6] =	sst s1  }
0xa: {  	[smem:$0x3FA7] =	sst s2  }
0xb: {  	[smem:$0x3FA8] =	sst s3  }
0xc: {  	[smem:$0x3FA9] =	sst s4  }
0xd: {  	[smem:$0x3FAA] =	sst s5  }
0xe: {  	[smem:$0x3FAB] =	sst s6  }
0xf: {  	[smem:$0x3FAC] =	sst s7  }
0x10: {  	[smem:$0x3FAD] =	sst s8  }
0x11: {  	[smem:$0x3FAE] =	sst s9;
	s0 =	simm.s32 @!p0 $0x0  }
0x12: {  	s1 =	sld [smem:$0x3F94];
	s0 =	simm.s32 @p0 $0x1  }
0x13: {  	[smem:$0x3FAF] =	sst s0;
	s0 =	simm.s32 @!p1 $0x0  }
0x14: {  	s2 =	sld [smem:$0x3F93];
	s0 =	simm.s32 @p1 $0x1  }
0x15: {  	[smem:$0x3FB0] =	sst s0;
	s0 =	simm.s32 @!p2 $0x0  }
0x16: {  	s3 =	sld [smem:$0x3FDB];
	s0 =	simm.s32 @p2 $0x1  }
0x17: {  	s4 =	simm.s32 $0x1BF5;
	[smem:$0x3FB2] =	sst s0  }
0x18: {  	s0 =	sld [smem:$0x3F95];
	_ =	swait.ge [sflag:s4], $0x0  }
0x19: {  	s7 =	sld [smem:$0x3F96]  }
0x1a: {  	s8 =	sadd.s32 $0xFFFFE003, lr  }
0x1b: {  	s9 =	sadd.s32 $0xFFFFFEF7, lr;
	s5 =	simm.s32 $0xFFFFFFFF;
	p2 =	slt.u32 s8, $0xFFFFF086  }
0x1c: {  	p1 =	slt.u32 s9, $0xF7A;
	s5 =	simm.s32 @!p2 $0x0  }
0x1d: {  	s5 =	simm.s32 @p1 $0x1;
	p0 =	seq.s32 s7, s2  }
0x1e: {  	s7 =	smul.u32 @!p0 $0xF7A, s2;
	p2 =	seq.s32 @!p0 s5, $0x0  }
0x1f: {  	s9 =	smul.u32 $0xF7A, s1;
	s8 =	simm.s32 @!p0 $0x1BF5;
	p2 =	por !p2, p0  }
0x20: {  	[sflag:s8] =	ssyncset.s32 @!p0 $0xFFFFF086;
	s6 =	sadd.s32 @!p0 s3, s7;
	s7 =	simm.s32 @!p0 $0x108  }
0x21: {  	s3 =	sadd.s32 s3, s9;
	s6 =	sadd.s32 @!p0 $0x88, s6;
	s7 =	simm.s32 @p2 $0x1082  }
0x22: {  	[simem:s7], [sflag:s8] =	dma.local @!p0 [hbm:s6], $0xF7A  }
0x23: {  	s9 =	sor.u32 $0xD0000000, s2;
	s6 =	simm.s32 $0x108;
	_ =	swait.ge @!p0 [sflag:s8], $0x0  }
0x24: {  	s3 =	sadd.s32 $0x88, s3;
	s6 =	simm.s32 @!p1 $0x1082;
	[sflag:s4] =	ssyncset.s32 $0xFFFFF086  }
0x25: {  	[simem:s6], [sflag:s4] =	dma.local [hbm:s3], $0xF7A  }
0x26: {  	[smem:$0x3F96] =	sst s1;
	(tag) =	ssettag s2;
	_ =	strace s9  }
0x27: {  	s1 =	sld [smem:$0x3FA6]  }
0x28: {  	s2 =	sld [smem:$0x3FA7]  }
0x29: {  	s4 =	sld [smem:$0x3FA9]  }
0x2a: {  	p0 =	seq.s32 s5, $0x0;
	s5 =	sld [smem:$0x3FAA]  }
0x2b: {  	s6 =	sld [smem:$0x3FAB]  }
0x2c: {  	s7 =	sld [smem:$0x3FAC]  }
0x2d: {  	s3 =	simm.s32 $0x108;
	s8 =	sld [smem:$0x3FAD]  }
0x2e: {  	s3 =	simm.s32 @!p0 $0x1082;
	s9 =	sld [smem:$0x3FAE]  }
0x2f: {  	lr =	sadd.s32 s0, s3;
	s0 =	sld [smem:$0x3FA5]  }
0x30: {  	s3 =	sld [smem:$0x3FA8]  }
0x31: {  	[smem:$0x3FB1] =	sst s10  }
0x32: {  	s10 =	sld [smem:$0x3FAF];
	_ =	sdelay $0x3  }
0x33: {  	p0 =	seq.s32 s10, $0x1;
	s10 =	sld [smem:$0x3FB1];
	_ =	sdelay $0x3  }
0x34: {  	[smem:$0x3FB1] =	sst s10  }
0x35: {  	s10 =	sld [smem:$0x3FB0];
	_ =	sdelay $0x3  }
0x36: {  	p1 =	seq.s32 s10, $0x1;
	s10 =	sld [smem:$0x3FB1];
	_ =	sdelay $0x3  }
0x37: {  	[smem:$0x3FB1] =	sst s10  }
0x38: {  	s10 =	sld [smem:$0x3FB2]  }
0x39: {  	_ = 	snop;
	(pc) =	sbr.ind lr, $3  }
0x3a: {  	_ = 	snop  }
0x3b: {  	_ = 	snop  }
0x3c: {  	p2 =	seq.s32 s10, $0x1;
	s10 =	sld [smem:$0x3FB1]  }
0x3d: {  	_ =	shalt  }
0x3e: {  	_ =	shalt  }
0x3f: {  	_ =	shalt  }
0x40: {  	_ =	shalt  }
0x41: {  	_ =	shalt  }
0x42: {  	_ =	shalt  }
0x43: {  	_ =	shalt  }
0x44: {  	_ =	shalt  }
0x45: {  	_ =	shalt  }
0x46: {  	_ =	shalt  }
0x47: {  	_ =	shalt  }
0x48: {  	_ =	shalt  }
0x49: {  	_ =	shalt  }
0x4a: {  	_ =	shalt  }
0x4b: {  	_ =	shalt  }
0x4c: {  	_ =	shalt  }
0x4d: {  	_ =	shalt  }
0x4e: {  	_ =	shalt  }
0x4f: {  	_ =	shalt  }
0x50: {  	_ =	shalt  }
0x51: {  	_ =	shalt  }
0x52: {  	_ =	shalt  }
0x53: {  	_ =	shalt  }
0x54: {  	_ =	shalt  }
0x55: {  	_ =	shalt  }
0x56: {  	_ =	shalt  }
0x57: {  	_ =	shalt  }
0x58: {  	_ =	shalt  }
0x59: {  	_ =	shalt  }
0x5a: {  	_ =	shalt  }
0x5b: {  	_ =	shalt  }
0x5c: {  	_ =	shalt  }
0x5d: {  	_ =	shalt  }
0x5e: {  	_ =	shalt  }
0x5f: {  	_ =	shalt  }
0x60: {  	_ =	shalt  }
0x61: {  	_ =	shalt  }
0x62: {  	_ =	shalt  }
0x63: {  	_ =	shalt  }
0x64: {  	_ =	shalt  }
0x65: {  	_ =	shalt  }
0x66: {  	_ =	shalt  }
0x67: {  	_ =	shalt  }
0x68: {  	_ =	shalt  }
0x69: {  	_ =	shalt  }
0x6a: {  	_ =	shalt  }
0x6b: {  	_ =	shalt  }
0x6c: {  	_ =	shalt  }
0x6d: {  	_ =	shalt  }
0x6e: {  	_ =	shalt  }
0x6f: {  	_ =	shalt  }
0x70: {  	_ =	shalt  }
0x71: {  	_ =	shalt  }
0x72: {  	_ =	shalt  }
0x73: {  	_ =	shalt  }
0x74: {  	_ =	shalt  }
0x75: {  	_ =	shalt  }
0x76: {  	_ =	shalt  }
0x77: {  	_ =	shalt  }
0x78: {  	_ =	shalt  }
0x79: {  	_ =	shalt  }
0x7a: {  	_ =	shalt  }
0x7b: {  	_ =	shalt  }
0x7c: {  	_ =	shalt  }
0x7d: {  	_ =	shalt  }
0x7e: {  	_ =	shalt  }
0x7f: {  	_ =	shalt  }
0x80: {  	_ =	shalt  }
0x81: {  	_ =	shalt  }
0x82: {  	_ =	shalt  }
0x83: {  	_ =	shalt  }
0x84: {  	_ =	shalt  }
0x85: {  	_ =	shalt  }
0x86: {  	_ =	shalt  }
0x87: {  	_ =	shalt  }
.Lfunc_end0:
.L_simem_size_0:
called_computation.2_lowered:
.L_overlay_start_0:
0x88: {  	s2 =	sld [smem:$0x3FD9]  }
0x89: {  	s3 =	sld [smem:$0x3FFE];
	_ =	sdelay $0x1  }
0x8a: {  	s1 =	srdreg.scid  }
0x8b: {  	s0 =	sand.u32 $0x1, s1  }
0x8c: {  	s14 =	sshll.u32 s0, $0xA;
	s2 =	sadd.s32 s3, s2  }
0x8d: {  	s2 =	sadd.s32 s2, s14  }
0x8e: {  	[smem:$0x3FBD] =	sst s2  }
0x8f: {  	_ = 	snop  }
0x90: {  	s2 =	sld [smem:$0x3FD0];
	_ =	sdelay $0x2  }
0x91: {  	s15 =	simm.s32 $0xA;
	s4 =	simm.s32 $0x10  }
0x92: {  	[smem:s4], [sflag:s15] =	dma.local [hbm:s2], $0x1  }
0x93: {  	_ =	swait.eq [sflag:s15], $0x1  }
0x94: {  	[sflag:s15] =	ssyncset.done $0x0  }
0x95: {  	[sflag:s15] =	ssyncadd.s32 $0xFFFFFFFF  }
0x96: {  	s16 =	sld [smem:$0x10];
	(tm) =	ssettm $0x1  }
0x97: {  	s17 =	sld [smem:$0x3FFB];
	_ =	sdelay $0x3  }
0x98: {  	_ =	strace s17  }
0x99: {  	s3 =	sld [smem:$0x3FFC];
	_ =	sdelay $0x3  }
0x9a: {  	_ =	strace s3  }
0x9b: {  	s3 =	sld [smem:$0x3FFD];
	_ =	sdelay $0x3  }
0x9c: {  	_ =	strace s3  }
0x9d: {  	_ =	strace $0x8FFFFFFF  }
0x9e: {  	s18 =	sld [smem:$0x3FDB];
	_ =	sdelay $0x1  }
0x9f: {  	s19 =	simm.s32 $_scs_section_size  }
0xa0: {  	s5 =	simm.s32 $_size__tile_overlayer_lowered;
	s6 =	simm.s32 $_tile_overlayer_lowered  }
0xa1: {  	s22 =	simm.s32 $0x1BFF;
	s21 =	sshll.u32 s6, $0x1;
	s3 =	sadd.s32 s19, s18  }
0xa2: {  	s7 =	simm.s32 $0x0;
	s20 =	sshll.u32 s5, $0x1;
	s5 =	sadd.s32 s21, s3  }
0xa3: {  	[timem:s7], [sflag:s22] =	dma.local [hbm:s5], s20  }
0xa4: {  	_ =	swait.ge [sflag:s22], s20  }
0xa5: {  	s4 =	ssub.s32 $0x0, s20;
	[sflag:s22] =	ssyncset.done $0x0  }
0xa6: {  	[sflag:s22] =	ssyncadd.s32 s4;
	_ =	sdelay $0x1  }
0xa7: {  	s23 =	simm.s32 $0x1B8B  }
0xa8: {  	_ =	swait.ge [sflag:s23], $0x1  }
0xa9: {  	[sflag:s23] =	ssyncset.done $0x0  }
0xaa: {  	s25 =	simm.s32 $0x1B8E;
	s24 =	sld [smem:$0x3FFE];
	[sflag:s23] =	ssyncadd.s32 $0xFFFFFFFF  }
0xab: {  	s26 =	simm.s32 $execute0_lowered;
	[smem:$0x3FD2] =	sst s25  }
0xac: {  	s5 =	sshll.u32 s26, $0x1;
	_ =	strace $0x8000004C;
	[dreg:$0x1] =	wrdreg $0xFFFFFFFF  }
0xad: {  	s28 =	simm.s32 $_size_execute0_lowered;
	s3 =	sadd.s32 s3, s5;
	[dreg:$0x0] =	wrdreg $0x0  }
0xae: {  	s5 =	sshll.u32 s28, $0x1;
	[dreg:$0x2] =	wrdreg s3  }
0xaf: {  	[dreg:$0x3] =	wrdreg s5  }
0xb0: {  	[dreg:$0x4] =	wrdreg $0xC0  }
0xb1: {  	_ =	task [dreg:s7], $0x5FFFF  }
0xb2: {  	[dreg:$0x1] =	wrdreg $0xFFFFFFFF  }
0xb3: {  	[dreg:$0x0] =	wrdreg $0x60  }
0xb4: {  	[dreg:$0x2] =	wrdreg s24  }
0xb5: {  	[dreg:$0x3] =	wrdreg s16  }
0xb6: {  	[dreg:$0x4] =	wrdreg $0xA0000  }
0xb7: {  	[dreg:$0x5] =	wrdreg $0x9  }
0xb8: {  	_ =	task.clear_ibuf [dreg:s7], $0x6FFFF;
	_ =	strace $0x9000004C  }
0xb9: {  	s29 =	simm.s32 $0x9;
	_ =	strace $0x8000004E  }
0xba: {  	_ =	swait.ge [sflag:s29], $0x1  }
0xbb: {  	[sflag:s29] =	ssyncadd.s32 $0xFFFFFFFF  }
0xbc: {  	_ =	strace $0x9000004E  }
0xbd: {  	_ =	sfence  }
0xbe: {  	s30 =	sld [smem:$0x0];
	_ =	sdelay $0x2  }
0xbf: {  	s31 =	sshll.u32 s1, $0xD;
	s1 =	sshrl.u32 s1, $0x2  }
0xc0: {  	s3 =	sand.u32 $0x4000, s31;
	s1 =	sadd.s32 s1, s30  }
0xc1: {  	s0 =	sor.u32 s3, s0;
	s1 =	sshll.u32 s1, $0x11  }
0xc2: {  	s0 =	sor.u32 s1, s0  }
0xc3: {  	s0 =	sadd.s32 $0x8F2B, s0  }
0xc4: {  	[sflag:s0] =	ssyncadd.remote.s32 $0x1  }
0xc5: {  	_ =	sfence.sel $0xFFFF  }
0xc6: {  	[dreg:$0x0] =	wrdreg $0xFFFFFFFF;
	(pc) =	sbr.abs _section_cstart, $3  }
0xc7: {  	[dreg:$0x1] =	wrdreg $0xFFFFFFFF  }
0xc8: {  	_ =	task.clear_ibuf [dreg:s7], $0x2FFFF;
	_ =	strace $0x9FFFFFFF  }
0xc9: {  	(tm) =	ssettm $0x7FFFFFFF  }
tec
execute0_lowered:
.L_overlay_start_1:
0x0: {  	(tag) =	ssettag $0x1  }
0x1: {  	s0 =	rddreg [dreg:$0x0]  }
0x2: {  	s3 =	rddreg [dreg:$0x2];
	s21 =	simm.s32 $0x0;
	s8 =	stileid.u32  }
0x3: {  	s2 =	srdreg.scid;
	s13 =	simm.s32 $0x9;
	s14 =	simm.s32 $0x1000  }
0x4: {  	s15 =	simm.s32 $0x40;
	s16 =	simm.s32 $0x2000;
	s18 =	simm.s32 $0x4000  }
0x5: {  	s20 =	simm.s32 $0x6000;
	s22 =	simm.s32 $0x8000;
	s23 =	simm.s32 $0x1  }
0x6: {  	s24 =	simm.s32 $0x5;
	s29 =	simm.s32 $0x6;
	s31 =	simm.s32 $0x3  }
0x7: {  	s10 =	simm.s32 $0x300;
	s11 =	simm.s32 $0x1180;
	s12 =	simm.s32 $0xF80  }
0x8: {  	s17 =	simm.s32 $0x1F00;
	s19 =	simm.s32 $0x1F80;
	s1 =	smul.u32 $0x2800, s8  }
0x9: {  	[smem:$0x7FF] =	sst s21;
	s2 =	sand.u32 $0x1, s2;
	s4 =	smul.u32 $0x50000, s8  }
0xa: {  	s5 =	sadd.s32 $0x17200, s0;
	s6 =	sadd.s32 $0x3200, s0;
	s26 =	sshll.u32 s8, $0x6  }
0xb: {  	_ =	strace $0x8000004D;
	s7 =	ssub.s32 $0x2, s2;
	p0 =	sne.s32 s2, $0x0  }
0xc: {  	s2 =	simm.s32 $0x7;
	s0 =	sadd.s32 s1, s0;
	s25 =	sshrl.u32 s7, $0x1  }
0xd: {  	s4 =	sshrl.u32 s4, $0x2;
	s1 =	ssub.s32 s7, s25;
	s9 =	sadd.s32 $0x3F200, s0  }
0xe: {  	s4 =	sadd.s32 s4, s3;
	s7 =	sor.u32 $0x1C09, s26;
	[dreg:$0x5] =	wrdreg s9  }
.Ltmp0:
0xf: {  	s0 =	sadd.s32 $0x67200, s0;
	[dreg:$0x6] =	wrdreg s7;
	(pc) =	sbr.rel .LBB2_1-.Ltmp0, $4  }
0x10: {  	s26 =	simm.s32 $0x2;
	s9 =	smul.u32 $0xA000, s8;
	[dreg:$0x7] =	wrdreg s0  }
0x11: {  	s28 =	smax.u32 s1, $0x1;
	s30 =	sshrl.u32 s4, $0x3;
	s0 =	simm.s32 $0x1100  }
0x12: {  	s7 =	simm.s32 $0x4;
	s8 =	simm.s32 $0x8;
	[dreg:$0x8] =	wrdreg s28  }
0x13: {  	s4 =	simm.s32 $0x1E00;
	s1 =	simm.s32 $0x1E80;
	[dreg:$0x9] =	wrdreg s30  }
.LBB2_6:
0x14: {  	[bflag:$0x0] =	sbarrier.arrive $0xFFFF  }
0x15: {  	s21 =	rddreg [dreg:$0x4]  }
.LBB2_7:
0x16: {  	s21 =	sadd.s32 $0x1, s21;
	s25 =	rddreg [dreg:$0x8]  }
0x17: {  	p1 =	sne.s32 s21, s25  }
.Ltmp1:
0x18: {  	_ = 	snop;
	(pc) =	sbr.rel @!p1 .LBB2_8-.Ltmp1, $1  }
0x19: {  	_ =	sdelay $0x3  }
.LBB2_1:
0x1a: {  	[dreg:$0x4] =	wrdreg s21  }
0x1b: {  	s30 =	rddreg [dreg:$0x5]  }
0x1c: {  	s25 =	rddreg [dreg:$0x6]  }
0x1d: {  	s28 =	rddreg [dreg:$0x9]  }
0x1e: {  	[spmem:s28], [sflag:s25] =	dma.local [hbm:s30], $0x2800  }
.Ltmp2:
0x1f: {  	_ =	swait.ge [sflag:s13], $0x2800;
	(pc) =	sbr.rel @p0 .LBB2_6-.Ltmp2, $4  }
0x20: {  	[sflag:s13] =	ssyncset.done $0x0  }
0x21: {  	[sflag:s13] =	ssyncadd.s32 $0xFFFFD800  }
0x22: {  	[bflag:$0x0] =	sbarrier.arrive $0xFFFF  }
0x23: {  	s21 =	simm.s32 $0x0  }
.LBB2_2:
0x24: {  	s25 =	sshll.u32 s21, $0xC  }
0x25: {  	s25 =	sadd.s32 s9, s25  }
0x26: {  	s28 =	rddreg [dreg:$0x1];
	s25 =	sshrl.u32 s25, $0x3  }
0x27: {  	s30 =	simm.s32 $0x0;
	s28 =	sadd.s32 s28, s25  }
0x28: {  	[tilespmem:s30], [sflag:$0x9] =	stream.linear.gather [hbm4b:s28+s30], $0x1000, $0x38;
	[tilespmem:$0x1E000] =	vst v63  }
0x29: {  	_ =	swait.ge [sflag:s13], $0x1000  }
0x2a: {  	[sflag:s13] =	ssyncset.done $0x0  }
0x2b: {  	s25 =	sadd.s32 s6, s25;
	[sflag:s13] =	ssyncadd.s32 $0xFFFFF000  }
0x2c: {  	[tilespmem:s14], [sflag:$0x9] =	stream.linear.gather [hbm4b:s25+s30], $0x1000, $0x38;
	[tilespmem:$0x1E000] =	vst v63  }
0x2d: {  	_ =	swait.ge [sflag:s13], $0x1000  }
0x2e: {  	[sflag:s13] =	ssyncset.done $0x0  }
0x2f: {  	[sflag:s13] =	ssyncadd.s32 $0xFFFFF000  }
0x30: {  	[tilespmem:s16], [sflag:$0x1] =	stream.indirect.gather [hbm4b:s5+s15], $0x80, s30, s15, $0xb8;
	[tilespmem:$0x1E000] =	vst v63  }
0x31: {  	s30 =	simm.s32 $0x80  }
0x32: {  	[tilespmem:s18], [sflag:$0x2] =	stream.indirect.gather [hbm4b:s5+s15], $0x80, s30, s15, $0xb8;
	[tilespmem:$0x1E000] =	vst v63  }
0x33: {  	s30 =	simm.s32 $0x100  }
0x34: {  	[tilespmem:s20], [sflag:$0x3] =	stream.indirect.gather [hbm4b:s5+s15], $0x80, s30, s15, $0xb8;
	[tilespmem:$0x1E000] =	vst v63  }
0x35: {  	s30 =	simm.s32 $0x180  }
0x36: {  	[tilespmem:s22], [sflag:$0x4] =	stream.indirect.gather [hbm4b:s5+s15], $0x80, s30, s15, $0xb8;
	[tilespmem:$0x1E000] =	vst v63  }
0x37: {  	_ =	swait.ge [sflag:s23], $0x2000  }
0x38: {  	[sflag:s23] =	ssyncset.done $0x0  }
0x39: {  	[sflag:s23] =	ssyncadd.s32 $0xFFFFE000  }
0x3a: {  	[spmem:s3] =	stream.indirect.scatter.add.f32 [tilespmem:s16], [sflag:$0x5], $0x80, s14, s15, $0xb8;
	[tilespmem:$0x1E000] =	vst v63  }
0x3b: {  	_ =	swait.ge [sflag:s24], $0x2000  }
0x3c: {  	[sflag:s24] =	ssyncset.done $0x0  }
0x3d: {  	s30 =	simm.s32 $0x200;
	[sflag:s24] =	ssyncadd.s32 $0xFFFFE000  }
0x3e: {  	[tilespmem:s16], [sflag:$0x1] =	stream.indirect.gather [hbm4b:s5+s15], $0x80, s30, s15, $0xb8;
	[tilespmem:$0x1E000] =	vst v63  }
0x3f: {  	_ =	swait.ge [sflag:s26], $0x2000  }
0x40: {  	[sflag:s26] =	ssyncset.done $0x0  }
0x41: {  	s30 =	simm.s32 $0x1080;
	[sflag:s26] =	ssyncadd.s32 $0xFFFFE000  }
0x42: {  	[spmem:s3] =	stream.indirect.scatter.add.f32 [tilespmem:s18], [sflag:$0x6], $0x80, s30, s15, $0xb8;
	[tilespmem:$0x1E000] =	vst v63  }
0x43: {  	_ =	swait.ge [sflag:s29], $0x2000  }
0x44: {  	[sflag:s29] =	ssyncset.done $0x0  }
0x45: {  	s30 =	simm.s32 $0x280;
	[sflag:s29] =	ssyncadd.s32 $0xFFFFE000  }
0x46: {  	[tilespmem:s18], [sflag:$0x2] =	stream.indirect.gather [hbm4b:s5+s15], $0x80, s30, s15, $0xb8;
	[tilespmem:$0x1E000] =	vst v63  }
0x47: {  	_ =	swait.ge [sflag:s31], $0x2000  }
0x48: {  	[sflag:s31] =	ssyncset.done $0x0  }
0x49: {  	[sflag:s31] =	ssyncadd.s32 $0xFFFFE000  }
0x4a: {  	[spmem:s3] =	stream.indirect.scatter.add.f32 [tilespmem:s20], [sflag:$0x7], $0x80, s0, s15, $0xb8;
	[tilespmem:$0x1E000] =	vst v63  }
0x4b: {  	_ =	swait.ge [sflag:s2], $0x2000  }
0x4c: {  	[sflag:s2] =	ssyncset.done $0x0  }
0x4d: {  	[sflag:s2] =	ssyncadd.s32 $0xFFFFE000  }
0x4e: {  	[tilespmem:s20], [sflag:$0x3] =	stream.indirect.gather [hbm4b:s5+s15], $0x80, s10, s15, $0xb8;
	[tilespmem:$0x1E000] =	vst v63  }
0x4f: {  	_ =	swait.ge [sflag:s7], $0x2000  }
0x50: {  	[sflag:s7] =	ssyncset.done $0x0  }
0x51: {  	[sflag:s7] =	ssyncadd.s32 $0xFFFFE000  }
0x52: {  	[spmem:s3] =	stream.indirect.scatter.add.f32 [tilespmem:s22], [sflag:$0x8], $0x80, s11, s15, $0xb8;
	[tilespmem:$0x1E000] =	vst v63  }
0x53: {  	_ =	swait.ge [sflag:s8], $0x2000  }
0x54: {  	[sflag:s8] =	ssyncset.done $0x0  }
0x55: {  	s30 =	simm.s32 $0x380;
	[sflag:s8] =	ssyncadd.s32 $0xFFFFE000  }
0x56: {  	[tilespmem:s22], [sflag:$0x4] =	stream.indirect.gather [hbm4b:s5+s15], $0x80, s30, s15, $0xb8;
	[tilespmem:$0x1E000] =	vst v63  }
0x57: {  	_ =	swait.ge [sflag:s23], $0x2000  }
0x58: {  	[sflag:s23] =	ssyncset.done $0x0  }
0x59: {  	s30 =	simm.s32 $0x1200;
	[sflag:s23] =	ssyncadd.s32 $0xFFFFE000  }
0x5a: {  	[spmem:s3] =	stream.indirect.scatter.add.f32 [tilespmem:s16], [sflag:$0x5], $0x80, s30, s15, $0xb8;
	[tilespmem:$0x1E000] =	vst v63  }
0x5b: {  	_ =	swait.ge [sflag:s24], $0x2000  }
0x5c: {  	[sflag:s24] =	ssyncset.done $0x0  }
0x5d: {  	s30 =	simm.s32 $0x400;
	[sflag:s24] =	ssyncadd.s32 $0xFFFFE000  }
0x5e: {  	[tilespmem:s16], [sflag:$0x1] =	stream.indirect.gather [hbm4b:s5+s15], $0x80, s30, s15, $0xb8;
	[tilespmem:$0x1E000] =	vst v63  }
0x5f: {  	_ =	swait.ge [sflag:s26], $0x2000  }
0x60: {  	[sflag:s26] =	ssyncset.done $0x0  }
0x61: {  	s30 =	simm.s32 $0x1280;
	[sflag:s26] =	ssyncadd.s32 $0xFFFFE000  }
0x62: {  	[spmem:s3] =	stream.indirect.scatter.add.f32 [tilespmem:s18], [sflag:$0x6], $0x80, s30, s15, $0xb8;
	[tilespmem:$0x1E000] =	vst v63  }
0x63: {  	_ =	swait.ge [sflag:s29], $0x2000  }
0x64: {  	[sflag:s29] =	ssyncset.done $0x0  }
0x65: {  	s30 =	simm.s32 $0x480;
	[sflag:s29] =	ssyncadd.s32 $0xFFFFE000  }
0x66: {  	[tilespmem:s18], [sflag:$0x2] =	stream.indirect.gather [hbm4b:s5+s15], $0x80, s30, s15, $0xb8;
	[tilespmem:$0x1E000] =	vst v63  }
0x67: {  	_ =	swait.ge [sflag:s31], $0x2000  }
0x68: {  	[sflag:s31] =	ssyncset.done $0x0  }
0x69: {  	s30 =	simm.s32 $0x1300;
	[sflag:s31] =	ssyncadd.s32 $0xFFFFE000  }
0x6a: {  	[spmem:s3] =	stream.indirect.scatter.add.f32 [tilespmem:s20], [sflag:$0x7], $0x80, s30, s15, $0xb8;
	[tilespmem:$0x1E000] =	vst v63  }
0x6b: {  	_ =	swait.ge [sflag:s2], $0x2000  }
0x6c: {  	[sflag:s2] =	ssyncset.done $0x0  }
0x6d: {  	s30 =	simm.s32 $0x500;
	[sflag:s2] =	ssyncadd.s32 $0xFFFFE000  }
0x6e: {  	[tilespmem:s20], [sflag:$0x3] =	stream.indirect.gather [hbm4b:s5+s15], $0x80, s30, s15, $0xb8;
	[tilespmem:$0x1E000] =	vst v63  }
0x6f: {  	_ =	swait.ge [sflag:s7], $0x2000  }
0x70: {  	[sflag:s7] =	ssyncset.done $0x0  }
0x71: {  	s28 =	simm.s32 $0x1380;
	s25 =	simm.s32 $0x800;
	[sflag:s7] =	ssyncadd.s32 $0xFFFFE000  }
.LBB2_3:
0x72: {  	[spmem:s3] =	stream.indirect.scatter.add.f32 [tilespmem:s22], [sflag:$0x8], $0x80, s28, s15, $0xb8;
	[tilespmem:$0x1E000] =	vst v63  }
0x73: {  	s28 =	smov.u32 s25  }
0x74: {  	p1 =	sne.s32 s25, $0x2800;
	s25 =	sadd.s32 $0x800, s25;
	_ =	swait.ge [sflag:s8], $0x2000  }
0x75: {  	s28 =	sshra.s32 s28, $0x2;
	[sflag:s8] =	ssyncset.done $0x0  }
0x76: {  	s30 =	sadd.s32 $0x380, s28;
	[sflag:s8] =	ssyncadd.s32 $0xFFFFE000  }
0x77: {  	[tilespmem:s22], [sflag:$0x4] =	stream.indirect.gather [hbm4b:s5+s15], $0x80, s30, s15, $0xb8;
	[tilespmem:$0x1E000] =	vst v63  }
0x78: {  	_ =	swait.ge [sflag:s23], $0x2000  }
0x79: {  	[sflag:s23] =	ssyncset.done $0x0  }
0x7a: {  	s30 =	sadd.s32 $0x1200, s28;
	[sflag:s23] =	ssyncadd.s32 $0xFFFFE000  }
0x7b: {  	[spmem:s3] =	stream.indirect.scatter.add.f32 [tilespmem:s16], [sflag:$0x5], $0x80, s30, s15, $0xb8;
	[tilespmem:$0x1E000] =	vst v63  }
0x7c: {  	_ =	swait.ge [sflag:s24], $0x2000  }
0x7d: {  	[sflag:s24] =	ssyncset.done $0x0  }
0x7e: {  	s30 =	sadd.s32 $0x400, s28;
	[sflag:s24] =	ssyncadd.s32 $0xFFFFE000  }
0x7f: {  	[tilespmem:s16], [sflag:$0x1] =	stream.indirect.gather [hbm4b:s5+s15], $0x80, s30, s15, $0xb8;
	[tilespmem:$0x1E000] =	vst v63  }
0x80: {  	_ =	swait.ge [sflag:s26], $0x2000  }
0x81: {  	[sflag:s26] =	ssyncset.done $0x0  }
0x82: {  	s30 =	sadd.s32 $0x1280, s28;
	[sflag:s26] =	ssyncadd.s32 $0xFFFFE000  }
0x83: {  	[spmem:s3] =	stream.indirect.scatter.add.f32 [tilespmem:s18], [sflag:$0x6], $0x80, s30, s15, $0xb8;
	[tilespmem:$0x1E000] =	vst v63  }
0x84: {  	_ =	swait.ge [sflag:s29], $0x2000  }
0x85: {  	[sflag:s29] =	ssyncset.done $0x0  }
0x86: {  	s30 =	sadd.s32 $0x480, s28;
	[sflag:s29] =	ssyncadd.s32 $0xFFFFE000  }
0x87: {  	[tilespmem:s18], [sflag:$0x2] =	stream.indirect.gather [hbm4b:s5+s15], $0x80, s30, s15, $0xb8;
	[tilespmem:$0x1E000] =	vst v63  }
0x88: {  	_ =	swait.ge [sflag:s31], $0x2000  }
0x89: {  	[sflag:s31] =	ssyncset.done $0x0  }
0x8a: {  	s30 =	sadd.s32 $0x1300, s28;
	[sflag:s31] =	ssyncadd.s32 $0xFFFFE000  }
0x8b: {  	[spmem:s3] =	stream.indirect.scatter.add.f32 [tilespmem:s20], [sflag:$0x7], $0x80, s30, s15, $0xb8;
	[tilespmem:$0x1E000] =	vst v63  }
0x8c: {  	_ =	swait.ge [sflag:s2], $0x2000  }
0x8d: {  	[sflag:s2] =	ssyncset.done $0x0  }
.Ltmp3:
0x8e: {  	s30 =	sadd.s32 $0x500, s28;
	[sflag:s2] =	ssyncadd.s32 $0xFFFFE000;
	(pc) =	sbr.rel @p1 .LBB2_3-.Ltmp3, $4  }
0x8f: {  	[tilespmem:s20], [sflag:$0x3] =	stream.indirect.gather [hbm4b:s5+s15], $0x80, s30, s15, $0xb8;
	[tilespmem:$0x1E000] =	vst v63  }
0x90: {  	_ =	swait.ge [sflag:s7], $0x2000  }
0x91: {  	[sflag:s7] =	ssyncset.done $0x0  }
0x92: {  	s28 =	sadd.s32 $0x1380, s28;
	[sflag:s7] =	ssyncadd.s32 $0xFFFFE000  }
0x93: {  	[spmem:s3] =	stream.indirect.scatter.add.f32 [tilespmem:s22], [sflag:$0x8], $0x80, s28, s15, $0xb8;
	[tilespmem:$0x1E000] =	vst v63  }
0x94: {  	_ =	swait.ge [sflag:s8], $0x2000  }
0x95: {  	[sflag:s8] =	ssyncset.done $0x0  }
0x96: {  	[sflag:s8] =	ssyncadd.s32 $0xFFFFE000  }
0x97: {  	[tilespmem:s22], [sflag:$0x4] =	stream.indirect.gather [hbm4b:s5+s15], $0x80, s12, s15, $0xb8;
	[tilespmem:$0x1E000] =	vst v63  }
0x98: {  	_ =	swait.ge [sflag:s23], $0x2000  }
0x99: {  	[sflag:s23] =	ssyncset.done $0x0  }
0x9a: {  	[sflag:s23] =	ssyncadd.s32 $0xFFFFE000  }
0x9b: {  	[spmem:s3] =	stream.indirect.scatter.add.f32 [tilespmem:s16], [sflag:$0x5], $0x80, s4, s15, $0xb8;
	[tilespmem:$0x1E000] =	vst v63  }
0x9c: {  	_ =	swait.ge [sflag:s26], $0x2000  }
0x9d: {  	[sflag:s26] =	ssyncset.done $0x0  }
0x9e: {  	[sflag:s26] =	ssyncadd.s32 $0xFFFFE000  }
0x9f: {  	[spmem:s3] =	stream.indirect.scatter.add.f32 [tilespmem:s18], [sflag:$0x6], $0x80, s1, s15, $0xb8;
	[tilespmem:$0x1E000] =	vst v63  }
0xa0: {  	_ =	swait.ge [sflag:s31], $0x2000  }
0xa1: {  	[sflag:s31] =	ssyncset.done $0x0  }
0xa2: {  	[sflag:s31] =	ssyncadd.s32 $0xFFFFE000  }
0xa3: {  	[spmem:s3] =	stream.indirect.scatter.add.f32 [tilespmem:s20], [sflag:$0x7], $0x80, s17, s15, $0xb8;
	[tilespmem:$0x1E000] =	vst v63  }
0xa4: {  	_ =	swait.ge [sflag:s7], $0x2000  }
0xa5: {  	[sflag:s7] =	ssyncset.done $0x0  }
0xa6: {  	[sflag:s7] =	ssyncadd.s32 $0xFFFFE000  }
0xa7: {  	[spmem:s3] =	stream.indirect.scatter.add.f32 [tilespmem:s22], [sflag:$0x8], $0x80, s19, s15, $0xb8;
	[tilespmem:$0x1E000] =	vst v63  }
0xa8: {  	_ =	swait.ge [sflag:s24], $0x2000  }
0xa9: {  	[sflag:s24] =	ssyncset.done $0x0  }
0xaa: {  	[sflag:s24] =	ssyncadd.s32 $0xFFFFE000  }
0xab: {  	_ =	swait.ge [sflag:s29], $0x2000  }
0xac: {  	[sflag:s29] =	ssyncset.done $0x0  }
0xad: {  	s21 =	sadd.s32 $0x1, s21;
	[sflag:s29] =	ssyncadd.s32 $0xFFFFE000  }
0xae: {  	p1 =	sne.s32 s21, $0xA;
	_ =	swait.ge [sflag:s2], $0x2000  }
.Ltmp4:
0xaf: {  	[sflag:s2] =	ssyncset.done $0x0;
	(pc) =	sbr.rel @p1 .LBB2_2-.Ltmp4, $4  }
0xb0: {  	[sflag:s2] =	ssyncadd.s32 $0xFFFFE000  }
0xb1: {  	_ =	swait.ge [sflag:s8], $0x2000  }
0xb2: {  	[sflag:s8] =	ssyncset.done $0x0  }
0xb3: {  	[sflag:s8] =	ssyncadd.s32 $0xFFFFE000  }
0xb4: {  	[bflag:$0x0] =	sbarrier.arrive $0xFFFF  }
0xb5: {  	s21 =	rddreg [dreg:$0x6]  }
0xb6: {  	s25 =	rddreg [dreg:$0x7]  }
.Ltmp5:
0xb7: {  	s28 =	rddreg [dreg:$0x9];
	(pc) =	sbr.rel .LBB2_7-.Ltmp5, $4  }
0xb8: {  	[hbm:s25], [sflag:s21] =	dma.local [spmem:s28], $0x2800  }
0xb9: {  	_ =	swait.ge [sflag:s13], $0x2800  }
0xba: {  	[sflag:s13] =	ssyncset.done $0x0  }
0xbb: {  	s21 =	rddreg [dreg:$0x4];
	[sflag:s13] =	ssyncadd.s32 $0xFFFFD800  }
.LBB2_8:
0xbc: {  	_ =	sfence.sel $0x180000  }
0xbd: {  	[bflag:$0x0] =	sbarrier.arrive $0xFFFF  }
0xbe: {  	_ =	strace $0x9000004D  }
0xbf: {  	s0 =	stileid.u32;
	[bflag:$0x2] =	sbarrier.arrive $0xFFFF  }
0xc0: {  	p0 =	sne.s32 s0, $0x0;
	s0 =	rddreg [dreg:$0x3]  }
0xc1: {  	s0 =	sadd.s32 @!p0 $0x100000, s0  }
0xc2: {  	[sflag:s0] =	ssyncadd.tile.s32 @!p0 $0x1;
	_ =	shalt  }
.Lfunc_end2:
_tile_overlayer_lowered:
.L_overlay_start_2:
0xc3: {  	(tag) =	ssettag $0x2  }
0xc4: {  	s0 =	rddreg [dreg:$0x0];
	s2 =	stileid.u32  }
0xc5: {  	s1 =	rddreg [dreg:$0x1];
	p0 =	sne.s32 s2, $0x0  }
0xc6: {  	s3 =	rddreg [dreg:$0x2];
	[bflag:$0x3] =	sbarrier.arrive $0xFFFF;
	s2 =	simm.s32 @!p0 $0x1C09  }
0xc7: {  	[timem:s3], [sflag:s2] =	dma.local @!p0 [hbm:s0], s1  }
0xc8: {  	s0 =	simm.s32 @!p0 $0x9  }
0xc9: {  	_ =	swait.ge @!p0 [sflag:s0], s1  }
0xca: {  	s1 =	ssub.s32 @!p0 $0x0, s1;
	[sflag:s0] =	ssyncset.done @!p0 $0x0  }
0xcb: {  	[sflag:s0] =	ssyncadd.s32 @!p0 s1  }
0xcc: {  	[bflag:$0x3] =	sbarrier.arrive $0xFFFF  }
0xcd: {  	_ =	shalt  }

// kernel: sage_sc_agg_deg.3.cloned.1.call-start
scs
__scs_entry_jumppad:
0x0: {  	(pc) =	sbr.rel $0x88, $3  }
0x1: {  	(tag) =	ssettag $0x0;
	lr =	simm.s32 $0x1  }
0x2: {  	[smem:$0x3F96] =	sst lr;
	_ =	strace $0xD0000000  }
0x3: {  	_ = 	snop  }
0x4: {  	_ = 	snop  }
0x5: {  	_ = 	snop  }
0x6: {  	_ = 	snop  }
0x7: {  	_ = 	snop  }
__scs_overlays_trampoline_lowered:
0x8: {  	[smem:$0x3FA5] =	sst s0  }
0x9: {  	[smem:$0x3FA6] =	sst s1  }
0xa: {  	[smem:$0x3FA7] =	sst s2  }
0xb: {  	[smem:$0x3FA8] =	sst s3  }
0xc: {  	[smem:$0x3FA9] =	sst s4  }
0xd: {  	[smem:$0x3FAA] =	sst s5  }
0xe: {  	[smem:$0x3FAB] =	sst s6  }
0xf: {  	[smem:$0x3FAC] =	sst s7  }
0x10: {  	[smem:$0x3FAD] =	sst s8  }
0x11: {  	[smem:$0x3FAE] =	sst s9;
	s0 =	simm.s32 @!p0 $0x0  }
0x12: {  	s1 =	sld [smem:$0x3F94];
	s0 =	simm.s32 @p0 $0x1  }
0x13: {  	[smem:$0x3FAF] =	sst s0;
	s0 =	simm.s32 @!p1 $0x0  }
0x14: {  	s2 =	sld [smem:$0x3F93];
	s0 =	simm.s32 @p1 $0x1  }
0x15: {  	[smem:$0x3FB0] =	sst s0;
	s0 =	simm.s32 @!p2 $0x0  }
0x16: {  	s3 =	sld [smem:$0x3FDB];
	s0 =	simm.s32 @p2 $0x1  }
0x17: {  	s4 =	simm.s32 $0x1BF5;
	[smem:$0x3FB2] =	sst s0  }
0x18: {  	s0 =	sld [smem:$0x3F95];
	_ =	swait.ge [sflag:s4], $0x0  }
0x19: {  	s7 =	sld [smem:$0x3F96]  }
0x1a: {  	s8 =	sadd.s32 $0xFFFFE003, lr  }
0x1b: {  	s9 =	sadd.s32 $0xFFFFFEF7, lr;
	s5 =	simm.s32 $0xFFFFFFFF;
	p2 =	slt.u32 s8, $0xFFFFF086  }
0x1c: {  	p1 =	slt.u32 s9, $0xF7A;
	s5 =	simm.s32 @!p2 $0x0  }
0x1d: {  	s5 =	simm.s32 @p1 $0x1;
	p0 =	seq.s32 s7, s2  }
0x1e: {  	s7 =	smul.u32 @!p0 $0xF7A, s2;
	p2 =	seq.s32 @!p0 s5, $0x0  }
0x1f: {  	s9 =	smul.u32 $0xF7A, s1;
	s8 =	simm.s32 @!p0 $0x1BF5;
	p2 =	por !p2, p0  }
0x20: {  	[sflag:s8] =	ssyncset.s32 @!p0 $0xFFFFF086;
	s6 =	sadd.s32 @!p0 s3, s7;
	s7 =	simm.s32 @!p0 $0x108  }
0x21: {  	s3 =	sadd.s32 s3, s9;
	s6 =	sadd.s32 @!p0 $0x88, s6;
	s7 =	simm.s32 @p2 $0x1082  }
0x22: {  	[simem:s7], [sflag:s8] =	dma.local @!p0 [hbm:s6], $0xF7A  }
0x23: {  	s9 =	sor.u32 $0xD0000000, s2;
	s6 =	simm.s32 $0x108;
	_ =	swait.ge @!p0 [sflag:s8], $0x0  }
0x24: {  	s3 =	sadd.s32 $0x88, s3;
	s6 =	simm.s32 @!p1 $0x1082;
	[sflag:s4] =	ssyncset.s32 $0xFFFFF086  }
0x25: {  	[simem:s6], [sflag:s4] =	dma.local [hbm:s3], $0xF7A  }
0x26: {  	[smem:$0x3F96] =	sst s1;
	(tag) =	ssettag s2;
	_ =	strace s9  }
0x27: {  	s1 =	sld [smem:$0x3FA6]  }
0x28: {  	s2 =	sld [smem:$0x3FA7]  }
0x29: {  	s4 =	sld [smem:$0x3FA9]  }
0x2a: {  	p0 =	seq.s32 s5, $0x0;
	s5 =	sld [smem:$0x3FAA]  }
0x2b: {  	s6 =	sld [smem:$0x3FAB]  }
0x2c: {  	s7 =	sld [smem:$0x3FAC]  }
0x2d: {  	s3 =	simm.s32 $0x108;
	s8 =	sld [smem:$0x3FAD]  }
0x2e: {  	s3 =	simm.s32 @!p0 $0x1082;
	s9 =	sld [smem:$0x3FAE]  }
0x2f: {  	lr =	sadd.s32 s0, s3;
	s0 =	sld [smem:$0x3FA5]  }
0x30: {  	s3 =	sld [smem:$0x3FA8]  }
0x31: {  	[smem:$0x3FB1] =	sst s10  }
0x32: {  	s10 =	sld [smem:$0x3FAF];
	_ =	sdelay $0x3  }
0x33: {  	p0 =	seq.s32 s10, $0x1;
	s10 =	sld [smem:$0x3FB1];
	_ =	sdelay $0x3  }
0x34: {  	[smem:$0x3FB1] =	sst s10  }
0x35: {  	s10 =	sld [smem:$0x3FB0];
	_ =	sdelay $0x3  }
0x36: {  	p1 =	seq.s32 s10, $0x1;
	s10 =	sld [smem:$0x3FB1];
	_ =	sdelay $0x3  }
0x37: {  	[smem:$0x3FB1] =	sst s10  }
0x38: {  	s10 =	sld [smem:$0x3FB2]  }
0x39: {  	_ = 	snop;
	(pc) =	sbr.ind lr, $3  }
0x3a: {  	_ = 	snop  }
0x3b: {  	_ = 	snop  }
0x3c: {  	p2 =	seq.s32 s10, $0x1;
	s10 =	sld [smem:$0x3FB1]  }
0x3d: {  	_ =	shalt  }
0x3e: {  	_ =	shalt  }
0x3f: {  	_ =	shalt  }
0x40: {  	_ =	shalt  }
0x41: {  	_ =	shalt  }
0x42: {  	_ =	shalt  }
0x43: {  	_ =	shalt  }
0x44: {  	_ =	shalt  }
0x45: {  	_ =	shalt  }
0x46: {  	_ =	shalt  }
0x47: {  	_ =	shalt  }
0x48: {  	_ =	shalt  }
0x49: {  	_ =	shalt  }
0x4a: {  	_ =	shalt  }
0x4b: {  	_ =	shalt  }
0x4c: {  	_ =	shalt  }
0x4d: {  	_ =	shalt  }
0x4e: {  	_ =	shalt  }
0x4f: {  	_ =	shalt  }
0x50: {  	_ =	shalt  }
0x51: {  	_ =	shalt  }
0x52: {  	_ =	shalt  }
0x53: {  	_ =	shalt  }
0x54: {  	_ =	shalt  }
0x55: {  	_ =	shalt  }
0x56: {  	_ =	shalt  }
0x57: {  	_ =	shalt  }
0x58: {  	_ =	shalt  }
0x59: {  	_ =	shalt  }
0x5a: {  	_ =	shalt  }
0x5b: {  	_ =	shalt  }
0x5c: {  	_ =	shalt  }
0x5d: {  	_ =	shalt  }
0x5e: {  	_ =	shalt  }
0x5f: {  	_ =	shalt  }
0x60: {  	_ =	shalt  }
0x61: {  	_ =	shalt  }
0x62: {  	_ =	shalt  }
0x63: {  	_ =	shalt  }
0x64: {  	_ =	shalt  }
0x65: {  	_ =	shalt  }
0x66: {  	_ =	shalt  }
0x67: {  	_ =	shalt  }
0x68: {  	_ =	shalt  }
0x69: {  	_ =	shalt  }
0x6a: {  	_ =	shalt  }
0x6b: {  	_ =	shalt  }
0x6c: {  	_ =	shalt  }
0x6d: {  	_ =	shalt  }
0x6e: {  	_ =	shalt  }
0x6f: {  	_ =	shalt  }
0x70: {  	_ =	shalt  }
0x71: {  	_ =	shalt  }
0x72: {  	_ =	shalt  }
0x73: {  	_ =	shalt  }
0x74: {  	_ =	shalt  }
0x75: {  	_ =	shalt  }
0x76: {  	_ =	shalt  }
0x77: {  	_ =	shalt  }
0x78: {  	_ =	shalt  }
0x79: {  	_ =	shalt  }
0x7a: {  	_ =	shalt  }
0x7b: {  	_ =	shalt  }
0x7c: {  	_ =	shalt  }
0x7d: {  	_ =	shalt  }
0x7e: {  	_ =	shalt  }
0x7f: {  	_ =	shalt  }
0x80: {  	_ =	shalt  }
0x81: {  	_ =	shalt  }
0x82: {  	_ =	shalt  }
0x83: {  	_ =	shalt  }
0x84: {  	_ =	shalt  }
0x85: {  	_ =	shalt  }
0x86: {  	_ =	shalt  }
0x87: {  	_ =	shalt  }
.Lfunc_end0:
.L_simem_size_0:
called_computation_lowered:
.L_overlay_start_0:
0x88: {  	s2 =	sld [smem:$0x3FD9]  }
0x89: {  	s3 =	sld [smem:$0x3FFE];
	_ =	sdelay $0x1  }
0x8a: {  	s1 =	srdreg.scid  }
0x8b: {  	s0 =	sand.u32 $0x1, s1  }
0x8c: {  	s14 =	sshll.u32 s0, $0xA;
	s2 =	sadd.s32 s3, s2  }
0x8d: {  	s2 =	sadd.s32 s2, s14  }
0x8e: {  	[smem:$0x3FBD] =	sst s2  }
0x8f: {  	_ = 	snop  }
0x90: {  	s2 =	sld [smem:$0x3FD0];
	_ =	sdelay $0x2  }
0x91: {  	s15 =	simm.s32 $0xA;
	s4 =	simm.s32 $0x10  }
0x92: {  	[smem:s4], [sflag:s15] =	dma.local [hbm:s2], $0x1  }
0x93: {  	_ =	swait.eq [sflag:s15], $0x1  }
0x94: {  	[sflag:s15] =	ssyncset.done $0x0  }
0x95: {  	s16 =	sld [smem:$0x10];
	[sflag:s15] =	ssyncadd.s32 $0xFFFFFFFF  }
0x96: {  	s17 =	sld [smem:$0x12];
	(tm) =	ssettm $0x1  }
0x97: {  	s18 =	sld [smem:$0x3FFB];
	_ =	sdelay $0x3  }
0x98: {  	_ =	strace s18  }
0x99: {  	s4 =	sld [smem:$0x3FFC];
	_ =	sdelay $0x3  }
0x9a: {  	_ =	strace s4  }
0x9b: {  	s4 =	sld [smem:$0x3FFD];
	_ =	sdelay $0x3  }
0x9c: {  	_ =	strace s4  }
0x9d: {  	_ =	strace $0x8FFFFFFF  }
0x9e: {  	s19 =	sld [smem:$0x3FDB];
	_ =	sdelay $0x1  }
0x9f: {  	s5 =	simm.s32 $_scs_section_size  }
0xa0: {  	s6 =	simm.s32 $_size__tile_overlayer_lowered;
	s7 =	simm.s32 $_tile_overlayer_lowered  }
0xa1: {  	s22 =	simm.s32 $0x1BFF;
	s21 =	sshll.u32 s7, $0x1;
	s4 =	sadd.s32 s5, s19  }
0xa2: {  	s8 =	simm.s32 $0x0;
	s20 =	sshll.u32 s6, $0x1;
	s6 =	sadd.s32 s21, s4  }
0xa3: {  	[timem:s8], [sflag:s22] =	dma.local [hbm:s6], s20  }
0xa4: {  	_ =	swait.ge [sflag:s22], s20  }
0xa5: {  	s5 =	ssub.s32 $0x0, s20;
	[sflag:s22] =	ssyncset.done $0x0  }
0xa6: {  	[sflag:s22] =	ssyncadd.s32 s5;
	_ =	sdelay $0x1  }
0xa7: {  	s23 =	simm.s32 $0x1B8B  }
0xa8: {  	_ =	swait.ge [sflag:s23], $0x1  }
0xa9: {  	[sflag:s23] =	ssyncset.done $0x0  }
0xaa: {  	s25 =	simm.s32 $0x1B8E;
	s24 =	sld [smem:$0x3FFE];
	[sflag:s23] =	ssyncadd.s32 $0xFFFFFFFF  }
0xab: {  	s26 =	simm.s32 $execute0_lowered;
	[smem:$0x3FD2] =	sst s25  }
0xac: {  	s6 =	sshll.u32 s26, $0x1;
	_ =	strace $0x80000046;
	[dreg:$0x1] =	wrdreg $0xFFFFFFFF  }
0xad: {  	s28 =	simm.s32 $_size_execute0_lowered;
	s4 =	sadd.s32 s4, s6;
	[dreg:$0x0] =	wrdreg $0x0  }
0xae: {  	s6 =	sshll.u32 s28, $0x1;
	[dreg:$0x2] =	wrdreg s4  }
0xaf: {  	[dreg:$0x3] =	wrdreg s6  }
0xb0: {  	[dreg:$0x4] =	wrdreg $0xC0  }
0xb1: {  	_ =	task [dreg:s8], $0x5FFFF  }
0xb2: {  	[dreg:$0x1] =	wrdreg $0xFFFFFFFF  }
0xb3: {  	[dreg:$0x0] =	wrdreg $0x60  }
0xb4: {  	[dreg:$0x2] =	wrdreg s24  }
0xb5: {  	[dreg:$0x3] =	wrdreg s16  }
0xb6: {  	[dreg:$0x4] =	wrdreg s17  }
0xb7: {  	[dreg:$0x5] =	wrdreg $0xA0000  }
0xb8: {  	[dreg:$0x6] =	wrdreg $0x9  }
0xb9: {  	_ =	task.clear_ibuf [dreg:s8], $0x7FFFF;
	_ =	strace $0x90000046  }
0xba: {  	s29 =	simm.s32 $0x9;
	_ =	strace $0x80000048  }
0xbb: {  	_ =	swait.ge [sflag:s29], $0x1  }
0xbc: {  	[sflag:s29] =	ssyncadd.s32 $0xFFFFFFFF  }
0xbd: {  	_ =	strace $0x90000048  }
0xbe: {  	_ =	sfence  }
0xbf: {  	s30 =	sld [smem:$0x0];
	_ =	sdelay $0x2  }
0xc0: {  	s31 =	sshll.u32 s1, $0xD;
	s1 =	sshrl.u32 s1, $0x2  }
0xc1: {  	s3 =	sand.u32 $0x4000, s31;
	s1 =	sadd.s32 s1, s30  }
0xc2: {  	s0 =	sor.u32 s3, s0;
	s1 =	sshll.u32 s1, $0x11  }
0xc3: {  	s0 =	sor.u32 s1, s0  }
0xc4: {  	s0 =	sadd.s32 $0x8F2B, s0  }
0xc5: {  	[sflag:s0] =	ssyncadd.remote.s32 $0x1  }
0xc6: {  	_ =	sfence.sel $0xFFFF  }
0xc7: {  	[dreg:$0x0] =	wrdreg $0xFFFFFFFF;
	(pc) =	sbr.abs _section_cstart, $3  }
0xc8: {  	[dreg:$0x1] =	wrdreg $0xFFFFFFFF  }
0xc9: {  	_ =	task.clear_ibuf [dreg:s8], $0x2FFFF;
	_ =	strace $0x9FFFFFFF  }
0xca: {  	(tm) =	ssettm $0x7FFFFFFF  }
0xcb: {  	_ =	shalt  }
tec
execute0_lowered:
.L_overlay_start_1:
0x0: {  	(tag) =	ssettag $0x1  }
0x1: {  	s0 =	rddreg [dreg:$0x0]  }
0x2: {  	s4 =	rddreg [dreg:$0x3]  }
0x3: {  	s24 =	simm.s32 $0x0;
	s8 =	stileid.u32;
	s1 =	srdreg.scid  }
0x4: {  	s16 =	simm.s32 $0x9;
	s17 =	simm.s32 $0x1000;
	s18 =	simm.s32 $0x40  }
0x5: {  	s19 =	simm.s32 $0x2000;
	s28 =	simm.s32 $0x5;
	s30 =	simm.s32 $0x2  }
0x6: {  	s12 =	simm.s32 $0x7;
	s13 =	simm.s32 $0x300;
	s14 =	simm.s32 $0x4  }
0x7: {  	s15 =	simm.s32 $0x1180;
	s10 =	simm.s32 $0xF80;
	s20 =	simm.s32 $0x1F00  }
0x8: {  	[smem:$0x7FF] =	sst s24;
	s2 =	smul.u32 $0x2800, s8;
	s1 =	sand.u32 $0x1, s1  }
0x9: {  	s6 =	sadd.s32 $0x17200, s0;
	s5 =	smul.u32 $0x50000, s8;
	s7 =	sadd.s32 $0x3200, s0  }
0xa: {  	s23 =	sshll.u32 s8, $0x6;
	s11 =	smul.u32 $0xA000, s8;
	s8 =	simm.s32 $0x8  }
0xb: {  	_ =	strace $0x80000047;
	s3 =	ssub.s32 $0x2, s1;
	s29 =	sor.u32 $0x1C09, s23  }
0xc: {  	p0 =	seq.s32 s1, $0x1;
	p1 =	sne.s32 s1, $0x0;
	s23 =	simm.s32 $0x6000  }
0xd: {  	s1 =	simm.s32 $0x1E80;
	s0 =	sadd.s32 s2, s0;
	s21 =	sshrl.u32 s3, $0x1  }
0xe: {  	s22 =	sshrl.u32 s5, $0x2;
	s5 =	simm.s32 $0x1E00;
	[dreg:$0x8] =	wrdreg s29  }
0xf: {  	s2 =	ssub.s32 s3, s21;
	s3 =	sadd.s32 s22, s4;
	s9 =	sadd.s32 $0x3F200, s0  }
0x10: {  	s25 =	sadd.s32 $0x8F200, s0;
	s0 =	sadd.s32 $0x67200, s0;
	[dreg:$0x7] =	wrdreg s9  }
.Ltmp0:
0x11: {  	s21 =	simm.s32 $0x4000;
	[dreg:$0x9] =	wrdreg s25;
	(pc) =	sbr.rel .LBB2_1-.Ltmp0, $4  }
0x12: {  	s22 =	simm.s32 $0x1F80;
	[dreg:$0xa] =	wrdreg s0;
	s26 =	smax.u32 s2, $0x1  }
0x13: {  	[dreg:$0x6] =	wrdreg s3;
	s31 =	sshrl.u32 s3, $0x3;
	s25 =	simm.s32 $0x8000  }
0x14: {  	s0 =	simm.s32 $0x6;
	s2 =	simm.s32 $0x3;
	[dreg:$0xb] =	wrdreg s26  }
0x15: {  	s9 =	simm.s32 $0x1100;
	[dreg:$0xc] =	wrdreg s31;
	s26 =	simm.s32 $0x1  }
.LBB2_9:
0x16: {  	[bflag:$0x0] =	sbarrier.arrive $0xFFFF  }
0x17: {  	s24 =	rddreg [dreg:$0x6]  }
0x18: {  	s29 =	rddreg [dreg:$0x8]  }
0x19: {  	s31 =	rddreg [dreg:$0x9];
	s3 =	sshrl.u32 @!p1 s24, $0x3  }
0x1a: {  	[hbm:s31], [sflag:s29] =	dma.local @!p1 [spmem:s3], $0x2800  }
0x1b: {  	s3 =	simm.s32 @!p1 $0x9  }
0x1c: {  	_ =	swait.ge @!p1 [sflag:s3], $0x2800  }
0x1d: {  	[sflag:s3] =	ssyncset.done @!p1 $0x0  }
0x1e: {  	[sflag:s3] =	ssyncadd.s32 @!p1 $0xFFFFD800;
	s3 =	sshrl.u32 @p0 s24, $0x3;
	s24 =	rddreg [dreg:$0xa]  }
0x1f: {  	[hbm:s24], [sflag:s29] =	dma.local @p0 [spmem:s3], $0x2800  }
0x20: {  	s3 =	simm.s32 @p0 $0x9  }
0x21: {  	_ =	swait.ge @p0 [sflag:s3], $0x2800  }
0x22: {  	s31 =	rddreg [dreg:$0x5]  }
0x23: {  	s24 =	sadd.s32 $0x1, s31;
	s31 =	rddreg [dreg:$0xb]  }
0x24: {  	p2 =	sne.s32 s24, s31  }
.Ltmp1:
0x25: {  	_ = 	snop;
	(pc) =	sbr.rel @!p2 .LBB2_10-.Ltmp1, $3  }
0x26: {  	_ =	sdelay $0x1  }
0x27: {  	[sflag:s3] =	ssyncset.done @p0 $0x0  }
0x28: {  	[sflag:s3] =	ssyncadd.s32 @p0 $0xFFFFD800  }
.LBB2_1:
0x29: {  	[dreg:$0x5] =	wrdreg s24  }
0x2a: {  	s3 =	rddreg [dreg:$0x7]  }
0x2b: {  	s31 =	rddreg [dreg:$0xc]  }
0x2c: {  	[spmem:s31], [sflag:s29] =	dma.local [hbm:s3], $0x2800  }
.Ltmp2:
0x2d: {  	_ =	swait.ge [sflag:s16], $0x2800;
	(pc) =	sbr.rel @p1 .LBB2_5-.Ltmp2, $4  }
0x2e: {  	[sflag:s16] =	ssyncset.done $0x0  }
0x2f: {  	[sflag:s16] =	ssyncadd.s32 $0xFFFFD800  }
0x30: {  	[bflag:$0x0] =	sbarrier.arrive $0xFFFF  }
0x31: {  	s24 =	simm.s32 $0x0  }
.LBB2_2:
0x32: {  	s29 =	sshll.u32 s24, $0xC  }
0x33: {  	s29 =	sadd.s32 s11, s29  }
0x34: {  	s3 =	rddreg [dreg:$0x1];
	s29 =	sshrl.u32 s29, $0x3  }
0x35: {  	s31 =	sadd.s32 s3, s29;
	s3 =	simm.s32 $0x0  }
0x36: {  	[tilespmem:s3], [sflag:$0x9] =	stream.linear.gather [hbm4b:s31+s3], $0x1000, $0x38;
	[tilespmem:$0x1E000] =	vst v63  }
0x37: {  	_ =	swait.ge [sflag:s16], $0x1000  }
0x38: {  	[sflag:s16] =	ssyncset.done $0x0  }
0x39: {  	s29 =	sadd.s32 s7, s29;
	[sflag:s16] =	ssyncadd.s32 $0xFFFFF000  }
0x3a: {  	[tilespmem:s17], [sflag:$0x9] =	stream.linear.gather [hbm4b:s29+s3], $0x1000, $0x38;
	[tilespmem:$0x1E000] =	vst v63  }
0x3b: {  	_ =	swait.ge [sflag:s16], $0x1000  }
0x3c: {  	[sflag:s16] =	ssyncset.done $0x0  }
0x3d: {  	[sflag:s16] =	ssyncadd.s32 $0xFFFFF000  }
0x3e: {  	[tilespmem:s19], [sflag:$0x1] =	stream.indirect.gather [hbm4b:s6+s18], $0x80, s3, s18, $0xb8;
	[tilespmem:$0x1E000] =	vst v63  }
0x3f: {  	s3 =	simm.s32 $0x80  }
0x40: {  	[tilespmem:s21], [sflag:$0x2] =	stream.indirect.gather [hbm4b:s6+s18], $0x80, s3, s18, $0xb8;
	[tilespmem:$0x1E000] =	vst v63  }
0x41: {  	s3 =	simm.s32 $0x100  }
0x42: {  	[tilespmem:s23], [sflag:$0x3] =	stream.indirect.gather [hbm4b:s6+s18], $0x80, s3, s18, $0xb8;
	[tilespmem:$0x1E000] =	vst v63  }
0x43: {  	s3 =	simm.s32 $0x180  }
0x44: {  	[tilespmem:s25], [sflag:$0x4] =	stream.indirect.gather [hbm4b:s6+s18], $0x80, s3, s18, $0xb8;
	[tilespmem:$0x1E000] =	vst v63  }
0x45: {  	_ =	swait.ge [sflag:s26], $0x2000  }
0x46: {  	[sflag:s26] =	ssyncset.done $0x0  }
0x47: {  	[sflag:s26] =	ssyncadd.s32 $0xFFFFE000  }
0x48: {  	[spmem:s4] =	stream.indirect.scatter.add.f32 [tilespmem:s19], [sflag:$0x5], $0x80, s17, s18, $0xb8;
	[tilespmem:$0x1E000] =	vst v63  }
0x49: {  	_ =	swait.ge [sflag:s28], $0x2000  }
0x4a: {  	[sflag:s28] =	ssyncset.done $0x0  }
0x4b: {  	s3 =	simm.s32 $0x200;
	[sflag:s28] =	ssyncadd.s32 $0xFFFFE000  }
0x4c: {  	[tilespmem:s19], [sflag:$0x1] =	stream.indirect.gather [hbm4b:s6+s18], $0x80, s3, s18, $0xb8;
	[tilespmem:$0x1E000] =	vst v63  }
0x4d: {  	_ =	swait.ge [sflag:s30], $0x2000  }
0x4e: {  	[sflag:s30] =	ssyncset.done $0x0  }
0x4f: {  	s3 =	simm.s32 $0x1080;
	[sflag:s30] =	ssyncadd.s32 $0xFFFFE000  }
0x50: {  	[spmem:s4] =	stream.indirect.scatter.add.f32 [tilespmem:s21], [sflag:$0x6], $0x80, s3, s18, $0xb8;
	[tilespmem:$0x1E000] =	vst v63  }
0x51: {  	_ =	swait.ge [sflag:s0], $0x2000  }
0x52: {  	[sflag:s0] =	ssyncset.done $0x0  }
0x53: {  	s3 =	simm.s32 $0x280;
	[sflag:s0] =	ssyncadd.s32 $0xFFFFE000  }
0x54: {  	[tilespmem:s21], [sflag:$0x2] =	stream.indirect.gather [hbm4b:s6+s18], $0x80, s3, s18, $0xb8;
	[tilespmem:$0x1E000] =	vst v63  }
0x55: {  	_ =	swait.ge [sflag:s2], $0x2000  }
0x56: {  	[sflag:s2] =	ssyncset.done $0x0  }
0x57: {  	[sflag:s2] =	ssyncadd.s32 $0xFFFFE000  }
0x58: {  	[spmem:s4] =	stream.indirect.scatter.add.f32 [tilespmem:s23], [sflag:$0x7], $0x80, s9, s18, $0xb8;
	[tilespmem:$0x1E000] =	vst v63  }
0x59: {  	_ =	swait.ge [sflag:s12], $0x2000  }
0x5a: {  	[sflag:s12] =	ssyncset.done $0x0  }
0x5b: {  	[sflag:s12] =	ssyncadd.s32 $0xFFFFE000  }
0x5c: {  	[tilespmem:s23], [sflag:$0x3] =	stream.indirect.gather [hbm4b:s6+s18], $0x80, s13, s18, $0xb8;
	[tilespmem:$0x1E000] =	vst v63  }
0x5d: {  	_ =	swait.ge [sflag:s14], $0x2000  }
0x5e: {  	[sflag:s14] =	ssyncset.done $0x0  }
0x5f: {  	[sflag:s14] =	ssyncadd.s32 $0xFFFFE000  }
0x60: {  	[spmem:s4] =	stream.indirect.scatter.add.f32 [tilespmem:s25], [sflag:$0x8], $0x80, s15, s18, $0xb8;
	[tilespmem:$0x1E000] =	vst v63  }
0x61: {  	_ =	swait.ge [sflag:s8], $0x2000  }
0x62: {  	[sflag:s8] =	ssyncset.done $0x0  }
0x63: {  	s3 =	simm.s32 $0x380;
	[sflag:s8] =	ssyncadd.s32 $0xFFFFE000  }
0x64: {  	[tilespmem:s25], [sflag:$0x4] =	stream.indirect.gather [hbm4b:s6+s18], $0x80, s3, s18, $0xb8;
	[tilespmem:$0x1E000] =	vst v63  }
0x65: {  	_ =	swait.ge [sflag:s26], $0x2000  }
0x66: {  	[sflag:s26] =	ssyncset.done $0x0  }
0x67: {  	s3 =	simm.s32 $0x1200;
	[sflag:s26] =	ssyncadd.s32 $0xFFFFE000  }
0x68: {  	[spmem:s4] =	stream.indirect.scatter.add.f32 [tilespmem:s19], [sflag:$0x5], $0x80, s3, s18, $0xb8;
	[tilespmem:$0x1E000] =	vst v63  }
0x69: {  	_ =	swait.ge [sflag:s28], $0x2000  }
0x6a: {  	[sflag:s28] =	ssyncset.done $0x0  }
0x6b: {  	s3 =	simm.s32 $0x400;
	[sflag:s28] =	ssyncadd.s32 $0xFFFFE000  }
0x6c: {  	[tilespmem:s19], [sflag:$0x1] =	stream.indirect.gather [hbm4b:s6+s18], $0x80, s3, s18, $0xb8;
	[tilespmem:$0x1E000] =	vst v63  }
0x6d: {  	_ =	swait.ge [sflag:s30], $0x2000  }
0x6e: {  	[sflag:s30] =	ssyncset.done $0x0  }
0x6f: {  	s3 =	simm.s32 $0x1280;
	[sflag:s30] =	ssyncadd.s32 $0xFFFFE000  }
0x70: {  	[spmem:s4] =	stream.indirect.scatter.add.f32 [tilespmem:s21], [sflag:$0x6], $0x80, s3, s18, $0xb8;
	[tilespmem:$0x1E000] =	vst v63  }
0x71: {  	_ =	swait.ge [sflag:s0], $0x2000  }
0x72: {  	[sflag:s0] =	ssyncset.done $0x0  }
0x73: {  	s3 =	simm.s32 $0x480;
	[sflag:s0] =	ssyncadd.s32 $0xFFFFE000  }
0x74: {  	[tilespmem:s21], [sflag:$0x2] =	stream.indirect.gather [hbm4b:s6+s18], $0x80, s3, s18, $0xb8;
	[tilespmem:$0x1E000] =	vst v63  }
0x75: {  	_ =	swait.ge [sflag:s2], $0x2000  }
0x76: {  	[sflag:s2] =	ssyncset.done $0x0  }
0x77: {  	s3 =	simm.s32 $0x1300;
	[sflag:s2] =	ssyncadd.s32 $0xFFFFE000  }
0x78: {  	[spmem:s4] =	stream.indirect.scatter.add.f32 [tilespmem:s23], [sflag:$0x7], $0x80, s3, s18, $0xb8;
	[tilespmem:$0x1E000] =	vst v63  }
0x79: {  	_ =	swait.ge [sflag:s12], $0x2000  }
0x7a: {  	[sflag:s12] =	ssyncset.done $0x0  }
0x7b: {  	s3 =	simm.s32 $0x500;
	[sflag:s12] =	ssyncadd.s32 $0xFFFFE000  }
0x7c: {  	[tilespmem:s23], [sflag:$0x3] =	stream.indirect.gather [hbm4b:s6+s18], $0x80, s3, s18, $0xb8;
	[tilespmem:$0x1E000] =	vst v63  }
0x7d: {  	_ =	swait.ge [sflag:s14], $0x2000  }
0x7e: {  	[sflag:s14] =	ssyncset.done $0x0  }
0x7f: {  	s31 =	simm.s32 $0x1380;
	s29 =	simm.s32 $0x800;
	[sflag:s14] =	ssyncadd.s32 $0xFFFFE000  }
.LBB2_3:
0x80: {  	[spmem:s4] =	stream.indirect.scatter.add.f32 [tilespmem:s25], [sflag:$0x8], $0x80, s31, s18, $0xb8;
	[tilespmem:$0x1E000] =	vst v63  }
0x81: {  	s3 =	smov.u32 s29  }
0x82: {  	p2 =	sne.s32 s29, $0x2800;
	s29 =	sadd.s32 $0x800, s29;
	_ =	swait.ge [sflag:s8], $0x2000  }
0x83: {  	s31 =	sshra.s32 s3, $0x2;
	[sflag:s8] =	ssyncset.done $0x0  }
0x84: {  	s3 =	sadd.s32 $0x380, s31;
	[sflag:s8] =	ssyncadd.s32 $0xFFFFE000  }
0x85: {  	[tilespmem:s25], [sflag:$0x4] =	stream.indirect.gather [hbm4b:s6+s18], $0x80, s3, s18, $0xb8;
	[tilespmem:$0x1E000] =	vst v63  }
0x86: {  	_ =	swait.ge [sflag:s26], $0x2000  }
0x87: {  	[sflag:s26] =	ssyncset.done $0x0  }
0x88: {  	s3 =	sadd.s32 $0x1200, s31;
	[sflag:s26] =	ssyncadd.s32 $0xFFFFE000  }
0x89: {  	[spmem:s4] =	stream.indirect.scatter.add.f32 [tilespmem:s19], [sflag:$0x5], $0x80, s3, s18, $0xb8;
	[tilespmem:$0x1E000] =	vst v63  }
0x8a: {  	_ =	swait.ge [sflag:s28], $0x2000  }
0x8b: {  	[sflag:s28] =	ssyncset.done $0x0  }
0x8c: {  	s3 =	sadd.s32 $0x400, s31;
	[sflag:s28] =	ssyncadd.s32 $0xFFFFE000  }
0x8d: {  	[tilespmem:s19], [sflag:$0x1] =	stream.indirect.gather [hbm4b:s6+s18], $0x80, s3, s18, $0xb8;
	[tilespmem:$0x1E000] =	vst v63  }
0x8e: {  	_ =	swait.ge [sflag:s30], $0x2000  }
0x8f: {  	[sflag:s30] =	ssyncset.done $0x0  }
0x90: {  	s3 =	sadd.s32 $0x1280, s31;
	[sflag:s30] =	ssyncadd.s32 $0xFFFFE000  }
0x91: {  	[spmem:s4] =	stream.indirect.scatter.add.f32 [tilespmem:s21], [sflag:$0x6], $0x80, s3, s18, $0xb8;
	[tilespmem:$0x1E000] =	vst v63  }
0x92: {  	_ =	swait.ge [sflag:s0], $0x2000  }
0x93: {  	[sflag:s0] =	ssyncset.done $0x0  }
0x94: {  	s3 =	sadd.s32 $0x480, s31;
	[sflag:s0] =	ssyncadd.s32 $0xFFFFE000  }
0x95: {  	[tilespmem:s21], [sflag:$0x2] =	stream.indirect.gather [hbm4b:s6+s18], $0x80, s3, s18, $0xb8;
	[tilespmem:$0x1E000] =	vst v63  }
0x96: {  	_ =	swait.ge [sflag:s2], $0x2000  }
0x97: {  	[sflag:s2] =	ssyncset.done $0x0  }
0x98: {  	s3 =	sadd.s32 $0x1300, s31;
	[sflag:s2] =	ssyncadd.s32 $0xFFFFE000  }
0x99: {  	[spmem:s4] =	stream.indirect.scatter.add.f32 [tilespmem:s23], [sflag:$0x7], $0x80, s3, s18, $0xb8;
	[tilespmem:$0x1E000] =	vst v63  }
0x9a: {  	_ =	swait.ge [sflag:s12], $0x2000  }
0x9b: {  	[sflag:s12] =	ssyncset.done $0x0  }
.Ltmp3:
0x9c: {  	s3 =	sadd.s32 $0x500, s31;
	[sflag:s12] =	ssyncadd.s32 $0xFFFFE000;
	(pc) =	sbr.rel @p2 .LBB2_3-.Ltmp3, $4  }
0x9d: {  	[tilespmem:s23], [sflag:$0x3] =	stream.indirect.gather [hbm4b:s6+s18], $0x80, s3, s18, $0xb8;
	[tilespmem:$0x1E000] =	vst v63  }
0x9e: {  	_ =	swait.ge [sflag:s14], $0x2000  }
0x9f: {  	[sflag:s14] =	ssyncset.done $0x0  }
0xa0: {  	s31 =	sadd.s32 $0x1380, s31;
	[sflag:s14] =	ssyncadd.s32 $0xFFFFE000  }
0xa1: {  	[spmem:s4] =	stream.indirect.scatter.add.f32 [tilespmem:s25], [sflag:$0x8], $0x80, s31, s18, $0xb8;
	[tilespmem:$0x1E000] =	vst v63  }
0xa2: {  	_ =	swait.ge [sflag:s8], $0x2000  }
0xa3: {  	[sflag:s8] =	ssyncset.done $0x0  }
0xa4: {  	[sflag:s8] =	ssyncadd.s32 $0xFFFFE000  }
0xa5: {  	[tilespmem:s25], [sflag:$0x4] =	stream.indirect.gather [hbm4b:s6+s18], $0x80, s10, s18, $0xb8;
	[tilespmem:$0x1E000] =	vst v63  }
0xa6: {  	_ =	swait.ge [sflag:s26], $0x2000  }
0xa7: {  	[sflag:s26] =	ssyncset.done $0x0  }
0xa8: {  	[sflag:s26] =	ssyncadd.s32 $0xFFFFE000  }
0xa9: {  	[spmem:s4] =	stream.indirect.scatter.add.f32 [tilespmem:s19], [sflag:$0x5], $0x80, s5, s18, $0xb8;
	[tilespmem:$0x1E000] =	vst v63  }
0xaa: {  	_ =	swait.ge [sflag:s30], $0x2000  }
0xab: {  	[sflag:s30] =	ssyncset.done $0x0  }
0xac: {  	[sflag:s30] =	ssyncadd.s32 $0xFFFFE000  }
0xad: {  	[spmem:s4] =	stream.indirect.scatter.add.f32 [tilespmem:s21], [sflag:$0x6], $0x80, s1, s18, $0xb8;
	[tilespmem:$0x1E000] =	vst v63  }
0xae: {  	_ =	swait.ge [sflag:s2], $0x2000  }
0xaf: {  	[sflag:s2] =	ssyncset.done $0x0  }
0xb0: {  	[sflag:s2] =	ssyncadd.s32 $0xFFFFE000  }
0xb1: {  	[spmem:s4] =	stream.indirect.scatter.add.f32 [tilespmem:s23], [sflag:$0x7], $0x80, s20, s18, $0xb8;
	[tilespmem:$0x1E000] =	vst v63  }
0xb2: {  	_ =	swait.ge [sflag:s14], $0x2000  }
0xb3: {  	[sflag:s14] =	ssyncset.done $0x0  }
0xb4: {  	[sflag:s14] =	ssyncadd.s32 $0xFFFFE000  }
0xb5: {  	[spmem:s4] =	stream.indirect.scatter.add.f32 [tilespmem:s25], [sflag:$0x8], $0x80, s22, s18, $0xb8;
	[tilespmem:$0x1E000] =	vst v63  }
0xb6: {  	_ =	swait.ge [sflag:s28], $0x2000  }
0xb7: {  	[sflag:s28] =	ssyncset.done $0x0  }
0xb8: {  	[sflag:s28] =	ssyncadd.s32 $0xFFFFE000  }
0xb9: {  	_ =	swait.ge [sflag:s0], $0x2000  }
0xba: {  	[sflag:s0] =	ssyncset.done $0x0  }
0xbb: {  	s24 =	sadd.s32 $0x1, s24;
	[sflag:s0] =	ssyncadd.s32 $0xFFFFE000  }
0xbc: {  	p2 =	sne.s32 s24, $0xA;
	_ =	swait.ge [sflag:s12], $0x2000  }
.Ltmp4:
0xbd: {  	[sflag:s12] =	ssyncset.done $0x0;
	(pc) =	sbr.rel @p2 .LBB2_2-.Ltmp4, $4  }
0xbe: {  	[sflag:s12] =	ssyncadd.s32 $0xFFFFE000  }
0xbf: {  	_ =	swait.ge [sflag:s8], $0x2000  }
0xc0: {  	[sflag:s8] =	ssyncset.done $0x0  }
0xc1: {  	[sflag:s8] =	ssyncadd.s32 $0xFFFFE000  }
.LBB2_5:
.Ltmp5:
0xc2: {  	s24 =	simm.s32 $0x0;
	s3 =	rddreg [dreg:$0x2];
	(pc) =	sbr.rel @!p0 .LBB2_9-.Ltmp5, $4  }
0xc3: {  	[tilespmem:s25], [sflag:$0x9] =	stream.linear.gather [hbm4b:s3+s24], $0x2000, $0x38;
	[tilespmem:$0x1E000] =	vst v63  }
0xc4: {  	_ =	swait.ge [sflag:s16], $0x2000  }
0xc5: {  	[sflag:s16] =	ssyncset.done $0x0  }
0xc6: {  	s29 =	simm.s32 $0x0;
	[sflag:s16] =	ssyncadd.s32 $0xFFFFE000  }
.LBB2_6:
0xc7: {  	s3 =	sshll.u32 s29, $0xC  }
0xc8: {  	s3 =	sadd.s32 s11, s3  }
0xc9: {  	s3 =	sshrl.u32 s3, $0x3  }
0xca: {  	s3 =	sadd.s32 s7, s3  }
0xcb: {  	[tilespmem:s17], [sflag:$0x9] =	stream.linear.gather [hbm4b:s3+s24], $0x1000, $0x38;
	[tilespmem:$0x1E000] =	vst v63  }
0xcc: {  	_ =	swait.ge [sflag:s16], $0x1000  }
0xcd: {  	[sflag:s16] =	ssyncset.done $0x0  }
0xce: {  	s3 =	simm.s32 $0x1000;
	[sflag:s16] =	ssyncadd.s32 $0xFFFFF000  }
0xcf: {  	[spmem:s4] =	stream.indirect.scatter.add.f32 [tilespmem:s25], [sflag:$0x9], $0x80, s3, s18, $0xb8;
	[tilespmem:$0x1E000] =	vst v63  }
0xd0: {  	s31 =	simm.s32 $0x200;
	_ =	swait.ge [sflag:s16], $0x2000  }
.LBB2_7:
0xd1: {  	s3 =	sshra.s32 s31, $0x2;
	[sflag:s16] =	ssyncset.done $0x0;
	p2 =	sne.s32 s31, $0x3E00  }
.Ltmp6:
0xd2: {  	s3 =	sadd.s32 $0x1000, s3;
	[sflag:s16] =	ssyncadd.s32 $0xFFFFE000;
	(pc) =	sbr.rel @p2 .LBB2_7-.Ltmp6, $3  }
0xd3: {  	[spmem:s4] =	stream.indirect.scatter.add.f32 [tilespmem:s25], [sflag:$0x9], $0x80, s3, s18, $0xb8;
	[tilespmem:$0x1E000] =	vst v63  }
0xd4: {  	s31 =	sadd.s32 $0x200, s31;
	_ =	sdelay $0x1  }
0xd5: {  	_ =	swait.ge [sflag:s16], $0x2000  }
0xd6: {  	s29 =	sadd.s32 $0x1, s29  }
0xd7: {  	p2 =	sne.s32 s29, $0xA  }
.Ltmp7:
0xd8: {  	_ = 	snop;
	(pc) =	sbr.rel @p2 .LBB2_6-.Ltmp7, $4  }
.Ltmp8:
0xd9: {  	_ = 	snop;
	(pc) =	sbr.rel @!p2 .LBB2_9-.Ltmp8, $4  }
0xda: {  	_ = 	snop  }
0xdb: {  	[sflag:s16] =	ssyncset.done $0x0  }
0xdc: {  	[sflag:s16] =	ssyncadd.s32 $0xFFFFE000  }
0xdd: {  	_ = 	snop  }
.LBB2_10:
0xde: {  	_ =	sfence.sel $0x180000  }
0xdf: {  	[bflag:$0x0] =	sbarrier.arrive $0xFFFF  }
0xe0: {  	_ =	strace $0x90000047  }
0xe1: {  	s0 =	stileid.u32;
	[bflag:$0x2] =	sbarrier.arrive $0xFFFF  }
0xe2: {  	p0 =	sne.s32 s0, $0x0;
	s0 =	rddreg [dreg:$0x4]  }
0xe3: {  	s0 =	sadd.s32 @!p0 $0x100000, s0  }
0xe4: {  	[sflag:s0] =	ssyncadd.tile.s32 @!p0 $0x1;
	_ =	shalt  }
.Lfunc_end2:
_tile_overlayer_lowered:
.L_overlay_start_2:
0xe5: {  	(tag) =	ssettag $0x2  }
0xe6: {  	s0 =	rddreg [dreg:$0x0];
	s2 =	stileid.u32  }
0xe7: {  	s1 =	rddreg [dreg:$0x1];
	p0 =	sne.s32 s2, $0x0  }
0xe8: {  	s3 =	rddreg [dreg:$0x2];
	[bflag:$0x3] =	sbarrier.arrive $0xFFFF;
	s2 =	simm.s32 @!p0 $0x1C09  }
0xe9: {  	[timem:s3], [sflag:s2] =	dma.local @!p0 [hbm:s0], s1  }
0xea: {  	s0 =	simm.s32 @!p0 $0x9  }
0xeb: {  	_ =	swait.ge @!p0 [sflag:s0], s1  }
0xec: {  	s1 =	ssub.s32 @!p0 $0x0, s1;
	[sflag:s0] =	ssyncset.done @!p0 $0x0  }
0xed: {  	[sflag:s0] =	ssyncadd.s32 @!p0 s1  }
0xee: {  	[bflag:$0x3] =	sbarrier.arrive $0xFFFF  }
0xef: {  	_ =	shalt  }

</sc_bundles>
